<compile_context>
chip_gen: v7x
topology: tpu7x:2x2x1
jax: 0.10.2.dev20260603
libtpu: 0.0.44.dev20260713+nightly
codegen_flags: <defaults>
</compile_context>

<pallas_src>
import functools
import jax
import jax.numpy as jnp
from jax import lax
from jax.experimental import pallas as pl
from jax.experimental.pallas import tpu as pltpu
from jax.experimental.pallas import tpu_sc as plsc

_N = 10000
_E = 320000
_D = 128
_ED = 16

_NW = 32
_EPW = _E // _NW
_C = 80
_NCHUNK = _EPW // _C
_NT = 10240
_STRIPE = _NT // 16
_BB = 32


def _zero_vmem_2d(ref, rows, cols):
    per_row = cols // 16
    zeros16 = jnp.zeros((16,), jnp.float32)

    def body(t, carry):
        r = t // per_row
        c = (t % per_row) * 16
        ref[r, pl.ds(c, 16)] = zeros16
        return carry

    lax.fori_loop(0, rows * per_row, body, 0)


def _sc_seg(rows, src1, dst1):
    mesh = plsc.VectorSubcoreMesh(core_axis_name="c", subcore_axis_name="s")
    NS = 4

    @functools.partial(
        pl.kernel,
        mesh=mesh,
        out_type=jax.ShapeDtypeStruct((2, _NT, _D), jnp.float32),
        scratch_types=(
            [pltpu.VMEM((_C,), jnp.int32)] * NS
            + [pltpu.VMEM((_C,), jnp.int32)] * NS
            + [pltpu.VMEM((_C, _D), jnp.float32)] * NS
            + [pltpu.VMEM((_BB, _D), jnp.float32),
               pltpu.VMEM_SHARED((_NT, _D), jnp.float32)]
            + [pltpu.SemaphoreType.DMA] * (3 * NS)
        ),
    )
    def k(rows_hbm, src_hbm, dst_hbm, out_hbm, *rest):
        sbufs = rest[0:NS]
        dbufs = rest[NS:2 * NS]
        rbufs = rest[2 * NS:3 * NS]
        bounce_v = rest[3 * NS]
        table_sh = rest[3 * NS + 1]
        gsems = rest[3 * NS + 2:3 * NS + 2 + NS]
        ssems = rest[3 * NS + 2 + NS:3 * NS + 2 + 2 * NS]
        dsems = rest[3 * NS + 2 + 2 * NS:3 * NS + 2 + 3 * NS]

        c = lax.axis_index("c")
        s = lax.axis_index("s")
        wid = s * 2 + c

        def sidx_load(j, b):
            pltpu.async_copy(src_hbm.at[pl.ds(wid * _EPW + j * _C, _C)],
                             sbufs[b], ssems[b])

        def sidx_wait(j, b):
            pltpu.make_async_copy(src_hbm.at[pl.ds(wid * _EPW + j * _C, _C)],
                                  sbufs[b], ssems[b]).wait()

        def didx_load(j, b):
            pltpu.async_copy(dst_hbm.at[pl.ds(wid * _EPW + j * _C, _C)],
                             dbufs[b], dsems[b])

        def didx_wait(j, b):
            pltpu.make_async_copy(
                dst_hbm.at[pl.ds(wid * _EPW + j * _C, _C)],
                dbufs[b], dsems[b]).wait()

        def gather(j, b):
            pltpu.async_copy(rows_hbm.at[sbufs[b]], rbufs[b], gsems[b])

        def gwait(j, b):
            pltpu.make_async_copy(rows_hbm.at[sbufs[b]], rbufs[b],
                                  gsems[b]).wait()

        def scatter(j, b):
            pltpu.sync_copy(rbufs[b], table_sh.at[dbufs[b]], add=True)

        for j in range(NS):
            sidx_load(j, j)
            didx_load(j, j)

        _zero_vmem_2d(bounce_v, _BB, _D)

        def zbody(j, carry):
            pltpu.sync_copy(bounce_v,
                            table_sh.at[pl.ds(s * _STRIPE + j * _BB, _BB)])
            return carry

        lax.fori_loop(0, _STRIPE // _BB, zbody, 0)
        for j in range(3):
            sidx_wait(j, j)
        plsc.subcore_barrier()

        gather(0, 0)
        gather(1, 1)
        gather(2, 2)

        def body(g, carry):
            for sub in range(NS):
                j = g * NS + sub
                bj = sub

                b3 = (sub + 3) % NS

                @pl.when(j + 3 < _NCHUNK)
                def _():
                    sidx_wait(j + 3, b3)
                    gather(j + 3, b3)

                @pl.when(j < _NCHUNK)
                def _():
                    gwait(j, bj)
                    didx_wait(j, bj)

                    @pl.when(j + NS < _NCHUNK)
                    def _():
                        sidx_load(j + NS, bj)

                    scatter(j, bj)

                    @pl.when(j + NS < _NCHUNK)
                    def _():
                        didx_load(j + NS, bj)

            return carry

        lax.fori_loop(0, (_NCHUNK + NS - 1) // NS, body, 0)
        plsc.subcore_barrier()

        def rbody(j, carry):
            r0 = s * _STRIPE + j * _BB
            pltpu.sync_copy(table_sh.at[pl.ds(r0, _BB)], bounce_v)
            pltpu.sync_copy(bounce_v, out_hbm.at[c, pl.ds(r0, _BB)])
            return carry

        lax.fori_loop(0, _STRIPE // _BB, rbody, 0)

    return k(rows, src1, dst1)


def _sc_eac(ea_packed, dst1):
    mesh = plsc.VectorSubcoreMesh(core_axis_name="c", subcore_axis_name="s")
    CE = 64
    TOTC = _E // CE
    KMAX = (TOTC + _NW - 1) // _NW

    @functools.partial(
        pl.kernel,
        mesh=mesh,
        out_type=jax.ShapeDtypeStruct((2, _NT, _D), jnp.float32),
        scratch_types=[
            pltpu.VMEM((CE,), jnp.int32),
            pltpu.VMEM((CE,), jnp.int32),
            pltpu.VMEM((CE // 8, _D), jnp.float32),
            pltpu.VMEM((CE // 8, _D), jnp.float32),
            pltpu.VMEM((CE, _D), jnp.float32),
            pltpu.VMEM((_BB, _D), jnp.float32),
            pltpu.VMEM_SHARED((_NT, _D), jnp.float32),
            pltpu.SemaphoreType.DMA,
            pltpu.SemaphoreType.DMA,
            pltpu.SemaphoreType.DMA,
            pltpu.SemaphoreType.DMA,
        ],
    )
    def k(eap_hbm, dst_hbm, out_hbm, db0_v, db1_v, p0_v, p1_v, rows_v,
          bounce_v, table_sh, p0_sem, p1_sem, d0_sem, d1_sem):
        c = lax.axis_index("c")
        s = lax.axis_index("s")
        wid = s * 2 + c

        dbufs = (db0_v, db1_v)
        pbufs = (p0_v, p1_v)
        psems = (p0_sem, p1_sem)
        dsems = (d0_sem, d1_sem)

        def ch(kk):
            return wid + kk * _NW

        def didx_load(kk, b):
            pltpu.async_copy(dst_hbm.at[pl.ds(ch(kk) * CE, CE)],
                             dbufs[b], dsems[b])

        def didx_wait(kk, b):
            pltpu.make_async_copy(dst_hbm.at[pl.ds(ch(kk) * CE, CE)],
                                  dbufs[b], dsems[b]).wait()

        def prow(kk):
            return pl.multiple_of(ch(kk) * (CE // 8), 8)

        def pload(kk, b):
            pltpu.async_copy(eap_hbm.at[pl.ds(prow(kk), CE // 8)],
                             pbufs[b], psems[b])

        def pwait(kk, b):
            pltpu.make_async_copy(eap_hbm.at[pl.ds(prow(kk), CE // 8)],
                                  pbufs[b], psems[b]).wait()

        didx_load(0, 0)
        pload(0, 0)
        didx_load(1, 1)
        pload(1, 1)

        _zero_vmem_2d(rows_v, CE, _D)
        onehot = jnp.where(lax.iota(jnp.int32, 16) == 0, 1.0, 0.0)
        for e in range(CE):
            rows_v[e, pl.ds(16, 16)] = onehot

        _zero_vmem_2d(bounce_v, _BB, _D)

        def zbody(j, carry):
            pltpu.sync_copy(bounce_v,
                            table_sh.at[pl.ds(s * _STRIPE + j * _BB, _BB)])
            return carry

        lax.fori_loop(0, _STRIPE // _BB, zbody, 0)
        plsc.subcore_barrier()

        def process(kk, b):
            pwait(kk, b)
            pbuf = pbufs[b]
            for e in range(CE):
                rows_v[e, pl.ds(0, 16)] = pbuf[e // 8,
                                               pl.ds((e % 8) * 16, 16)]
            didx_wait(kk, b)
            pltpu.sync_copy(rows_v, table_sh.at[dbufs[b]], add=True)

            @pl.when(ch(kk + 2) < TOTC)
            def _():
                didx_load(kk + 2, b)
                pload(kk + 2, b)

        def body(g, carry):
            k0 = g * 2

            @pl.when(ch(k0) < TOTC)
            def _():
                process(k0, 0)

            @pl.when(ch(k0 + 1) < TOTC)
            def _():
                process(k0 + 1, 1)

            return carry

        lax.fori_loop(0, (KMAX + 1) // 2, body, 0)
        plsc.subcore_barrier()

        def rbody(j, carry):
            r0 = s * _STRIPE + j * _BB
            pltpu.sync_copy(table_sh.at[pl.ds(r0, _BB)], bounce_v)
            pltpu.sync_copy(bounce_v, out_hbm.at[c, pl.ds(r0, _BB)])
            return carry

        lax.fori_loop(0, _STRIPE // _BB, rbody, 0)

    return k(ea_packed, dst1)


def _dot(a, b):
    return jnp.dot(a, b, preferred_element_type=jnp.float32)


def _tc_ea(ea_packed, w_bd, b_tile):

    def body(x_ref, w_ref, b_ref, o_ref):
        o_ref[...] = jnp.maximum(_dot(x_ref[...], w_ref[...]) + b_ref[...], 0.0)

    nblk = 40
    return pl.pallas_call(
        body,
        grid=(nblk,),
        in_specs=[
            pl.BlockSpec((_E // 8 // nblk, 128), lambda i: (i, 0)),
            pl.BlockSpec((128, 128), lambda i: (0, 0)),
            pl.BlockSpec((1, 128), lambda i: (0, 0)),
        ],
        out_specs=pl.BlockSpec((_E // 8 // nblk, 128), lambda i: (i, 0)),
        out_shape=jax.ShapeDtypeStruct((_E // 8, 128), jnp.float32),
    )(ea_packed, w_bd, b_tile)


def _tc_ei(edge_index):

    def body(x_ref, os_ref, od_ref):
        os_ref[...] = x_ref[0, :]
        od_ref[...] = x_ref[1, :]

    return pl.pallas_call(
        body,
        grid=(1,),
        in_specs=[pl.BlockSpec((2, _E), lambda i: (0, 0))],
        out_specs=[pl.BlockSpec((_E,), lambda i: (0,)),
                   pl.BlockSpec((_E,), lambda i: (0,))],
        out_shape=[jax.ShapeDtypeStruct((_E,), jnp.int32),
                   jax.ShapeDtypeStruct((_E,), jnp.int32)],
    )(edge_index)


def _tc_head(x, enc_w, enc_b, node_w, node_b):

    def body(x_ref, we_ref, be_ref, wn_ref, bn_ref, o_ref):
        h0 = jnp.maximum(_dot(x_ref[...], we_ref[...]) + be_ref[...], 0.0)
        o_ref[...] = _dot(h0, wn_ref[...]) + bn_ref[...]

    blk = 400
    return pl.pallas_call(
        body,
        grid=(_N // blk,),
        in_specs=[
            pl.BlockSpec((blk, _D), lambda i: (i, 0)),
            pl.BlockSpec((_D, _D), lambda i: (0, 0)),
            pl.BlockSpec((1, _D), lambda i: (0, 0)),
            pl.BlockSpec((_D, _D), lambda i: (0, 0)),
            pl.BlockSpec((1, _D), lambda i: (0, 0)),
        ],
        out_specs=pl.BlockSpec((blk, _D), lambda i: (i, 0)),
        out_shape=jax.ShapeDtypeStruct((_N, _D), jnp.float32),
    )(x, enc_w, enc_b, node_w, node_b)


def _tc_post(xh, seg, eac, wt2, m2aug, upd_top, upd_b, ln_g, ln_b,
             next_w=None, next_b=None):
    last = next_w is None

    def body(*refs):
        if last:
            (xh_ref, s0_ref, s1_ref, ec0_ref, ec1_ref,
             wt2_ref, m2_ref, ut_ref, ub_ref, g_ref, b_ref,
             o_ref, hs_ref) = refs
        else:
            (xh_ref, s0_ref, s1_ref, ec0_ref, ec1_ref,
             wt2_ref, m2_ref, ut_ref, ub_ref, g_ref, b_ref,
             nw_ref, nb_ref, o_ref) = refs
        seg_b = s0_ref[...] + s1_ref[...]
        eac_b = ec0_ref[...] + ec1_ref[...]
        cnt = eac_b[:, 16:17]
        pre = _dot(seg_b, wt2_ref[...]) + _dot(eac_b, m2_ref[...])
        inv = 1.0 / jnp.maximum(cnt, 1.0)
        out = _dot(xh_ref[...], ut_ref[...]) + pre * inv + ub_ref[...]
        mu = jnp.mean(out, axis=-1, keepdims=True)
        var = jnp.mean((out - mu) ** 2, axis=-1, keepdims=True)
        out = (out - mu) * lax.rsqrt(var + 1e-5) * g_ref[...] + b_ref[...]
        h = jnp.maximum(out, 0.0)
        if last:
            o_ref[...] = h
            i = pl.program_id(0)

            @pl.when(i == 0)
            def _():
                hs_ref[...] = jnp.zeros_like(hs_ref)

            hs_ref[...] += jnp.sum(h, axis=0, keepdims=True)
        else:
            o_ref[...] = _dot(h, nw_ref[...]) + nb_ref[...]

    blk = 400
    nb = pl.BlockSpec((blk, _D), lambda i: (i, 0))
    cst = lambda r, c: pl.BlockSpec((r, c), lambda i: (0, 0))
    in_specs = [nb, nb, nb, nb, nb,
                cst(_D, _D), cst(_D, _D),
                cst(_D, _D), cst(1, _D), cst(1, _D), cst(1, _D)]
    args = [xh, seg[0], seg[1], eac[0], eac[1],
            wt2, m2aug, upd_top, upd_b, ln_g, ln_b]
    if last:
        out_specs = [nb, pl.BlockSpec((1, _D), lambda i: (0, 0))]
        out_shape = [jax.ShapeDtypeStruct((_N, _D), jnp.float32),
                     jax.ShapeDtypeStruct((1, _D), jnp.float32)]
    else:
        in_specs += [cst(_D, _D), cst(1, _D)]
        args += [next_w, next_b]
        out_specs = nb
        out_shape = jax.ShapeDtypeStruct((_N, _D), jnp.float32)
    return pl.pallas_call(
        body,
        grid=(_N // blk,),
        in_specs=in_specs,
        out_specs=out_specs,
        out_shape=out_shape,
    )(*args)


def _tc_graph(hsum, pool_w, pool_b):
    def body(hs_ref, w_ref, b_ref, o_ref):
        mean = hs_ref[...] * (1.0 / _N)
        o_ref[...] = jnp.maximum(_dot(mean, w_ref[...]) + b_ref[...], 0.0)

    return pl.pallas_call(
        body,
        grid=(1,),
        in_specs=[
            pl.BlockSpec((1, _D), lambda i: (0, 0)),
            pl.BlockSpec((_D, _D), lambda i: (0, 0)),
            pl.BlockSpec((1, _D), lambda i: (0, 0)),
        ],
        out_specs=pl.BlockSpec((1, _D), lambda i: (0, 0)),
        out_shape=jax.ShapeDtypeStruct((1, _D), jnp.float32),
    )(hsum, pool_w, pool_b)


@jax.jit
def kernel(x, edge_index, edge_attr, params):
    src1, dst1 = _tc_ei(edge_index)

    w_bd = jnp.kron(jnp.eye(8, dtype=jnp.float32), params['enc_e_W'])
    b_tile = jnp.tile(params['enc_e_b'], 8)[None, :]
    lw = []
    for lp in params['layers']:
        wt = lp['msg_W'][:_D]
        wb = lp['msg_W'][_D:]
        m = lp['edge_W'] @ wb
        cvec = lp['edge_b'] @ wb + lp['msg_b']
        upd_top = lp['upd_W'][:_D]
        upd_bot = lp['upd_W'][_D:]
        m2 = m @ upd_bot
        c2 = (cvec @ upd_bot)[None, :]
        m2aug = jnp.concatenate(
            [m2, c2, jnp.zeros((_D - _ED - 1, _D), jnp.float32)], axis=0)
        lw.append({
            'wt2': wt @ upd_bot,
            'm2aug': m2aug,
            'upd_top': upd_top,
            'upd_b': lp['upd_b'][None, :],
            'ln_g': lp['ln_g'][None, :],
            'ln_b': lp['ln_b'][None, :],
            'node_w': lp['node_W'],
            'node_b': lp['node_b'][None, :],
        })

    ea_packed = _tc_ea(edge_attr.reshape(_E // 8, 128), w_bd, b_tile)
    ea = ea_packed.reshape(_E, _ED)

    eac = _sc_eac(ea_packed, dst1)

    xh = _tc_head(x, params['enc_n_W'], params['enc_n_b'][None, :],
                  lw[0]['node_w'], lw[0]['node_b'])

    token = jnp.min(eac[0, 0, :1] * 0.0).astype(jnp.int32)
    seg1 = _sc_seg(xh, src1 + token, dst1)
    xh2 = _tc_post(xh, seg1, eac, lw[0]['wt2'], lw[0]['m2aug'],
                   lw[0]['upd_top'], lw[0]['upd_b'],
                   lw[0]['ln_g'], lw[0]['ln_b'],
                   next_w=lw[1]['node_w'], next_b=lw[1]['node_b'])

    seg2 = _sc_seg(xh2, src1, dst1)
    h, hsum = _tc_post(xh2, seg2, eac, lw[1]['wt2'], lw[1]['m2aug'],
                       lw[1]['upd_top'], lw[1]['upd_b'],
                       lw[1]['ln_g'], lw[1]['ln_b'])

    graph = _tc_graph(hsum, params['pool_W'], params['pool_b'][None, :])
    return (h, ea, graph)

# --- scband reference (transcript-rebuilt; emitter-appended) ---
"""Pipeline reference for scband-log-aware-gnn-90091234001460 (READ-ONLY COPY).

The authoritative reference and input builder live on the scoring server;
editing this copy changes nothing except your own understanding.
"""

import jax, jax.numpy as jnp
import numpy as np

N = 10000
E = 320000
IN_DIM = 128
NODE_DIM = 128
EDGE_IN = 16
EDGE_DIM = 16
NUM_LAYERS = 2


def _layer_params(k):
    ks = jax.random.split(k, 4)
    s = 0.05
    return {
        'node_W': jax.random.normal(ks[0], (NODE_DIM, NODE_DIM), jnp.float32) * s,
        'node_b': jnp.zeros((NODE_DIM,), jnp.float32),
        'edge_W': jax.random.normal(ks[1], (EDGE_DIM, NODE_DIM), jnp.float32) * s,
        'edge_b': jnp.zeros((NODE_DIM,), jnp.float32),
        'msg_W': jax.random.normal(ks[2], (2 * NODE_DIM, NODE_DIM), jnp.float32) * s,
        'msg_b': jnp.zeros((NODE_DIM,), jnp.float32),
        'upd_W': jax.random.normal(ks[3], (2 * NODE_DIM, NODE_DIM), jnp.float32) * s,
        'upd_b': jnp.zeros((NODE_DIM,), jnp.float32),
        'ln_g': jnp.ones((NODE_DIM,), jnp.float32),
        'ln_b': jnp.zeros((NODE_DIM,), jnp.float32),
    }


def setup_inputs(seed: int = 0):
    key = jax.random.key(seed)
    ks = jax.random.split(key, 8)
    x = jax.random.normal(ks[0], (N, IN_DIM), jnp.float32)
    edge_index = jax.random.randint(ks[1], (2, E), 0, N, dtype=jnp.int32)
    edge_attr = jax.random.normal(ks[2], (E, EDGE_IN), jnp.float32)
    params = {
        'enc_n_W': jax.random.normal(ks[3], (IN_DIM, NODE_DIM), jnp.float32) * 0.05,
        'enc_n_b': jnp.zeros((NODE_DIM,), jnp.float32),
        'enc_e_W': jax.random.normal(ks[4], (EDGE_IN, EDGE_DIM), jnp.float32) * 0.05,
        'enc_e_b': jnp.zeros((EDGE_DIM,), jnp.float32),
        'pool_W': jax.random.normal(ks[5], (NODE_DIM, NODE_DIM), jnp.float32) * 0.05,
        'pool_b': jnp.zeros((NODE_DIM,), jnp.float32),
        'layers': [_layer_params(jax.random.fold_in(ks[6], i)) for i in range(NUM_LAYERS)],
    }
    return {'x': x, 'edge_index': edge_index, 'edge_attr': edge_attr, 'params': params}


def _forward(x, edge_attr, params, edge_index):
    relu = jax.nn.relu
    h = relu(x @ params['enc_n_W'] + params['enc_n_b'])
    ea = relu(edge_attr @ params['enc_e_W'] + params['enc_e_b'])
    src = edge_index[0]
    dst = edge_index[1]
    for lp in params['layers']:
        xh = h @ lp['node_W'] + lp['node_b']
        eh = ea @ lp['edge_W'] + lp['edge_b']
        msg = jnp.concatenate([xh[src], eh], axis=-1) @ lp['msg_W'] + lp['msg_b']
        summed = jax.ops.segment_sum(msg, dst, num_segments=N)
        cnt = jax.ops.segment_sum(jnp.ones((msg.shape[0], 1), msg.dtype), dst, num_segments=N)
        agg = summed / jnp.maximum(cnt, 1.0)
        out = jnp.concatenate([xh, agg], axis=-1) @ lp['upd_W'] + lp['upd_b']
        mu = jnp.mean(out, axis=-1, keepdims=True)
        var = jnp.var(out, axis=-1, keepdims=True)
        out = (out - mu) / jnp.sqrt(var + 1e-5) * lp['ln_g'] + lp['ln_b']
        h = relu(out)
    graph = relu(jnp.mean(h, axis=0, keepdims=True) @ params['pool_W'] + params['pool_b'])
    return (h, ea, graph)


def reference(x, edge_index, edge_attr, params):
    return _forward(x, edge_attr, params, edge_index)

if __name__ == "__main__":
    import jax
    _d = setup_inputs()
    print(jax.jit(kernel)(*tuple(_d.values())))

</pallas_src>

<mosaic_0001>
#map = affine_map<(d0, d1) -> (0, 0)>
#map1 = affine_map<(d0, d1) -> (0)>
#map2 = affine_map<(d0, d1) -> (0, 0, 0)>
module attributes {stable_mosaic.version = 14 : i64} {
  func.func @k(%arg0: i32, %arg1: i32, %arg2: memref<10000x128xf32, #tpu.memory_space<hbm>>, %arg3: memref<320000xi32, #tpu.memory_space<hbm>>, %arg4: memref<320000xi32, #tpu.memory_space<hbm>>, %arg5: memref<2x10240x128xf32, #tpu.memory_space<hbm>>, %arg6: memref<80xi32, #tpu.memory_space<vmem>>, %arg7: memref<80xi32, #tpu.memory_space<vmem>>, %arg8: memref<80xi32, #tpu.memory_space<vmem>>, %arg9: memref<80xi32, #tpu.memory_space<vmem>>, %arg10: memref<80xi32, #tpu.memory_space<vmem>>, %arg11: memref<80xi32, #tpu.memory_space<vmem>>, %arg12: memref<80xi32, #tpu.memory_space<vmem>>, %arg13: memref<80xi32, #tpu.memory_space<vmem>>, %arg14: memref<80x128xf32, #tpu.memory_space<vmem>>, %arg15: memref<80x128xf32, #tpu.memory_space<vmem>>, %arg16: memref<80x128xf32, #tpu.memory_space<vmem>>, %arg17: memref<80x128xf32, #tpu.memory_space<vmem>>, %arg18: memref<32x128xf32, #tpu.memory_space<vmem>>, %arg19: memref<10240x128xf32, #tpu.memory_space<vmem_shared>>, %arg20: memref<!tpu.dma_semaphore, #tpu.memory_space<semaphore_mem>>, %arg21: memref<!tpu.dma_semaphore, #tpu.memory_space<semaphore_mem>>, %arg22: memref<!tpu.dma_semaphore, #tpu.memory_space<semaphore_mem>>, %arg23: memref<!tpu.dma_semaphore, #tpu.memory_space<semaphore_mem>>, %arg24: memref<!tpu.dma_semaphore, #tpu.memory_space<semaphore_mem>>, %arg25: memref<!tpu.dma_semaphore, #tpu.memory_space<semaphore_mem>>, %arg26: memref<!tpu.dma_semaphore, #tpu.memory_space<semaphore_mem>>, %arg27: memref<!tpu.dma_semaphore, #tpu.memory_space<semaphore_mem>>, %arg28: memref<!tpu.dma_semaphore, #tpu.memory_space<semaphore_mem>>, %arg29: memref<!tpu.dma_semaphore, #tpu.memory_space<semaphore_mem>>, %arg30: memref<!tpu.dma_semaphore, #tpu.memory_space<semaphore_mem>>, %arg31: memref<!tpu.dma_semaphore, #tpu.memory_space<semaphore_mem>>) attributes {dimension_semantics = [#tpu.dimension_semantics<core_parallel>, #tpu.dimension_semantics<subcore_parallel>], iteration_bounds = array<i64: 2, 16>, scalar_prefetch = 0 : i64, scratch_operands = 26 : i64, tpu.core_type = #tpu.core_type<sc_vector_subcore>, window_params = [{transform_indices = #map}, {transform_indices = #map1}, {transform_indices = #map1}, {transform_indices = #map2}]} {
    %mul3A = arith.constant 2 : i32
    %mul3A_0 = arith.muli %arg1, %mul3A : i32
    %add3A = arith.addi %mul3A_0, %arg0 : i32
    %mul3A_1 = arith.constant 10000 : i32
    %mul3A_2 = arith.muli %add3A, %mul3A_1 : i32
    %add3A_3 = arith.constant 0 : i32
    %add3A_4 = arith.addi %mul3A_2, %add3A_3 : i32
    %dma_start3A = tpu.memref_slice %arg3[%add3A_4] : memref<320000xi32, #tpu.memory_space<hbm>> -> memref<80xi32, #tpu.memory_space<hbm>>
    %dma_start3A_5 = tpu.memref_slice %arg3[%add3A_4] : memref<320000xi32, #tpu.memory_space<hbm>> -> memref<80xi32, #tpu.memory_space<hbm>>
    tpu.enqueue_dma source(%dma_start3A_5 : memref<80xi32, #tpu.memory_space<hbm>>) target(%arg6 : memref<80xi32, #tpu.memory_space<vmem>>) target_semaphore(%arg24 : memref<!tpu.dma_semaphore, #tpu.memory_space<semaphore_mem>>)
    %mul3A_6 = arith.constant 10000 : i32
    %mul3A_7 = arith.muli %add3A, %mul3A_6 : i32
    %add3A_8 = arith.constant 0 : i32
    %add3A_9 = arith.addi %mul3A_7, %add3A_8 : i32
    %dma_start3A_10 = tpu.memref_slice %arg4[%add3A_9] : memref<320000xi32, #tpu.memory_space<hbm>> -> memref<80xi32, #tpu.memory_space<hbm>>
    %dma_start3A_11 = tpu.memref_slice %arg4[%add3A_9] : memref<320000xi32, #tpu.memory_space<hbm>> -> memref<80xi32, #tpu.memory_space<hbm>>
    tpu.enqueue_dma source(%dma_start3A_11 : memref<80xi32, #tpu.memory_space<hbm>>) target(%arg10 : memref<80xi32, #tpu.memory_space<vmem>>) target_semaphore(%arg28 : memref<!tpu.dma_semaphore, #tpu.memory_space<semaphore_mem>>)
    %mul3A_12 = arith.constant 10000 : i32
    %mul3A_13 = arith.muli %add3A, %mul3A_12 : i32
    %add3A_14 = arith.constant 80 : i32
    %add3A_15 = arith.addi %mul3A_13, %add3A_14 : i32
    %dma_start3A_16 = tpu.memref_slice %arg3[%add3A_15] : memref<320000xi32, #tpu.memory_space<hbm>> -> memref<80xi32, #tpu.memory_space<hbm>>
    %dma_start3A_17 = tpu.memref_slice %arg3[%add3A_15] : memref<320000xi32, #tpu.memory_space<hbm>> -> memref<80xi32, #tpu.memory_space<hbm>>
    tpu.enqueue_dma source(%dma_start3A_17 : memref<80xi32, #tpu.memory_space<hbm>>) target(%arg7 : memref<80xi32, #tpu.memory_space<vmem>>) target_semaphore(%arg25 : memref<!tpu.dma_semaphore, #tpu.memory_space<semaphore_mem>>)
    %mul3A_18 = arith.constant 10000 : i32
    %mul3A_19 = arith.muli %add3A, %mul3A_18 : i32
    %add3A_20 = arith.constant 80 : i32
    %add3A_21 = arith.addi %mul3A_19, %add3A_20 : i32
    %dma_start3A_22 = tpu.memref_slice %arg4[%add3A_21] : memref<320000xi32, #tpu.memory_space<hbm>> -> memref<80xi32, #tpu.memory_space<hbm>>
    %dma_start3A_23 = tpu.memref_slice %arg4[%add3A_21] : memref<320000xi32, #tpu.memory_space<hbm>> -> memref<80xi32, #tpu.memory_space<hbm>>
    tpu.enqueue_dma source(%dma_start3A_23 : memref<80xi32, #tpu.memory_space<hbm>>) target(%arg11 : memref<80xi32, #tpu.memory_space<vmem>>) target_semaphore(%arg29 : memref<!tpu.dma_semaphore, #tpu.memory_space<semaphore_mem>>)
    %mul3A_24 = arith.constant 10000 : i32
    %mul3A_25 = arith.muli %add3A, %mul3A_24 : i32
    %add3A_26 = arith.constant 160 : i32
    %add3A_27 = arith.addi %mul3A_25, %add3A_26 : i32
    %dma_start3A_28 = tpu.memref_slice %arg3[%add3A_27] : memref<320000xi32, #tpu.memory_space<hbm>> -> memref<80xi32, #tpu.memory_space<hbm>>
    %dma_start3A_29 = tpu.memref_slice %arg3[%add3A_27] : memref<320000xi32, #tpu.memory_space<hbm>> -> memref<80xi32, #tpu.memory_space<hbm>>
    tpu.enqueue_dma source(%dma_start3A_29 : memref<80xi32, #tpu.memory_space<hbm>>) target(%arg8 : memref<80xi32, #tpu.memory_space<vmem>>) target_semaphore(%arg26 : memref<!tpu.dma_semaphore, #tpu.memory_space<semaphore_mem>>)
    %mul3A_30 = arith.constant 10000 : i32
    %mul3A_31 = arith.muli %add3A, %mul3A_30 : i32
    %add3A_32 = arith.constant 160 : i32
    %add3A_33 = arith.addi %mul3A_31, %add3A_32 : i32
    %dma_start3A_34 = tpu.memref_slice %arg4[%add3A_33] : memref<320000xi32, #tpu.memory_space<hbm>> -> memref<80xi32, #tpu.memory_space<hbm>>
    %dma_start3A_35 = tpu.memref_slice %arg4[%add3A_33] : memref<320000xi32, #tpu.memory_space<hbm>> -> memref<80xi32, #tpu.memory_space<hbm>>
    tpu.enqueue_dma source(%dma_start3A_35 : memref<80xi32, #tpu.memory_space<hbm>>) target(%arg12 : memref<80xi32, #tpu.memory_space<vmem>>) target_semaphore(%arg30 : memref<!tpu.dma_semaphore, #tpu.memory_space<semaphore_mem>>)
    %mul3A_36 = arith.constant 10000 : i32
    %mul3A_37 = arith.muli %add3A, %mul3A_36 : i32
    %add3A_38 = arith.constant 240 : i32
    %add3A_39 = arith.addi %mul3A_37, %add3A_38 : i32
    %dma_start3A_40 = tpu.memref_slice %arg3[%add3A_39] : memref<320000xi32, #tpu.memory_space<hbm>> -> memref<80xi32, #tpu.memory_space<hbm>>
    %dma_start3A_41 = tpu.memref_slice %arg3[%add3A_39] : memref<320000xi32, #tpu.memory_space<hbm>> -> memref<80xi32, #tpu.memory_space<hbm>>
    tpu.enqueue_dma source(%dma_start3A_41 : memref<80xi32, #tpu.memory_space<hbm>>) target(%arg9 : memref<80xi32, #tpu.memory_space<vmem>>) target_semaphore(%arg27 : memref<!tpu.dma_semaphore, #tpu.memory_space<semaphore_mem>>)
    %mul3A_42 = arith.constant 10000 : i32
    %mul3A_43 = arith.muli %add3A, %mul3A_42 : i32
    %add3A_44 = arith.constant 240 : i32
    %add3A_45 = arith.addi %mul3A_43, %add3A_44 : i32
    %dma_start3A_46 = tpu.memref_slice %arg4[%add3A_45] : memref<320000xi32, #tpu.memory_space<hbm>> -> memref<80xi32, #tpu.memory_space<hbm>>
    %dma_start3A_47 = tpu.memref_slice %arg4[%add3A_45] : memref<320000xi32, #tpu.memory_space<hbm>> -> memref<80xi32, #tpu.memory_space<hbm>>
    tpu.enqueue_dma source(%dma_start3A_47 : memref<80xi32, #tpu.memory_space<hbm>>) target(%arg13 : memref<80xi32, #tpu.memory_space<vmem>>) target_semaphore(%arg31 : memref<!tpu.dma_semaphore, #tpu.memory_space<semaphore_mem>>)
    %broadcast_in_dim3A = arith.constant 0.000000e+00 : f32
    %broadcast_in_dim3A_48 = vector.broadcast %broadcast_in_dim3A : f32 to vector<16xf32>
    %scan3A = arith.constant 0 : i32
    %scan3A_49 = arith.constant 0 : i32
    %scan3A_50 = arith.constant 256 : i32
    %scan3A_51 = arith.addi %scan3A_49, %scan3A_50 : i32
    %scan3A_52 = arith.constant 1 : i32
    scf.for %scan3A_99 = %scan3A_49 to %scan3A_51 step %scan3A_52  : i32 {
      %jit3A = arith.constant 8 : i32
      %div3A = arith.divsi %scan3A_99, %jit3A : i32
      %sign3A = arith.constant 0 : i32
      %sign3A_100 = arith.cmpi sgt, %scan3A_99, %sign3A : i32
      %sign3A_101 = arith.extui %sign3A_100 : i1 to i32
      %sign3A_102 = arith.constant 0 : i32
      %sign3A_103 = arith.cmpi slt, %scan3A_99, %sign3A_102 : i32
      %sign3A_104 = arith.extui %sign3A_103 : i1 to i32
      %sign3A_105 = arith.subi %sign3A_101, %sign3A_104 : i32
      %sign3A_106 = arith.constant 0 : i32
      %sign3A_107 = arith.cmpi sgt, %jit3A, %sign3A_106 : i32
      %sign3A_108 = arith.extui %sign3A_107 : i1 to i32
      %sign3A_109 = arith.constant 0 : i32
      %sign3A_110 = arith.cmpi slt, %jit3A, %sign3A_109 : i32
      %sign3A_111 = arith.extui %sign3A_110 : i1 to i32
      %sign3A_112 = arith.subi %sign3A_108, %sign3A_111 : i32
      %ne3A = arith.cmpi ne, %sign3A_105, %sign3A_112 : i32
      %rem3A = arith.remsi %scan3A_99, %jit3A : i32
      %ne3A_113 = arith.constant 0 : i32
      %ne3A_114 = arith.cmpi ne, %rem3A, %ne3A_113 : i32
      %and3A = arith.andi %ne3A, %ne3A_114 : i1
      %sub3A = arith.constant 1 : i32
      %sub3A_115 = arith.subi %div3A, %sub3A : i32
      %select_n3A = arith.select %and3A, %sub3A_115, %div3A : i32
      %jit3A_116 = arith.constant 8 : i32
      %eq3A = arith.constant 0 : i32
      %eq3A_117 = arith.cmpi eq, %jit3A_116, %eq3A : i32
      %jit3A_118 = arith.constant 1 : i32
      %select_n3A_119 = arith.select %eq3A_117, %jit3A_118, %jit3A_116 : i32
      %rem3A_120 = arith.remsi %scan3A_99, %select_n3A_119 : i32
      %ne3A_121 = arith.constant 0 : i32
      %ne3A_122 = arith.cmpi ne, %rem3A_120, %ne3A_121 : i32
      %lt3A = arith.constant 0 : i32
      %lt3A_123 = arith.cmpi slt, %rem3A_120, %lt3A : i32
      %lt3A_124 = arith.constant 0 : i32
      %lt3A_125 = arith.cmpi slt, %select_n3A_119, %lt3A_124 : i32
      %ne3A_126 = arith.xori %lt3A_123, %lt3A_125 : i1
      %and3A_127 = arith.andi %ne3A_126, %ne3A_122 : i1
      %add3A_128 = arith.addi %rem3A_120, %select_n3A_119 : i32
      %select_n3A_129 = arith.select %and3A_127, %add3A_128, %rem3A_120 : i32
      %mul3A_130 = arith.constant 16 : i32
      %mul3A_131 = arith.muli %select_n3A_129, %mul3A_130 : i32
      %swap3A = arith.index_cast %select_n3A : i32 to index
      %swap3A_132 = arith.index_cast %mul3A_131 : i32 to index
      %swap3A_133 = tpu.vector_load %arg18[%swap3A, %swap3A_132] {strides = array<i32>} : memref<32x128xf32, #tpu.memory_space<vmem>>, vector<1x16xf32>,
      %swap3A_134 = vector.shape_cast %swap3A_133 : vector<1x16xf32> to vector<16xf32>
      %swap3A_135 = vector.shape_cast %broadcast_in_dim3A_48 : vector<16xf32> to vector<1x16xf32>
      tpu.vector_store %arg18[%swap3A, %swap3A_132], %swap3A_135 {strides = array<i32>} : memref<32x128xf32, #tpu.memory_space<vmem>>, vector<1x16xf32>,
    }
    %scan3A_53 = arith.constant 256 : i32
    %scan3A_54 = arith.constant 0 : i32
    %scan3A_55 = arith.constant 0 : i32
    %scan3A_56 = arith.constant 20 : i32
    %scan3A_57 = arith.addi %scan3A_55, %scan3A_56 : i32
    %scan3A_58 = arith.constant 1 : i32
    scf.for %scan3A_99 = %scan3A_55 to %scan3A_57 step %scan3A_58  : i32 {
      %mul3A_100 = arith.constant 640 : i32
      %mul3A_101 = arith.muli %arg1, %mul3A_100 : i32
      %mul3A_102 = arith.constant 32 : i32
      %mul3A_103 = arith.muli %scan3A_99, %mul3A_102 : i32
      %add3A_104 = arith.addi %mul3A_101, %mul3A_103 : i32
      "tpu.region"() ({
        %run_scoped3A = tpu.sem_alloc : memref<!tpu.dma_semaphore, #tpu.memory_space<semaphore_mem>>
        %dma_start3A_105 = arith.constant 0 : i32
        %dma_start3A_106 = tpu.memref_slice %arg19[%add3A_104, %dma_start3A_105] : memref<10240x128xf32, #tpu.memory_space<vmem_shared>> -> memref<32x128xf32, #tpu.memory_space<vmem_shared>>
        %dma_start3A_107 = arith.constant 0 : i32
        %dma_start3A_108 = tpu.memref_slice %arg19[%add3A_104, %dma_start3A_107] : memref<10240x128xf32, #tpu.memory_space<vmem_shared>> -> memref<32x128xf32, #tpu.memory_space<vmem_shared>>
        tpu.enqueue_dma source(%arg18 : memref<32x128xf32, #tpu.memory_space<vmem>>) target(%dma_start3A_108 : memref<32x128xf32, #tpu.memory_space<vmem_shared>>) target_semaphore(%run_scoped3A : memref<!tpu.dma_semaphore, #tpu.memory_space<semaphore_mem>>)
        %dma_wait3A_109 = arith.constant 0 : i32
        %dma_wait3A_110 = tpu.memref_slice %arg19[%add3A_104, %dma_wait3A_109] : memref<10240x128xf32, #tpu.memory_space<vmem_shared>> -> memref<32x128xf32, #tpu.memory_space<vmem_shared>>
        %dma_wait3A_111 = arith.constant 0 : i32
        %dma_wait3A_112 = tpu.memref_slice %arg19[%add3A_104, %dma_wait3A_111] : memref<10240x128xf32, #tpu.memory_space<vmem_shared>> -> memref<32x128xf32, #tpu.memory_space<vmem_shared>>
        tpu.wait_dma2 semaphore(%run_scoped3A : memref<!tpu.dma_semaphore, #tpu.memory_space<semaphore_mem>>) src(%arg18 : memref<32x128xf32, #tpu.memory_space<vmem>>) dst(%dma_wait3A_112 : memref<32x128xf32, #tpu.memory_space<vmem_shared>>)
        tpu.yield
      }) : () -> ()
    }
    %scan3A_59 = arith.constant 20 : i32
    %mul3A_60 = arith.constant 10000 : i32
    %mul3A_61 = arith.muli %add3A, %mul3A_60 : i32
    %add3A_62 = arith.constant 0 : i32
    %add3A_63 = arith.addi %mul3A_61, %add3A_62 : i32
    %dma_wait3A = tpu.memref_slice %arg3[%add3A_63] : memref<320000xi32, #tpu.memory_space<hbm>> -> memref<80xi32, #tpu.memory_space<hbm>>
    %dma_wait3A_64 = tpu.memref_slice %arg3[%add3A_63] : memref<320000xi32, #tpu.memory_space<hbm>> -> memref<80xi32, #tpu.memory_space<hbm>>
    tpu.wait_dma2 semaphore(%arg24 : memref<!tpu.dma_semaphore, #tpu.memory_space<semaphore_mem>>) src(%dma_wait3A_64 : memref<80xi32, #tpu.memory_space<hbm>>) dst(%arg6 : memref<80xi32, #tpu.memory_space<vmem>>)
    %mul3A_65 = arith.constant 10000 : i32
    %mul3A_66 = arith.muli %add3A, %mul3A_65 : i32
    %add3A_67 = arith.constant 80 : i32
    %add3A_68 = arith.addi %mul3A_66, %add3A_67 : i32
    %dma_wait3A_69 = tpu.memref_slice %arg3[%add3A_68] : memref<320000xi32, #tpu.memory_space<hbm>> -> memref<80xi32, #tpu.memory_space<hbm>>
    %dma_wait3A_70 = tpu.memref_slice %arg3[%add3A_68] : memref<320000xi32, #tpu.memory_space<hbm>> -> memref<80xi32, #tpu.memory_space<hbm>>
    tpu.wait_dma2 semaphore(%arg25 : memref<!tpu.dma_semaphore, #tpu.memory_space<semaphore_mem>>) src(%dma_wait3A_70 : memref<80xi32, #tpu.memory_space<hbm>>) dst(%arg7 : memref<80xi32, #tpu.memory_space<vmem>>)
    %mul3A_71 = arith.constant 10000 : i32
    %mul3A_72 = arith.muli %add3A, %mul3A_71 : i32
    %add3A_73 = arith.constant 160 : i32
    %add3A_74 = arith.addi %mul3A_72, %add3A_73 : i32
    %dma_wait3A_75 = tpu.memref_slice %arg3[%add3A_74] : memref<320000xi32, #tpu.memory_space<hbm>> -> memref<80xi32, #tpu.memory_space<hbm>>
    %dma_wait3A_76 = tpu.memref_slice %arg3[%add3A_74] : memref<320000xi32, #tpu.memory_space<hbm>> -> memref<80xi32, #tpu.memory_space<hbm>>
    tpu.wait_dma2 semaphore(%arg26 : memref<!tpu.dma_semaphore, #tpu.memory_space<semaphore_mem>>) src(%dma_wait3A_76 : memref<80xi32, #tpu.memory_space<hbm>>) dst(%arg8 : memref<80xi32, #tpu.memory_space<vmem>>)
    %barrier3A = arith.constant 0 : index
    tpu.barrier barrier_id(%barrier3A)
    %dma_start3A_77 = arith.constant 0 : i32
    %dma_start3A_78 = arith.constant 0 : i32
    %dma_start3A_79 = tpu.memref_slice %arg2[%dma_start3A_77, %dma_start3A_78] : memref<10000x128xf32, #tpu.memory_space<hbm>> -> memref<10000x128xf32, #tpu.memory_space<hbm>>
    tpu.enqueue_indirect_dma source(%dma_start3A_79 : memref<10000x128xf32, #tpu.memory_space<hbm>>) target(%arg14 : memref<80x128xf32, #tpu.memory_space<vmem>>) offsets(%arg6 : memref<80xi32, #tpu.memory_space<vmem>>) semaphore(%arg20 : memref<!tpu.dma_semaphore, #tpu.memory_space<semaphore_mem>>)
    %dma_start3A_80 = arith.constant 0 : i32
    %dma_start3A_81 = arith.constant 0 : i32
    %dma_start3A_82 = tpu.memref_slice %arg2[%dma_start3A_80, %dma_start3A_81] : memref<10000x128xf32, #tpu.memory_space<hbm>> -> memref<10000x128xf32, #tpu.memory_space<hbm>>
    tpu.enqueue_indirect_dma source(%dma_start3A_82 : memref<10000x128xf32, #tpu.memory_space<hbm>>) target(%arg15 : memref<80x128xf32, #tpu.memory_space<vmem>>) offsets(%arg7 : memref<80xi32, #tpu.memory_space<vmem>>) semaphore(%arg21 : memref<!tpu.dma_semaphore, #tpu.memory_space<semaphore_mem>>)
    %dma_start3A_83 = arith.constant 0 : i32
    %dma_start3A_84 = arith.constant 0 : i32
    %dma_start3A_85 = tpu.memref_slice %arg2[%dma_start3A_83, %dma_start3A_84] : memref<10000x128xf32, #tpu.memory_space<hbm>> -> memref<10000x128xf32, #tpu.memory_space<hbm>>
    tpu.enqueue_indirect_dma source(%dma_start3A_85 : memref<10000x128xf32, #tpu.memory_space<hbm>>) target(%arg16 : memref<80x128xf32, #tpu.memory_space<vmem>>) offsets(%arg8 : memref<80xi32, #tpu.memory_space<vmem>>) semaphore(%arg22 : memref<!tpu.dma_semaphore, #tpu.memory_space<semaphore_mem>>)
    %scan3A_86 = arith.constant 0 : i32
    %scan3A_87 = arith.constant 0 : i32
    %scan3A_88 = arith.constant 32 : i32
    %scan3A_89 = arith.addi %scan3A_87, %scan3A_88 : i32
    %scan3A_90 = arith.constant 1 : i32
    scf.for %scan3A_99 = %scan3A_87 to %scan3A_89 step %scan3A_90  : i32 {
      %mul3A_100 = arith.constant 4 : i32
      %mul3A_101 = arith.muli %scan3A_99, %mul3A_100 : i32
      %add3A_102 = arith.constant 0 : i32
      %add3A_103 = arith.addi %mul3A_101, %add3A_102 : i32
      %add3A_104 = arith.constant 3 : i32
      %add3A_105 = arith.addi %add3A_103, %add3A_104 : i32
      %lt3A = arith.constant 125 : i32
      %lt3A_106 = arith.cmpi slt, %add3A_105, %lt3A : i32
      %convert_element_type3A = arith.extui %lt3A_106 : i1 to i32
      %cond3A = arith.constant 0 : i32
      %cond3A_107 = arith.cmpi ne, %convert_element_type3A, %cond3A : i32
      scf.if %cond3A_107 {
        %add3A_161 = arith.constant 3 : i32
        %add3A_162 = arith.addi %add3A_103, %add3A_161 : i32
        %mul3A_163 = arith.constant 10000 : i32
        %mul3A_164 = arith.muli %add3A, %mul3A_163 : i32
        %mul3A_165 = arith.constant 80 : i32
        %mul3A_166 = arith.muli %add3A_162, %mul3A_165 : i32
        %add3A_167 = arith.addi %mul3A_164, %mul3A_166 : i32
        %dma_wait3A_168 = tpu.memref_slice %arg3[%add3A_167] : memref<320000xi32, #tpu.memory_space<hbm>> -> memref<80xi32, #tpu.memory_space<hbm>>
        %dma_wait3A_169 = tpu.memref_slice %arg3[%add3A_167] : memref<320000xi32, #tpu.memory_space<hbm>> -> memref<80xi32, #tpu.memory_space<hbm>>
        tpu.wait_dma2 semaphore(%arg27 : memref<!tpu.dma_semaphore, #tpu.memory_space<semaphore_mem>>) src(%dma_wait3A_169 : memref<80xi32, #tpu.memory_space<hbm>>) dst(%arg9 : memref<80xi32, #tpu.memory_space<vmem>>)
        %add3A_170 = arith.constant 3 : i32
        %add3A_171 = arith.addi %add3A_103, %add3A_170 : i32
        %dma_start3A_172 = arith.constant 0 : i32
        %dma_start3A_173 = arith.constant 0 : i32
        %dma_start3A_174 = tpu.memref_slice %arg2[%dma_start3A_172, %dma_start3A_173] : memref<10000x128xf32, #tpu.memory_space<hbm>> -> memref<10000x128xf32, #tpu.memory_space<hbm>>
        tpu.enqueue_indirect_dma source(%dma_start3A_174 : memref<10000x128xf32, #tpu.memory_space<hbm>>) target(%arg17 : memref<80x128xf32, #tpu.memory_space<vmem>>) offsets(%arg9 : memref<80xi32, #tpu.memory_space<vmem>>) semaphore(%arg23 : memref<!tpu.dma_semaphore, #tpu.memory_space<semaphore_mem>>)
      } else {
      }
      %lt3A_108 = arith.constant 125 : i32
      %lt3A_109 = arith.cmpi slt, %add3A_103, %lt3A_108 : i32
      %convert_element_type3A_110 = arith.extui %lt3A_109 : i1 to i32
      %cond3A_111 = arith.constant 0 : i32
      %cond3A_112 = arith.cmpi ne, %convert_element_type3A_110, %cond3A_111 : i32
      scf.if %cond3A_112 {
        %dma_wait3A_161 = arith.constant 0 : i32
        %dma_wait3A_162 = arith.constant 0 : i32
        %dma_wait3A_163 = tpu.memref_slice %arg2[%dma_wait3A_161, %dma_wait3A_162] : memref<10000x128xf32, #tpu.memory_space<hbm>> -> memref<10000x128xf32, #tpu.memory_space<hbm>>
        tpu.wait_indirect_dma semaphore(%arg20 : memref<!tpu.dma_semaphore, #tpu.memory_space<semaphore_mem>>) src(%dma_wait3A_163 : memref<10000x128xf32, #tpu.memory_space<hbm>>) dst(%arg14 : memref<80x128xf32, #tpu.memory_space<vmem>>)
        %mul3A_164 = arith.constant 10000 : i32
        %mul3A_165 = arith.muli %add3A, %mul3A_164 : i32
        %mul3A_166 = arith.constant 80 : i32
        %mul3A_167 = arith.muli %add3A_103, %mul3A_166 : i32
        %add3A_168 = arith.addi %mul3A_165, %mul3A_167 : i32
        %dma_wait3A_169 = tpu.memref_slice %arg4[%add3A_168] : memref<320000xi32, #tpu.memory_space<hbm>> -> memref<80xi32, #tpu.memory_space<hbm>>
        %dma_wait3A_170 = tpu.memref_slice %arg4[%add3A_168] : memref<320000xi32, #tpu.memory_space<hbm>> -> memref<80xi32, #tpu.memory_space<hbm>>
        tpu.wait_dma2 semaphore(%arg28 : memref<!tpu.dma_semaphore, #tpu.memory_space<semaphore_mem>>) src(%dma_wait3A_170 : memref<80xi32, #tpu.memory_space<hbm>>) dst(%arg10 : memref<80xi32, #tpu.memory_space<vmem>>)
        %add3A_171 = arith.constant 4 : i32
        %add3A_172 = arith.addi %add3A_103, %add3A_171 : i32
        %lt3A_173 = arith.constant 125 : i32
        %lt3A_174 = arith.cmpi slt, %add3A_172, %lt3A_173 : i32
        %convert_element_type3A_175 = arith.extui %lt3A_174 : i1 to i32
        %cond3A_176 = arith.constant 0 : i32
        %cond3A_177 = arith.cmpi ne, %convert_element_type3A_175, %cond3A_176 : i32
        scf.if %cond3A_177 {
          %add3A_185 = arith.constant 4 : i32
          %add3A_186 = arith.addi %add3A_103, %add3A_185 : i32
          %mul3A_187 = arith.constant 10000 : i32
          %mul3A_188 = arith.muli %add3A, %mul3A_187 : i32
          %mul3A_189 = arith.constant 80 : i32
          %mul3A_190 = arith.muli %add3A_186, %mul3A_189 : i32
          %add3A_191 = arith.addi %mul3A_188, %mul3A_190 : i32
          %dma_start3A_192 = tpu.memref_slice %arg3[%add3A_191] : memref<320000xi32, #tpu.memory_space<hbm>> -> memref<80xi32, #tpu.memory_space<hbm>>
          %dma_start3A_193 = tpu.memref_slice %arg3[%add3A_191] : memref<320000xi32, #tpu.memory_space<hbm>> -> memref<80xi32, #tpu.memory_space<hbm>>
          tpu.enqueue_dma source(%dma_start3A_193 : memref<80xi32, #tpu.memory_space<hbm>>) target(%arg6 : memref<80xi32, #tpu.memory_space<vmem>>) target_semaphore(%arg24 : memref<!tpu.dma_semaphore, #tpu.memory_space<semaphore_mem>>)
        } else {
        }
        "tpu.region"() ({
          %run_scoped3A = tpu.sem_alloc : memref<!tpu.dma_semaphore, #tpu.memory_space<semaphore_mem>>
          %dma_start3A_185 = arith.constant 0 : i32
          %dma_start3A_186 = arith.constant 0 : i32
          %dma_start3A_187 = tpu.memref_slice %arg19[%dma_start3A_185, %dma_start3A_186] : memref<10240x128xf32, #tpu.memory_space<vmem_shared>> -> memref<10240x128xf32, #tpu.memory_space<vmem_shared>>
          tpu.enqueue_indirect_dma source(%arg14 : memref<80x128xf32, #tpu.memory_space<vmem>>) target(%dma_start3A_187 : memref<10240x128xf32, #tpu.memory_space<vmem_shared>>) offsets(%arg10 : memref<80xi32, #tpu.memory_space<vmem>>) semaphore(%run_scoped3A : memref<!tpu.dma_semaphore, #tpu.memory_space<semaphore_mem>>) {add = true}
          %dma_wait3A_188 = arith.constant 0 : i32
          %dma_wait3A_189 = arith.constant 0 : i32
          %dma_wait3A_190 = tpu.memref_slice %arg19[%dma_wait3A_188, %dma_wait3A_189] : memref<10240x128xf32, #tpu.memory_space<vmem_shared>> -> memref<10240x128xf32, #tpu.memory_space<vmem_shared>>
          tpu.wait_indirect_dma semaphore(%run_scoped3A : memref<!tpu.dma_semaphore, #tpu.memory_space<semaphore_mem>>) src(%arg14 : memref<80x128xf32, #tpu.memory_space<vmem>>) dst(%dma_wait3A_190 : memref<10240x128xf32, #tpu.memory_space<vmem_shared>>)
          tpu.yield
        }) : () -> ()
        %add3A_178 = arith.constant 4 : i32
        %add3A_179 = arith.addi %add3A_103, %add3A_178 : i32
        %lt3A_180 = arith.constant 125 : i32
        %lt3A_181 = arith.cmpi slt, %add3A_179, %lt3A_180 : i32
        %convert_element_type3A_182 = arith.extui %lt3A_181 : i1 to i32
        %cond3A_183 = arith.constant 0 : i32
        %cond3A_184 = arith.cmpi ne, %convert_element_type3A_182, %cond3A_183 : i32
        scf.if %cond3A_184 {
          %add3A_185 = arith.constant 4 : i32
          %add3A_186 = arith.addi %add3A_103, %add3A_185 : i32
          %mul3A_187 = arith.constant 10000 : i32
          %mul3A_188 = arith.muli %add3A, %mul3A_187 : i32
          %mul3A_189 = arith.constant 80 : i32
          %mul3A_190 = arith.muli %add3A_186, %mul3A_189 : i32
          %add3A_191 = arith.addi %mul3A_188, %mul3A_190 : i32
          %dma_start3A_192 = tpu.memref_slice %arg4[%add3A_191] : memref<320000xi32, #tpu.memory_space<hbm>> -> memref<80xi32, #tpu.memory_space<hbm>>
          %dma_start3A_193 = tpu.memref_slice %arg4[%add3A_191] : memref<320000xi32, #tpu.memory_space<hbm>> -> memref<80xi32, #tpu.memory_space<hbm>>
          tpu.enqueue_dma source(%dma_start3A_193 : memref<80xi32, #tpu.memory_space<hbm>>) target(%arg10 : memref<80xi32, #tpu.memory_space<vmem>>) target_semaphore(%arg28 : memref<!tpu.dma_semaphore, #tpu.memory_space<semaphore_mem>>)
        } else {
        }
      } else {
      }
      %mul3A_113 = arith.constant 4 : i32
      %mul3A_114 = arith.muli %scan3A_99, %mul3A_113 : i32
      %add3A_115 = arith.constant 1 : i32
      %add3A_116 = arith.addi %mul3A_114, %add3A_115 : i32
      %add3A_117 = arith.constant 3 : i32
      %add3A_118 = arith.addi %add3A_116, %add3A_117 : i32
      %lt3A_119 = arith.constant 125 : i32
      %lt3A_120 = arith.cmpi slt, %add3A_118, %lt3A_119 : i32
      %convert_element_type3A_121 = arith.extui %lt3A_120 : i1 to i32
      %cond3A_122 = arith.constant 0 : i32
      %cond3A_123 = arith.cmpi ne, %convert_element_type3A_121, %cond3A_122 : i32
      scf.if %cond3A_123 {
        %add3A_161 = arith.constant 3 : i32
        %add3A_162 = arith.addi %add3A_116, %add3A_161 : i32
        %mul3A_163 = arith.constant 10000 : i32
        %mul3A_164 = arith.muli %add3A, %mul3A_163 : i32
        %mul3A_165 = arith.constant 80 : i32
        %mul3A_166 = arith.muli %add3A_162, %mul3A_165 : i32
        %add3A_167 = arith.addi %mul3A_164, %mul3A_166 : i32
        %dma_wait3A_168 = tpu.memref_slice %arg3[%add3A_167] : memref<320000xi32, #tpu.memory_space<hbm>> -> memref<80xi32, #tpu.memory_space<hbm>>
        %dma_wait3A_169 = tpu.memref_slice %arg3[%add3A_167] : memref<320000xi32, #tpu.memory_space<hbm>> -> memref<80xi32, #tpu.memory_space<hbm>>
        tpu.wait_dma2 semaphore(%arg24 : memref<!tpu.dma_semaphore, #tpu.memory_space<semaphore_mem>>) src(%dma_wait3A_169 : memref<80xi32, #tpu.memory_space<hbm>>) dst(%arg6 : memref<80xi32, #tpu.memory_space<vmem>>)
        %add3A_170 = arith.constant 3 : i32
        %add3A_171 = arith.addi %add3A_116, %add3A_170 : i32
        %dma_start3A_172 = arith.constant 0 : i32
        %dma_start3A_173 = arith.constant 0 : i32
        %dma_start3A_174 = tpu.memref_slice %arg2[%dma_start3A_172, %dma_start3A_173] : memref<10000x128xf32, #tpu.memory_space<hbm>> -> memref<10000x128xf32, #tpu.memory_space<hbm>>
        tpu.enqueue_indirect_dma source(%dma_start3A_174 : memref<10000x128xf32, #tpu.memory_space<hbm>>) target(%arg14 : memref<80x128xf32, #tpu.memory_space<vmem>>) offsets(%arg6 : memref<80xi32, #tpu.memory_space<vmem>>) semaphore(%arg20 : memref<!tpu.dma_semaphore, #tpu.memory_space<semaphore_mem>>)
      } else {
      }
      %lt3A_124 = arith.constant 125 : i32
      %lt3A_125 = arith.cmpi slt, %add3A_116, %lt3A_124 : i32
      %convert_element_type3A_126 = arith.extui %lt3A_125 : i1 to i32
      %cond3A_127 = arith.constant 0 : i32
      %cond3A_128 = arith.cmpi ne, %convert_element_type3A_126, %cond3A_127 : i32
      scf.if %cond3A_128 {
        %dma_wait3A_161 = arith.constant 0 : i32
        %dma_wait3A_162 = arith.constant 0 : i32
        %dma_wait3A_163 = tpu.memref_slice %arg2[%dma_wait3A_161, %dma_wait3A_162] : memref<10000x128xf32, #tpu.memory_space<hbm>> -> memref<10000x128xf32, #tpu.memory_space<hbm>>
        tpu.wait_indirect_dma semaphore(%arg21 : memref<!tpu.dma_semaphore, #tpu.memory_space<semaphore_mem>>) src(%dma_wait3A_163 : memref<10000x128xf32, #tpu.memory_space<hbm>>) dst(%arg15 : memref<80x128xf32, #tpu.memory_space<vmem>>)
        %mul3A_164 = arith.constant 10000 : i32
        %mul3A_165 = arith.muli %add3A, %mul3A_164 : i32
        %mul3A_166 = arith.constant 80 : i32
        %mul3A_167 = arith.muli %add3A_116, %mul3A_166 : i32
        %add3A_168 = arith.addi %mul3A_165, %mul3A_167 : i32
        %dma_wait3A_169 = tpu.memref_slice %arg4[%add3A_168] : memref<320000xi32, #tpu.memory_space<hbm>> -> memref<80xi32, #tpu.memory_space<hbm>>
        %dma_wait3A_170 = tpu.memref_slice %arg4[%add3A_168] : memref<320000xi32, #tpu.memory_space<hbm>> -> memref<80xi32, #tpu.memory_space<hbm>>
        tpu.wait_dma2 semaphore(%arg29 : memref<!tpu.dma_semaphore, #tpu.memory_space<semaphore_mem>>) src(%dma_wait3A_170 : memref<80xi32, #tpu.memory_space<hbm>>) dst(%arg11 : memref<80xi32, #tpu.memory_space<vmem>>)
        %add3A_171 = arith.constant 4 : i32
        %add3A_172 = arith.addi %add3A_116, %add3A_171 : i32
        %lt3A_173 = arith.constant 125 : i32
        %lt3A_174 = arith.cmpi slt, %add3A_172, %lt3A_173 : i32
        %convert_element_type3A_175 = arith.extui %lt3A_174 : i1 to i32
        %cond3A_176 = arith.constant 0 : i32
        %cond3A_177 = arith.cmpi ne, %convert_element_type3A_175, %cond3A_176 : i32
        scf.if %cond3A_177 {
          %add3A_185 = arith.constant 4 : i32
          %add3A_186 = arith.addi %add3A_116, %add3A_185 : i32
          %mul3A_187 = arith.constant 10000 : i32
          %mul3A_188 = arith.muli %add3A, %mul3A_187 : i32
          %mul3A_189 = arith.constant 80 : i32
          %mul3A_190 = arith.muli %add3A_186, %mul3A_189 : i32
          %add3A_191 = arith.addi %mul3A_188, %mul3A_190 : i32
          %dma_start3A_192 = tpu.memref_slice %arg3[%add3A_191] : memref<320000xi32, #tpu.memory_space<hbm>> -> memref<80xi32, #tpu.memory_space<hbm>>
          %dma_start3A_193 = tpu.memref_slice %arg3[%add3A_191] : memref<320000xi32, #tpu.memory_space<hbm>> -> memref<80xi32, #tpu.memory_space<hbm>>
          tpu.enqueue_dma source(%dma_start3A_193 : memref<80xi32, #tpu.memory_space<hbm>>) target(%arg7 : memref<80xi32, #tpu.memory_space<vmem>>) target_semaphore(%arg25 : memref<!tpu.dma_semaphore, #tpu.memory_space<semaphore_mem>>)
        } else {
        }
        "tpu.region"() ({
          %run_scoped3A = tpu.sem_alloc : memref<!tpu.dma_semaphore, #tpu.memory_space<semaphore_mem>>
          %dma_start3A_185 = arith.constant 0 : i32
          %dma_start3A_186 = arith.constant 0 : i32
          %dma_start3A_187 = tpu.memref_slice %arg19[%dma_start3A_185, %dma_start3A_186] : memref<10240x128xf32, #tpu.memory_space<vmem_shared>> -> memref<10240x128xf32, #tpu.memory_space<vmem_shared>>
          tpu.enqueue_indirect_dma source(%arg15 : memref<80x128xf32, #tpu.memory_space<vmem>>) target(%dma_start3A_187 : memref<10240x128xf32, #tpu.memory_space<vmem_shared>>) offsets(%arg11 : memref<80xi32, #tpu.memory_space<vmem>>) semaphore(%run_scoped3A : memref<!tpu.dma_semaphore, #tpu.memory_space<semaphore_mem>>) {add = true}
          %dma_wait3A_188 = arith.constant 0 : i32
          %dma_wait3A_189 = arith.constant 0 : i32
          %dma_wait3A_190 = tpu.memref_slice %arg19[%dma_wait3A_188, %dma_wait3A_189] : memref<10240x128xf32, #tpu.memory_space<vmem_shared>> -> memref<10240x128xf32, #tpu.memory_space<vmem_shared>>
          tpu.wait_indirect_dma semaphore(%run_scoped3A : memref<!tpu.dma_semaphore, #tpu.memory_space<semaphore_mem>>) src(%arg15 : memref<80x128xf32, #tpu.memory_space<vmem>>) dst(%dma_wait3A_190 : memref<10240x128xf32, #tpu.memory_space<vmem_shared>>)
          tpu.yield
        }) : () -> ()
        %add3A_178 = arith.constant 4 : i32
        %add3A_179 = arith.addi %add3A_116, %add3A_178 : i32
        %lt3A_180 = arith.constant 125 : i32
        %lt3A_181 = arith.cmpi slt, %add3A_179, %lt3A_180 : i32
        %convert_element_type3A_182 = arith.extui %lt3A_181 : i1 to i32
        %cond3A_183 = arith.constant 0 : i32
        %cond3A_184 = arith.cmpi ne, %convert_element_type3A_182, %cond3A_183 : i32
        scf.if %cond3A_184 {
          %add3A_185 = arith.constant 4 : i32
          %add3A_186 = arith.addi %add3A_116, %add3A_185 : i32
          %mul3A_187 = arith.constant 10000 : i32
          %mul3A_188 = arith.muli %add3A, %mul3A_187 : i32
          %mul3A_189 = arith.constant 80 : i32
          %mul3A_190 = arith.muli %add3A_186, %mul3A_189 : i32
          %add3A_191 = arith.addi %mul3A_188, %mul3A_190 : i32
          %dma_start3A_192 = tpu.memref_slice %arg4[%add3A_191] : memref<320000xi32, #tpu.memory_space<hbm>> -> memref<80xi32, #tpu.memory_space<hbm>>
          %dma_start3A_193 = tpu.memref_slice %arg4[%add3A_191] : memref<320000xi32, #tpu.memory_space<hbm>> -> memref<80xi32, #tpu.memory_space<hbm>>
          tpu.enqueue_dma source(%dma_start3A_193 : memref<80xi32, #tpu.memory_space<hbm>>) target(%arg11 : memref<80xi32, #tpu.memory_space<vmem>>) target_semaphore(%arg29 : memref<!tpu.dma_semaphore, #tpu.memory_space<semaphore_mem>>)
        } else {
        }
      } else {
      }
      %mul3A_129 = arith.constant 4 : i32
      %mul3A_130 = arith.muli %scan3A_99, %mul3A_129 : i32
      %add3A_131 = arith.constant 2 : i32
      %add3A_132 = arith.addi %mul3A_130, %add3A_131 : i32
      %add3A_133 = arith.constant 3 : i32
      %add3A_134 = arith.addi %add3A_132, %add3A_133 : i32
      %lt3A_135 = arith.constant 125 : i32
      %lt3A_136 = arith.cmpi slt, %add3A_134, %lt3A_135 : i32
      %convert_element_type3A_137 = arith.extui %lt3A_136 : i1 to i32
      %cond3A_138 = arith.constant 0 : i32
      %cond3A_139 = arith.cmpi ne, %convert_element_type3A_137, %cond3A_138 : i32
      scf.if %cond3A_139 {
        %add3A_161 = arith.constant 3 : i32
        %add3A_162 = arith.addi %add3A_132, %add3A_161 : i32
        %mul3A_163 = arith.constant 10000 : i32
        %mul3A_164 = arith.muli %add3A, %mul3A_163 : i32
        %mul3A_165 = arith.constant 80 : i32
        %mul3A_166 = arith.muli %add3A_162, %mul3A_165 : i32
        %add3A_167 = arith.addi %mul3A_164, %mul3A_166 : i32
        %dma_wait3A_168 = tpu.memref_slice %arg3[%add3A_167] : memref<320000xi32, #tpu.memory_space<hbm>> -> memref<80xi32, #tpu.memory_space<hbm>>
        %dma_wait3A_169 = tpu.memref_slice %arg3[%add3A_167] : memref<320000xi32, #tpu.memory_space<hbm>> -> memref<80xi32, #tpu.memory_space<hbm>>
        tpu.wait_dma2 semaphore(%arg25 : memref<!tpu.dma_semaphore, #tpu.memory_space<semaphore_mem>>) src(%dma_wait3A_169 : memref<80xi32, #tpu.memory_space<hbm>>) dst(%arg7 : memref<80xi32, #tpu.memory_space<vmem>>)
        %add3A_170 = arith.constant 3 : i32
        %add3A_171 = arith.addi %add3A_132, %add3A_170 : i32
        %dma_start3A_172 = arith.constant 0 : i32
        %dma_start3A_173 = arith.constant 0 : i32
        %dma_start3A_174 = tpu.memref_slice %arg2[%dma_start3A_172, %dma_start3A_173] : memref<10000x128xf32, #tpu.memory_space<hbm>> -> memref<10000x128xf32, #tpu.memory_space<hbm>>
        tpu.enqueue_indirect_dma source(%dma_start3A_174 : memref<10000x128xf32, #tpu.memory_space<hbm>>) target(%arg15 : memref<80x128xf32, #tpu.memory_space<vmem>>) offsets(%arg7 : memref<80xi32, #tpu.memory_space<vmem>>) semaphore(%arg21 : memref<!tpu.dma_semaphore, #tpu.memory_space<semaphore_mem>>)
      } else {
      }
      %lt3A_140 = arith.constant 125 : i32
      %lt3A_141 = arith.cmpi slt, %add3A_132, %lt3A_140 : i32
      %convert_element_type3A_142 = arith.extui %lt3A_141 : i1 to i32
      %cond3A_143 = arith.constant 0 : i32
      %cond3A_144 = arith.cmpi ne, %convert_element_type3A_142, %cond3A_143 : i32
      scf.if %cond3A_144 {
        %dma_wait3A_161 = arith.constant 0 : i32
        %dma_wait3A_162 = arith.constant 0 : i32
        %dma_wait3A_163 = tpu.memref_slice %arg2[%dma_wait3A_161, %dma_wait3A_162] : memref<10000x128xf32, #tpu.memory_space<hbm>> -> memref<10000x128xf32, #tpu.memory_space<hbm>>
        tpu.wait_indirect_dma semaphore(%arg22 : memref<!tpu.dma_semaphore, #tpu.memory_space<semaphore_mem>>) src(%dma_wait3A_163 : memref<10000x128xf32, #tpu.memory_space<hbm>>) dst(%arg16 : memref<80x128xf32, #tpu.memory_space<vmem>>)
        %mul3A_164 = arith.constant 10000 : i32
        %mul3A_165 = arith.muli %add3A, %mul3A_164 : i32
        %mul3A_166 = arith.constant 80 : i32
        %mul3A_167 = arith.muli %add3A_132, %mul3A_166 : i32
        %add3A_168 = arith.addi %mul3A_165, %mul3A_167 : i32
        %dma_wait3A_169 = tpu.memref_slice %arg4[%add3A_168] : memref<320000xi32, #tpu.memory_space<hbm>> -> memref<80xi32, #tpu.memory_space<hbm>>
        %dma_wait3A_170 = tpu.memref_slice %arg4[%add3A_168] : memref<320000xi32, #tpu.memory_space<hbm>> -> memref<80xi32, #tpu.memory_space<hbm>>
        tpu.wait_dma2 semaphore(%arg30 : memref<!tpu.dma_semaphore, #tpu.memory_space<semaphore_mem>>) src(%dma_wait3A_170 : memref<80xi32, #tpu.memory_space<hbm>>) dst(%arg12 : memref<80xi32, #tpu.memory_space<vmem>>)
        %add3A_171 = arith.constant 4 : i32
        %add3A_172 = arith.addi %add3A_132, %add3A_171 : i32
        %lt3A_173 = arith.constant 125 : i32
        %lt3A_174 = arith.cmpi slt, %add3A_172, %lt3A_173 : i32
        %convert_element_type3A_175 = arith.extui %lt3A_174 : i1 to i32
        %cond3A_176 = arith.constant 0 : i32
        %cond3A_177 = arith.cmpi ne, %convert_element_type3A_175, %cond3A_176 : i32
        scf.if %cond3A_177 {
          %add3A_185 = arith.constant 4 : i32
          %add3A_186 = arith.addi %add3A_132, %add3A_185 : i32
          %mul3A_187 = arith.constant 10000 : i32
          %mul3A_188 = arith.muli %add3A, %mul3A_187 : i32
          %mul3A_189 = arith.constant 80 : i32
          %mul3A_190 = arith.muli %add3A_186, %mul3A_189 : i32
          %add3A_191 = arith.addi %mul3A_188, %mul3A_190 : i32
          %dma_start3A_192 = tpu.memref_slice %arg3[%add3A_191] : memref<320000xi32, #tpu.memory_space<hbm>> -> memref<80xi32, #tpu.memory_space<hbm>>
          %dma_start3A_193 = tpu.memref_slice %arg3[%add3A_191] : memref<320000xi32, #tpu.memory_space<hbm>> -> memref<80xi32, #tpu.memory_space<hbm>>
          tpu.enqueue_dma source(%dma_start3A_193 : memref<80xi32, #tpu.memory_space<hbm>>) target(%arg8 : memref<80xi32, #tpu.memory_space<vmem>>) target_semaphore(%arg26 : memref<!tpu.dma_semaphore, #tpu.memory_space<semaphore_mem>>)
        } else {
        }
        "tpu.region"() ({
          %run_scoped3A = tpu.sem_alloc : memref<!tpu.dma_semaphore, #tpu.memory_space<semaphore_mem>>
          %dma_start3A_185 = arith.constant 0 : i32
          %dma_start3A_186 = arith.constant 0 : i32
          %dma_start3A_187 = tpu.memref_slice %arg19[%dma_start3A_185, %dma_start3A_186] : memref<10240x128xf32, #tpu.memory_space<vmem_shared>> -> memref<10240x128xf32, #tpu.memory_space<vmem_shared>>
          tpu.enqueue_indirect_dma source(%arg16 : memref<80x128xf32, #tpu.memory_space<vmem>>) target(%dma_start3A_187 : memref<10240x128xf32, #tpu.memory_space<vmem_shared>>) offsets(%arg12 : memref<80xi32, #tpu.memory_space<vmem>>) semaphore(%run_scoped3A : memref<!tpu.dma_semaphore, #tpu.memory_space<semaphore_mem>>) {add = true}
          %dma_wait3A_188 = arith.constant 0 : i32
          %dma_wait3A_189 = arith.constant 0 : i32
          %dma_wait3A_190 = tpu.memref_slice %arg19[%dma_wait3A_188, %dma_wait3A_189] : memref<10240x128xf32, #tpu.memory_space<vmem_shared>> -> memref<10240x128xf32, #tpu.memory_space<vmem_shared>>
          tpu.wait_indirect_dma semaphore(%run_scoped3A : memref<!tpu.dma_semaphore, #tpu.memory_space<semaphore_mem>>) src(%arg16 : memref<80x128xf32, #tpu.memory_space<vmem>>) dst(%dma_wait3A_190 : memref<10240x128xf32, #tpu.memory_space<vmem_shared>>)
          tpu.yield
        }) : () -> ()
        %add3A_178 = arith.constant 4 : i32
        %add3A_179 = arith.addi %add3A_132, %add3A_178 : i32
        %lt3A_180 = arith.constant 125 : i32
        %lt3A_181 = arith.cmpi slt, %add3A_179, %lt3A_180 : i32
        %convert_element_type3A_182 = arith.extui %lt3A_181 : i1 to i32
        %cond3A_183 = arith.constant 0 : i32
        %cond3A_184 = arith.cmpi ne, %convert_element_type3A_182, %cond3A_183 : i32
        scf.if %cond3A_184 {
          %add3A_185 = arith.constant 4 : i32
          %add3A_186 = arith.addi %add3A_132, %add3A_185 : i32
          %mul3A_187 = arith.constant 10000 : i32
          %mul3A_188 = arith.muli %add3A, %mul3A_187 : i32
          %mul3A_189 = arith.constant 80 : i32
          %mul3A_190 = arith.muli %add3A_186, %mul3A_189 : i32
          %add3A_191 = arith.addi %mul3A_188, %mul3A_190 : i32
          %dma_start3A_192 = tpu.memref_slice %arg4[%add3A_191] : memref<320000xi32, #tpu.memory_space<hbm>> -> memref<80xi32, #tpu.memory_space<hbm>>
          %dma_start3A_193 = tpu.memref_slice %arg4[%add3A_191] : memref<320000xi32, #tpu.memory_space<hbm>> -> memref<80xi32, #tpu.memory_space<hbm>>
          tpu.enqueue_dma source(%dma_start3A_193 : memref<80xi32, #tpu.memory_space<hbm>>) target(%arg12 : memref<80xi32, #tpu.memory_space<vmem>>) target_semaphore(%arg30 : memref<!tpu.dma_semaphore, #tpu.memory_space<semaphore_mem>>)
        } else {
        }
      } else {
      }
      %mul3A_145 = arith.constant 4 : i32
      %mul3A_146 = arith.muli %scan3A_99, %mul3A_145 : i32
      %add3A_147 = arith.constant 3 : i32
      %add3A_148 = arith.addi %mul3A_146, %add3A_147 : i32
      %add3A_149 = arith.constant 3 : i32
      %add3A_150 = arith.addi %add3A_148, %add3A_149 : i32
      %lt3A_151 = arith.constant 125 : i32
      %lt3A_152 = arith.cmpi slt, %add3A_150, %lt3A_151 : i32
      %convert_element_type3A_153 = arith.extui %lt3A_152 : i1 to i32
      %cond3A_154 = arith.constant 0 : i32
      %cond3A_155 = arith.cmpi ne, %convert_element_type3A_153, %cond3A_154 : i32
      scf.if %cond3A_155 {
        %add3A_161 = arith.constant 3 : i32
        %add3A_162 = arith.addi %add3A_148, %add3A_161 : i32
        %mul3A_163 = arith.constant 10000 : i32
        %mul3A_164 = arith.muli %add3A, %mul3A_163 : i32
        %mul3A_165 = arith.constant 80 : i32
        %mul3A_166 = arith.muli %add3A_162, %mul3A_165 : i32
        %add3A_167 = arith.addi %mul3A_164, %mul3A_166 : i32
        %dma_wait3A_168 = tpu.memref_slice %arg3[%add3A_167] : memref<320000xi32, #tpu.memory_space<hbm>> -> memref<80xi32, #tpu.memory_space<hbm>>
        %dma_wait3A_169 = tpu.memref_slice %arg3[%add3A_167] : memref<320000xi32, #tpu.memory_space<hbm>> -> memref<80xi32, #tpu.memory_space<hbm>>
        tpu.wait_dma2 semaphore(%arg26 : memref<!tpu.dma_semaphore, #tpu.memory_space<semaphore_mem>>) src(%dma_wait3A_169 : memref<80xi32, #tpu.memory_space<hbm>>) dst(%arg8 : memref<80xi32, #tpu.memory_space<vmem>>)
        %add3A_170 = arith.constant 3 : i32
        %add3A_171 = arith.addi %add3A_148, %add3A_170 : i32
        %dma_start3A_172 = arith.constant 0 : i32
        %dma_start3A_173 = arith.constant 0 : i32
        %dma_start3A_174 = tpu.memref_slice %arg2[%dma_start3A_172, %dma_start3A_173] : memref<10000x128xf32, #tpu.memory_space<hbm>> -> memref<10000x128xf32, #tpu.memory_space<hbm>>
        tpu.enqueue_indirect_dma source(%dma_start3A_174 : memref<10000x128xf32, #tpu.memory_space<hbm>>) target(%arg16 : memref<80x128xf32, #tpu.memory_space<vmem>>) offsets(%arg8 : memref<80xi32, #tpu.memory_space<vmem>>) semaphore(%arg22 : memref<!tpu.dma_semaphore, #tpu.memory_space<semaphore_mem>>)
      } else {
      }
      %lt3A_156 = arith.constant 125 : i32
      %lt3A_157 = arith.cmpi slt, %add3A_148, %lt3A_156 : i32
      %convert_element_type3A_158 = arith.extui %lt3A_157 : i1 to i32
      %cond3A_159 = arith.constant 0 : i32
      %cond3A_160 = arith.cmpi ne, %convert_element_type3A_158, %cond3A_159 : i32
      scf.if %cond3A_160 {
        %dma_wait3A_161 = arith.constant 0 : i32
        %dma_wait3A_162 = arith.constant 0 : i32
        %dma_wait3A_163 = tpu.memref_slice %arg2[%dma_wait3A_161, %dma_wait3A_162] : memref<10000x128xf32, #tpu.memory_space<hbm>> -> memref<10000x128xf32, #tpu.memory_space<hbm>>
        tpu.wait_indirect_dma semaphore(%arg23 : memref<!tpu.dma_semaphore, #tpu.memory_space<semaphore_mem>>) src(%dma_wait3A_163 : memref<10000x128xf32, #tpu.memory_space<hbm>>) dst(%arg17 : memref<80x128xf32, #tpu.memory_space<vmem>>)
        %mul3A_164 = arith.constant 10000 : i32
        %mul3A_165 = arith.muli %add3A, %mul3A_164 : i32
        %mul3A_166 = arith.constant 80 : i32
        %mul3A_167 = arith.muli %add3A_148, %mul3A_166 : i32
        %add3A_168 = arith.addi %mul3A_165, %mul3A_167 : i32
        %dma_wait3A_169 = tpu.memref_slice %arg4[%add3A_168] : memref<320000xi32, #tpu.memory_space<hbm>> -> memref<80xi32, #tpu.memory_space<hbm>>
        %dma_wait3A_170 = tpu.memref_slice %arg4[%add3A_168] : memref<320000xi32, #tpu.memory_space<hbm>> -> memref<80xi32, #tpu.memory_space<hbm>>
        tpu.wait_dma2 semaphore(%arg31 : memref<!tpu.dma_semaphore, #tpu.memory_space<semaphore_mem>>) src(%dma_wait3A_170 : memref<80xi32, #tpu.memory_space<hbm>>) dst(%arg13 : memref<80xi32, #tpu.memory_space<vmem>>)
        %add3A_171 = arith.constant 4 : i32
        %add3A_172 = arith.addi %add3A_148, %add3A_171 : i32
        %lt3A_173 = arith.constant 125 : i32
        %lt3A_174 = arith.cmpi slt, %add3A_172, %lt3A_173 : i32
        %convert_element_type3A_175 = arith.extui %lt3A_174 : i1 to i32
        %cond3A_176 = arith.constant 0 : i32
        %cond3A_177 = arith.cmpi ne, %convert_element_type3A_175, %cond3A_176 : i32
        scf.if %cond3A_177 {
          %add3A_185 = arith.constant 4 : i32
          %add3A_186 = arith.addi %add3A_148, %add3A_185 : i32
          %mul3A_187 = arith.constant 10000 : i32
          %mul3A_188 = arith.muli %add3A, %mul3A_187 : i32
          %mul3A_189 = arith.constant 80 : i32
          %mul3A_190 = arith.muli %add3A_186, %mul3A_189 : i32
          %add3A_191 = arith.addi %mul3A_188, %mul3A_190 : i32
          %dma_start3A_192 = tpu.memref_slice %arg3[%add3A_191] : memref<320000xi32, #tpu.memory_space<hbm>> -> memref<80xi32, #tpu.memory_space<hbm>>
          %dma_start3A_193 = tpu.memref_slice %arg3[%add3A_191] : memref<320000xi32, #tpu.memory_space<hbm>> -> memref<80xi32, #tpu.memory_space<hbm>>
          tpu.enqueue_dma source(%dma_start3A_193 : memref<80xi32, #tpu.memory_space<hbm>>) target(%arg9 : memref<80xi32, #tpu.memory_space<vmem>>) target_semaphore(%arg27 : memref<!tpu.dma_semaphore, #tpu.memory_space<semaphore_mem>>)
        } else {
        }
        "tpu.region"() ({
          %run_scoped3A = tpu.sem_alloc : memref<!tpu.dma_semaphore, #tpu.memory_space<semaphore_mem>>
          %dma_start3A_185 = arith.constant 0 : i32
          %dma_start3A_186 = arith.constant 0 : i32
          %dma_start3A_187 = tpu.memref_slice %arg19[%dma_start3A_185, %dma_start3A_186] : memref<10240x128xf32, #tpu.memory_space<vmem_shared>> -> memref<10240x128xf32, #tpu.memory_space<vmem_shared>>
          tpu.enqueue_indirect_dma source(%arg17 : memref<80x128xf32, #tpu.memory_space<vmem>>) target(%dma_start3A_187 : memref<10240x128xf32, #tpu.memory_space<vmem_shared>>) offsets(%arg13 : memref<80xi32, #tpu.memory_space<vmem>>) semaphore(%run_scoped3A : memref<!tpu.dma_semaphore, #tpu.memory_space<semaphore_mem>>) {add = true}
          %dma_wait3A_188 = arith.constant 0 : i32
          %dma_wait3A_189 = arith.constant 0 : i32
          %dma_wait3A_190 = tpu.memref_slice %arg19[%dma_wait3A_188, %dma_wait3A_189] : memref<10240x128xf32, #tpu.memory_space<vmem_shared>> -> memref<10240x128xf32, #tpu.memory_space<vmem_shared>>
          tpu.wait_indirect_dma semaphore(%run_scoped3A : memref<!tpu.dma_semaphore, #tpu.memory_space<semaphore_mem>>) src(%arg17 : memref<80x128xf32, #tpu.memory_space<vmem>>) dst(%dma_wait3A_190 : memref<10240x128xf32, #tpu.memory_space<vmem_shared>>)
          tpu.yield
        }) : () -> ()
        %add3A_178 = arith.constant 4 : i32
        %add3A_179 = arith.addi %add3A_148, %add3A_178 : i32
        %lt3A_180 = arith.constant 125 : i32
        %lt3A_181 = arith.cmpi slt, %add3A_179, %lt3A_180 : i32
        %convert_element_type3A_182 = arith.extui %lt3A_181 : i1 to i32
        %cond3A_183 = arith.constant 0 : i32
        %cond3A_184 = arith.cmpi ne, %convert_element_type3A_182, %cond3A_183 : i32
        scf.if %cond3A_184 {
          %add3A_185 = arith.constant 4 : i32
          %add3A_186 = arith.addi %add3A_148, %add3A_185 : i32
          %mul3A_187 = arith.constant 10000 : i32
          %mul3A_188 = arith.muli %add3A, %mul3A_187 : i32
          %mul3A_189 = arith.constant 80 : i32
          %mul3A_190 = arith.muli %add3A_186, %mul3A_189 : i32
          %add3A_191 = arith.addi %mul3A_188, %mul3A_190 : i32
          %dma_start3A_192 = tpu.memref_slice %arg4[%add3A_191] : memref<320000xi32, #tpu.memory_space<hbm>> -> memref<80xi32, #tpu.memory_space<hbm>>
          %dma_start3A_193 = tpu.memref_slice %arg4[%add3A_191] : memref<320000xi32, #tpu.memory_space<hbm>> -> memref<80xi32, #tpu.memory_space<hbm>>
          tpu.enqueue_dma source(%dma_start3A_193 : memref<80xi32, #tpu.memory_space<hbm>>) target(%arg13 : memref<80xi32, #tpu.memory_space<vmem>>) target_semaphore(%arg31 : memref<!tpu.dma_semaphore, #tpu.memory_space<semaphore_mem>>)
        } else {
        }
      } else {
      }
    }
    %scan3A_91 = arith.constant 32 : i32
    %barrier3A_92 = arith.constant 0 : index
    tpu.barrier barrier_id(%barrier3A_92)
    %scan3A_93 = arith.constant 0 : i32
    %scan3A_94 = arith.constant 0 : i32
    %scan3A_95 = arith.constant 20 : i32
    %scan3A_96 = arith.addi %scan3A_94, %scan3A_95 : i32
    %scan3A_97 = arith.constant 1 : i32
    scf.for %scan3A_99 = %scan3A_94 to %scan3A_96 step %scan3A_97  : i32 {
      %mul3A_100 = arith.constant 640 : i32
      %mul3A_101 = arith.muli %arg1, %mul3A_100 : i32
      %mul3A_102 = arith.constant 32 : i32
      %mul3A_103 = arith.muli %scan3A_99, %mul3A_102 : i32
      %add3A_104 = arith.addi %mul3A_101, %mul3A_103 : i32
      "tpu.region"() ({
        %run_scoped3A = tpu.sem_alloc : memref<!tpu.dma_semaphore, #tpu.memory_space<semaphore_mem>>
        %dma_start3A_105 = arith.constant 0 : i32
        %dma_start3A_106 = tpu.memref_slice %arg19[%add3A_104, %dma_start3A_105] : memref<10240x128xf32, #tpu.memory_space<vmem_shared>> -> memref<32x128xf32, #tpu.memory_space<vmem_shared>>
        %dma_start3A_107 = arith.constant 0 : i32
        %dma_start3A_108 = tpu.memref_slice %arg19[%add3A_104, %dma_start3A_107] : memref<10240x128xf32, #tpu.memory_space<vmem_shared>> -> memref<32x128xf32, #tpu.memory_space<vmem_shared>>
        tpu.enqueue_dma source(%dma_start3A_108 : memref<32x128xf32, #tpu.memory_space<vmem_shared>>) target(%arg18 : memref<32x128xf32, #tpu.memory_space<vmem>>) target_semaphore(%run_scoped3A : memref<!tpu.dma_semaphore, #tpu.memory_space<semaphore_mem>>)
        %dma_wait3A_109 = arith.constant 0 : i32
        %dma_wait3A_110 = tpu.memref_slice %arg19[%add3A_104, %dma_wait3A_109] : memref<10240x128xf32, #tpu.memory_space<vmem_shared>> -> memref<32x128xf32, #tpu.memory_space<vmem_shared>>
        %dma_wait3A_111 = arith.constant 0 : i32
        %dma_wait3A_112 = tpu.memref_slice %arg19[%add3A_104, %dma_wait3A_111] : memref<10240x128xf32, #tpu.memory_space<vmem_shared>> -> memref<32x128xf32, #tpu.memory_space<vmem_shared>>
        tpu.wait_dma2 semaphore(%run_scoped3A : memref<!tpu.dma_semaphore, #tpu.memory_space<semaphore_mem>>) src(%dma_wait3A_112 : memref<32x128xf32, #tpu.memory_space<vmem_shared>>) dst(%arg18 : memref<32x128xf32, #tpu.memory_space<vmem>>)
        tpu.yield
      }) : () -> ()
      "tpu.region"() ({
        %run_scoped3A = tpu.sem_alloc : memref<!tpu.dma_semaphore, #tpu.memory_space<semaphore_mem>>
        %dma_start3A_105 = arith.constant 0 : i32
        %dma_start3A_106 = tpu.memref_slice %arg5[%arg0, %add3A_104, %dma_start3A_105] : memref<2x10240x128xf32, #tpu.memory_space<hbm>> -> memref<1x32x128xf32, #tpu.memory_space<hbm>>
        %dma_start3A_107 = tpu.memref_squeeze %dma_start3A_106 : memref<1x32x128xf32, #tpu.memory_space<hbm>> -> memref<32x128xf32, #tpu.memory_space<hbm>>
        %dma_start3A_108 = arith.constant 0 : i32
        %dma_start3A_109 = tpu.memref_slice %arg5[%arg0, %add3A_104, %dma_start3A_108] : memref<2x10240x128xf32, #tpu.memory_space<hbm>> -> memref<1x32x128xf32, #tpu.memory_space<hbm>>
        %dma_start3A_110 = tpu.memref_squeeze %dma_start3A_109 : memref<1x32x128xf32, #tpu.memory_space<hbm>> -> memref<32x128xf32, #tpu.memory_space<hbm>>
        tpu.enqueue_dma source(%arg18 : memref<32x128xf32, #tpu.memory_space<vmem>>) target(%dma_start3A_110 : memref<32x128xf32, #tpu.memory_space<hbm>>) target_semaphore(%run_scoped3A : memref<!tpu.dma_semaphore, #tpu.memory_space<semaphore_mem>>)
        %dma_wait3A_111 = arith.constant 0 : i32
        %dma_wait3A_112 = tpu.memref_slice %arg5[%arg0, %add3A_104, %dma_wait3A_111] : memref<2x10240x128xf32, #tpu.memory_space<hbm>> -> memref<1x32x128xf32, #tpu.memory_space<hbm>>
        %dma_wait3A_113 = tpu.memref_squeeze %dma_wait3A_112 : memref<1x32x128xf32, #tpu.memory_space<hbm>> -> memref<32x128xf32, #tpu.memory_space<hbm>>
        %dma_wait3A_114 = arith.constant 0 : i32
        %dma_wait3A_115 = tpu.memref_slice %arg5[%arg0, %add3A_104, %dma_wait3A_114] : memref<2x10240x128xf32, #tpu.memory_space<hbm>> -> memref<1x32x128xf32, #tpu.memory_space<hbm>>
        %dma_wait3A_116 = tpu.memref_squeeze %dma_wait3A_115 : memref<1x32x128xf32, #tpu.memory_space<hbm>> -> memref<32x128xf32, #tpu.memory_space<hbm>>
        tpu.wait_dma2 semaphore(%run_scoped3A : memref<!tpu.dma_semaphore, #tpu.memory_space<semaphore_mem>>) src(%arg18 : memref<32x128xf32, #tpu.memory_space<vmem>>) dst(%dma_wait3A_116 : memref<32x128xf32, #tpu.memory_space<hbm>>)
        tpu.yield
      }) : () -> ()
    }
    %scan3A_98 = arith.constant 20 : i32
    return
  }
}

#map = affine_map<(d0, d1) -> (0, 0)>
#map1 = affine_map<(d0, d1) -> (0)>
#map2 = affine_map<(d0, d1) -> (0, 0, 0)>
module attributes {stable_mosaic.version = 14 : i64} {
  func.func @k(%arg0: i32, %arg1: i32, %arg2: memref<40000x128xf32, #tpu.memory_space<hbm>>, %arg3: memref<320000xi32, #tpu.memory_space<hbm>>, %arg4: memref<2x10240x128xf32, #tpu.memory_space<hbm>>, %arg5: memref<64xi32, #tpu.memory_space<vmem>>, %arg6: memref<64xi32, #tpu.memory_space<vmem>>, %arg7: memref<8x128xf32, #tpu.memory_space<vmem>>, %arg8: memref<8x128xf32, #tpu.memory_space<vmem>>, %arg9: memref<64x128xf32, #tpu.memory_space<vmem>>, %arg10: memref<32x128xf32, #tpu.memory_space<vmem>>, %arg11: memref<10240x128xf32, #tpu.memory_space<vmem_shared>>, %arg12: memref<!tpu.dma_semaphore, #tpu.memory_space<semaphore_mem>>, %arg13: memref<!tpu.dma_semaphore, #tpu.memory_space<semaphore_mem>>, %arg14: memref<!tpu.dma_semaphore, #tpu.memory_space<semaphore_mem>>, %arg15: memref<!tpu.dma_semaphore, #tpu.memory_space<semaphore_mem>>) attributes {dimension_semantics = [#tpu.dimension_semantics<core_parallel>, #tpu.dimension_semantics<subcore_parallel>], iteration_bounds = array<i64: 2, 16>, scalar_prefetch = 0 : i64, scratch_operands = 11 : i64, tpu.core_type = #tpu.core_type<sc_vector_subcore>, window_params = [{transform_indices = #map}, {transform_indices = #map1}, {transform_indices = #map2}]} {
    %mul3A = arith.constant 2 : i32
    %mul3A_0 = arith.muli %arg1, %mul3A : i32
    %add3A = arith.addi %mul3A_0, %arg0 : i32
    %add3A_1 = arith.constant 0 : i32
    %add3A_2 = arith.addi %add3A, %add3A_1 : i32
    %mul3A_3 = arith.constant 64 : i32
    %mul3A_4 = arith.muli %add3A_2, %mul3A_3 : i32
    %dma_start3A = tpu.memref_slice %arg3[%mul3A_4] : memref<320000xi32, #tpu.memory_space<hbm>> -> memref<64xi32, #tpu.memory_space<hbm>>
    %dma_start3A_5 = tpu.memref_slice %arg3[%mul3A_4] : memref<320000xi32, #tpu.memory_space<hbm>> -> memref<64xi32, #tpu.memory_space<hbm>>
    tpu.enqueue_dma source(%dma_start3A_5 : memref<64xi32, #tpu.memory_space<hbm>>) target(%arg5 : memref<64xi32, #tpu.memory_space<vmem>>) target_semaphore(%arg14 : memref<!tpu.dma_semaphore, #tpu.memory_space<semaphore_mem>>)
    %add3A_6 = arith.constant 0 : i32
    %add3A_7 = arith.addi %add3A, %add3A_6 : i32
    %mul3A_8 = arith.constant 8 : i32
    %mul3A_9 = arith.muli %add3A_7, %mul3A_8 : i32
    %multiple_of3A = tpu.assume_multiple %mul3A_9, 8 : i32
    %dma_start3A_10 = arith.constant 0 : i32
    %dma_start3A_11 = tpu.memref_slice %arg2[%multiple_of3A, %dma_start3A_10] : memref<40000x128xf32, #tpu.memory_space<hbm>> -> memref<8x128xf32, #tpu.memory_space<hbm>>
    %dma_start3A_12 = arith.constant 0 : i32
    %dma_start3A_13 = tpu.memref_slice %arg2[%multiple_of3A, %dma_start3A_12] : memref<40000x128xf32, #tpu.memory_space<hbm>> -> memref<8x128xf32, #tpu.memory_space<hbm>>
    tpu.enqueue_dma source(%dma_start3A_13 : memref<8x128xf32, #tpu.memory_space<hbm>>) target(%arg7 : memref<8x128xf32, #tpu.memory_space<vmem>>) target_semaphore(%arg12 : memref<!tpu.dma_semaphore, #tpu.memory_space<semaphore_mem>>)
    %add3A_14 = arith.constant 32 : i32
    %add3A_15 = arith.addi %add3A, %add3A_14 : i32
    %mul3A_16 = arith.constant 64 : i32
    %mul3A_17 = arith.muli %add3A_15, %mul3A_16 : i32
    %dma_start3A_18 = tpu.memref_slice %arg3[%mul3A_17] : memref<320000xi32, #tpu.memory_space<hbm>> -> memref<64xi32, #tpu.memory_space<hbm>>
    %dma_start3A_19 = tpu.memref_slice %arg3[%mul3A_17] : memref<320000xi32, #tpu.memory_space<hbm>> -> memref<64xi32, #tpu.memory_space<hbm>>
    tpu.enqueue_dma source(%dma_start3A_19 : memref<64xi32, #tpu.memory_space<hbm>>) target(%arg6 : memref<64xi32, #tpu.memory_space<vmem>>) target_semaphore(%arg15 : memref<!tpu.dma_semaphore, #tpu.memory_space<semaphore_mem>>)
    %add3A_20 = arith.constant 32 : i32
    %add3A_21 = arith.addi %add3A, %add3A_20 : i32
    %mul3A_22 = arith.constant 8 : i32
    %mul3A_23 = arith.muli %add3A_21, %mul3A_22 : i32
    %multiple_of3A_24 = tpu.assume_multiple %mul3A_23, 8 : i32
    %dma_start3A_25 = arith.constant 0 : i32
    %dma_start3A_26 = tpu.memref_slice %arg2[%multiple_of3A_24, %dma_start3A_25] : memref<40000x128xf32, #tpu.memory_space<hbm>> -> memref<8x128xf32, #tpu.memory_space<hbm>>
    %dma_start3A_27 = arith.constant 0 : i32
    %dma_start3A_28 = tpu.memref_slice %arg2[%multiple_of3A_24, %dma_start3A_27] : memref<40000x128xf32, #tpu.memory_space<hbm>> -> memref<8x128xf32, #tpu.memory_space<hbm>>
    tpu.enqueue_dma source(%dma_start3A_28 : memref<8x128xf32, #tpu.memory_space<hbm>>) target(%arg8 : memref<8x128xf32, #tpu.memory_space<vmem>>) target_semaphore(%arg13 : memref<!tpu.dma_semaphore, #tpu.memory_space<semaphore_mem>>)
    %broadcast_in_dim3A = arith.constant 0.000000e+00 : f32
    %broadcast_in_dim3A_29 = vector.broadcast %broadcast_in_dim3A : f32 to vector<16xf32>
    %scan3A = arith.constant 0 : i32
    %scan3A_30 = arith.constant 0 : i32
    %scan3A_31 = arith.constant 512 : i32
    %scan3A_32 = arith.addi %scan3A_30, %scan3A_31 : i32
    %scan3A_33 = arith.constant 1 : i32
    scf.for %scan3A_450 = %scan3A_30 to %scan3A_32 step %scan3A_33  : i32 {
      %jit3A_451 = arith.constant 8 : i32
      %div3A = arith.divsi %scan3A_450, %jit3A_451 : i32
      %sign3A = arith.constant 0 : i32
      %sign3A_452 = arith.cmpi sgt, %scan3A_450, %sign3A : i32
      %sign3A_453 = arith.extui %sign3A_452 : i1 to i32
      %sign3A_454 = arith.constant 0 : i32
      %sign3A_455 = arith.cmpi slt, %scan3A_450, %sign3A_454 : i32
      %sign3A_456 = arith.extui %sign3A_455 : i1 to i32
      %sign3A_457 = arith.subi %sign3A_453, %sign3A_456 : i32
      %sign3A_458 = arith.constant 0 : i32
      %sign3A_459 = arith.cmpi sgt, %jit3A_451, %sign3A_458 : i32
      %sign3A_460 = arith.extui %sign3A_459 : i1 to i32
      %sign3A_461 = arith.constant 0 : i32
      %sign3A_462 = arith.cmpi slt, %jit3A_451, %sign3A_461 : i32
      %sign3A_463 = arith.extui %sign3A_462 : i1 to i32
      %sign3A_464 = arith.subi %sign3A_460, %sign3A_463 : i32
      %ne3A = arith.cmpi ne, %sign3A_457, %sign3A_464 : i32
      %rem3A = arith.remsi %scan3A_450, %jit3A_451 : i32
      %ne3A_465 = arith.constant 0 : i32
      %ne3A_466 = arith.cmpi ne, %rem3A, %ne3A_465 : i32
      %and3A = arith.andi %ne3A, %ne3A_466 : i1
      %sub3A = arith.constant 1 : i32
      %sub3A_467 = arith.subi %div3A, %sub3A : i32
      %select_n3A_468 = arith.select %and3A, %sub3A_467, %div3A : i32
      %jit3A_469 = arith.constant 8 : i32
      %eq3A_470 = arith.constant 0 : i32
      %eq3A_471 = arith.cmpi eq, %jit3A_469, %eq3A_470 : i32
      %jit3A_472 = arith.constant 1 : i32
      %select_n3A_473 = arith.select %eq3A_471, %jit3A_472, %jit3A_469 : i32
      %rem3A_474 = arith.remsi %scan3A_450, %select_n3A_473 : i32
      %ne3A_475 = arith.constant 0 : i32
      %ne3A_476 = arith.cmpi ne, %rem3A_474, %ne3A_475 : i32
      %lt3A = arith.constant 0 : i32
      %lt3A_477 = arith.cmpi slt, %rem3A_474, %lt3A : i32
      %lt3A_478 = arith.constant 0 : i32
      %lt3A_479 = arith.cmpi slt, %select_n3A_473, %lt3A_478 : i32
      %ne3A_480 = arith.xori %lt3A_477, %lt3A_479 : i1
      %and3A_481 = arith.andi %ne3A_480, %ne3A_476 : i1
      %add3A_482 = arith.addi %rem3A_474, %select_n3A_473 : i32
      %select_n3A_483 = arith.select %and3A_481, %add3A_482, %rem3A_474 : i32
      %mul3A_484 = arith.constant 16 : i32
      %mul3A_485 = arith.muli %select_n3A_483, %mul3A_484 : i32
      %swap3A_486 = arith.index_cast %select_n3A_468 : i32 to index
      %swap3A_487 = arith.index_cast %mul3A_485 : i32 to index
      %swap3A_488 = tpu.vector_load %arg9[%swap3A_486, %swap3A_487] {strides = array<i32>} : memref<64x128xf32, #tpu.memory_space<vmem>>, vector<1x16xf32>,
      %swap3A_489 = vector.shape_cast %swap3A_488 : vector<1x16xf32> to vector<16xf32>
      %swap3A_490 = vector.shape_cast %broadcast_in_dim3A_29 : vector<16xf32> to vector<1x16xf32>
      tpu.vector_store %arg9[%swap3A_486, %swap3A_487], %swap3A_490 {strides = array<i32>} : memref<64x128xf32, #tpu.memory_space<vmem>>, vector<1x16xf32>,
    }
    %scan3A_34 = arith.constant 512 : i32
    %iota3A = tpu.iota {dimensions = array<i32: 0>} : vector<16xi32>
    %eq3A = arith.constant 0 : i32
    %eq3A_35 = vector.broadcast %eq3A : i32 to vector<16xi32>
    %eq3A_36 = arith.cmpi eq, %iota3A, %eq3A_35 : vector<16xi32>
    %jit3A = arith.constant 1.000000e+00 : f32
    %jit3A_37 = arith.constant 0.000000e+00 : f32
    %broadcast_in_dim3A_38 = vector.broadcast %jit3A : f32 to vector<16xf32>
    %broadcast_in_dim3A_39 = vector.broadcast %jit3A_37 : f32 to vector<16xf32>
    %select_n3A = arith.select %eq3A_36, %broadcast_in_dim3A_38, %broadcast_in_dim3A_39 : vector<16xi1>, vector<16xf32>
    %swap3A = arith.constant 0 : i32
    %swap3A_40 = arith.index_cast %swap3A : i32 to index
    %swap3A_41 = arith.constant 16 : index
    %swap3A_42 = tpu.vector_load %arg9[%swap3A_40, %swap3A_41] {strides = array<i32>} : memref<64x128xf32, #tpu.memory_space<vmem>>, vector<1x16xf32>,
    %swap3A_43 = vector.shape_cast %swap3A_42 : vector<1x16xf32> to vector<16xf32>
    %swap3A_44 = vector.shape_cast %select_n3A : vector<16xf32> to vector<1x16xf32>
    tpu.vector_store %arg9[%swap3A_40, %swap3A_41], %swap3A_44 {strides = array<i32>} : memref<64x128xf32, #tpu.memory_space<vmem>>, vector<1x16xf32>,
    %swap3A_45 = arith.constant 1 : i32
    %swap3A_46 = arith.index_cast %swap3A_45 : i32 to index
    %swap3A_47 = arith.constant 16 : index
    %swap3A_48 = tpu.vector_load %arg9[%swap3A_46, %swap3A_47] {strides = array<i32>} : memref<64x128xf32, #tpu.memory_space<vmem>>, vector<1x16xf32>,
    %swap3A_49 = vector.shape_cast %swap3A_48 : vector<1x16xf32> to vector<16xf32>
    %swap3A_50 = vector.shape_cast %select_n3A : vector<16xf32> to vector<1x16xf32>
    tpu.vector_store %arg9[%swap3A_46, %swap3A_47], %swap3A_50 {strides = array<i32>} : memref<64x128xf32, #tpu.memory_space<vmem>>, vector<1x16xf32>,
    %swap3A_51 = arith.constant 2 : i32
    %swap3A_52 = arith.index_cast %swap3A_51 : i32 to index
    %swap3A_53 = arith.constant 16 : index
    %swap3A_54 = tpu.vector_load %arg9[%swap3A_52, %swap3A_53] {strides = array<i32>} : memref<64x128xf32, #tpu.memory_space<vmem>>, vector<1x16xf32>,
    %swap3A_55 = vector.shape_cast %swap3A_54 : vector<1x16xf32> to vector<16xf32>
    %swap3A_56 = vector.shape_cast %select_n3A : vector<16xf32> to vector<1x16xf32>
    tpu.vector_store %arg9[%swap3A_52, %swap3A_53], %swap3A_56 {strides = array<i32>} : memref<64x128xf32, #tpu.memory_space<vmem>>, vector<1x16xf32>,
    %swap3A_57 = arith.constant 3 : i32
    %swap3A_58 = arith.index_cast %swap3A_57 : i32 to index
    %swap3A_59 = arith.constant 16 : index
    %swap3A_60 = tpu.vector_load %arg9[%swap3A_58, %swap3A_59] {strides = array<i32>} : memref<64x128xf32, #tpu.memory_space<vmem>>, vector<1x16xf32>,
    %swap3A_61 = vector.shape_cast %swap3A_60 : vector<1x16xf32> to vector<16xf32>
    %swap3A_62 = vector.shape_cast %select_n3A : vector<16xf32> to vector<1x16xf32>
    tpu.vector_store %arg9[%swap3A_58, %swap3A_59], %swap3A_62 {strides = array<i32>} : memref<64x128xf32, #tpu.memory_space<vmem>>, vector<1x16xf32>,
    %swap3A_63 = arith.constant 4 : i32
    %swap3A_64 = arith.index_cast %swap3A_63 : i32 to index
    %swap3A_65 = arith.constant 16 : index
    %swap3A_66 = tpu.vector_load %arg9[%swap3A_64, %swap3A_65] {strides = array<i32>} : memref<64x128xf32, #tpu.memory_space<vmem>>, vector<1x16xf32>,
    %swap3A_67 = vector.shape_cast %swap3A_66 : vector<1x16xf32> to vector<16xf32>
    %swap3A_68 = vector.shape_cast %select_n3A : vector<16xf32> to vector<1x16xf32>
    tpu.vector_store %arg9[%swap3A_64, %swap3A_65], %swap3A_68 {strides = array<i32>} : memref<64x128xf32, #tpu.memory_space<vmem>>, vector<1x16xf32>,
    %swap3A_69 = arith.constant 5 : i32
    %swap3A_70 = arith.index_cast %swap3A_69 : i32 to index
    %swap3A_71 = arith.constant 16 : index
    %swap3A_72 = tpu.vector_load %arg9[%swap3A_70, %swap3A_71] {strides = array<i32>} : memref<64x128xf32, #tpu.memory_space<vmem>>, vector<1x16xf32>,
    %swap3A_73 = vector.shape_cast %swap3A_72 : vector<1x16xf32> to vector<16xf32>
    %swap3A_74 = vector.shape_cast %select_n3A : vector<16xf32> to vector<1x16xf32>
    tpu.vector_store %arg9[%swap3A_70, %swap3A_71], %swap3A_74 {strides = array<i32>} : memref<64x128xf32, #tpu.memory_space<vmem>>, vector<1x16xf32>,
    %swap3A_75 = arith.constant 6 : i32
    %swap3A_76 = arith.index_cast %swap3A_75 : i32 to index
    %swap3A_77 = arith.constant 16 : index
    %swap3A_78 = tpu.vector_load %arg9[%swap3A_76, %swap3A_77] {strides = array<i32>} : memref<64x128xf32, #tpu.memory_space<vmem>>, vector<1x16xf32>,
    %swap3A_79 = vector.shape_cast %swap3A_78 : vector<1x16xf32> to vector<16xf32>
    %swap3A_80 = vector.shape_cast %select_n3A : vector<16xf32> to vector<1x16xf32>
    tpu.vector_store %arg9[%swap3A_76, %swap3A_77], %swap3A_80 {strides = array<i32>} : memref<64x128xf32, #tpu.memory_space<vmem>>, vector<1x16xf32>,
    %swap3A_81 = arith.constant 7 : i32
    %swap3A_82 = arith.index_cast %swap3A_81 : i32 to index
    %swap3A_83 = arith.constant 16 : index
    %swap3A_84 = tpu.vector_load %arg9[%swap3A_82, %swap3A_83] {strides = array<i32>} : memref<64x128xf32, #tpu.memory_space<vmem>>, vector<1x16xf32>,
    %swap3A_85 = vector.shape_cast %swap3A_84 : vector<1x16xf32> to vector<16xf32>
    %swap3A_86 = vector.shape_cast %select_n3A : vector<16xf32> to vector<1x16xf32>
    tpu.vector_store %arg9[%swap3A_82, %swap3A_83], %swap3A_86 {strides = array<i32>} : memref<64x128xf32, #tpu.memory_space<vmem>>, vector<1x16xf32>,
    %swap3A_87 = arith.constant 8 : i32
    %swap3A_88 = arith.index_cast %swap3A_87 : i32 to index
    %swap3A_89 = arith.constant 16 : index
    %swap3A_90 = tpu.vector_load %arg9[%swap3A_88, %swap3A_89] {strides = array<i32>} : memref<64x128xf32, #tpu.memory_space<vmem>>, vector<1x16xf32>,
    %swap3A_91 = vector.shape_cast %swap3A_90 : vector<1x16xf32> to vector<16xf32>
    %swap3A_92 = vector.shape_cast %select_n3A : vector<16xf32> to vector<1x16xf32>
    tpu.vector_store %arg9[%swap3A_88, %swap3A_89], %swap3A_92 {strides = array<i32>} : memref<64x128xf32, #tpu.memory_space<vmem>>, vector<1x16xf32>,
    %swap3A_93 = arith.constant 9 : i32
    %swap3A_94 = arith.index_cast %swap3A_93 : i32 to index
    %swap3A_95 = arith.constant 16 : index
    %swap3A_96 = tpu.vector_load %arg9[%swap3A_94, %swap3A_95] {strides = array<i32>} : memref<64x128xf32, #tpu.memory_space<vmem>>, vector<1x16xf32>,
    %swap3A_97 = vector.shape_cast %swap3A_96 : vector<1x16xf32> to vector<16xf32>
    %swap3A_98 = vector.shape_cast %select_n3A : vector<16xf32> to vector<1x16xf32>
    tpu.vector_store %arg9[%swap3A_94, %swap3A_95], %swap3A_98 {strides = array<i32>} : memref<64x128xf32, #tpu.memory_space<vmem>>, vector<1x16xf32>,
    %swap3A_99 = arith.constant 10 : i32
    %swap3A_100 = arith.index_cast %swap3A_99 : i32 to index
    %swap3A_101 = arith.constant 16 : index
    %swap3A_102 = tpu.vector_load %arg9[%swap3A_100, %swap3A_101] {strides = array<i32>} : memref<64x128xf32, #tpu.memory_space<vmem>>, vector<1x16xf32>,
    %swap3A_103 = vector.shape_cast %swap3A_102 : vector<1x16xf32> to vector<16xf32>
    %swap3A_104 = vector.shape_cast %select_n3A : vector<16xf32> to vector<1x16xf32>
    tpu.vector_store %arg9[%swap3A_100, %swap3A_101], %swap3A_104 {strides = array<i32>} : memref<64x128xf32, #tpu.memory_space<vmem>>, vector<1x16xf32>,
    %swap3A_105 = arith.constant 11 : i32
    %swap3A_106 = arith.index_cast %swap3A_105 : i32 to index
    %swap3A_107 = arith.constant 16 : index
    %swap3A_108 = tpu.vector_load %arg9[%swap3A_106, %swap3A_107] {strides = array<i32>} : memref<64x128xf32, #tpu.memory_space<vmem>>, vector<1x16xf32>,
    %swap3A_109 = vector.shape_cast %swap3A_108 : vector<1x16xf32> to vector<16xf32>
    %swap3A_110 = vector.shape_cast %select_n3A : vector<16xf32> to vector<1x16xf32>
    tpu.vector_store %arg9[%swap3A_106, %swap3A_107], %swap3A_110 {strides = array<i32>} : memref<64x128xf32, #tpu.memory_space<vmem>>, vector<1x16xf32>,
    %swap3A_111 = arith.constant 12 : i32
    %swap3A_112 = arith.index_cast %swap3A_111 : i32 to index
    %swap3A_113 = arith.constant 16 : index
    %swap3A_114 = tpu.vector_load %arg9[%swap3A_112, %swap3A_113] {strides = array<i32>} : memref<64x128xf32, #tpu.memory_space<vmem>>, vector<1x16xf32>,
    %swap3A_115 = vector.shape_cast %swap3A_114 : vector<1x16xf32> to vector<16xf32>
    %swap3A_116 = vector.shape_cast %select_n3A : vector<16xf32> to vector<1x16xf32>
    tpu.vector_store %arg9[%swap3A_112, %swap3A_113], %swap3A_116 {strides = array<i32>} : memref<64x128xf32, #tpu.memory_space<vmem>>, vector<1x16xf32>,
    %swap3A_117 = arith.constant 13 : i32
    %swap3A_118 = arith.index_cast %swap3A_117 : i32 to index
    %swap3A_119 = arith.constant 16 : index
    %swap3A_120 = tpu.vector_load %arg9[%swap3A_118, %swap3A_119] {strides = array<i32>} : memref<64x128xf32, #tpu.memory_space<vmem>>, vector<1x16xf32>,
    %swap3A_121 = vector.shape_cast %swap3A_120 : vector<1x16xf32> to vector<16xf32>
    %swap3A_122 = vector.shape_cast %select_n3A : vector<16xf32> to vector<1x16xf32>
    tpu.vector_store %arg9[%swap3A_118, %swap3A_119], %swap3A_122 {strides = array<i32>} : memref<64x128xf32, #tpu.memory_space<vmem>>, vector<1x16xf32>,
    %swap3A_123 = arith.constant 14 : i32
    %swap3A_124 = arith.index_cast %swap3A_123 : i32 to index
    %swap3A_125 = arith.constant 16 : index
    %swap3A_126 = tpu.vector_load %arg9[%swap3A_124, %swap3A_125] {strides = array<i32>} : memref<64x128xf32, #tpu.memory_space<vmem>>, vector<1x16xf32>,
    %swap3A_127 = vector.shape_cast %swap3A_126 : vector<1x16xf32> to vector<16xf32>
    %swap3A_128 = vector.shape_cast %select_n3A : vector<16xf32> to vector<1x16xf32>
    tpu.vector_store %arg9[%swap3A_124, %swap3A_125], %swap3A_128 {strides = array<i32>} : memref<64x128xf32, #tpu.memory_space<vmem>>, vector<1x16xf32>,
    %swap3A_129 = arith.constant 15 : i32
    %swap3A_130 = arith.index_cast %swap3A_129 : i32 to index
    %swap3A_131 = arith.constant 16 : index
    %swap3A_132 = tpu.vector_load %arg9[%swap3A_130, %swap3A_131] {strides = array<i32>} : memref<64x128xf32, #tpu.memory_space<vmem>>, vector<1x16xf32>,
    %swap3A_133 = vector.shape_cast %swap3A_132 : vector<1x16xf32> to vector<16xf32>
    %swap3A_134 = vector.shape_cast %select_n3A : vector<16xf32> to vector<1x16xf32>
    tpu.vector_store %arg9[%swap3A_130, %swap3A_131], %swap3A_134 {strides = array<i32>} : memref<64x128xf32, #tpu.memory_space<vmem>>, vector<1x16xf32>,
    %swap3A_135 = arith.constant 16 : i32
    %swap3A_136 = arith.index_cast %swap3A_135 : i32 to index
    %swap3A_137 = arith.constant 16 : index
    %swap3A_138 = tpu.vector_load %arg9[%swap3A_136, %swap3A_137] {strides = array<i32>} : memref<64x128xf32, #tpu.memory_space<vmem>>, vector<1x16xf32>,
    %swap3A_139 = vector.shape_cast %swap3A_138 : vector<1x16xf32> to vector<16xf32>
    %swap3A_140 = vector.shape_cast %select_n3A : vector<16xf32> to vector<1x16xf32>
    tpu.vector_store %arg9[%swap3A_136, %swap3A_137], %swap3A_140 {strides = array<i32>} : memref<64x128xf32, #tpu.memory_space<vmem>>, vector<1x16xf32>,
    %swap3A_141 = arith.constant 17 : i32
    %swap3A_142 = arith.index_cast %swap3A_141 : i32 to index
    %swap3A_143 = arith.constant 16 : index
    %swap3A_144 = tpu.vector_load %arg9[%swap3A_142, %swap3A_143] {strides = array<i32>} : memref<64x128xf32, #tpu.memory_space<vmem>>, vector<1x16xf32>,
    %swap3A_145 = vector.shape_cast %swap3A_144 : vector<1x16xf32> to vector<16xf32>
    %swap3A_146 = vector.shape_cast %select_n3A : vector<16xf32> to vector<1x16xf32>
    tpu.vector_store %arg9[%swap3A_142, %swap3A_143], %swap3A_146 {strides = array<i32>} : memref<64x128xf32, #tpu.memory_space<vmem>>, vector<1x16xf32>,
    %swap3A_147 = arith.constant 18 : i32
    %swap3A_148 = arith.index_cast %swap3A_147 : i32 to index
    %swap3A_149 = arith.constant 16 : index
    %swap3A_150 = tpu.vector_load %arg9[%swap3A_148, %swap3A_149] {strides = array<i32>} : memref<64x128xf32, #tpu.memory_space<vmem>>, vector<1x16xf32>,
    %swap3A_151 = vector.shape_cast %swap3A_150 : vector<1x16xf32> to vector<16xf32>
    %swap3A_152 = vector.shape_cast %select_n3A : vector<16xf32> to vector<1x16xf32>
    tpu.vector_store %arg9[%swap3A_148, %swap3A_149], %swap3A_152 {strides = array<i32>} : memref<64x128xf32, #tpu.memory_space<vmem>>, vector<1x16xf32>,
    %swap3A_153 = arith.constant 19 : i32
    %swap3A_154 = arith.index_cast %swap3A_153 : i32 to index
    %swap3A_155 = arith.constant 16 : index
    %swap3A_156 = tpu.vector_load %arg9[%swap3A_154, %swap3A_155] {strides = array<i32>} : memref<64x128xf32, #tpu.memory_space<vmem>>, vector<1x16xf32>,
    %swap3A_157 = vector.shape_cast %swap3A_156 : vector<1x16xf32> to vector<16xf32>
    %swap3A_158 = vector.shape_cast %select_n3A : vector<16xf32> to vector<1x16xf32>
    tpu.vector_store %arg9[%swap3A_154, %swap3A_155], %swap3A_158 {strides = array<i32>} : memref<64x128xf32, #tpu.memory_space<vmem>>, vector<1x16xf32>,
    %swap3A_159 = arith.constant 20 : i32
    %swap3A_160 = arith.index_cast %swap3A_159 : i32 to index
    %swap3A_161 = arith.constant 16 : index
    %swap3A_162 = tpu.vector_load %arg9[%swap3A_160, %swap3A_161] {strides = array<i32>} : memref<64x128xf32, #tpu.memory_space<vmem>>, vector<1x16xf32>,
    %swap3A_163 = vector.shape_cast %swap3A_162 : vector<1x16xf32> to vector<16xf32>
    %swap3A_164 = vector.shape_cast %select_n3A : vector<16xf32> to vector<1x16xf32>
    tpu.vector_store %arg9[%swap3A_160, %swap3A_161], %swap3A_164 {strides = array<i32>} : memref<64x128xf32, #tpu.memory_space<vmem>>, vector<1x16xf32>,
    %swap3A_165 = arith.constant 21 : i32
    %swap3A_166 = arith.index_cast %swap3A_165 : i32 to index
    %swap3A_167 = arith.constant 16 : index
    %swap3A_168 = tpu.vector_load %arg9[%swap3A_166, %swap3A_167] {strides = array<i32>} : memref<64x128xf32, #tpu.memory_space<vmem>>, vector<1x16xf32>,
    %swap3A_169 = vector.shape_cast %swap3A_168 : vector<1x16xf32> to vector<16xf32>
    %swap3A_170 = vector.shape_cast %select_n3A : vector<16xf32> to vector<1x16xf32>
    tpu.vector_store %arg9[%swap3A_166, %swap3A_167], %swap3A_170 {strides = array<i32>} : memref<64x128xf32, #tpu.memory_space<vmem>>, vector<1x16xf32>,
    %swap3A_171 = arith.constant 22 : i32
    %swap3A_172 = arith.index_cast %swap3A_171 : i32 to index
    %swap3A_173 = arith.constant 16 : index
    %swap3A_174 = tpu.vector_load %arg9[%swap3A_172, %swap3A_173] {strides = array<i32>} : memref<64x128xf32, #tpu.memory_space<vmem>>, vector<1x16xf32>,
    %swap3A_175 = vector.shape_cast %swap3A_174 : vector<1x16xf32> to vector<16xf32>
    %swap3A_176 = vector.shape_cast %select_n3A : vector<16xf32> to vector<1x16xf32>
    tpu.vector_store %arg9[%swap3A_172, %swap3A_173], %swap3A_176 {strides = array<i32>} : memref<64x128xf32, #tpu.memory_space<vmem>>, vector<1x16xf32>,
    %swap3A_177 = arith.constant 23 : i32
    %swap3A_178 = arith.index_cast %swap3A_177 : i32 to index
    %swap3A_179 = arith.constant 16 : index
    %swap3A_180 = tpu.vector_load %arg9[%swap3A_178, %swap3A_179] {strides = array<i32>} : memref<64x128xf32, #tpu.memory_space<vmem>>, vector<1x16xf32>,
    %swap3A_181 = vector.shape_cast %swap3A_180 : vector<1x16xf32> to vector<16xf32>
    %swap3A_182 = vector.shape_cast %select_n3A : vector<16xf32> to vector<1x16xf32>
    tpu.vector_store %arg9[%swap3A_178, %swap3A_179], %swap3A_182 {strides = array<i32>} : memref<64x128xf32, #tpu.memory_space<vmem>>, vector<1x16xf32>,
    %swap3A_183 = arith.constant 24 : i32
    %swap3A_184 = arith.index_cast %swap3A_183 : i32 to index
    %swap3A_185 = arith.constant 16 : index
    %swap3A_186 = tpu.vector_load %arg9[%swap3A_184, %swap3A_185] {strides = array<i32>} : memref<64x128xf32, #tpu.memory_space<vmem>>, vector<1x16xf32>,
    %swap3A_187 = vector.shape_cast %swap3A_186 : vector<1x16xf32> to vector<16xf32>
    %swap3A_188 = vector.shape_cast %select_n3A : vector<16xf32> to vector<1x16xf32>
    tpu.vector_store %arg9[%swap3A_184, %swap3A_185], %swap3A_188 {strides = array<i32>} : memref<64x128xf32, #tpu.memory_space<vmem>>, vector<1x16xf32>,
    %swap3A_189 = arith.constant 25 : i32
    %swap3A_190 = arith.index_cast %swap3A_189 : i32 to index
    %swap3A_191 = arith.constant 16 : index
    %swap3A_192 = tpu.vector_load %arg9[%swap3A_190, %swap3A_191] {strides = array<i32>} : memref<64x128xf32, #tpu.memory_space<vmem>>, vector<1x16xf32>,
    %swap3A_193 = vector.shape_cast %swap3A_192 : vector<1x16xf32> to vector<16xf32>
    %swap3A_194 = vector.shape_cast %select_n3A : vector<16xf32> to vector<1x16xf32>
    tpu.vector_store %arg9[%swap3A_190, %swap3A_191], %swap3A_194 {strides = array<i32>} : memref<64x128xf32, #tpu.memory_space<vmem>>, vector<1x16xf32>,
    %swap3A_195 = arith.constant 26 : i32
    %swap3A_196 = arith.index_cast %swap3A_195 : i32 to index
    %swap3A_197 = arith.constant 16 : index
    %swap3A_198 = tpu.vector_load %arg9[%swap3A_196, %swap3A_197] {strides = array<i32>} : memref<64x128xf32, #tpu.memory_space<vmem>>, vector<1x16xf32>,
    %swap3A_199 = vector.shape_cast %swap3A_198 : vector<1x16xf32> to vector<16xf32>
    %swap3A_200 = vector.shape_cast %select_n3A : vector<16xf32> to vector<1x16xf32>
    tpu.vector_store %arg9[%swap3A_196, %swap3A_197], %swap3A_200 {strides = array<i32>} : memref<64x128xf32, #tpu.memory_space<vmem>>, vector<1x16xf32>,
    %swap3A_201 = arith.constant 27 : i32
    %swap3A_202 = arith.index_cast %swap3A_201 : i32 to index
    %swap3A_203 = arith.constant 16 : index
    %swap3A_204 = tpu.vector_load %arg9[%swap3A_202, %swap3A_203] {strides = array<i32>} : memref<64x128xf32, #tpu.memory_space<vmem>>, vector<1x16xf32>,
    %swap3A_205 = vector.shape_cast %swap3A_204 : vector<1x16xf32> to vector<16xf32>
    %swap3A_206 = vector.shape_cast %select_n3A : vector<16xf32> to vector<1x16xf32>
    tpu.vector_store %arg9[%swap3A_202, %swap3A_203], %swap3A_206 {strides = array<i32>} : memref<64x128xf32, #tpu.memory_space<vmem>>, vector<1x16xf32>,
    %swap3A_207 = arith.constant 28 : i32
    %swap3A_208 = arith.index_cast %swap3A_207 : i32 to index
    %swap3A_209 = arith.constant 16 : index
    %swap3A_210 = tpu.vector_load %arg9[%swap3A_208, %swap3A_209] {strides = array<i32>} : memref<64x128xf32, #tpu.memory_space<vmem>>, vector<1x16xf32>,
    %swap3A_211 = vector.shape_cast %swap3A_210 : vector<1x16xf32> to vector<16xf32>
    %swap3A_212 = vector.shape_cast %select_n3A : vector<16xf32> to vector<1x16xf32>
    tpu.vector_store %arg9[%swap3A_208, %swap3A_209], %swap3A_212 {strides = array<i32>} : memref<64x128xf32, #tpu.memory_space<vmem>>, vector<1x16xf32>,
    %swap3A_213 = arith.constant 29 : i32
    %swap3A_214 = arith.index_cast %swap3A_213 : i32 to index
    %swap3A_215 = arith.constant 16 : index
    %swap3A_216 = tpu.vector_load %arg9[%swap3A_214, %swap3A_215] {strides = array<i32>} : memref<64x128xf32, #tpu.memory_space<vmem>>, vector<1x16xf32>,
    %swap3A_217 = vector.shape_cast %swap3A_216 : vector<1x16xf32> to vector<16xf32>
    %swap3A_218 = vector.shape_cast %select_n3A : vector<16xf32> to vector<1x16xf32>
    tpu.vector_store %arg9[%swap3A_214, %swap3A_215], %swap3A_218 {strides = array<i32>} : memref<64x128xf32, #tpu.memory_space<vmem>>, vector<1x16xf32>,
    %swap3A_219 = arith.constant 30 : i32
    %swap3A_220 = arith.index_cast %swap3A_219 : i32 to index
    %swap3A_221 = arith.constant 16 : index
    %swap3A_222 = tpu.vector_load %arg9[%swap3A_220, %swap3A_221] {strides = array<i32>} : memref<64x128xf32, #tpu.memory_space<vmem>>, vector<1x16xf32>,
    %swap3A_223 = vector.shape_cast %swap3A_222 : vector<1x16xf32> to vector<16xf32>
    %swap3A_224 = vector.shape_cast %select_n3A : vector<16xf32> to vector<1x16xf32>
    tpu.vector_store %arg9[%swap3A_220, %swap3A_221], %swap3A_224 {strides = array<i32>} : memref<64x128xf32, #tpu.memory_space<vmem>>, vector<1x16xf32>,
    %swap3A_225 = arith.constant 31 : i32
    %swap3A_226 = arith.index_cast %swap3A_225 : i32 to index
    %swap3A_227 = arith.constant 16 : index
    %swap3A_228 = tpu.vector_load %arg9[%swap3A_226, %swap3A_227] {strides = array<i32>} : memref<64x128xf32, #tpu.memory_space<vmem>>, vector<1x16xf32>,
    %swap3A_229 = vector.shape_cast %swap3A_228 : vector<1x16xf32> to vector<16xf32>
    %swap3A_230 = vector.shape_cast %select_n3A : vector<16xf32> to vector<1x16xf32>
    tpu.vector_store %arg9[%swap3A_226, %swap3A_227], %swap3A_230 {strides = array<i32>} : memref<64x128xf32, #tpu.memory_space<vmem>>, vector<1x16xf32>,
    %swap3A_231 = arith.constant 32 : i32
    %swap3A_232 = arith.index_cast %swap3A_231 : i32 to index
    %swap3A_233 = arith.constant 16 : index
    %swap3A_234 = tpu.vector_load %arg9[%swap3A_232, %swap3A_233] {strides = array<i32>} : memref<64x128xf32, #tpu.memory_space<vmem>>, vector<1x16xf32>,
    %swap3A_235 = vector.shape_cast %swap3A_234 : vector<1x16xf32> to vector<16xf32>
    %swap3A_236 = vector.shape_cast %select_n3A : vector<16xf32> to vector<1x16xf32>
    tpu.vector_store %arg9[%swap3A_232, %swap3A_233], %swap3A_236 {strides = array<i32>} : memref<64x128xf32, #tpu.memory_space<vmem>>, vector<1x16xf32>,
    %swap3A_237 = arith.constant 33 : i32
    %swap3A_238 = arith.index_cast %swap3A_237 : i32 to index
    %swap3A_239 = arith.constant 16 : index
    %swap3A_240 = tpu.vector_load %arg9[%swap3A_238, %swap3A_239] {strides = array<i32>} : memref<64x128xf32, #tpu.memory_space<vmem>>, vector<1x16xf32>,
    %swap3A_241 = vector.shape_cast %swap3A_240 : vector<1x16xf32> to vector<16xf32>
    %swap3A_242 = vector.shape_cast %select_n3A : vector<16xf32> to vector<1x16xf32>
    tpu.vector_store %arg9[%swap3A_238, %swap3A_239], %swap3A_242 {strides = array<i32>} : memref<64x128xf32, #tpu.memory_space<vmem>>, vector<1x16xf32>,
    %swap3A_243 = arith.constant 34 : i32
    %swap3A_244 = arith.index_cast %swap3A_243 : i32 to index
    %swap3A_245 = arith.constant 16 : index
    %swap3A_246 = tpu.vector_load %arg9[%swap3A_244, %swap3A_245] {strides = array<i32>} : memref<64x128xf32, #tpu.memory_space<vmem>>, vector<1x16xf32>,
    %swap3A_247 = vector.shape_cast %swap3A_246 : vector<1x16xf32> to vector<16xf32>
    %swap3A_248 = vector.shape_cast %select_n3A : vector<16xf32> to vector<1x16xf32>
    tpu.vector_store %arg9[%swap3A_244, %swap3A_245], %swap3A_248 {strides = array<i32>} : memref<64x128xf32, #tpu.memory_space<vmem>>, vector<1x16xf32>,
    %swap3A_249 = arith.constant 35 : i32
    %swap3A_250 = arith.index_cast %swap3A_249 : i32 to index
    %swap3A_251 = arith.constant 16 : index
    %swap3A_252 = tpu.vector_load %arg9[%swap3A_250, %swap3A_251] {strides = array<i32>} : memref<64x128xf32, #tpu.memory_space<vmem>>, vector<1x16xf32>,
    %swap3A_253 = vector.shape_cast %swap3A_252 : vector<1x16xf32> to vector<16xf32>
    %swap3A_254 = vector.shape_cast %select_n3A : vector<16xf32> to vector<1x16xf32>
    tpu.vector_store %arg9[%swap3A_250, %swap3A_251], %swap3A_254 {strides = array<i32>} : memref<64x128xf32, #tpu.memory_space<vmem>>, vector<1x16xf32>,
    %swap3A_255 = arith.constant 36 : i32
    %swap3A_256 = arith.index_cast %swap3A_255 : i32 to index
    %swap3A_257 = arith.constant 16 : index
    %swap3A_258 = tpu.vector_load %arg9[%swap3A_256, %swap3A_257] {strides = array<i32>} : memref<64x128xf32, #tpu.memory_space<vmem>>, vector<1x16xf32>,
    %swap3A_259 = vector.shape_cast %swap3A_258 : vector<1x16xf32> to vector<16xf32>
    %swap3A_260 = vector.shape_cast %select_n3A : vector<16xf32> to vector<1x16xf32>
    tpu.vector_store %arg9[%swap3A_256, %swap3A_257], %swap3A_260 {strides = array<i32>} : memref<64x128xf32, #tpu.memory_space<vmem>>, vector<1x16xf32>,
    %swap3A_261 = arith.constant 37 : i32
    %swap3A_262 = arith.index_cast %swap3A_261 : i32 to index
    %swap3A_263 = arith.constant 16 : index
    %swap3A_264 = tpu.vector_load %arg9[%swap3A_262, %swap3A_263] {strides = array<i32>} : memref<64x128xf32, #tpu.memory_space<vmem>>, vector<1x16xf32>,
    %swap3A_265 = vector.shape_cast %swap3A_264 : vector<1x16xf32> to vector<16xf32>
    %swap3A_266 = vector.shape_cast %select_n3A : vector<16xf32> to vector<1x16xf32>
    tpu.vector_store %arg9[%swap3A_262, %swap3A_263], %swap3A_266 {strides = array<i32>} : memref<64x128xf32, #tpu.memory_space<vmem>>, vector<1x16xf32>,
    %swap3A_267 = arith.constant 38 : i32
    %swap3A_268 = arith.index_cast %swap3A_267 : i32 to index
    %swap3A_269 = arith.constant 16 : index
    %swap3A_270 = tpu.vector_load %arg9[%swap3A_268, %swap3A_269] {strides = array<i32>} : memref<64x128xf32, #tpu.memory_space<vmem>>, vector<1x16xf32>,
    %swap3A_271 = vector.shape_cast %swap3A_270 : vector<1x16xf32> to vector<16xf32>
    %swap3A_272 = vector.shape_cast %select_n3A : vector<16xf32> to vector<1x16xf32>
    tpu.vector_store %arg9[%swap3A_268, %swap3A_269], %swap3A_272 {strides = array<i32>} : memref<64x128xf32, #tpu.memory_space<vmem>>, vector<1x16xf32>,
    %swap3A_273 = arith.constant 39 : i32
    %swap3A_274 = arith.index_cast %swap3A_273 : i32 to index
    %swap3A_275 = arith.constant 16 : index
    %swap3A_276 = tpu.vector_load %arg9[%swap3A_274, %swap3A_275] {strides = array<i32>} : memref<64x128xf32, #tpu.memory_space<vmem>>, vector<1x16xf32>,
    %swap3A_277 = vector.shape_cast %swap3A_276 : vector<1x16xf32> to vector<16xf32>
    %swap3A_278 = vector.shape_cast %select_n3A : vector<16xf32> to vector<1x16xf32>
    tpu.vector_store %arg9[%swap3A_274, %swap3A_275], %swap3A_278 {strides = array<i32>} : memref<64x128xf32, #tpu.memory_space<vmem>>, vector<1x16xf32>,
    %swap3A_279 = arith.constant 40 : i32
    %swap3A_280 = arith.index_cast %swap3A_279 : i32 to index
    %swap3A_281 = arith.constant 16 : index
    %swap3A_282 = tpu.vector_load %arg9[%swap3A_280, %swap3A_281] {strides = array<i32>} : memref<64x128xf32, #tpu.memory_space<vmem>>, vector<1x16xf32>,
    %swap3A_283 = vector.shape_cast %swap3A_282 : vector<1x16xf32> to vector<16xf32>
    %swap3A_284 = vector.shape_cast %select_n3A : vector<16xf32> to vector<1x16xf32>
    tpu.vector_store %arg9[%swap3A_280, %swap3A_281], %swap3A_284 {strides = array<i32>} : memref<64x128xf32, #tpu.memory_space<vmem>>, vector<1x16xf32>,
    %swap3A_285 = arith.constant 41 : i32
    %swap3A_286 = arith.index_cast %swap3A_285 : i32 to index
    %swap3A_287 = arith.constant 16 : index
    %swap3A_288 = tpu.vector_load %arg9[%swap3A_286, %swap3A_287] {strides = array<i32>} : memref<64x128xf32, #tpu.memory_space<vmem>>, vector<1x16xf32>,
    %swap3A_289 = vector.shape_cast %swap3A_288 : vector<1x16xf32> to vector<16xf32>
    %swap3A_290 = vector.shape_cast %select_n3A : vector<16xf32> to vector<1x16xf32>
    tpu.vector_store %arg9[%swap3A_286, %swap3A_287], %swap3A_290 {strides = array<i32>} : memref<64x128xf32, #tpu.memory_space<vmem>>, vector<1x16xf32>,
    %swap3A_291 = arith.constant 42 : i32
    %swap3A_292 = arith.index_cast %swap3A_291 : i32 to index
    %swap3A_293 = arith.constant 16 : index
    %swap3A_294 = tpu.vector_load %arg9[%swap3A_292, %swap3A_293] {strides = array<i32>} : memref<64x128xf32, #tpu.memory_space<vmem>>, vector<1x16xf32>,
    %swap3A_295 = vector.shape_cast %swap3A_294 : vector<1x16xf32> to vector<16xf32>
    %swap3A_296 = vector.shape_cast %select_n3A : vector<16xf32> to vector<1x16xf32>
    tpu.vector_store %arg9[%swap3A_292, %swap3A_293], %swap3A_296 {strides = array<i32>} : memref<64x128xf32, #tpu.memory_space<vmem>>, vector<1x16xf32>,
    %swap3A_297 = arith.constant 43 : i32
    %swap3A_298 = arith.index_cast %swap3A_297 : i32 to index
    %swap3A_299 = arith.constant 16 : index
    %swap3A_300 = tpu.vector_load %arg9[%swap3A_298, %swap3A_299] {strides = array<i32>} : memref<64x128xf32, #tpu.memory_space<vmem>>, vector<1x16xf32>,
    %swap3A_301 = vector.shape_cast %swap3A_300 : vector<1x16xf32> to vector<16xf32>
    %swap3A_302 = vector.shape_cast %select_n3A : vector<16xf32> to vector<1x16xf32>
    tpu.vector_store %arg9[%swap3A_298, %swap3A_299], %swap3A_302 {strides = array<i32>} : memref<64x128xf32, #tpu.memory_space<vmem>>, vector<1x16xf32>,
    %swap3A_303 = arith.constant 44 : i32
    %swap3A_304 = arith.index_cast %swap3A_303 : i32 to index
    %swap3A_305 = arith.constant 16 : index
    %swap3A_306 = tpu.vector_load %arg9[%swap3A_304, %swap3A_305] {strides = array<i32>} : memref<64x128xf32, #tpu.memory_space<vmem>>, vector<1x16xf32>,
    %swap3A_307 = vector.shape_cast %swap3A_306 : vector<1x16xf32> to vector<16xf32>
    %swap3A_308 = vector.shape_cast %select_n3A : vector<16xf32> to vector<1x16xf32>
    tpu.vector_store %arg9[%swap3A_304, %swap3A_305], %swap3A_308 {strides = array<i32>} : memref<64x128xf32, #tpu.memory_space<vmem>>, vector<1x16xf32>,
    %swap3A_309 = arith.constant 45 : i32
    %swap3A_310 = arith.index_cast %swap3A_309 : i32 to index
    %swap3A_311 = arith.constant 16 : index
    %swap3A_312 = tpu.vector_load %arg9[%swap3A_310, %swap3A_311] {strides = array<i32>} : memref<64x128xf32, #tpu.memory_space<vmem>>, vector<1x16xf32>,
    %swap3A_313 = vector.shape_cast %swap3A_312 : vector<1x16xf32> to vector<16xf32>
    %swap3A_314 = vector.shape_cast %select_n3A : vector<16xf32> to vector<1x16xf32>
    tpu.vector_store %arg9[%swap3A_310, %swap3A_311], %swap3A_314 {strides = array<i32>} : memref<64x128xf32, #tpu.memory_space<vmem>>, vector<1x16xf32>,
    %swap3A_315 = arith.constant 46 : i32
    %swap3A_316 = arith.index_cast %swap3A_315 : i32 to index
    %swap3A_317 = arith.constant 16 : index
    %swap3A_318 = tpu.vector_load %arg9[%swap3A_316, %swap3A_317] {strides = array<i32>} : memref<64x128xf32, #tpu.memory_space<vmem>>, vector<1x16xf32>,
    %swap3A_319 = vector.shape_cast %swap3A_318 : vector<1x16xf32> to vector<16xf32>
    %swap3A_320 = vector.shape_cast %select_n3A : vector<16xf32> to vector<1x16xf32>
    tpu.vector_store %arg9[%swap3A_316, %swap3A_317], %swap3A_320 {strides = array<i32>} : memref<64x128xf32, #tpu.memory_space<vmem>>, vector<1x16xf32>,
    %swap3A_321 = arith.constant 47 : i32
    %swap3A_322 = arith.index_cast %swap3A_321 : i32 to index
    %swap3A_323 = arith.constant 16 : index
    %swap3A_324 = tpu.vector_load %arg9[%swap3A_322, %swap3A_323] {strides = array<i32>} : memref<64x128xf32, #tpu.memory_space<vmem>>, vector<1x16xf32>,
    %swap3A_325 = vector.shape_cast %swap3A_324 : vector<1x16xf32> to vector<16xf32>
    %swap3A_326 = vector.shape_cast %select_n3A : vector<16xf32> to vector<1x16xf32>
    tpu.vector_store %arg9[%swap3A_322, %swap3A_323], %swap3A_326 {strides = array<i32>} : memref<64x128xf32, #tpu.memory_space<vmem>>, vector<1x16xf32>,
    %swap3A_327 = arith.constant 48 : i32
    %swap3A_328 = arith.index_cast %swap3A_327 : i32 to index
    %swap3A_329 = arith.constant 16 : index
    %swap3A_330 = tpu.vector_load %arg9[%swap3A_328, %swap3A_329] {strides = array<i32>} : memref<64x128xf32, #tpu.memory_space<vmem>>, vector<1x16xf32>,
    %swap3A_331 = vector.shape_cast %swap3A_330 : vector<1x16xf32> to vector<16xf32>
    %swap3A_332 = vector.shape_cast %select_n3A : vector<16xf32> to vector<1x16xf32>
    tpu.vector_store %arg9[%swap3A_328, %swap3A_329], %swap3A_332 {strides = array<i32>} : memref<64x128xf32, #tpu.memory_space<vmem>>, vector<1x16xf32>,
    %swap3A_333 = arith.constant 49 : i32
    %swap3A_334 = arith.index_cast %swap3A_333 : i32 to index
    %swap3A_335 = arith.constant 16 : index
    %swap3A_336 = tpu.vector_load %arg9[%swap3A_334, %swap3A_335] {strides = array<i32>} : memref<64x128xf32, #tpu.memory_space<vmem>>, vector<1x16xf32>,
    %swap3A_337 = vector.shape_cast %swap3A_336 : vector<1x16xf32> to vector<16xf32>
    %swap3A_338 = vector.shape_cast %select_n3A : vector<16xf32> to vector<1x16xf32>
    tpu.vector_store %arg9[%swap3A_334, %swap3A_335], %swap3A_338 {strides = array<i32>} : memref<64x128xf32, #tpu.memory_space<vmem>>, vector<1x16xf32>,
    %swap3A_339 = arith.constant 50 : i32
    %swap3A_340 = arith.index_cast %swap3A_339 : i32 to index
    %swap3A_341 = arith.constant 16 : index
    %swap3A_342 = tpu.vector_load %arg9[%swap3A_340, %swap3A_341] {strides = array<i32>} : memref<64x128xf32, #tpu.memory_space<vmem>>, vector<1x16xf32>,
    %swap3A_343 = vector.shape_cast %swap3A_342 : vector<1x16xf32> to vector<16xf32>
    %swap3A_344 = vector.shape_cast %select_n3A : vector<16xf32> to vector<1x16xf32>
    tpu.vector_store %arg9[%swap3A_340, %swap3A_341], %swap3A_344 {strides = array<i32>} : memref<64x128xf32, #tpu.memory_space<vmem>>, vector<1x16xf32>,
    %swap3A_345 = arith.constant 51 : i32
    %swap3A_346 = arith.index_cast %swap3A_345 : i32 to index
    %swap3A_347 = arith.constant 16 : index
    %swap3A_348 = tpu.vector_load %arg9[%swap3A_346, %swap3A_347] {strides = array<i32>} : memref<64x128xf32, #tpu.memory_space<vmem>>, vector<1x16xf32>,
    %swap3A_349 = vector.shape_cast %swap3A_348 : vector<1x16xf32> to vector<16xf32>
    %swap3A_350 = vector.shape_cast %select_n3A : vector<16xf32> to vector<1x16xf32>
    tpu.vector_store %arg9[%swap3A_346, %swap3A_347], %swap3A_350 {strides = array<i32>} : memref<64x128xf32, #tpu.memory_space<vmem>>, vector<1x16xf32>,
    %swap3A_351 = arith.constant 52 : i32
    %swap3A_352 = arith.index_cast %swap3A_351 : i32 to index
    %swap3A_353 = arith.constant 16 : index
    %swap3A_354 = tpu.vector_load %arg9[%swap3A_352, %swap3A_353] {strides = array<i32>} : memref<64x128xf32, #tpu.memory_space<vmem>>, vector<1x16xf32>,
    %swap3A_355 = vector.shape_cast %swap3A_354 : vector<1x16xf32> to vector<16xf32>
    %swap3A_356 = vector.shape_cast %select_n3A : vector<16xf32> to vector<1x16xf32>
    tpu.vector_store %arg9[%swap3A_352, %swap3A_353], %swap3A_356 {strides = array<i32>} : memref<64x128xf32, #tpu.memory_space<vmem>>, vector<1x16xf32>,
    %swap3A_357 = arith.constant 53 : i32
    %swap3A_358 = arith.index_cast %swap3A_357 : i32 to index
    %swap3A_359 = arith.constant 16 : index
    %swap3A_360 = tpu.vector_load %arg9[%swap3A_358, %swap3A_359] {strides = array<i32>} : memref<64x128xf32, #tpu.memory_space<vmem>>, vector<1x16xf32>,
    %swap3A_361 = vector.shape_cast %swap3A_360 : vector<1x16xf32> to vector<16xf32>
    %swap3A_362 = vector.shape_cast %select_n3A : vector<16xf32> to vector<1x16xf32>
    tpu.vector_store %arg9[%swap3A_358, %swap3A_359], %swap3A_362 {strides = array<i32>} : memref<64x128xf32, #tpu.memory_space<vmem>>, vector<1x16xf32>,
    %swap3A_363 = arith.constant 54 : i32
    %swap3A_364 = arith.index_cast %swap3A_363 : i32 to index
    %swap3A_365 = arith.constant 16 : index
    %swap3A_366 = tpu.vector_load %arg9[%swap3A_364, %swap3A_365] {strides = array<i32>} : memref<64x128xf32, #tpu.memory_space<vmem>>, vector<1x16xf32>,
    %swap3A_367 = vector.shape_cast %swap3A_366 : vector<1x16xf32> to vector<16xf32>
    %swap3A_368 = vector.shape_cast %select_n3A : vector<16xf32> to vector<1x16xf32>
    tpu.vector_store %arg9[%swap3A_364, %swap3A_365], %swap3A_368 {strides = array<i32>} : memref<64x128xf32, #tpu.memory_space<vmem>>, vector<1x16xf32>,
    %swap3A_369 = arith.constant 55 : i32
    %swap3A_370 = arith.index_cast %swap3A_369 : i32 to index
    %swap3A_371 = arith.constant 16 : index
    %swap3A_372 = tpu.vector_load %arg9[%swap3A_370, %swap3A_371] {strides = array<i32>} : memref<64x128xf32, #tpu.memory_space<vmem>>, vector<1x16xf32>,
    %swap3A_373 = vector.shape_cast %swap3A_372 : vector<1x16xf32> to vector<16xf32>
    %swap3A_374 = vector.shape_cast %select_n3A : vector<16xf32> to vector<1x16xf32>
    tpu.vector_store %arg9[%swap3A_370, %swap3A_371], %swap3A_374 {strides = array<i32>} : memref<64x128xf32, #tpu.memory_space<vmem>>, vector<1x16xf32>,
    %swap3A_375 = arith.constant 56 : i32
    %swap3A_376 = arith.index_cast %swap3A_375 : i32 to index
    %swap3A_377 = arith.constant 16 : index
    %swap3A_378 = tpu.vector_load %arg9[%swap3A_376, %swap3A_377] {strides = array<i32>} : memref<64x128xf32, #tpu.memory_space<vmem>>, vector<1x16xf32>,
    %swap3A_379 = vector.shape_cast %swap3A_378 : vector<1x16xf32> to vector<16xf32>
    %swap3A_380 = vector.shape_cast %select_n3A : vector<16xf32> to vector<1x16xf32>
    tpu.vector_store %arg9[%swap3A_376, %swap3A_377], %swap3A_380 {strides = array<i32>} : memref<64x128xf32, #tpu.memory_space<vmem>>, vector<1x16xf32>,
    %swap3A_381 = arith.constant 57 : i32
    %swap3A_382 = arith.index_cast %swap3A_381 : i32 to index
    %swap3A_383 = arith.constant 16 : index
    %swap3A_384 = tpu.vector_load %arg9[%swap3A_382, %swap3A_383] {strides = array<i32>} : memref<64x128xf32, #tpu.memory_space<vmem>>, vector<1x16xf32>,
    %swap3A_385 = vector.shape_cast %swap3A_384 : vector<1x16xf32> to vector<16xf32>
    %swap3A_386 = vector.shape_cast %select_n3A : vector<16xf32> to vector<1x16xf32>
    tpu.vector_store %arg9[%swap3A_382, %swap3A_383], %swap3A_386 {strides = array<i32>} : memref<64x128xf32, #tpu.memory_space<vmem>>, vector<1x16xf32>,
    %swap3A_387 = arith.constant 58 : i32
    %swap3A_388 = arith.index_cast %swap3A_387 : i32 to index
    %swap3A_389 = arith.constant 16 : index
    %swap3A_390 = tpu.vector_load %arg9[%swap3A_388, %swap3A_389] {strides = array<i32>} : memref<64x128xf32, #tpu.memory_space<vmem>>, vector<1x16xf32>,
    %swap3A_391 = vector.shape_cast %swap3A_390 : vector<1x16xf32> to vector<16xf32>
    %swap3A_392 = vector.shape_cast %select_n3A : vector<16xf32> to vector<1x16xf32>
    tpu.vector_store %arg9[%swap3A_388, %swap3A_389], %swap3A_392 {strides = array<i32>} : memref<64x128xf32, #tpu.memory_space<vmem>>, vector<1x16xf32>,
    %swap3A_393 = arith.constant 59 : i32
    %swap3A_394 = arith.index_cast %swap3A_393 : i32 to index
    %swap3A_395 = arith.constant 16 : index
    %swap3A_396 = tpu.vector_load %arg9[%swap3A_394, %swap3A_395] {strides = array<i32>} : memref<64x128xf32, #tpu.memory_space<vmem>>, vector<1x16xf32>,
    %swap3A_397 = vector.shape_cast %swap3A_396 : vector<1x16xf32> to vector<16xf32>
    %swap3A_398 = vector.shape_cast %select_n3A : vector<16xf32> to vector<1x16xf32>
    tpu.vector_store %arg9[%swap3A_394, %swap3A_395], %swap3A_398 {strides = array<i32>} : memref<64x128xf32, #tpu.memory_space<vmem>>, vector<1x16xf32>,
    %swap3A_399 = arith.constant 60 : i32
    %swap3A_400 = arith.index_cast %swap3A_399 : i32 to index
    %swap3A_401 = arith.constant 16 : index
    %swap3A_402 = tpu.vector_load %arg9[%swap3A_400, %swap3A_401] {strides = array<i32>} : memref<64x128xf32, #tpu.memory_space<vmem>>, vector<1x16xf32>,
    %swap3A_403 = vector.shape_cast %swap3A_402 : vector<1x16xf32> to vector<16xf32>
    %swap3A_404 = vector.shape_cast %select_n3A : vector<16xf32> to vector<1x16xf32>
    tpu.vector_store %arg9[%swap3A_400, %swap3A_401], %swap3A_404 {strides = array<i32>} : memref<64x128xf32, #tpu.memory_space<vmem>>, vector<1x16xf32>,
    %swap3A_405 = arith.constant 61 : i32
    %swap3A_406 = arith.index_cast %swap3A_405 : i32 to index
    %swap3A_407 = arith.constant 16 : index
    %swap3A_408 = tpu.vector_load %arg9[%swap3A_406, %swap3A_407] {strides = array<i32>} : memref<64x128xf32, #tpu.memory_space<vmem>>, vector<1x16xf32>,
    %swap3A_409 = vector.shape_cast %swap3A_408 : vector<1x16xf32> to vector<16xf32>
    %swap3A_410 = vector.shape_cast %select_n3A : vector<16xf32> to vector<1x16xf32>
    tpu.vector_store %arg9[%swap3A_406, %swap3A_407], %swap3A_410 {strides = array<i32>} : memref<64x128xf32, #tpu.memory_space<vmem>>, vector<1x16xf32>,
    %swap3A_411 = arith.constant 62 : i32
    %swap3A_412 = arith.index_cast %swap3A_411 : i32 to index
    %swap3A_413 = arith.constant 16 : index
    %swap3A_414 = tpu.vector_load %arg9[%swap3A_412, %swap3A_413] {strides = array<i32>} : memref<64x128xf32, #tpu.memory_space<vmem>>, vector<1x16xf32>,
    %swap3A_415 = vector.shape_cast %swap3A_414 : vector<1x16xf32> to vector<16xf32>
    %swap3A_416 = vector.shape_cast %select_n3A : vector<16xf32> to vector<1x16xf32>
    tpu.vector_store %arg9[%swap3A_412, %swap3A_413], %swap3A_416 {strides = array<i32>} : memref<64x128xf32, #tpu.memory_space<vmem>>, vector<1x16xf32>,
    %swap3A_417 = arith.constant 63 : i32
    %swap3A_418 = arith.index_cast %swap3A_417 : i32 to index
    %swap3A_419 = arith.constant 16 : index
    %swap3A_420 = tpu.vector_load %arg9[%swap3A_418, %swap3A_419] {strides = array<i32>} : memref<64x128xf32, #tpu.memory_space<vmem>>, vector<1x16xf32>,
    %swap3A_421 = vector.shape_cast %swap3A_420 : vector<1x16xf32> to vector<16xf32>
    %swap3A_422 = vector.shape_cast %select_n3A : vector<16xf32> to vector<1x16xf32>
    tpu.vector_store %arg9[%swap3A_418, %swap3A_419], %swap3A_422 {strides = array<i32>} : memref<64x128xf32, #tpu.memory_space<vmem>>, vector<1x16xf32>,
    %broadcast_in_dim3A_423 = arith.constant 0.000000e+00 : f32
    %broadcast_in_dim3A_424 = vector.broadcast %broadcast_in_dim3A_423 : f32 to vector<16xf32>
    %scan3A_425 = arith.constant 0 : i32
    %scan3A_426 = arith.constant 0 : i32
    %scan3A_427 = arith.constant 256 : i32
    %scan3A_428 = arith.addi %scan3A_426, %scan3A_427 : i32
    %scan3A_429 = arith.constant 1 : i32
    scf.for %scan3A_450 = %scan3A_426 to %scan3A_428 step %scan3A_429  : i32 {
      %jit3A_451 = arith.constant 8 : i32
      %div3A = arith.divsi %scan3A_450, %jit3A_451 : i32
      %sign3A = arith.constant 0 : i32
      %sign3A_452 = arith.cmpi sgt, %scan3A_450, %sign3A : i32
      %sign3A_453 = arith.extui %sign3A_452 : i1 to i32
      %sign3A_454 = arith.constant 0 : i32
      %sign3A_455 = arith.cmpi slt, %scan3A_450, %sign3A_454 : i32
      %sign3A_456 = arith.extui %sign3A_455 : i1 to i32
      %sign3A_457 = arith.subi %sign3A_453, %sign3A_456 : i32
      %sign3A_458 = arith.constant 0 : i32
      %sign3A_459 = arith.cmpi sgt, %jit3A_451, %sign3A_458 : i32
      %sign3A_460 = arith.extui %sign3A_459 : i1 to i32
      %sign3A_461 = arith.constant 0 : i32
      %sign3A_462 = arith.cmpi slt, %jit3A_451, %sign3A_461 : i32
      %sign3A_463 = arith.extui %sign3A_462 : i1 to i32
      %sign3A_464 = arith.subi %sign3A_460, %sign3A_463 : i32
      %ne3A = arith.cmpi ne, %sign3A_457, %sign3A_464 : i32
      %rem3A = arith.remsi %scan3A_450, %jit3A_451 : i32
      %ne3A_465 = arith.constant 0 : i32
      %ne3A_466 = arith.cmpi ne, %rem3A, %ne3A_465 : i32
      %and3A = arith.andi %ne3A, %ne3A_466 : i1
      %sub3A = arith.constant 1 : i32
      %sub3A_467 = arith.subi %div3A, %sub3A : i32
      %select_n3A_468 = arith.select %and3A, %sub3A_467, %div3A : i32
      %jit3A_469 = arith.constant 8 : i32
      %eq3A_470 = arith.constant 0 : i32
      %eq3A_471 = arith.cmpi eq, %jit3A_469, %eq3A_470 : i32
      %jit3A_472 = arith.constant 1 : i32
      %select_n3A_473 = arith.select %eq3A_471, %jit3A_472, %jit3A_469 : i32
      %rem3A_474 = arith.remsi %scan3A_450, %select_n3A_473 : i32
      %ne3A_475 = arith.constant 0 : i32
      %ne3A_476 = arith.cmpi ne, %rem3A_474, %ne3A_475 : i32
      %lt3A = arith.constant 0 : i32
      %lt3A_477 = arith.cmpi slt, %rem3A_474, %lt3A : i32
      %lt3A_478 = arith.constant 0 : i32
      %lt3A_479 = arith.cmpi slt, %select_n3A_473, %lt3A_478 : i32
      %ne3A_480 = arith.xori %lt3A_477, %lt3A_479 : i1
      %and3A_481 = arith.andi %ne3A_480, %ne3A_476 : i1
      %add3A_482 = arith.addi %rem3A_474, %select_n3A_473 : i32
      %select_n3A_483 = arith.select %and3A_481, %add3A_482, %rem3A_474 : i32
      %mul3A_484 = arith.constant 16 : i32
      %mul3A_485 = arith.muli %select_n3A_483, %mul3A_484 : i32
      %swap3A_486 = arith.index_cast %select_n3A_468 : i32 to index
      %swap3A_487 = arith.index_cast %mul3A_485 : i32 to index
      %swap3A_488 = tpu.vector_load %arg10[%swap3A_486, %swap3A_487] {strides = array<i32>} : memref<32x128xf32, #tpu.memory_space<vmem>>, vector<1x16xf32>,
      %swap3A_489 = vector.shape_cast %swap3A_488 : vector<1x16xf32> to vector<16xf32>
      %swap3A_490 = vector.shape_cast %broadcast_in_dim3A_424 : vector<16xf32> to vector<1x16xf32>
      tpu.vector_store %arg10[%swap3A_486, %swap3A_487], %swap3A_490 {strides = array<i32>} : memref<32x128xf32, #tpu.memory_space<vmem>>, vector<1x16xf32>,
    }
    %scan3A_430 = arith.constant 256 : i32
    %scan3A_431 = arith.constant 0 : i32
    %scan3A_432 = arith.constant 0 : i32
    %scan3A_433 = arith.constant 20 : i32
    %scan3A_434 = arith.addi %scan3A_432, %scan3A_433 : i32
    %scan3A_435 = arith.constant 1 : i32
    scf.for %scan3A_450 = %scan3A_432 to %scan3A_434 step %scan3A_435  : i32 {
      %mul3A_451 = arith.constant 640 : i32
      %mul3A_452 = arith.muli %arg1, %mul3A_451 : i32
      %mul3A_453 = arith.constant 32 : i32
      %mul3A_454 = arith.muli %scan3A_450, %mul3A_453 : i32
      %add3A_455 = arith.addi %mul3A_452, %mul3A_454 : i32
      "tpu.region"() ({
        %run_scoped3A = tpu.sem_alloc : memref<!tpu.dma_semaphore, #tpu.memory_space<semaphore_mem>>
        %dma_start3A_456 = arith.constant 0 : i32
        %dma_start3A_457 = tpu.memref_slice %arg11[%add3A_455, %dma_start3A_456] : memref<10240x128xf32, #tpu.memory_space<vmem_shared>> -> memref<32x128xf32, #tpu.memory_space<vmem_shared>>
        %dma_start3A_458 = arith.constant 0 : i32
        %dma_start3A_459 = tpu.memref_slice %arg11[%add3A_455, %dma_start3A_458] : memref<10240x128xf32, #tpu.memory_space<vmem_shared>> -> memref<32x128xf32, #tpu.memory_space<vmem_shared>>
        tpu.enqueue_dma source(%arg10 : memref<32x128xf32, #tpu.memory_space<vmem>>) target(%dma_start3A_459 : memref<32x128xf32, #tpu.memory_space<vmem_shared>>) target_semaphore(%run_scoped3A : memref<!tpu.dma_semaphore, #tpu.memory_space<semaphore_mem>>)
        %dma_wait3A = arith.constant 0 : i32
        %dma_wait3A_460 = tpu.memref_slice %arg11[%add3A_455, %dma_wait3A] : memref<10240x128xf32, #tpu.memory_space<vmem_shared>> -> memref<32x128xf32, #tpu.memory_space<vmem_shared>>
        %dma_wait3A_461 = arith.constant 0 : i32
        %dma_wait3A_462 = tpu.memref_slice %arg11[%add3A_455, %dma_wait3A_461] : memref<10240x128xf32, #tpu.memory_space<vmem_shared>> -> memref<32x128xf32, #tpu.memory_space<vmem_shared>>
        tpu.wait_dma2 semaphore(%run_scoped3A : memref<!tpu.dma_semaphore, #tpu.memory_space<semaphore_mem>>) src(%arg10 : memref<32x128xf32, #tpu.memory_space<vmem>>) dst(%dma_wait3A_462 : memref<32x128xf32, #tpu.memory_space<vmem_shared>>)
        tpu.yield
      }) : () -> ()
    }
    %scan3A_436 = arith.constant 20 : i32
    %barrier3A = arith.constant 0 : index
    tpu.barrier barrier_id(%barrier3A)
    %scan3A_437 = arith.constant 0 : i32
    %scan3A_438 = arith.constant 0 : i32
    %scan3A_439 = arith.constant 79 : i32
    %scan3A_440 = arith.addi %scan3A_438, %scan3A_439 : i32
    %scan3A_441 = arith.constant 1 : i32
    scf.for %scan3A_450 = %scan3A_438 to %scan3A_440 step %scan3A_441  : i32 {
      %mul3A_451 = arith.constant 2 : i32
      %mul3A_452 = arith.muli %scan3A_450, %mul3A_451 : i32
      %mul3A_453 = arith.constant 32 : i32
      %mul3A_454 = arith.muli %mul3A_452, %mul3A_453 : i32
      %add3A_455 = arith.addi %add3A, %mul3A_454 : i32
      %lt3A = arith.constant 5000 : i32
      %lt3A_456 = arith.cmpi slt, %add3A_455, %lt3A : i32
      %convert_element_type3A = arith.extui %lt3A_456 : i1 to i32
      %cond3A = arith.constant 0 : i32
      %cond3A_457 = arith.cmpi ne, %convert_element_type3A, %cond3A : i32
      scf.if %cond3A_457 {
        %mul3A_468 = arith.constant 32 : i32
        %mul3A_469 = arith.muli %mul3A_452, %mul3A_468 : i32
        %add3A_470 = arith.addi %add3A, %mul3A_469 : i32
        %mul3A_471 = arith.constant 8 : i32
        %mul3A_472 = arith.muli %add3A_470, %mul3A_471 : i32
        %multiple_of3A_473 = tpu.assume_multiple %mul3A_472, 8 : i32
        %dma_wait3A = arith.constant 0 : i32
        %dma_wait3A_474 = tpu.memref_slice %arg2[%multiple_of3A_473, %dma_wait3A] : memref<40000x128xf32, #tpu.memory_space<hbm>> -> memref<8x128xf32, #tpu.memory_space<hbm>>
        %dma_wait3A_475 = arith.constant 0 : i32
        %dma_wait3A_476 = tpu.memref_slice %arg2[%multiple_of3A_473, %dma_wait3A_475] : memref<40000x128xf32, #tpu.memory_space<hbm>> -> memref<8x128xf32, #tpu.memory_space<hbm>>
        tpu.wait_dma2 semaphore(%arg12 : memref<!tpu.dma_semaphore, #tpu.memory_space<semaphore_mem>>) src(%dma_wait3A_476 : memref<8x128xf32, #tpu.memory_space<hbm>>) dst(%arg7 : memref<8x128xf32, #tpu.memory_space<vmem>>)
        %get3A = arith.constant 0 : i32
        %get3A_477 = arith.index_cast %get3A : i32 to index
        %get3A_478 = arith.constant 0 : index
        %get3A_479 = tpu.vector_load %arg7[%get3A_477, %get3A_478] {strides = array<i32>} : memref<8x128xf32, #tpu.memory_space<vmem>>, vector<1x16xf32>,
        %get3A_480 = vector.shape_cast %get3A_479 : vector<1x16xf32> to vector<16xf32>
        %swap3A_481 = arith.constant 0 : i32
        %swap3A_482 = arith.index_cast %swap3A_481 : i32 to index
        %swap3A_483 = arith.constant 0 : index
        %swap3A_484 = tpu.vector_load %arg9[%swap3A_482, %swap3A_483] {strides = array<i32>} : memref<64x128xf32, #tpu.memory_space<vmem>>, vector<1x16xf32>,
        %swap3A_485 = vector.shape_cast %swap3A_484 : vector<1x16xf32> to vector<16xf32>
        %swap3A_486 = vector.shape_cast %get3A_480 : vector<16xf32> to vector<1x16xf32>
        tpu.vector_store %arg9[%swap3A_482, %swap3A_483], %swap3A_486 {strides = array<i32>} : memref<64x128xf32, #tpu.memory_space<vmem>>, vector<1x16xf32>,
        %get3A_487 = arith.constant 0 : i32
        %get3A_488 = arith.index_cast %get3A_487 : i32 to index
        %get3A_489 = arith.constant 16 : index
        %get3A_490 = tpu.vector_load %arg7[%get3A_488, %get3A_489] {strides = array<i32>} : memref<8x128xf32, #tpu.memory_space<vmem>>, vector<1x16xf32>,
        %get3A_491 = vector.shape_cast %get3A_490 : vector<1x16xf32> to vector<16xf32>
        %swap3A_492 = arith.constant 1 : i32
        %swap3A_493 = arith.index_cast %swap3A_492 : i32 to index
        %swap3A_494 = arith.constant 0 : index
        %swap3A_495 = tpu.vector_load %arg9[%swap3A_493, %swap3A_494] {strides = array<i32>} : memref<64x128xf32, #tpu.memory_space<vmem>>, vector<1x16xf32>,
        %swap3A_496 = vector.shape_cast %swap3A_495 : vector<1x16xf32> to vector<16xf32>
        %swap3A_497 = vector.shape_cast %get3A_491 : vector<16xf32> to vector<1x16xf32>
        tpu.vector_store %arg9[%swap3A_493, %swap3A_494], %swap3A_497 {strides = array<i32>} : memref<64x128xf32, #tpu.memory_space<vmem>>, vector<1x16xf32>,
        %get3A_498 = arith.constant 0 : i32
        %get3A_499 = arith.index_cast %get3A_498 : i32 to index
        %get3A_500 = arith.constant 32 : index
        %get3A_501 = tpu.vector_load %arg7[%get3A_499, %get3A_500] {strides = array<i32>} : memref<8x128xf32, #tpu.memory_space<vmem>>, vector<1x16xf32>,
        %get3A_502 = vector.shape_cast %get3A_501 : vector<1x16xf32> to vector<16xf32>
        %swap3A_503 = arith.constant 2 : i32
        %swap3A_504 = arith.index_cast %swap3A_503 : i32 to index
        %swap3A_505 = arith.constant 0 : index
        %swap3A_506 = tpu.vector_load %arg9[%swap3A_504, %swap3A_505] {strides = array<i32>} : memref<64x128xf32, #tpu.memory_space<vmem>>, vector<1x16xf32>,
        %swap3A_507 = vector.shape_cast %swap3A_506 : vector<1x16xf32> to vector<16xf32>
        %swap3A_508 = vector.shape_cast %get3A_502 : vector<16xf32> to vector<1x16xf32>
        tpu.vector_store %arg9[%swap3A_504, %swap3A_505], %swap3A_508 {strides = array<i32>} : memref<64x128xf32, #tpu.memory_space<vmem>>, vector<1x16xf32>,
        %get3A_509 = arith.constant 0 : i32
        %get3A_510 = arith.index_cast %get3A_509 : i32 to index
        %get3A_511 = arith.constant 48 : index
        %get3A_512 = tpu.vector_load %arg7[%get3A_510, %get3A_511] {strides = array<i32>} : memref<8x128xf32, #tpu.memory_space<vmem>>, vector<1x16xf32>,
        %get3A_513 = vector.shape_cast %get3A_512 : vector<1x16xf32> to vector<16xf32>
        %swap3A_514 = arith.constant 3 : i32
        %swap3A_515 = arith.index_cast %swap3A_514 : i32 to index
        %swap3A_516 = arith.constant 0 : index
        %swap3A_517 = tpu.vector_load %arg9[%swap3A_515, %swap3A_516] {strides = array<i32>} : memref<64x128xf32, #tpu.memory_space<vmem>>, vector<1x16xf32>,
        %swap3A_518 = vector.shape_cast %swap3A_517 : vector<1x16xf32> to vector<16xf32>
        %swap3A_519 = vector.shape_cast %get3A_513 : vector<16xf32> to vector<1x16xf32>
        tpu.vector_store %arg9[%swap3A_515, %swap3A_516], %swap3A_519 {strides = array<i32>} : memref<64x128xf32, #tpu.memory_space<vmem>>, vector<1x16xf32>,
        %get3A_520 = arith.constant 0 : i32
        %get3A_521 = arith.index_cast %get3A_520 : i32 to index
        %get3A_522 = arith.constant 64 : index
        %get3A_523 = tpu.vector_load %arg7[%get3A_521, %get3A_522] {strides = array<i32>} : memref<8x128xf32, #tpu.memory_space<vmem>>, vector<1x16xf32>,
        %get3A_524 = vector.shape_cast %get3A_523 : vector<1x16xf32> to vector<16xf32>
        %swap3A_525 = arith.constant 4 : i32
        %swap3A_526 = arith.index_cast %swap3A_525 : i32 to index
        %swap3A_527 = arith.constant 0 : index
        %swap3A_528 = tpu.vector_load %arg9[%swap3A_526, %swap3A_527] {strides = array<i32>} : memref<64x128xf32, #tpu.memory_space<vmem>>, vector<1x16xf32>,
        %swap3A_529 = vector.shape_cast %swap3A_528 : vector<1x16xf32> to vector<16xf32>
        %swap3A_530 = vector.shape_cast %get3A_524 : vector<16xf32> to vector<1x16xf32>
        tpu.vector_store %arg9[%swap3A_526, %swap3A_527], %swap3A_530 {strides = array<i32>} : memref<64x128xf32, #tpu.memory_space<vmem>>, vector<1x16xf32>,
        %get3A_531 = arith.constant 0 : i32
        %get3A_532 = arith.index_cast %get3A_531 : i32 to index
        %get3A_533 = arith.constant 80 : index
        %get3A_534 = tpu.vector_load %arg7[%get3A_532, %get3A_533] {strides = array<i32>} : memref<8x128xf32, #tpu.memory_space<vmem>>, vector<1x16xf32>,
        %get3A_535 = vector.shape_cast %get3A_534 : vector<1x16xf32> to vector<16xf32>
        %swap3A_536 = arith.constant 5 : i32
        %swap3A_537 = arith.index_cast %swap3A_536 : i32 to index
        %swap3A_538 = arith.constant 0 : index
        %swap3A_539 = tpu.vector_load %arg9[%swap3A_537, %swap3A_538] {strides = array<i32>} : memref<64x128xf32, #tpu.memory_space<vmem>>, vector<1x16xf32>,
        %swap3A_540 = vector.shape_cast %swap3A_539 : vector<1x16xf32> to vector<16xf32>
        %swap3A_541 = vector.shape_cast %get3A_535 : vector<16xf32> to vector<1x16xf32>
        tpu.vector_store %arg9[%swap3A_537, %swap3A_538], %swap3A_541 {strides = array<i32>} : memref<64x128xf32, #tpu.memory_space<vmem>>, vector<1x16xf32>,
        %get3A_542 = arith.constant 0 : i32
        %get3A_543 = arith.index_cast %get3A_542 : i32 to index
        %get3A_544 = arith.constant 96 : index
        %get3A_545 = tpu.vector_load %arg7[%get3A_543, %get3A_544] {strides = array<i32>} : memref<8x128xf32, #tpu.memory_space<vmem>>, vector<1x16xf32>,
        %get3A_546 = vector.shape_cast %get3A_545 : vector<1x16xf32> to vector<16xf32>
        %swap3A_547 = arith.constant 6 : i32
        %swap3A_548 = arith.index_cast %swap3A_547 : i32 to index
        %swap3A_549 = arith.constant 0 : index
        %swap3A_550 = tpu.vector_load %arg9[%swap3A_548, %swap3A_549] {strides = array<i32>} : memref<64x128xf32, #tpu.memory_space<vmem>>, vector<1x16xf32>,
        %swap3A_551 = vector.shape_cast %swap3A_550 : vector<1x16xf32> to vector<16xf32>
        %swap3A_552 = vector.shape_cast %get3A_546 : vector<16xf32> to vector<1x16xf32>
        tpu.vector_store %arg9[%swap3A_548, %swap3A_549], %swap3A_552 {strides = array<i32>} : memref<64x128xf32, #tpu.memory_space<vmem>>, vector<1x16xf32>,
        %get3A_553 = arith.constant 0 : i32
        %get3A_554 = arith.index_cast %get3A_553 : i32 to index
        %get3A_555 = arith.constant 112 : index
        %get3A_556 = tpu.vector_load %arg7[%get3A_554, %get3A_555] {strides = array<i32>} : memref<8x128xf32, #tpu.memory_space<vmem>>, vector<1x16xf32>,
        %get3A_557 = vector.shape_cast %get3A_556 : vector<1x16xf32> to vector<16xf32>
        %swap3A_558 = arith.constant 7 : i32
        %swap3A_559 = arith.index_cast %swap3A_558 : i32 to index
        %swap3A_560 = arith.constant 0 : index
        %swap3A_561 = tpu.vector_load %arg9[%swap3A_559, %swap3A_560] {strides = array<i32>} : memref<64x128xf32, #tpu.memory_space<vmem>>, vector<1x16xf32>,
        %swap3A_562 = vector.shape_cast %swap3A_561 : vector<1x16xf32> to vector<16xf32>
        %swap3A_563 = vector.shape_cast %get3A_557 : vector<16xf32> to vector<1x16xf32>
        tpu.vector_store %arg9[%swap3A_559, %swap3A_560], %swap3A_563 {strides = array<i32>} : memref<64x128xf32, #tpu.memory_space<vmem>>, vector<1x16xf32>,
        %get3A_564 = arith.constant 1 : i32
        %get3A_565 = arith.index_cast %get3A_564 : i32 to index
        %get3A_566 = arith.constant 0 : index
        %get3A_567 = tpu.vector_load %arg7[%get3A_565, %get3A_566] {strides = array<i32>} : memref<8x128xf32, #tpu.memory_space<vmem>>, vector<1x16xf32>,
        %get3A_568 = vector.shape_cast %get3A_567 : vector<1x16xf32> to vector<16xf32>
        %swap3A_569 = arith.constant 8 : i32
        %swap3A_570 = arith.index_cast %swap3A_569 : i32 to index
        %swap3A_571 = arith.constant 0 : index
        %swap3A_572 = tpu.vector_load %arg9[%swap3A_570, %swap3A_571] {strides = array<i32>} : memref<64x128xf32, #tpu.memory_space<vmem>>, vector<1x16xf32>,
        %swap3A_573 = vector.shape_cast %swap3A_572 : vector<1x16xf32> to vector<16xf32>
        %swap3A_574 = vector.shape_cast %get3A_568 : vector<16xf32> to vector<1x16xf32>
        tpu.vector_store %arg9[%swap3A_570, %swap3A_571], %swap3A_574 {strides = array<i32>} : memref<64x128xf32, #tpu.memory_space<vmem>>, vector<1x16xf32>,
        %get3A_575 = arith.constant 1 : i32
        %get3A_576 = arith.index_cast %get3A_575 : i32 to index
        %get3A_577 = arith.constant 16 : index
        %get3A_578 = tpu.vector_load %arg7[%get3A_576, %get3A_577] {strides = array<i32>} : memref<8x128xf32, #tpu.memory_space<vmem>>, vector<1x16xf32>,
        %get3A_579 = vector.shape_cast %get3A_578 : vector<1x16xf32> to vector<16xf32>
        %swap3A_580 = arith.constant 9 : i32
        %swap3A_581 = arith.index_cast %swap3A_580 : i32 to index
        %swap3A_582 = arith.constant 0 : index
        %swap3A_583 = tpu.vector_load %arg9[%swap3A_581, %swap3A_582] {strides = array<i32>} : memref<64x128xf32, #tpu.memory_space<vmem>>, vector<1x16xf32>,
        %swap3A_584 = vector.shape_cast %swap3A_583 : vector<1x16xf32> to vector<16xf32>
        %swap3A_585 = vector.shape_cast %get3A_579 : vector<16xf32> to vector<1x16xf32>
        tpu.vector_store %arg9[%swap3A_581, %swap3A_582], %swap3A_585 {strides = array<i32>} : memref<64x128xf32, #tpu.memory_space<vmem>>, vector<1x16xf32>,
        %get3A_586 = arith.constant 1 : i32
        %get3A_587 = arith.index_cast %get3A_586 : i32 to index
        %get3A_588 = arith.constant 32 : index
        %get3A_589 = tpu.vector_load %arg7[%get3A_587, %get3A_588] {strides = array<i32>} : memref<8x128xf32, #tpu.memory_space<vmem>>, vector<1x16xf32>,
        %get3A_590 = vector.shape_cast %get3A_589 : vector<1x16xf32> to vector<16xf32>
        %swap3A_591 = arith.constant 10 : i32
        %swap3A_592 = arith.index_cast %swap3A_591 : i32 to index
        %swap3A_593 = arith.constant 0 : index
        %swap3A_594 = tpu.vector_load %arg9[%swap3A_592, %swap3A_593] {strides = array<i32>} : memref<64x128xf32, #tpu.memory_space<vmem>>, vector<1x16xf32>,
        %swap3A_595 = vector.shape_cast %swap3A_594 : vector<1x16xf32> to vector<16xf32>
        %swap3A_596 = vector.shape_cast %get3A_590 : vector<16xf32> to vector<1x16xf32>
        tpu.vector_store %arg9[%swap3A_592, %swap3A_593], %swap3A_596 {strides = array<i32>} : memref<64x128xf32, #tpu.memory_space<vmem>>, vector<1x16xf32>,
        %get3A_597 = arith.constant 1 : i32
        %get3A_598 = arith.index_cast %get3A_597 : i32 to index
        %get3A_599 = arith.constant 48 : index
        %get3A_600 = tpu.vector_load %arg7[%get3A_598, %get3A_599] {strides = array<i32>} : memref<8x128xf32, #tpu.memory_space<vmem>>, vector<1x16xf32>,
        %get3A_601 = vector.shape_cast %get3A_600 : vector<1x16xf32> to vector<16xf32>
        %swap3A_602 = arith.constant 11 : i32
        %swap3A_603 = arith.index_cast %swap3A_602 : i32 to index
        %swap3A_604 = arith.constant 0 : index
        %swap3A_605 = tpu.vector_load %arg9[%swap3A_603, %swap3A_604] {strides = array<i32>} : memref<64x128xf32, #tpu.memory_space<vmem>>, vector<1x16xf32>,
        %swap3A_606 = vector.shape_cast %swap3A_605 : vector<1x16xf32> to vector<16xf32>
        %swap3A_607 = vector.shape_cast %get3A_601 : vector<16xf32> to vector<1x16xf32>
        tpu.vector_store %arg9[%swap3A_603, %swap3A_604], %swap3A_607 {strides = array<i32>} : memref<64x128xf32, #tpu.memory_space<vmem>>, vector<1x16xf32>,
        %get3A_608 = arith.constant 1 : i32
        %get3A_609 = arith.index_cast %get3A_608 : i32 to index
        %get3A_610 = arith.constant 64 : index
        %get3A_611 = tpu.vector_load %arg7[%get3A_609, %get3A_610] {strides = array<i32>} : memref<8x128xf32, #tpu.memory_space<vmem>>, vector<1x16xf32>,
        %get3A_612 = vector.shape_cast %get3A_611 : vector<1x16xf32> to vector<16xf32>
        %swap3A_613 = arith.constant 12 : i32
        %swap3A_614 = arith.index_cast %swap3A_613 : i32 to index
        %swap3A_615 = arith.constant 0 : index
        %swap3A_616 = tpu.vector_load %arg9[%swap3A_614, %swap3A_615] {strides = array<i32>} : memref<64x128xf32, #tpu.memory_space<vmem>>, vector<1x16xf32>,
        %swap3A_617 = vector.shape_cast %swap3A_616 : vector<1x16xf32> to vector<16xf32>
        %swap3A_618 = vector.shape_cast %get3A_612 : vector<16xf32> to vector<1x16xf32>
        tpu.vector_store %arg9[%swap3A_614, %swap3A_615], %swap3A_618 {strides = array<i32>} : memref<64x128xf32, #tpu.memory_space<vmem>>, vector<1x16xf32>,
        %get3A_619 = arith.constant 1 : i32
        %get3A_620 = arith.index_cast %get3A_619 : i32 to index
        %get3A_621 = arith.constant 80 : index
        %get3A_622 = tpu.vector_load %arg7[%get3A_620, %get3A_621] {strides = array<i32>} : memref<8x128xf32, #tpu.memory_space<vmem>>, vector<1x16xf32>,
        %get3A_623 = vector.shape_cast %get3A_622 : vector<1x16xf32> to vector<16xf32>
        %swap3A_624 = arith.constant 13 : i32
        %swap3A_625 = arith.index_cast %swap3A_624 : i32 to index
        %swap3A_626 = arith.constant 0 : index
        %swap3A_627 = tpu.vector_load %arg9[%swap3A_625, %swap3A_626] {strides = array<i32>} : memref<64x128xf32, #tpu.memory_space<vmem>>, vector<1x16xf32>,
        %swap3A_628 = vector.shape_cast %swap3A_627 : vector<1x16xf32> to vector<16xf32>
        %swap3A_629 = vector.shape_cast %get3A_623 : vector<16xf32> to vector<1x16xf32>
        tpu.vector_store %arg9[%swap3A_625, %swap3A_626], %swap3A_629 {strides = array<i32>} : memref<64x128xf32, #tpu.memory_space<vmem>>, vector<1x16xf32>,
        %get3A_630 = arith.constant 1 : i32
        %get3A_631 = arith.index_cast %get3A_630 : i32 to index
        %get3A_632 = arith.constant 96 : index
        %get3A_633 = tpu.vector_load %arg7[%get3A_631, %get3A_632] {strides = array<i32>} : memref<8x128xf32, #tpu.memory_space<vmem>>, vector<1x16xf32>,
        %get3A_634 = vector.shape_cast %get3A_633 : vector<1x16xf32> to vector<16xf32>
        %swap3A_635 = arith.constant 14 : i32
        %swap3A_636 = arith.index_cast %swap3A_635 : i32 to index
        %swap3A_637 = arith.constant 0 : index
        %swap3A_638 = tpu.vector_load %arg9[%swap3A_636, %swap3A_637] {strides = array<i32>} : memref<64x128xf32, #tpu.memory_space<vmem>>, vector<1x16xf32>,
        %swap3A_639 = vector.shape_cast %swap3A_638 : vector<1x16xf32> to vector<16xf32>
        %swap3A_640 = vector.shape_cast %get3A_634 : vector<16xf32> to vector<1x16xf32>
        tpu.vector_store %arg9[%swap3A_636, %swap3A_637], %swap3A_640 {strides = array<i32>} : memref<64x128xf32, #tpu.memory_space<vmem>>, vector<1x16xf32>,
        %get3A_641 = arith.constant 1 : i32
        %get3A_642 = arith.index_cast %get3A_641 : i32 to index
        %get3A_643 = arith.constant 112 : index
        %get3A_644 = tpu.vector_load %arg7[%get3A_642, %get3A_643] {strides = array<i32>} : memref<8x128xf32, #tpu.memory_space<vmem>>, vector<1x16xf32>,
        %get3A_645 = vector.shape_cast %get3A_644 : vector<1x16xf32> to vector<16xf32>
        %swap3A_646 = arith.constant 15 : i32
        %swap3A_647 = arith.index_cast %swap3A_646 : i32 to index
        %swap3A_648 = arith.constant 0 : index
        %swap3A_649 = tpu.vector_load %arg9[%swap3A_647, %swap3A_648] {strides = array<i32>} : memref<64x128xf32, #tpu.memory_space<vmem>>, vector<1x16xf32>,
        %swap3A_650 = vector.shape_cast %swap3A_649 : vector<1x16xf32> to vector<16xf32>
        %swap3A_651 = vector.shape_cast %get3A_645 : vector<16xf32> to vector<1x16xf32>
        tpu.vector_store %arg9[%swap3A_647, %swap3A_648], %swap3A_651 {strides = array<i32>} : memref<64x128xf32, #tpu.memory_space<vmem>>, vector<1x16xf32>,
        %get3A_652 = arith.constant 2 : i32
        %get3A_653 = arith.index_cast %get3A_652 : i32 to index
        %get3A_654 = arith.constant 0 : index
        %get3A_655 = tpu.vector_load %arg7[%get3A_653, %get3A_654] {strides = array<i32>} : memref<8x128xf32, #tpu.memory_space<vmem>>, vector<1x16xf32>,
        %get3A_656 = vector.shape_cast %get3A_655 : vector<1x16xf32> to vector<16xf32>
        %swap3A_657 = arith.constant 16 : i32
        %swap3A_658 = arith.index_cast %swap3A_657 : i32 to index
        %swap3A_659 = arith.constant 0 : index
        %swap3A_660 = tpu.vector_load %arg9[%swap3A_658, %swap3A_659] {strides = array<i32>} : memref<64x128xf32, #tpu.memory_space<vmem>>, vector<1x16xf32>,
        %swap3A_661 = vector.shape_cast %swap3A_660 : vector<1x16xf32> to vector<16xf32>
        %swap3A_662 = vector.shape_cast %get3A_656 : vector<16xf32> to vector<1x16xf32>
        tpu.vector_store %arg9[%swap3A_658, %swap3A_659], %swap3A_662 {strides = array<i32>} : memref<64x128xf32, #tpu.memory_space<vmem>>, vector<1x16xf32>,
        %get3A_663 = arith.constant 2 : i32
        %get3A_664 = arith.index_cast %get3A_663 : i32 to index
        %get3A_665 = arith.constant 16 : index
        %get3A_666 = tpu.vector_load %arg7[%get3A_664, %get3A_665] {strides = array<i32>} : memref<8x128xf32, #tpu.memory_space<vmem>>, vector<1x16xf32>,
        %get3A_667 = vector.shape_cast %get3A_666 : vector<1x16xf32> to vector<16xf32>
        %swap3A_668 = arith.constant 17 : i32
        %swap3A_669 = arith.index_cast %swap3A_668 : i32 to index
        %swap3A_670 = arith.constant 0 : index
        %swap3A_671 = tpu.vector_load %arg9[%swap3A_669, %swap3A_670] {strides = array<i32>} : memref<64x128xf32, #tpu.memory_space<vmem>>, vector<1x16xf32>,
        %swap3A_672 = vector.shape_cast %swap3A_671 : vector<1x16xf32> to vector<16xf32>
        %swap3A_673 = vector.shape_cast %get3A_667 : vector<16xf32> to vector<1x16xf32>
        tpu.vector_store %arg9[%swap3A_669, %swap3A_670], %swap3A_673 {strides = array<i32>} : memref<64x128xf32, #tpu.memory_space<vmem>>, vector<1x16xf32>,
        %get3A_674 = arith.constant 2 : i32
        %get3A_675 = arith.index_cast %get3A_674 : i32 to index
        %get3A_676 = arith.constant 32 : index
        %get3A_677 = tpu.vector_load %arg7[%get3A_675, %get3A_676] {strides = array<i32>} : memref<8x128xf32, #tpu.memory_space<vmem>>, vector<1x16xf32>,
        %get3A_678 = vector.shape_cast %get3A_677 : vector<1x16xf32> to vector<16xf32>
        %swap3A_679 = arith.constant 18 : i32
        %swap3A_680 = arith.index_cast %swap3A_679 : i32 to index
        %swap3A_681 = arith.constant 0 : index
        %swap3A_682 = tpu.vector_load %arg9[%swap3A_680, %swap3A_681] {strides = array<i32>} : memref<64x128xf32, #tpu.memory_space<vmem>>, vector<1x16xf32>,
        %swap3A_683 = vector.shape_cast %swap3A_682 : vector<1x16xf32> to vector<16xf32>
        %swap3A_684 = vector.shape_cast %get3A_678 : vector<16xf32> to vector<1x16xf32>
        tpu.vector_store %arg9[%swap3A_680, %swap3A_681], %swap3A_684 {strides = array<i32>} : memref<64x128xf32, #tpu.memory_space<vmem>>, vector<1x16xf32>,
        %get3A_685 = arith.constant 2 : i32
        %get3A_686 = arith.index_cast %get3A_685 : i32 to index
        %get3A_687 = arith.constant 48 : index
        %get3A_688 = tpu.vector_load %arg7[%get3A_686, %get3A_687] {strides = array<i32>} : memref<8x128xf32, #tpu.memory_space<vmem>>, vector<1x16xf32>,
        %get3A_689 = vector.shape_cast %get3A_688 : vector<1x16xf32> to vector<16xf32>
        %swap3A_690 = arith.constant 19 : i32
        %swap3A_691 = arith.index_cast %swap3A_690 : i32 to index
        %swap3A_692 = arith.constant 0 : index
        %swap3A_693 = tpu.vector_load %arg9[%swap3A_691, %swap3A_692] {strides = array<i32>} : memref<64x128xf32, #tpu.memory_space<vmem>>, vector<1x16xf32>,
        %swap3A_694 = vector.shape_cast %swap3A_693 : vector<1x16xf32> to vector<16xf32>
        %swap3A_695 = vector.shape_cast %get3A_689 : vector<16xf32> to vector<1x16xf32>
        tpu.vector_store %arg9[%swap3A_691, %swap3A_692], %swap3A_695 {strides = array<i32>} : memref<64x128xf32, #tpu.memory_space<vmem>>, vector<1x16xf32>,
        %get3A_696 = arith.constant 2 : i32
        %get3A_697 = arith.index_cast %get3A_696 : i32 to index
        %get3A_698 = arith.constant 64 : index
        %get3A_699 = tpu.vector_load %arg7[%get3A_697, %get3A_698] {strides = array<i32>} : memref<8x128xf32, #tpu.memory_space<vmem>>, vector<1x16xf32>,
        %get3A_700 = vector.shape_cast %get3A_699 : vector<1x16xf32> to vector<16xf32>
        %swap3A_701 = arith.constant 20 : i32
        %swap3A_702 = arith.index_cast %swap3A_701 : i32 to index
        %swap3A_703 = arith.constant 0 : index
        %swap3A_704 = tpu.vector_load %arg9[%swap3A_702, %swap3A_703] {strides = array<i32>} : memref<64x128xf32, #tpu.memory_space<vmem>>, vector<1x16xf32>,
        %swap3A_705 = vector.shape_cast %swap3A_704 : vector<1x16xf32> to vector<16xf32>
        %swap3A_706 = vector.shape_cast %get3A_700 : vector<16xf32> to vector<1x16xf32>
        tpu.vector_store %arg9[%swap3A_702, %swap3A_703], %swap3A_706 {strides = array<i32>} : memref<64x128xf32, #tpu.memory_space<vmem>>, vector<1x16xf32>,
        %get3A_707 = arith.constant 2 : i32
        %get3A_708 = arith.index_cast %get3A_707 : i32 to index
        %get3A_709 = arith.constant 80 : index
        %get3A_710 = tpu.vector_load %arg7[%get3A_708, %get3A_709] {strides = array<i32>} : memref<8x128xf32, #tpu.memory_space<vmem>>, vector<1x16xf32>,
        %get3A_711 = vector.shape_cast %get3A_710 : vector<1x16xf32> to vector<16xf32>
        %swap3A_712 = arith.constant 21 : i32
        %swap3A_713 = arith.index_cast %swap3A_712 : i32 to index
        %swap3A_714 = arith.constant 0 : index
        %swap3A_715 = tpu.vector_load %arg9[%swap3A_713, %swap3A_714] {strides = array<i32>} : memref<64x128xf32, #tpu.memory_space<vmem>>, vector<1x16xf32>,
        %swap3A_716 = vector.shape_cast %swap3A_715 : vector<1x16xf32> to vector<16xf32>
        %swap3A_717 = vector.shape_cast %get3A_711 : vector<16xf32> to vector<1x16xf32>
        tpu.vector_store %arg9[%swap3A_713, %swap3A_714], %swap3A_717 {strides = array<i32>} : memref<64x128xf32, #tpu.memory_space<vmem>>, vector<1x16xf32>,
        %get3A_718 = arith.constant 2 : i32
        %get3A_719 = arith.index_cast %get3A_718 : i32 to index
        %get3A_720 = arith.constant 96 : index
        %get3A_721 = tpu.vector_load %arg7[%get3A_719, %get3A_720] {strides = array<i32>} : memref<8x128xf32, #tpu.memory_space<vmem>>, vector<1x16xf32>,
        %get3A_722 = vector.shape_cast %get3A_721 : vector<1x16xf32> to vector<16xf32>
        %swap3A_723 = arith.constant 22 : i32
        %swap3A_724 = arith.index_cast %swap3A_723 : i32 to index
        %swap3A_725 = arith.constant 0 : index
        %swap3A_726 = tpu.vector_load %arg9[%swap3A_724, %swap3A_725] {strides = array<i32>} : memref<64x128xf32, #tpu.memory_space<vmem>>, vector<1x16xf32>,
        %swap3A_727 = vector.shape_cast %swap3A_726 : vector<1x16xf32> to vector<16xf32>
        %swap3A_728 = vector.shape_cast %get3A_722 : vector<16xf32> to vector<1x16xf32>
        tpu.vector_store %arg9[%swap3A_724, %swap3A_725], %swap3A_728 {strides = array<i32>} : memref<64x128xf32, #tpu.memory_space<vmem>>, vector<1x16xf32>,
        %get3A_729 = arith.constant 2 : i32
        %get3A_730 = arith.index_cast %get3A_729 : i32 to index
        %get3A_731 = arith.constant 112 : index
        %get3A_732 = tpu.vector_load %arg7[%get3A_730, %get3A_731] {strides = array<i32>} : memref<8x128xf32, #tpu.memory_space<vmem>>, vector<1x16xf32>,
        %get3A_733 = vector.shape_cast %get3A_732 : vector<1x16xf32> to vector<16xf32>
        %swap3A_734 = arith.constant 23 : i32
        %swap3A_735 = arith.index_cast %swap3A_734 : i32 to index
        %swap3A_736 = arith.constant 0 : index
        %swap3A_737 = tpu.vector_load %arg9[%swap3A_735, %swap3A_736] {strides = array<i32>} : memref<64x128xf32, #tpu.memory_space<vmem>>, vector<1x16xf32>,
        %swap3A_738 = vector.shape_cast %swap3A_737 : vector<1x16xf32> to vector<16xf32>
        %swap3A_739 = vector.shape_cast %get3A_733 : vector<16xf32> to vector<1x16xf32>
        tpu.vector_store %arg9[%swap3A_735, %swap3A_736], %swap3A_739 {strides = array<i32>} : memref<64x128xf32, #tpu.memory_space<vmem>>, vector<1x16xf32>,
        %get3A_740 = arith.constant 3 : i32
        %get3A_741 = arith.index_cast %get3A_740 : i32 to index
        %get3A_742 = arith.constant 0 : index
        %get3A_743 = tpu.vector_load %arg7[%get3A_741, %get3A_742] {strides = array<i32>} : memref<8x128xf32, #tpu.memory_space<vmem>>, vector<1x16xf32>,
        %get3A_744 = vector.shape_cast %get3A_743 : vector<1x16xf32> to vector<16xf32>
        %swap3A_745 = arith.constant 24 : i32
        %swap3A_746 = arith.index_cast %swap3A_745 : i32 to index
        %swap3A_747 = arith.constant 0 : index
        %swap3A_748 = tpu.vector_load %arg9[%swap3A_746, %swap3A_747] {strides = array<i32>} : memref<64x128xf32, #tpu.memory_space<vmem>>, vector<1x16xf32>,
        %swap3A_749 = vector.shape_cast %swap3A_748 : vector<1x16xf32> to vector<16xf32>
        %swap3A_750 = vector.shape_cast %get3A_744 : vector<16xf32> to vector<1x16xf32>
        tpu.vector_store %arg9[%swap3A_746, %swap3A_747], %swap3A_750 {strides = array<i32>} : memref<64x128xf32, #tpu.memory_space<vmem>>, vector<1x16xf32>,
        %get3A_751 = arith.constant 3 : i32
        %get3A_752 = arith.index_cast %get3A_751 : i32 to index
        %get3A_753 = arith.constant 16 : index
        %get3A_754 = tpu.vector_load %arg7[%get3A_752, %get3A_753] {strides = array<i32>} : memref<8x128xf32, #tpu.memory_space<vmem>>, vector<1x16xf32>,
        %get3A_755 = vector.shape_cast %get3A_754 : vector<1x16xf32> to vector<16xf32>
        %swap3A_756 = arith.constant 25 : i32
        %swap3A_757 = arith.index_cast %swap3A_756 : i32 to index
        %swap3A_758 = arith.constant 0 : index
        %swap3A_759 = tpu.vector_load %arg9[%swap3A_757, %swap3A_758] {strides = array<i32>} : memref<64x128xf32, #tpu.memory_space<vmem>>, vector<1x16xf32>,
        %swap3A_760 = vector.shape_cast %swap3A_759 : vector<1x16xf32> to vector<16xf32>
        %swap3A_761 = vector.shape_cast %get3A_755 : vector<16xf32> to vector<1x16xf32>
        tpu.vector_store %arg9[%swap3A_757, %swap3A_758], %swap3A_761 {strides = array<i32>} : memref<64x128xf32, #tpu.memory_space<vmem>>, vector<1x16xf32>,
        %get3A_762 = arith.constant 3 : i32
        %get3A_763 = arith.index_cast %get3A_762 : i32 to index
        %get3A_764 = arith.constant 32 : index
        %get3A_765 = tpu.vector_load %arg7[%get3A_763, %get3A_764] {strides = array<i32>} : memref<8x128xf32, #tpu.memory_space<vmem>>, vector<1x16xf32>,
        %get3A_766 = vector.shape_cast %get3A_765 : vector<1x16xf32> to vector<16xf32>
        %swap3A_767 = arith.constant 26 : i32
        %swap3A_768 = arith.index_cast %swap3A_767 : i32 to index
        %swap3A_769 = arith.constant 0 : index
        %swap3A_770 = tpu.vector_load %arg9[%swap3A_768, %swap3A_769] {strides = array<i32>} : memref<64x128xf32, #tpu.memory_space<vmem>>, vector<1x16xf32>,
        %swap3A_771 = vector.shape_cast %swap3A_770 : vector<1x16xf32> to vector<16xf32>
        %swap3A_772 = vector.shape_cast %get3A_766 : vector<16xf32> to vector<1x16xf32>
        tpu.vector_store %arg9[%swap3A_768, %swap3A_769], %swap3A_772 {strides = array<i32>} : memref<64x128xf32, #tpu.memory_space<vmem>>, vector<1x16xf32>,
        %get3A_773 = arith.constant 3 : i32
        %get3A_774 = arith.index_cast %get3A_773 : i32 to index
        %get3A_775 = arith.constant 48 : index
        %get3A_776 = tpu.vector_load %arg7[%get3A_774, %get3A_775] {strides = array<i32>} : memref<8x128xf32, #tpu.memory_space<vmem>>, vector<1x16xf32>,
        %get3A_777 = vector.shape_cast %get3A_776 : vector<1x16xf32> to vector<16xf32>
        %swap3A_778 = arith.constant 27 : i32
        %swap3A_779 = arith.index_cast %swap3A_778 : i32 to index
        %swap3A_780 = arith.constant 0 : index
        %swap3A_781 = tpu.vector_load %arg9[%swap3A_779, %swap3A_780] {strides = array<i32>} : memref<64x128xf32, #tpu.memory_space<vmem>>, vector<1x16xf32>,
        %swap3A_782 = vector.shape_cast %swap3A_781 : vector<1x16xf32> to vector<16xf32>
        %swap3A_783 = vector.shape_cast %get3A_777 : vector<16xf32> to vector<1x16xf32>
        tpu.vector_store %arg9[%swap3A_779, %swap3A_780], %swap3A_783 {strides = array<i32>} : memref<64x128xf32, #tpu.memory_space<vmem>>, vector<1x16xf32>,
        %get3A_784 = arith.constant 3 : i32
        %get3A_785 = arith.index_cast %get3A_784 : i32 to index
        %get3A_786 = arith.constant 64 : index
        %get3A_787 = tpu.vector_load %arg7[%get3A_785, %get3A_786] {strides = array<i32>} : memref<8x128xf32, #tpu.memory_space<vmem>>, vector<1x16xf32>,
        %get3A_788 = vector.shape_cast %get3A_787 : vector<1x16xf32> to vector<16xf32>
        %swap3A_789 = arith.constant 28 : i32
        %swap3A_790 = arith.index_cast %swap3A_789 : i32 to index
        %swap3A_791 = arith.constant 0 : index
        %swap3A_792 = tpu.vector_load %arg9[%swap3A_790, %swap3A_791] {strides = array<i32>} : memref<64x128xf32, #tpu.memory_space<vmem>>, vector<1x16xf32>,
        %swap3A_793 = vector.shape_cast %swap3A_792 : vector<1x16xf32> to vector<16xf32>
        %swap3A_794 = vector.shape_cast %get3A_788 : vector<16xf32> to vector<1x16xf32>
        tpu.vector_store %arg9[%swap3A_790, %swap3A_791], %swap3A_794 {strides = array<i32>} : memref<64x128xf32, #tpu.memory_space<vmem>>, vector<1x16xf32>,
        %get3A_795 = arith.constant 3 : i32
        %get3A_796 = arith.index_cast %get3A_795 : i32 to index
        %get3A_797 = arith.constant 80 : index
        %get3A_798 = tpu.vector_load %arg7[%get3A_796, %get3A_797] {strides = array<i32>} : memref<8x128xf32, #tpu.memory_space<vmem>>, vector<1x16xf32>,
        %get3A_799 = vector.shape_cast %get3A_798 : vector<1x16xf32> to vector<16xf32>
        %swap3A_800 = arith.constant 29 : i32
        %swap3A_801 = arith.index_cast %swap3A_800 : i32 to index
        %swap3A_802 = arith.constant 0 : index
        %swap3A_803 = tpu.vector_load %arg9[%swap3A_801, %swap3A_802] {strides = array<i32>} : memref<64x128xf32, #tpu.memory_space<vmem>>, vector<1x16xf32>,
        %swap3A_804 = vector.shape_cast %swap3A_803 : vector<1x16xf32> to vector<16xf32>
        %swap3A_805 = vector.shape_cast %get3A_799 : vector<16xf32> to vector<1x16xf32>
        tpu.vector_store %arg9[%swap3A_801, %swap3A_802], %swap3A_805 {strides = array<i32>} : memref<64x128xf32, #tpu.memory_space<vmem>>, vector<1x16xf32>,
        %get3A_806 = arith.constant 3 : i32
        %get3A_807 = arith.index_cast %get3A_806 : i32 to index
        %get3A_808 = arith.constant 96 : index
        %get3A_809 = tpu.vector_load %arg7[%get3A_807, %get3A_808] {strides = array<i32>} : memref<8x128xf32, #tpu.memory_space<vmem>>, vector<1x16xf32>,
        %get3A_810 = vector.shape_cast %get3A_809 : vector<1x16xf32> to vector<16xf32>
        %swap3A_811 = arith.constant 30 : i32
        %swap3A_812 = arith.index_cast %swap3A_811 : i32 to index
        %swap3A_813 = arith.constant 0 : index
        %swap3A_814 = tpu.vector_load %arg9[%swap3A_812, %swap3A_813] {strides = array<i32>} : memref<64x128xf32, #tpu.memory_space<vmem>>, vector<1x16xf32>,
        %swap3A_815 = vector.shape_cast %swap3A_814 : vector<1x16xf32> to vector<16xf32>
        %swap3A_816 = vector.shape_cast %get3A_810 : vector<16xf32> to vector<1x16xf32>
        tpu.vector_store %arg9[%swap3A_812, %swap3A_813], %swap3A_816 {strides = array<i32>} : memref<64x128xf32, #tpu.memory_space<vmem>>, vector<1x16xf32>,
        %get3A_817 = arith.constant 3 : i32
        %get3A_818 = arith.index_cast %get3A_817 : i32 to index
        %get3A_819 = arith.constant 112 : index
        %get3A_820 = tpu.vector_load %arg7[%get3A_818, %get3A_819] {strides = array<i32>} : memref<8x128xf32, #tpu.memory_space<vmem>>, vector<1x16xf32>,
        %get3A_821 = vector.shape_cast %get3A_820 : vector<1x16xf32> to vector<16xf32>
        %swap3A_822 = arith.constant 31 : i32
        %swap3A_823 = arith.index_cast %swap3A_822 : i32 to index
        %swap3A_824 = arith.constant 0 : index
        %swap3A_825 = tpu.vector_load %arg9[%swap3A_823, %swap3A_824] {strides = array<i32>} : memref<64x128xf32, #tpu.memory_space<vmem>>, vector<1x16xf32>,
        %swap3A_826 = vector.shape_cast %swap3A_825 : vector<1x16xf32> to vector<16xf32>
        %swap3A_827 = vector.shape_cast %get3A_821 : vector<16xf32> to vector<1x16xf32>
        tpu.vector_store %arg9[%swap3A_823, %swap3A_824], %swap3A_827 {strides = array<i32>} : memref<64x128xf32, #tpu.memory_space<vmem>>, vector<1x16xf32>,
        %get3A_828 = arith.constant 4 : i32
        %get3A_829 = arith.index_cast %get3A_828 : i32 to index
        %get3A_830 = arith.constant 0 : index
        %get3A_831 = tpu.vector_load %arg7[%get3A_829, %get3A_830] {strides = array<i32>} : memref<8x128xf32, #tpu.memory_space<vmem>>, vector<1x16xf32>,
        %get3A_832 = vector.shape_cast %get3A_831 : vector<1x16xf32> to vector<16xf32>
        %swap3A_833 = arith.constant 32 : i32
        %swap3A_834 = arith.index_cast %swap3A_833 : i32 to index
        %swap3A_835 = arith.constant 0 : index
        %swap3A_836 = tpu.vector_load %arg9[%swap3A_834, %swap3A_835] {strides = array<i32>} : memref<64x128xf32, #tpu.memory_space<vmem>>, vector<1x16xf32>,
        %swap3A_837 = vector.shape_cast %swap3A_836 : vector<1x16xf32> to vector<16xf32>
        %swap3A_838 = vector.shape_cast %get3A_832 : vector<16xf32> to vector<1x16xf32>
        tpu.vector_store %arg9[%swap3A_834, %swap3A_835], %swap3A_838 {strides = array<i32>} : memref<64x128xf32, #tpu.memory_space<vmem>>, vector<1x16xf32>,
        %get3A_839 = arith.constant 4 : i32
        %get3A_840 = arith.index_cast %get3A_839 : i32 to index
        %get3A_841 = arith.constant 16 : index
        %get3A_842 = tpu.vector_load %arg7[%get3A_840, %get3A_841] {strides = array<i32>} : memref<8x128xf32, #tpu.memory_space<vmem>>, vector<1x16xf32>,
        %get3A_843 = vector.shape_cast %get3A_842 : vector<1x16xf32> to vector<16xf32>
        %swap3A_844 = arith.constant 33 : i32
        %swap3A_845 = arith.index_cast %swap3A_844 : i32 to index
        %swap3A_846 = arith.constant 0 : index
        %swap3A_847 = tpu.vector_load %arg9[%swap3A_845, %swap3A_846] {strides = array<i32>} : memref<64x128xf32, #tpu.memory_space<vmem>>, vector<1x16xf32>,
        %swap3A_848 = vector.shape_cast %swap3A_847 : vector<1x16xf32> to vector<16xf32>
        %swap3A_849 = vector.shape_cast %get3A_843 : vector<16xf32> to vector<1x16xf32>
        tpu.vector_store %arg9[%swap3A_845, %swap3A_846], %swap3A_849 {strides = array<i32>} : memref<64x128xf32, #tpu.memory_space<vmem>>, vector<1x16xf32>,
        %get3A_850 = arith.constant 4 : i32
        %get3A_851 = arith.index_cast %get3A_850 : i32 to index
        %get3A_852 = arith.constant 32 : index
        %get3A_853 = tpu.vector_load %arg7[%get3A_851, %get3A_852] {strides = array<i32>} : memref<8x128xf32, #tpu.memory_space<vmem>>, vector<1x16xf32>,
        %get3A_854 = vector.shape_cast %get3A_853 : vector<1x16xf32> to vector<16xf32>
        %swap3A_855 = arith.constant 34 : i32
        %swap3A_856 = arith.index_cast %swap3A_855 : i32 to index
        %swap3A_857 = arith.constant 0 : index
        %swap3A_858 = tpu.vector_load %arg9[%swap3A_856, %swap3A_857] {strides = array<i32>} : memref<64x128xf32, #tpu.memory_space<vmem>>, vector<1x16xf32>,
        %swap3A_859 = vector.shape_cast %swap3A_858 : vector<1x16xf32> to vector<16xf32>
        %swap3A_860 = vector.shape_cast %get3A_854 : vector<16xf32> to vector<1x16xf32>
        tpu.vector_store %arg9[%swap3A_856, %swap3A_857], %swap3A_860 {strides = array<i32>} : memref<64x128xf32, #tpu.memory_space<vmem>>, vector<1x16xf32>,
        %get3A_861 = arith.constant 4 : i32
        %get3A_862 = arith.index_cast %get3A_861 : i32 to index
        %get3A_863 = arith.constant 48 : index
        %get3A_864 = tpu.vector_load %arg7[%get3A_862, %get3A_863] {strides = array<i32>} : memref<8x128xf32, #tpu.memory_space<vmem>>, vector<1x16xf32>,
        %get3A_865 = vector.shape_cast %get3A_864 : vector<1x16xf32> to vector<16xf32>
        %swap3A_866 = arith.constant 35 : i32
        %swap3A_867 = arith.index_cast %swap3A_866 : i32 to index
        %swap3A_868 = arith.constant 0 : index
        %swap3A_869 = tpu.vector_load %arg9[%swap3A_867, %swap3A_868] {strides = array<i32>} : memref<64x128xf32, #tpu.memory_space<vmem>>, vector<1x16xf32>,
        %swap3A_870 = vector.shape_cast %swap3A_869 : vector<1x16xf32> to vector<16xf32>
        %swap3A_871 = vector.shape_cast %get3A_865 : vector<16xf32> to vector<1x16xf32>
        tpu.vector_store %arg9[%swap3A_867, %swap3A_868], %swap3A_871 {strides = array<i32>} : memref<64x128xf32, #tpu.memory_space<vmem>>, vector<1x16xf32>,
        %get3A_872 = arith.constant 4 : i32
        %get3A_873 = arith.index_cast %get3A_872 : i32 to index
        %get3A_874 = arith.constant 64 : index
        %get3A_875 = tpu.vector_load %arg7[%get3A_873, %get3A_874] {strides = array<i32>} : memref<8x128xf32, #tpu.memory_space<vmem>>, vector<1x16xf32>,
        %get3A_876 = vector.shape_cast %get3A_875 : vector<1x16xf32> to vector<16xf32>
        %swap3A_877 = arith.constant 36 : i32
        %swap3A_878 = arith.index_cast %swap3A_877 : i32 to index
        %swap3A_879 = arith.constant 0 : index
        %swap3A_880 = tpu.vector_load %arg9[%swap3A_878, %swap3A_879] {strides = array<i32>} : memref<64x128xf32, #tpu.memory_space<vmem>>, vector<1x16xf32>,
        %swap3A_881 = vector.shape_cast %swap3A_880 : vector<1x16xf32> to vector<16xf32>
        %swap3A_882 = vector.shape_cast %get3A_876 : vector<16xf32> to vector<1x16xf32>
        tpu.vector_store %arg9[%swap3A_878, %swap3A_879], %swap3A_882 {strides = array<i32>} : memref<64x128xf32, #tpu.memory_space<vmem>>, vector<1x16xf32>,
        %get3A_883 = arith.constant 4 : i32
        %get3A_884 = arith.index_cast %get3A_883 : i32 to index
        %get3A_885 = arith.constant 80 : index
        %get3A_886 = tpu.vector_load %arg7[%get3A_884, %get3A_885] {strides = array<i32>} : memref<8x128xf32, #tpu.memory_space<vmem>>, vector<1x16xf32>,
        %get3A_887 = vector.shape_cast %get3A_886 : vector<1x16xf32> to vector<16xf32>
        %swap3A_888 = arith.constant 37 : i32
        %swap3A_889 = arith.index_cast %swap3A_888 : i32 to index
        %swap3A_890 = arith.constant 0 : index
        %swap3A_891 = tpu.vector_load %arg9[%swap3A_889, %swap3A_890] {strides = array<i32>} : memref<64x128xf32, #tpu.memory_space<vmem>>, vector<1x16xf32>,
        %swap3A_892 = vector.shape_cast %swap3A_891 : vector<1x16xf32> to vector<16xf32>
        %swap3A_893 = vector.shape_cast %get3A_887 : vector<16xf32> to vector<1x16xf32>
        tpu.vector_store %arg9[%swap3A_889, %swap3A_890], %swap3A_893 {strides = array<i32>} : memref<64x128xf32, #tpu.memory_space<vmem>>, vector<1x16xf32>,
        %get3A_894 = arith.constant 4 : i32
        %get3A_895 = arith.index_cast %get3A_894 : i32 to index
        %get3A_896 = arith.constant 96 : index
        %get3A_897 = tpu.vector_load %arg7[%get3A_895, %get3A_896] {strides = array<i32>} : memref<8x128xf32, #tpu.memory_space<vmem>>, vector<1x16xf32>,
        %get3A_898 = vector.shape_cast %get3A_897 : vector<1x16xf32> to vector<16xf32>
        %swap3A_899 = arith.constant 38 : i32
        %swap3A_900 = arith.index_cast %swap3A_899 : i32 to index
        %swap3A_901 = arith.constant 0 : index
        %swap3A_902 = tpu.vector_load %arg9[%swap3A_900, %swap3A_901] {strides = array<i32>} : memref<64x128xf32, #tpu.memory_space<vmem>>, vector<1x16xf32>,
        %swap3A_903 = vector.shape_cast %swap3A_902 : vector<1x16xf32> to vector<16xf32>
        %swap3A_904 = vector.shape_cast %get3A_898 : vector<16xf32> to vector<1x16xf32>
        tpu.vector_store %arg9[%swap3A_900, %swap3A_901], %swap3A_904 {strides = array<i32>} : memref<64x128xf32, #tpu.memory_space<vmem>>, vector<1x16xf32>,
        %get3A_905 = arith.constant 4 : i32
        %get3A_906 = arith.index_cast %get3A_905 : i32 to index
        %get3A_907 = arith.constant 112 : index
        %get3A_908 = tpu.vector_load %arg7[%get3A_906, %get3A_907] {strides = array<i32>} : memref<8x128xf32, #tpu.memory_space<vmem>>, vector<1x16xf32>,
        %get3A_909 = vector.shape_cast %get3A_908 : vector<1x16xf32> to vector<16xf32>
        %swap3A_910 = arith.constant 39 : i32
        %swap3A_911 = arith.index_cast %swap3A_910 : i32 to index
        %swap3A_912 = arith.constant 0 : index
        %swap3A_913 = tpu.vector_load %arg9[%swap3A_911, %swap3A_912] {strides = array<i32>} : memref<64x128xf32, #tpu.memory_space<vmem>>, vector<1x16xf32>,
        %swap3A_914 = vector.shape_cast %swap3A_913 : vector<1x16xf32> to vector<16xf32>
        %swap3A_915 = vector.shape_cast %get3A_909 : vector<16xf32> to vector<1x16xf32>
        tpu.vector_store %arg9[%swap3A_911, %swap3A_912], %swap3A_915 {strides = array<i32>} : memref<64x128xf32, #tpu.memory_space<vmem>>, vector<1x16xf32>,
        %get3A_916 = arith.constant 5 : i32
        %get3A_917 = arith.index_cast %get3A_916 : i32 to index
        %get3A_918 = arith.constant 0 : index
        %get3A_919 = tpu.vector_load %arg7[%get3A_917, %get3A_918] {strides = array<i32>} : memref<8x128xf32, #tpu.memory_space<vmem>>, vector<1x16xf32>,
        %get3A_920 = vector.shape_cast %get3A_919 : vector<1x16xf32> to vector<16xf32>
        %swap3A_921 = arith.constant 40 : i32
        %swap3A_922 = arith.index_cast %swap3A_921 : i32 to index
        %swap3A_923 = arith.constant 0 : index
        %swap3A_924 = tpu.vector_load %arg9[%swap3A_922, %swap3A_923] {strides = array<i32>} : memref<64x128xf32, #tpu.memory_space<vmem>>, vector<1x16xf32>,
        %swap3A_925 = vector.shape_cast %swap3A_924 : vector<1x16xf32> to vector<16xf32>
        %swap3A_926 = vector.shape_cast %get3A_920 : vector<16xf32> to vector<1x16xf32>
        tpu.vector_store %arg9[%swap3A_922, %swap3A_923], %swap3A_926 {strides = array<i32>} : memref<64x128xf32, #tpu.memory_space<vmem>>, vector<1x16xf32>,
        %get3A_927 = arith.constant 5 : i32
        %get3A_928 = arith.index_cast %get3A_927 : i32 to index
        %get3A_929 = arith.constant 16 : index
        %get3A_930 = tpu.vector_load %arg7[%get3A_928, %get3A_929] {strides = array<i32>} : memref<8x128xf32, #tpu.memory_space<vmem>>, vector<1x16xf32>,
        %get3A_931 = vector.shape_cast %get3A_930 : vector<1x16xf32> to vector<16xf32>
        %swap3A_932 = arith.constant 41 : i32
        %swap3A_933 = arith.index_cast %swap3A_932 : i32 to index
        %swap3A_934 = arith.constant 0 : index
        %swap3A_935 = tpu.vector_load %arg9[%swap3A_933, %swap3A_934] {strides = array<i32>} : memref<64x128xf32, #tpu.memory_space<vmem>>, vector<1x16xf32>,
        %swap3A_936 = vector.shape_cast %swap3A_935 : vector<1x16xf32> to vector<16xf32>
        %swap3A_937 = vector.shape_cast %get3A_931 : vector<16xf32> to vector<1x16xf32>
        tpu.vector_store %arg9[%swap3A_933, %swap3A_934], %swap3A_937 {strides = array<i32>} : memref<64x128xf32, #tpu.memory_space<vmem>>, vector<1x16xf32>,
        %get3A_938 = arith.constant 5 : i32
        %get3A_939 = arith.index_cast %get3A_938 : i32 to index
        %get3A_940 = arith.constant 32 : index
        %get3A_941 = tpu.vector_load %arg7[%get3A_939, %get3A_940] {strides = array<i32>} : memref<8x128xf32, #tpu.memory_space<vmem>>, vector<1x16xf32>,
        %get3A_942 = vector.shape_cast %get3A_941 : vector<1x16xf32> to vector<16xf32>
        %swap3A_943 = arith.constant 42 : i32
        %swap3A_944 = arith.index_cast %swap3A_943 : i32 to index
        %swap3A_945 = arith.constant 0 : index
        %swap3A_946 = tpu.vector_load %arg9[%swap3A_944, %swap3A_945] {strides = array<i32>} : memref<64x128xf32, #tpu.memory_space<vmem>>, vector<1x16xf32>,
        %swap3A_947 = vector.shape_cast %swap3A_946 : vector<1x16xf32> to vector<16xf32>
        %swap3A_948 = vector.shape_cast %get3A_942 : vector<16xf32> to vector<1x16xf32>
        tpu.vector_store %arg9[%swap3A_944, %swap3A_945], %swap3A_948 {strides = array<i32>} : memref<64x128xf32, #tpu.memory_space<vmem>>, vector<1x16xf32>,
        %get3A_949 = arith.constant 5 : i32
        %get3A_950 = arith.index_cast %get3A_949 : i32 to index
        %get3A_951 = arith.constant 48 : index
        %get3A_952 = tpu.vector_load %arg7[%get3A_950, %get3A_951] {strides = array<i32>} : memref<8x128xf32, #tpu.memory_space<vmem>>, vector<1x16xf32>,
        %get3A_953 = vector.shape_cast %get3A_952 : vector<1x16xf32> to vector<16xf32>
        %swap3A_954 = arith.constant 43 : i32
        %swap3A_955 = arith.index_cast %swap3A_954 : i32 to index
        %swap3A_956 = arith.constant 0 : index
        %swap3A_957 = tpu.vector_load %arg9[%swap3A_955, %swap3A_956] {strides = array<i32>} : memref<64x128xf32, #tpu.memory_space<vmem>>, vector<1x16xf32>,
        %swap3A_958 = vector.shape_cast %swap3A_957 : vector<1x16xf32> to vector<16xf32>
        %swap3A_959 = vector.shape_cast %get3A_953 : vector<16xf32> to vector<1x16xf32>
        tpu.vector_store %arg9[%swap3A_955, %swap3A_956], %swap3A_959 {strides = array<i32>} : memref<64x128xf32, #tpu.memory_space<vmem>>, vector<1x16xf32>,
        %get3A_960 = arith.constant 5 : i32
        %get3A_961 = arith.index_cast %get3A_960 : i32 to index
        %get3A_962 = arith.constant 64 : index
        %get3A_963 = tpu.vector_load %arg7[%get3A_961, %get3A_962] {strides = array<i32>} : memref<8x128xf32, #tpu.memory_space<vmem>>, vector<1x16xf32>,
        %get3A_964 = vector.shape_cast %get3A_963 : vector<1x16xf32> to vector<16xf32>
        %swap3A_965 = arith.constant 44 : i32
        %swap3A_966 = arith.index_cast %swap3A_965 : i32 to index
        %swap3A_967 = arith.constant 0 : index
        %swap3A_968 = tpu.vector_load %arg9[%swap3A_966, %swap3A_967] {strides = array<i32>} : memref<64x128xf32, #tpu.memory_space<vmem>>, vector<1x16xf32>,
        %swap3A_969 = vector.shape_cast %swap3A_968 : vector<1x16xf32> to vector<16xf32>
        %swap3A_970 = vector.shape_cast %get3A_964 : vector<16xf32> to vector<1x16xf32>
        tpu.vector_store %arg9[%swap3A_966, %swap3A_967], %swap3A_970 {strides = array<i32>} : memref<64x128xf32, #tpu.memory_space<vmem>>, vector<1x16xf32>,
        %get3A_971 = arith.constant 5 : i32
        %get3A_972 = arith.index_cast %get3A_971 : i32 to index
        %get3A_973 = arith.constant 80 : index
        %get3A_974 = tpu.vector_load %arg7[%get3A_972, %get3A_973] {strides = array<i32>} : memref<8x128xf32, #tpu.memory_space<vmem>>, vector<1x16xf32>,
        %get3A_975 = vector.shape_cast %get3A_974 : vector<1x16xf32> to vector<16xf32>
        %swap3A_976 = arith.constant 45 : i32
        %swap3A_977 = arith.index_cast %swap3A_976 : i32 to index
        %swap3A_978 = arith.constant 0 : index
        %swap3A_979 = tpu.vector_load %arg9[%swap3A_977, %swap3A_978] {strides = array<i32>} : memref<64x128xf32, #tpu.memory_space<vmem>>, vector<1x16xf32>,
        %swap3A_980 = vector.shape_cast %swap3A_979 : vector<1x16xf32> to vector<16xf32>
        %swap3A_981 = vector.shape_cast %get3A_975 : vector<16xf32> to vector<1x16xf32>
        tpu.vector_store %arg9[%swap3A_977, %swap3A_978], %swap3A_981 {strides = array<i32>} : memref<64x128xf32, #tpu.memory_space<vmem>>, vector<1x16xf32>,
        %get3A_982 = arith.constant 5 : i32
        %get3A_983 = arith.index_cast %get3A_982 : i32 to index
        %get3A_984 = arith.constant 96 : index
        %get3A_985 = tpu.vector_load %arg7[%get3A_983, %get3A_984] {strides = array<i32>} : memref<8x128xf32, #tpu.memory_space<vmem>>, vector<1x16xf32>,
        %get3A_986 = vector.shape_cast %get3A_985 : vector<1x16xf32> to vector<16xf32>
        %swap3A_987 = arith.constant 46 : i32
        %swap3A_988 = arith.index_cast %swap3A_987 : i32 to index
        %swap3A_989 = arith.constant 0 : index
        %swap3A_990 = tpu.vector_load %arg9[%swap3A_988, %swap3A_989] {strides = array<i32>} : memref<64x128xf32, #tpu.memory_space<vmem>>, vector<1x16xf32>,
        %swap3A_991 = vector.shape_cast %swap3A_990 : vector<1x16xf32> to vector<16xf32>
        %swap3A_992 = vector.shape_cast %get3A_986 : vector<16xf32> to vector<1x16xf32>
        tpu.vector_store %arg9[%swap3A_988, %swap3A_989], %swap3A_992 {strides = array<i32>} : memref<64x128xf32, #tpu.memory_space<vmem>>, vector<1x16xf32>,
        %get3A_993 = arith.constant 5 : i32
        %get3A_994 = arith.index_cast %get3A_993 : i32 to index
        %get3A_995 = arith.constant 112 : index
        %get3A_996 = tpu.vector_load %arg7[%get3A_994, %get3A_995] {strides = array<i32>} : memref<8x128xf32, #tpu.memory_space<vmem>>, vector<1x16xf32>,
        %get3A_997 = vector.shape_cast %get3A_996 : vector<1x16xf32> to vector<16xf32>
        %swap3A_998 = arith.constant 47 : i32
        %swap3A_999 = arith.index_cast %swap3A_998 : i32 to index
        %swap3A_1000 = arith.constant 0 : index
        %swap3A_1001 = tpu.vector_load %arg9[%swap3A_999, %swap3A_1000] {strides = array<i32>} : memref<64x128xf32, #tpu.memory_space<vmem>>, vector<1x16xf32>,
        %swap3A_1002 = vector.shape_cast %swap3A_1001 : vector<1x16xf32> to vector<16xf32>
        %swap3A_1003 = vector.shape_cast %get3A_997 : vector<16xf32> to vector<1x16xf32>
        tpu.vector_store %arg9[%swap3A_999, %swap3A_1000], %swap3A_1003 {strides = array<i32>} : memref<64x128xf32, #tpu.memory_space<vmem>>, vector<1x16xf32>,
        %get3A_1004 = arith.constant 6 : i32
        %get3A_1005 = arith.index_cast %get3A_1004 : i32 to index
        %get3A_1006 = arith.constant 0 : index
        %get3A_1007 = tpu.vector_load %arg7[%get3A_1005, %get3A_1006] {strides = array<i32>} : memref<8x128xf32, #tpu.memory_space<vmem>>, vector<1x16xf32>,
        %get3A_1008 = vector.shape_cast %get3A_1007 : vector<1x16xf32> to vector<16xf32>
        %swap3A_1009 = arith.constant 48 : i32
        %swap3A_1010 = arith.index_cast %swap3A_1009 : i32 to index
        %swap3A_1011 = arith.constant 0 : index
        %swap3A_1012 = tpu.vector_load %arg9[%swap3A_1010, %swap3A_1011] {strides = array<i32>} : memref<64x128xf32, #tpu.memory_space<vmem>>, vector<1x16xf32>,
        %swap3A_1013 = vector.shape_cast %swap3A_1012 : vector<1x16xf32> to vector<16xf32>
        %swap3A_1014 = vector.shape_cast %get3A_1008 : vector<16xf32> to vector<1x16xf32>
        tpu.vector_store %arg9[%swap3A_1010, %swap3A_1011], %swap3A_1014 {strides = array<i32>} : memref<64x128xf32, #tpu.memory_space<vmem>>, vector<1x16xf32>,
        %get3A_1015 = arith.constant 6 : i32
        %get3A_1016 = arith.index_cast %get3A_1015 : i32 to index
        %get3A_1017 = arith.constant 16 : index
        %get3A_1018 = tpu.vector_load %arg7[%get3A_1016, %get3A_1017] {strides = array<i32>} : memref<8x128xf32, #tpu.memory_space<vmem>>, vector<1x16xf32>,
        %get3A_1019 = vector.shape_cast %get3A_1018 : vector<1x16xf32> to vector<16xf32>
        %swap3A_1020 = arith.constant 49 : i32
        %swap3A_1021 = arith.index_cast %swap3A_1020 : i32 to index
        %swap3A_1022 = arith.constant 0 : index
        %swap3A_1023 = tpu.vector_load %arg9[%swap3A_1021, %swap3A_1022] {strides = array<i32>} : memref<64x128xf32, #tpu.memory_space<vmem>>, vector<1x16xf32>,
        %swap3A_1024 = vector.shape_cast %swap3A_1023 : vector<1x16xf32> to vector<16xf32>
        %swap3A_1025 = vector.shape_cast %get3A_1019 : vector<16xf32> to vector<1x16xf32>
        tpu.vector_store %arg9[%swap3A_1021, %swap3A_1022], %swap3A_1025 {strides = array<i32>} : memref<64x128xf32, #tpu.memory_space<vmem>>, vector<1x16xf32>,
        %get3A_1026 = arith.constant 6 : i32
        %get3A_1027 = arith.index_cast %get3A_1026 : i32 to index
        %get3A_1028 = arith.constant 32 : index
        %get3A_1029 = tpu.vector_load %arg7[%get3A_1027, %get3A_1028] {strides = array<i32>} : memref<8x128xf32, #tpu.memory_space<vmem>>, vector<1x16xf32>,
        %get3A_1030 = vector.shape_cast %get3A_1029 : vector<1x16xf32> to vector<16xf32>
        %swap3A_1031 = arith.constant 50 : i32
        %swap3A_1032 = arith.index_cast %swap3A_1031 : i32 to index
        %swap3A_1033 = arith.constant 0 : index
        %swap3A_1034 = tpu.vector_load %arg9[%swap3A_1032, %swap3A_1033] {strides = array<i32>} : memref<64x128xf32, #tpu.memory_space<vmem>>, vector<1x16xf32>,
        %swap3A_1035 = vector.shape_cast %swap3A_1034 : vector<1x16xf32> to vector<16xf32>
        %swap3A_1036 = vector.shape_cast %get3A_1030 : vector<16xf32> to vector<1x16xf32>
        tpu.vector_store %arg9[%swap3A_1032, %swap3A_1033], %swap3A_1036 {strides = array<i32>} : memref<64x128xf32, #tpu.memory_space<vmem>>, vector<1x16xf32>,
        %get3A_1037 = arith.constant 6 : i32
        %get3A_1038 = arith.index_cast %get3A_1037 : i32 to index
        %get3A_1039 = arith.constant 48 : index
        %get3A_1040 = tpu.vector_load %arg7[%get3A_1038, %get3A_1039] {strides = array<i32>} : memref<8x128xf32, #tpu.memory_space<vmem>>, vector<1x16xf32>,
        %get3A_1041 = vector.shape_cast %get3A_1040 : vector<1x16xf32> to vector<16xf32>
        %swap3A_1042 = arith.constant 51 : i32
        %swap3A_1043 = arith.index_cast %swap3A_1042 : i32 to index
        %swap3A_1044 = arith.constant 0 : index
        %swap3A_1045 = tpu.vector_load %arg9[%swap3A_1043, %swap3A_1044] {strides = array<i32>} : memref<64x128xf32, #tpu.memory_space<vmem>>, vector<1x16xf32>,
        %swap3A_1046 = vector.shape_cast %swap3A_1045 : vector<1x16xf32> to vector<16xf32>
        %swap3A_1047 = vector.shape_cast %get3A_1041 : vector<16xf32> to vector<1x16xf32>
        tpu.vector_store %arg9[%swap3A_1043, %swap3A_1044], %swap3A_1047 {strides = array<i32>} : memref<64x128xf32, #tpu.memory_space<vmem>>, vector<1x16xf32>,
        %get3A_1048 = arith.constant 6 : i32
        %get3A_1049 = arith.index_cast %get3A_1048 : i32 to index
        %get3A_1050 = arith.constant 64 : index
        %get3A_1051 = tpu.vector_load %arg7[%get3A_1049, %get3A_1050] {strides = array<i32>} : memref<8x128xf32, #tpu.memory_space<vmem>>, vector<1x16xf32>,
        %get3A_1052 = vector.shape_cast %get3A_1051 : vector<1x16xf32> to vector<16xf32>
        %swap3A_1053 = arith.constant 52 : i32
        %swap3A_1054 = arith.index_cast %swap3A_1053 : i32 to index
        %swap3A_1055 = arith.constant 0 : index
        %swap3A_1056 = tpu.vector_load %arg9[%swap3A_1054, %swap3A_1055] {strides = array<i32>} : memref<64x128xf32, #tpu.memory_space<vmem>>, vector<1x16xf32>,
        %swap3A_1057 = vector.shape_cast %swap3A_1056 : vector<1x16xf32> to vector<16xf32>
        %swap3A_1058 = vector.shape_cast %get3A_1052 : vector<16xf32> to vector<1x16xf32>
        tpu.vector_store %arg9[%swap3A_1054, %swap3A_1055], %swap3A_1058 {strides = array<i32>} : memref<64x128xf32, #tpu.memory_space<vmem>>, vector<1x16xf32>,
        %get3A_1059 = arith.constant 6 : i32
        %get3A_1060 = arith.index_cast %get3A_1059 : i32 to index
        %get3A_1061 = arith.constant 80 : index
        %get3A_1062 = tpu.vector_load %arg7[%get3A_1060, %get3A_1061] {strides = array<i32>} : memref<8x128xf32, #tpu.memory_space<vmem>>, vector<1x16xf32>,
        %get3A_1063 = vector.shape_cast %get3A_1062 : vector<1x16xf32> to vector<16xf32>
        %swap3A_1064 = arith.constant 53 : i32
        %swap3A_1065 = arith.index_cast %swap3A_1064 : i32 to index
        %swap3A_1066 = arith.constant 0 : index
        %swap3A_1067 = tpu.vector_load %arg9[%swap3A_1065, %swap3A_1066] {strides = array<i32>} : memref<64x128xf32, #tpu.memory_space<vmem>>, vector<1x16xf32>,
        %swap3A_1068 = vector.shape_cast %swap3A_1067 : vector<1x16xf32> to vector<16xf32>
        %swap3A_1069 = vector.shape_cast %get3A_1063 : vector<16xf32> to vector<1x16xf32>
        tpu.vector_store %arg9[%swap3A_1065, %swap3A_1066], %swap3A_1069 {strides = array<i32>} : memref<64x128xf32, #tpu.memory_space<vmem>>, vector<1x16xf32>,
        %get3A_1070 = arith.constant 6 : i32
        %get3A_1071 = arith.index_cast %get3A_1070 : i32 to index
        %get3A_1072 = arith.constant 96 : index
        %get3A_1073 = tpu.vector_load %arg7[%get3A_1071, %get3A_1072] {strides = array<i32>} : memref<8x128xf32, #tpu.memory_space<vmem>>, vector<1x16xf32>,
        %get3A_1074 = vector.shape_cast %get3A_1073 : vector<1x16xf32> to vector<16xf32>
        %swap3A_1075 = arith.constant 54 : i32
        %swap3A_1076 = arith.index_cast %swap3A_1075 : i32 to index
        %swap3A_1077 = arith.constant 0 : index
        %swap3A_1078 = tpu.vector_load %arg9[%swap3A_1076, %swap3A_1077] {strides = array<i32>} : memref<64x128xf32, #tpu.memory_space<vmem>>, vector<1x16xf32>,
        %swap3A_1079 = vector.shape_cast %swap3A_1078 : vector<1x16xf32> to vector<16xf32>
        %swap3A_1080 = vector.shape_cast %get3A_1074 : vector<16xf32> to vector<1x16xf32>
        tpu.vector_store %arg9[%swap3A_1076, %swap3A_1077], %swap3A_1080 {strides = array<i32>} : memref<64x128xf32, #tpu.memory_space<vmem>>, vector<1x16xf32>,
        %get3A_1081 = arith.constant 6 : i32
        %get3A_1082 = arith.index_cast %get3A_1081 : i32 to index
        %get3A_1083 = arith.constant 112 : index
        %get3A_1084 = tpu.vector_load %arg7[%get3A_1082, %get3A_1083] {strides = array<i32>} : memref<8x128xf32, #tpu.memory_space<vmem>>, vector<1x16xf32>,
        %get3A_1085 = vector.shape_cast %get3A_1084 : vector<1x16xf32> to vector<16xf32>
        %swap3A_1086 = arith.constant 55 : i32
        %swap3A_1087 = arith.index_cast %swap3A_1086 : i32 to index
        %swap3A_1088 = arith.constant 0 : index
        %swap3A_1089 = tpu.vector_load %arg9[%swap3A_1087, %swap3A_1088] {strides = array<i32>} : memref<64x128xf32, #tpu.memory_space<vmem>>, vector<1x16xf32>,
        %swap3A_1090 = vector.shape_cast %swap3A_1089 : vector<1x16xf32> to vector<16xf32>
        %swap3A_1091 = vector.shape_cast %get3A_1085 : vector<16xf32> to vector<1x16xf32>
        tpu.vector_store %arg9[%swap3A_1087, %swap3A_1088], %swap3A_1091 {strides = array<i32>} : memref<64x128xf32, #tpu.memory_space<vmem>>, vector<1x16xf32>,
        %get3A_1092 = arith.constant 7 : i32
        %get3A_1093 = arith.index_cast %get3A_1092 : i32 to index
        %get3A_1094 = arith.constant 0 : index
        %get3A_1095 = tpu.vector_load %arg7[%get3A_1093, %get3A_1094] {strides = array<i32>} : memref<8x128xf32, #tpu.memory_space<vmem>>, vector<1x16xf32>,
        %get3A_1096 = vector.shape_cast %get3A_1095 : vector<1x16xf32> to vector<16xf32>
        %swap3A_1097 = arith.constant 56 : i32
        %swap3A_1098 = arith.index_cast %swap3A_1097 : i32 to index
        %swap3A_1099 = arith.constant 0 : index
        %swap3A_1100 = tpu.vector_load %arg9[%swap3A_1098, %swap3A_1099] {strides = array<i32>} : memref<64x128xf32, #tpu.memory_space<vmem>>, vector<1x16xf32>,
        %swap3A_1101 = vector.shape_cast %swap3A_1100 : vector<1x16xf32> to vector<16xf32>
        %swap3A_1102 = vector.shape_cast %get3A_1096 : vector<16xf32> to vector<1x16xf32>
        tpu.vector_store %arg9[%swap3A_1098, %swap3A_1099], %swap3A_1102 {strides = array<i32>} : memref<64x128xf32, #tpu.memory_space<vmem>>, vector<1x16xf32>,
        %get3A_1103 = arith.constant 7 : i32
        %get3A_1104 = arith.index_cast %get3A_1103 : i32 to index
        %get3A_1105 = arith.constant 16 : index
        %get3A_1106 = tpu.vector_load %arg7[%get3A_1104, %get3A_1105] {strides = array<i32>} : memref<8x128xf32, #tpu.memory_space<vmem>>, vector<1x16xf32>,
        %get3A_1107 = vector.shape_cast %get3A_1106 : vector<1x16xf32> to vector<16xf32>
        %swap3A_1108 = arith.constant 57 : i32
        %swap3A_1109 = arith.index_cast %swap3A_1108 : i32 to index
        %swap3A_1110 = arith.constant 0 : index
        %swap3A_1111 = tpu.vector_load %arg9[%swap3A_1109, %swap3A_1110] {strides = array<i32>} : memref<64x128xf32, #tpu.memory_space<vmem>>, vector<1x16xf32>,
        %swap3A_1112 = vector.shape_cast %swap3A_1111 : vector<1x16xf32> to vector<16xf32>
        %swap3A_1113 = vector.shape_cast %get3A_1107 : vector<16xf32> to vector<1x16xf32>
        tpu.vector_store %arg9[%swap3A_1109, %swap3A_1110], %swap3A_1113 {strides = array<i32>} : memref<64x128xf32, #tpu.memory_space<vmem>>, vector<1x16xf32>,
        %get3A_1114 = arith.constant 7 : i32
        %get3A_1115 = arith.index_cast %get3A_1114 : i32 to index
        %get3A_1116 = arith.constant 32 : index
        %get3A_1117 = tpu.vector_load %arg7[%get3A_1115, %get3A_1116] {strides = array<i32>} : memref<8x128xf32, #tpu.memory_space<vmem>>, vector<1x16xf32>,
        %get3A_1118 = vector.shape_cast %get3A_1117 : vector<1x16xf32> to vector<16xf32>
        %swap3A_1119 = arith.constant 58 : i32
        %swap3A_1120 = arith.index_cast %swap3A_1119 : i32 to index
        %swap3A_1121 = arith.constant 0 : index
        %swap3A_1122 = tpu.vector_load %arg9[%swap3A_1120, %swap3A_1121] {strides = array<i32>} : memref<64x128xf32, #tpu.memory_space<vmem>>, vector<1x16xf32>,
        %swap3A_1123 = vector.shape_cast %swap3A_1122 : vector<1x16xf32> to vector<16xf32>
        %swap3A_1124 = vector.shape_cast %get3A_1118 : vector<16xf32> to vector<1x16xf32>
        tpu.vector_store %arg9[%swap3A_1120, %swap3A_1121], %swap3A_1124 {strides = array<i32>} : memref<64x128xf32, #tpu.memory_space<vmem>>, vector<1x16xf32>,
        %get3A_1125 = arith.constant 7 : i32
        %get3A_1126 = arith.index_cast %get3A_1125 : i32 to index
        %get3A_1127 = arith.constant 48 : index
        %get3A_1128 = tpu.vector_load %arg7[%get3A_1126, %get3A_1127] {strides = array<i32>} : memref<8x128xf32, #tpu.memory_space<vmem>>, vector<1x16xf32>,
        %get3A_1129 = vector.shape_cast %get3A_1128 : vector<1x16xf32> to vector<16xf32>
        %swap3A_1130 = arith.constant 59 : i32
        %swap3A_1131 = arith.index_cast %swap3A_1130 : i32 to index
        %swap3A_1132 = arith.constant 0 : index
        %swap3A_1133 = tpu.vector_load %arg9[%swap3A_1131, %swap3A_1132] {strides = array<i32>} : memref<64x128xf32, #tpu.memory_space<vmem>>, vector<1x16xf32>,
        %swap3A_1134 = vector.shape_cast %swap3A_1133 : vector<1x16xf32> to vector<16xf32>
        %swap3A_1135 = vector.shape_cast %get3A_1129 : vector<16xf32> to vector<1x16xf32>
        tpu.vector_store %arg9[%swap3A_1131, %swap3A_1132], %swap3A_1135 {strides = array<i32>} : memref<64x128xf32, #tpu.memory_space<vmem>>, vector<1x16xf32>,
        %get3A_1136 = arith.constant 7 : i32
        %get3A_1137 = arith.index_cast %get3A_1136 : i32 to index
        %get3A_1138 = arith.constant 64 : index
        %get3A_1139 = tpu.vector_load %arg7[%get3A_1137, %get3A_1138] {strides = array<i32>} : memref<8x128xf32, #tpu.memory_space<vmem>>, vector<1x16xf32>,
        %get3A_1140 = vector.shape_cast %get3A_1139 : vector<1x16xf32> to vector<16xf32>
        %swap3A_1141 = arith.constant 60 : i32
        %swap3A_1142 = arith.index_cast %swap3A_1141 : i32 to index
        %swap3A_1143 = arith.constant 0 : index
        %swap3A_1144 = tpu.vector_load %arg9[%swap3A_1142, %swap3A_1143] {strides = array<i32>} : memref<64x128xf32, #tpu.memory_space<vmem>>, vector<1x16xf32>,
        %swap3A_1145 = vector.shape_cast %swap3A_1144 : vector<1x16xf32> to vector<16xf32>
        %swap3A_1146 = vector.shape_cast %get3A_1140 : vector<16xf32> to vector<1x16xf32>
        tpu.vector_store %arg9[%swap3A_1142, %swap3A_1143], %swap3A_1146 {strides = array<i32>} : memref<64x128xf32, #tpu.memory_space<vmem>>, vector<1x16xf32>,
        %get3A_1147 = arith.constant 7 : i32
        %get3A_1148 = arith.index_cast %get3A_1147 : i32 to index
        %get3A_1149 = arith.constant 80 : index
        %get3A_1150 = tpu.vector_load %arg7[%get3A_1148, %get3A_1149] {strides = array<i32>} : memref<8x128xf32, #tpu.memory_space<vmem>>, vector<1x16xf32>,
        %get3A_1151 = vector.shape_cast %get3A_1150 : vector<1x16xf32> to vector<16xf32>
        %swap3A_1152 = arith.constant 61 : i32
        %swap3A_1153 = arith.index_cast %swap3A_1152 : i32 to index
        %swap3A_1154 = arith.constant 0 : index
        %swap3A_1155 = tpu.vector_load %arg9[%swap3A_1153, %swap3A_1154] {strides = array<i32>} : memref<64x128xf32, #tpu.memory_space<vmem>>, vector<1x16xf32>,
        %swap3A_1156 = vector.shape_cast %swap3A_1155 : vector<1x16xf32> to vector<16xf32>
        %swap3A_1157 = vector.shape_cast %get3A_1151 : vector<16xf32> to vector<1x16xf32>
        tpu.vector_store %arg9[%swap3A_1153, %swap3A_1154], %swap3A_1157 {strides = array<i32>} : memref<64x128xf32, #tpu.memory_space<vmem>>, vector<1x16xf32>,
        %get3A_1158 = arith.constant 7 : i32
        %get3A_1159 = arith.index_cast %get3A_1158 : i32 to index
        %get3A_1160 = arith.constant 96 : index
        %get3A_1161 = tpu.vector_load %arg7[%get3A_1159, %get3A_1160] {strides = array<i32>} : memref<8x128xf32, #tpu.memory_space<vmem>>, vector<1x16xf32>,
        %get3A_1162 = vector.shape_cast %get3A_1161 : vector<1x16xf32> to vector<16xf32>
        %swap3A_1163 = arith.constant 62 : i32
        %swap3A_1164 = arith.index_cast %swap3A_1163 : i32 to index
        %swap3A_1165 = arith.constant 0 : index
        %swap3A_1166 = tpu.vector_load %arg9[%swap3A_1164, %swap3A_1165] {strides = array<i32>} : memref<64x128xf32, #tpu.memory_space<vmem>>, vector<1x16xf32>,
        %swap3A_1167 = vector.shape_cast %swap3A_1166 : vector<1x16xf32> to vector<16xf32>
        %swap3A_1168 = vector.shape_cast %get3A_1162 : vector<16xf32> to vector<1x16xf32>
        tpu.vector_store %arg9[%swap3A_1164, %swap3A_1165], %swap3A_1168 {strides = array<i32>} : memref<64x128xf32, #tpu.memory_space<vmem>>, vector<1x16xf32>,
        %get3A_1169 = arith.constant 7 : i32
        %get3A_1170 = arith.index_cast %get3A_1169 : i32 to index
        %get3A_1171 = arith.constant 112 : index
        %get3A_1172 = tpu.vector_load %arg7[%get3A_1170, %get3A_1171] {strides = array<i32>} : memref<8x128xf32, #tpu.memory_space<vmem>>, vector<1x16xf32>,
        %get3A_1173 = vector.shape_cast %get3A_1172 : vector<1x16xf32> to vector<16xf32>
        %swap3A_1174 = arith.constant 63 : i32
        %swap3A_1175 = arith.index_cast %swap3A_1174 : i32 to index
        %swap3A_1176 = arith.constant 0 : index
        %swap3A_1177 = tpu.vector_load %arg9[%swap3A_1175, %swap3A_1176] {strides = array<i32>} : memref<64x128xf32, #tpu.memory_space<vmem>>, vector<1x16xf32>,
        %swap3A_1178 = vector.shape_cast %swap3A_1177 : vector<1x16xf32> to vector<16xf32>
        %swap3A_1179 = vector.shape_cast %get3A_1173 : vector<16xf32> to vector<1x16xf32>
        tpu.vector_store %arg9[%swap3A_1175, %swap3A_1176], %swap3A_1179 {strides = array<i32>} : memref<64x128xf32, #tpu.memory_space<vmem>>, vector<1x16xf32>,
        %mul3A_1180 = arith.constant 32 : i32
        %mul3A_1181 = arith.muli %mul3A_452, %mul3A_1180 : i32
        %add3A_1182 = arith.addi %add3A, %mul3A_1181 : i32
        %mul3A_1183 = arith.constant 64 : i32
        %mul3A_1184 = arith.muli %add3A_1182, %mul3A_1183 : i32
        %dma_wait3A_1185 = tpu.memref_slice %arg3[%mul3A_1184] : memref<320000xi32, #tpu.memory_space<hbm>> -> memref<64xi32, #tpu.memory_space<hbm>>
        %dma_wait3A_1186 = tpu.memref_slice %arg3[%mul3A_1184] : memref<320000xi32, #tpu.memory_space<hbm>> -> memref<64xi32, #tpu.memory_space<hbm>>
        tpu.wait_dma2 semaphore(%arg14 : memref<!tpu.dma_semaphore, #tpu.memory_space<semaphore_mem>>) src(%dma_wait3A_1186 : memref<64xi32, #tpu.memory_space<hbm>>) dst(%arg5 : memref<64xi32, #tpu.memory_space<vmem>>)
        "tpu.region"() ({
          %run_scoped3A = tpu.sem_alloc : memref<!tpu.dma_semaphore, #tpu.memory_space<semaphore_mem>>
          %dma_start3A_1197 = arith.constant 0 : i32
          %dma_start3A_1198 = arith.constant 0 : i32
          %dma_start3A_1199 = tpu.memref_slice %arg11[%dma_start3A_1197, %dma_start3A_1198] : memref<10240x128xf32, #tpu.memory_space<vmem_shared>> -> memref<10240x128xf32, #tpu.memory_space<vmem_shared>>
          tpu.enqueue_indirect_dma source(%arg9 : memref<64x128xf32, #tpu.memory_space<vmem>>) target(%dma_start3A_1199 : memref<10240x128xf32, #tpu.memory_space<vmem_shared>>) offsets(%arg5 : memref<64xi32, #tpu.memory_space<vmem>>) semaphore(%run_scoped3A : memref<!tpu.dma_semaphore, #tpu.memory_space<semaphore_mem>>) {add = true}
          %dma_wait3A_1200 = arith.constant 0 : i32
          %dma_wait3A_1201 = arith.constant 0 : i32
          %dma_wait3A_1202 = tpu.memref_slice %arg11[%dma_wait3A_1200, %dma_wait3A_1201] : memref<10240x128xf32, #tpu.memory_space<vmem_shared>> -> memref<10240x128xf32, #tpu.memory_space<vmem_shared>>
          tpu.wait_indirect_dma semaphore(%run_scoped3A : memref<!tpu.dma_semaphore, #tpu.memory_space<semaphore_mem>>) src(%arg9 : memref<64x128xf32, #tpu.memory_space<vmem>>) dst(%dma_wait3A_1202 : memref<10240x128xf32, #tpu.memory_space<vmem_shared>>)
          tpu.yield
        }) : () -> ()
        %add3A_1187 = arith.constant 2 : i32
        %add3A_1188 = arith.addi %mul3A_452, %add3A_1187 : i32
        %mul3A_1189 = arith.constant 32 : i32
        %mul3A_1190 = arith.muli %add3A_1188, %mul3A_1189 : i32
        %add3A_1191 = arith.addi %add3A, %mul3A_1190 : i32
        %lt3A_1192 = arith.constant 5000 : i32
        %lt3A_1193 = arith.cmpi slt, %add3A_1191, %lt3A_1192 : i32
        %convert_element_type3A_1194 = arith.extui %lt3A_1193 : i1 to i32
        %cond3A_1195 = arith.constant 0 : i32
        %cond3A_1196 = arith.cmpi ne, %convert_element_type3A_1194, %cond3A_1195 : i32
        scf.if %cond3A_1196 {
          %add3A_1197 = arith.constant 2 : i32
          %add3A_1198 = arith.addi %mul3A_452, %add3A_1197 : i32
          %mul3A_1199 = arith.constant 32 : i32
          %mul3A_1200 = arith.muli %add3A_1198, %mul3A_1199 : i32
          %add3A_1201 = arith.addi %add3A, %mul3A_1200 : i32
          %mul3A_1202 = arith.constant 64 : i32
          %mul3A_1203 = arith.muli %add3A_1201, %mul3A_1202 : i32
          %dma_start3A_1204 = tpu.memref_slice %arg3[%mul3A_1203] : memref<320000xi32, #tpu.memory_space<hbm>> -> memref<64xi32, #tpu.memory_space<hbm>>
          %dma_start3A_1205 = tpu.memref_slice %arg3[%mul3A_1203] : memref<320000xi32, #tpu.memory_space<hbm>> -> memref<64xi32, #tpu.memory_space<hbm>>
          tpu.enqueue_dma source(%dma_start3A_1205 : memref<64xi32, #tpu.memory_space<hbm>>) target(%arg5 : memref<64xi32, #tpu.memory_space<vmem>>) target_semaphore(%arg14 : memref<!tpu.dma_semaphore, #tpu.memory_space<semaphore_mem>>)
          %add3A_1206 = arith.constant 2 : i32
          %add3A_1207 = arith.addi %mul3A_452, %add3A_1206 : i32
          %mul3A_1208 = arith.constant 32 : i32
          %mul3A_1209 = arith.muli %add3A_1207, %mul3A_1208 : i32
          %add3A_1210 = arith.addi %add3A, %mul3A_1209 : i32
          %mul3A_1211 = arith.constant 8 : i32
          %mul3A_1212 = arith.muli %add3A_1210, %mul3A_1211 : i32
          %multiple_of3A_1213 = tpu.assume_multiple %mul3A_1212, 8 : i32
          %dma_start3A_1214 = arith.constant 0 : i32
          %dma_start3A_1215 = tpu.memref_slice %arg2[%multiple_of3A_1213, %dma_start3A_1214] : memref<40000x128xf32, #tpu.memory_space<hbm>> -> memref<8x128xf32, #tpu.memory_space<hbm>>
          %dma_start3A_1216 = arith.constant 0 : i32
          %dma_start3A_1217 = tpu.memref_slice %arg2[%multiple_of3A_1213, %dma_start3A_1216] : memref<40000x128xf32, #tpu.memory_space<hbm>> -> memref<8x128xf32, #tpu.memory_space<hbm>>
          tpu.enqueue_dma source(%dma_start3A_1217 : memref<8x128xf32, #tpu.memory_space<hbm>>) target(%arg7 : memref<8x128xf32, #tpu.memory_space<vmem>>) target_semaphore(%arg12 : memref<!tpu.dma_semaphore, #tpu.memory_space<semaphore_mem>>)
        } else {
        }
      } else {
      }
      %add3A_458 = arith.constant 1 : i32
      %add3A_459 = arith.addi %mul3A_452, %add3A_458 : i32
      %mul3A_460 = arith.constant 32 : i32
      %mul3A_461 = arith.muli %add3A_459, %mul3A_460 : i32
      %add3A_462 = arith.addi %add3A, %mul3A_461 : i32
      %lt3A_463 = arith.constant 5000 : i32
      %lt3A_464 = arith.cmpi slt, %add3A_462, %lt3A_463 : i32
      %convert_element_type3A_465 = arith.extui %lt3A_464 : i1 to i32
      %cond3A_466 = arith.constant 0 : i32
      %cond3A_467 = arith.cmpi ne, %convert_element_type3A_465, %cond3A_466 : i32
      scf.if %cond3A_467 {
        %add3A_468 = arith.constant 1 : i32
        %add3A_469 = arith.addi %mul3A_452, %add3A_468 : i32
        %mul3A_470 = arith.constant 32 : i32
        %mul3A_471 = arith.muli %add3A_469, %mul3A_470 : i32
        %add3A_472 = arith.addi %add3A, %mul3A_471 : i32
        %mul3A_473 = arith.constant 8 : i32
        %mul3A_474 = arith.muli %add3A_472, %mul3A_473 : i32
        %multiple_of3A_475 = tpu.assume_multiple %mul3A_474, 8 : i32
        %dma_wait3A = arith.constant 0 : i32
        %dma_wait3A_476 = tpu.memref_slice %arg2[%multiple_of3A_475, %dma_wait3A] : memref<40000x128xf32, #tpu.memory_space<hbm>> -> memref<8x128xf32, #tpu.memory_space<hbm>>
        %dma_wait3A_477 = arith.constant 0 : i32
        %dma_wait3A_478 = tpu.memref_slice %arg2[%multiple_of3A_475, %dma_wait3A_477] : memref<40000x128xf32, #tpu.memory_space<hbm>> -> memref<8x128xf32, #tpu.memory_space<hbm>>
        tpu.wait_dma2 semaphore(%arg13 : memref<!tpu.dma_semaphore, #tpu.memory_space<semaphore_mem>>) src(%dma_wait3A_478 : memref<8x128xf32, #tpu.memory_space<hbm>>) dst(%arg8 : memref<8x128xf32, #tpu.memory_space<vmem>>)
        %get3A = arith.constant 0 : i32
        %get3A_479 = arith.index_cast %get3A : i32 to index
        %get3A_480 = arith.constant 0 : index
        %get3A_481 = tpu.vector_load %arg8[%get3A_479, %get3A_480] {strides = array<i32>} : memref<8x128xf32, #tpu.memory_space<vmem>>, vector<1x16xf32>,
        %get3A_482 = vector.shape_cast %get3A_481 : vector<1x16xf32> to vector<16xf32>
        %swap3A_483 = arith.constant 0 : i32
        %swap3A_484 = arith.index_cast %swap3A_483 : i32 to index
        %swap3A_485 = arith.constant 0 : index
        %swap3A_486 = tpu.vector_load %arg9[%swap3A_484, %swap3A_485] {strides = array<i32>} : memref<64x128xf32, #tpu.memory_space<vmem>>, vector<1x16xf32>,
        %swap3A_487 = vector.shape_cast %swap3A_486 : vector<1x16xf32> to vector<16xf32>
        %swap3A_488 = vector.shape_cast %get3A_482 : vector<16xf32> to vector<1x16xf32>
        tpu.vector_store %arg9[%swap3A_484, %swap3A_485], %swap3A_488 {strides = array<i32>} : memref<64x128xf32, #tpu.memory_space<vmem>>, vector<1x16xf32>,
        %get3A_489 = arith.constant 0 : i32
        %get3A_490 = arith.index_cast %get3A_489 : i32 to index
        %get3A_491 = arith.constant 16 : index
        %get3A_492 = tpu.vector_load %arg8[%get3A_490, %get3A_491] {strides = array<i32>} : memref<8x128xf32, #tpu.memory_space<vmem>>, vector<1x16xf32>,
        %get3A_493 = vector.shape_cast %get3A_492 : vector<1x16xf32> to vector<16xf32>
        %swap3A_494 = arith.constant 1 : i32
        %swap3A_495 = arith.index_cast %swap3A_494 : i32 to index
        %swap3A_496 = arith.constant 0 : index
        %swap3A_497 = tpu.vector_load %arg9[%swap3A_495, %swap3A_496] {strides = array<i32>} : memref<64x128xf32, #tpu.memory_space<vmem>>, vector<1x16xf32>,
        %swap3A_498 = vector.shape_cast %swap3A_497 : vector<1x16xf32> to vector<16xf32>
        %swap3A_499 = vector.shape_cast %get3A_493 : vector<16xf32> to vector<1x16xf32>
        tpu.vector_store %arg9[%swap3A_495, %swap3A_496], %swap3A_499 {strides = array<i32>} : memref<64x128xf32, #tpu.memory_space<vmem>>, vector<1x16xf32>,
        %get3A_500 = arith.constant 0 : i32
        %get3A_501 = arith.index_cast %get3A_500 : i32 to index
        %get3A_502 = arith.constant 32 : index
        %get3A_503 = tpu.vector_load %arg8[%get3A_501, %get3A_502] {strides = array<i32>} : memref<8x128xf32, #tpu.memory_space<vmem>>, vector<1x16xf32>,
        %get3A_504 = vector.shape_cast %get3A_503 : vector<1x16xf32> to vector<16xf32>
        %swap3A_505 = arith.constant 2 : i32
        %swap3A_506 = arith.index_cast %swap3A_505 : i32 to index
        %swap3A_507 = arith.constant 0 : index
        %swap3A_508 = tpu.vector_load %arg9[%swap3A_506, %swap3A_507] {strides = array<i32>} : memref<64x128xf32, #tpu.memory_space<vmem>>, vector<1x16xf32>,
        %swap3A_509 = vector.shape_cast %swap3A_508 : vector<1x16xf32> to vector<16xf32>
        %swap3A_510 = vector.shape_cast %get3A_504 : vector<16xf32> to vector<1x16xf32>
        tpu.vector_store %arg9[%swap3A_506, %swap3A_507], %swap3A_510 {strides = array<i32>} : memref<64x128xf32, #tpu.memory_space<vmem>>, vector<1x16xf32>,
        %get3A_511 = arith.constant 0 : i32
        %get3A_512 = arith.index_cast %get3A_511 : i32 to index
        %get3A_513 = arith.constant 48 : index
        %get3A_514 = tpu.vector_load %arg8[%get3A_512, %get3A_513] {strides = array<i32>} : memref<8x128xf32, #tpu.memory_space<vmem>>, vector<1x16xf32>,
        %get3A_515 = vector.shape_cast %get3A_514 : vector<1x16xf32> to vector<16xf32>
        %swap3A_516 = arith.constant 3 : i32
        %swap3A_517 = arith.index_cast %swap3A_516 : i32 to index
        %swap3A_518 = arith.constant 0 : index
        %swap3A_519 = tpu.vector_load %arg9[%swap3A_517, %swap3A_518] {strides = array<i32>} : memref<64x128xf32, #tpu.memory_space<vmem>>, vector<1x16xf32>,
        %swap3A_520 = vector.shape_cast %swap3A_519 : vector<1x16xf32> to vector<16xf32>
        %swap3A_521 = vector.shape_cast %get3A_515 : vector<16xf32> to vector<1x16xf32>
        tpu.vector_store %arg9[%swap3A_517, %swap3A_518], %swap3A_521 {strides = array<i32>} : memref<64x128xf32, #tpu.memory_space<vmem>>, vector<1x16xf32>,
        %get3A_522 = arith.constant 0 : i32
        %get3A_523 = arith.index_cast %get3A_522 : i32 to index
        %get3A_524 = arith.constant 64 : index
        %get3A_525 = tpu.vector_load %arg8[%get3A_523, %get3A_524] {strides = array<i32>} : memref<8x128xf32, #tpu.memory_space<vmem>>, vector<1x16xf32>,
        %get3A_526 = vector.shape_cast %get3A_525 : vector<1x16xf32> to vector<16xf32>
        %swap3A_527 = arith.constant 4 : i32
        %swap3A_528 = arith.index_cast %swap3A_527 : i32 to index
        %swap3A_529 = arith.constant 0 : index
        %swap3A_530 = tpu.vector_load %arg9[%swap3A_528, %swap3A_529] {strides = array<i32>} : memref<64x128xf32, #tpu.memory_space<vmem>>, vector<1x16xf32>,
        %swap3A_531 = vector.shape_cast %swap3A_530 : vector<1x16xf32> to vector<16xf32>
        %swap3A_532 = vector.shape_cast %get3A_526 : vector<16xf32> to vector<1x16xf32>
        tpu.vector_store %arg9[%swap3A_528, %swap3A_529], %swap3A_532 {strides = array<i32>} : memref<64x128xf32, #tpu.memory_space<vmem>>, vector<1x16xf32>,
        %get3A_533 = arith.constant 0 : i32
        %get3A_534 = arith.index_cast %get3A_533 : i32 to index
        %get3A_535 = arith.constant 80 : index
        %get3A_536 = tpu.vector_load %arg8[%get3A_534, %get3A_535] {strides = array<i32>} : memref<8x128xf32, #tpu.memory_space<vmem>>, vector<1x16xf32>,
        %get3A_537 = vector.shape_cast %get3A_536 : vector<1x16xf32> to vector<16xf32>
        %swap3A_538 = arith.constant 5 : i32
        %swap3A_539 = arith.index_cast %swap3A_538 : i32 to index
        %swap3A_540 = arith.constant 0 : index
        %swap3A_541 = tpu.vector_load %arg9[%swap3A_539, %swap3A_540] {strides = array<i32>} : memref<64x128xf32, #tpu.memory_space<vmem>>, vector<1x16xf32>,
        %swap3A_542 = vector.shape_cast %swap3A_541 : vector<1x16xf32> to vector<16xf32>
        %swap3A_543 = vector.shape_cast %get3A_537 : vector<16xf32> to vector<1x16xf32>
        tpu.vector_store %arg9[%swap3A_539, %swap3A_540], %swap3A_543 {strides = array<i32>} : memref<64x128xf32, #tpu.memory_space<vmem>>, vector<1x16xf32>,
        %get3A_544 = arith.constant 0 : i32
        %get3A_545 = arith.index_cast %get3A_544 : i32 to index
        %get3A_546 = arith.constant 96 : index
        %get3A_547 = tpu.vector_load %arg8[%get3A_545, %get3A_546] {strides = array<i32>} : memref<8x128xf32, #tpu.memory_space<vmem>>, vector<1x16xf32>,
        %get3A_548 = vector.shape_cast %get3A_547 : vector<1x16xf32> to vector<16xf32>
        %swap3A_549 = arith.constant 6 : i32
        %swap3A_550 = arith.index_cast %swap3A_549 : i32 to index
        %swap3A_551 = arith.constant 0 : index
        %swap3A_552 = tpu.vector_load %arg9[%swap3A_550, %swap3A_551] {strides = array<i32>} : memref<64x128xf32, #tpu.memory_space<vmem>>, vector<1x16xf32>,
        %swap3A_553 = vector.shape_cast %swap3A_552 : vector<1x16xf32> to vector<16xf32>
        %swap3A_554 = vector.shape_cast %get3A_548 : vector<16xf32> to vector<1x16xf32>
        tpu.vector_store %arg9[%swap3A_550, %swap3A_551], %swap3A_554 {strides = array<i32>} : memref<64x128xf32, #tpu.memory_space<vmem>>, vector<1x16xf32>,
        %get3A_555 = arith.constant 0 : i32
        %get3A_556 = arith.index_cast %get3A_555 : i32 to index
        %get3A_557 = arith.constant 112 : index
        %get3A_558 = tpu.vector_load %arg8[%get3A_556, %get3A_557] {strides = array<i32>} : memref<8x128xf32, #tpu.memory_space<vmem>>, vector<1x16xf32>,
        %get3A_559 = vector.shape_cast %get3A_558 : vector<1x16xf32> to vector<16xf32>
        %swap3A_560 = arith.constant 7 : i32
        %swap3A_561 = arith.index_cast %swap3A_560 : i32 to index
        %swap3A_562 = arith.constant 0 : index
        %swap3A_563 = tpu.vector_load %arg9[%swap3A_561, %swap3A_562] {strides = array<i32>} : memref<64x128xf32, #tpu.memory_space<vmem>>, vector<1x16xf32>,
        %swap3A_564 = vector.shape_cast %swap3A_563 : vector<1x16xf32> to vector<16xf32>
        %swap3A_565 = vector.shape_cast %get3A_559 : vector<16xf32> to vector<1x16xf32>
        tpu.vector_store %arg9[%swap3A_561, %swap3A_562], %swap3A_565 {strides = array<i32>} : memref<64x128xf32, #tpu.memory_space<vmem>>, vector<1x16xf32>,
        %get3A_566 = arith.constant 1 : i32
        %get3A_567 = arith.index_cast %get3A_566 : i32 to index
        %get3A_568 = arith.constant 0 : index
        %get3A_569 = tpu.vector_load %arg8[%get3A_567, %get3A_568] {strides = array<i32>} : memref<8x128xf32, #tpu.memory_space<vmem>>, vector<1x16xf32>,
        %get3A_570 = vector.shape_cast %get3A_569 : vector<1x16xf32> to vector<16xf32>
        %swap3A_571 = arith.constant 8 : i32
        %swap3A_572 = arith.index_cast %swap3A_571 : i32 to index
        %swap3A_573 = arith.constant 0 : index
        %swap3A_574 = tpu.vector_load %arg9[%swap3A_572, %swap3A_573] {strides = array<i32>} : memref<64x128xf32, #tpu.memory_space<vmem>>, vector<1x16xf32>,
        %swap3A_575 = vector.shape_cast %swap3A_574 : vector<1x16xf32> to vector<16xf32>
        %swap3A_576 = vector.shape_cast %get3A_570 : vector<16xf32> to vector<1x16xf32>
        tpu.vector_store %arg9[%swap3A_572, %swap3A_573], %swap3A_576 {strides = array<i32>} : memref<64x128xf32, #tpu.memory_space<vmem>>, vector<1x16xf32>,
        %get3A_577 = arith.constant 1 : i32
        %get3A_578 = arith.index_cast %get3A_577 : i32 to index
        %get3A_579 = arith.constant 16 : index
        %get3A_580 = tpu.vector_load %arg8[%get3A_578, %get3A_579] {strides = array<i32>} : memref<8x128xf32, #tpu.memory_space<vmem>>, vector<1x16xf32>,
        %get3A_581 = vector.shape_cast %get3A_580 : vector<1x16xf32> to vector<16xf32>
        %swap3A_582 = arith.constant 9 : i32
        %swap3A_583 = arith.index_cast %swap3A_582 : i32 to index
        %swap3A_584 = arith.constant 0 : index
        %swap3A_585 = tpu.vector_load %arg9[%swap3A_583, %swap3A_584] {strides = array<i32>} : memref<64x128xf32, #tpu.memory_space<vmem>>, vector<1x16xf32>,
        %swap3A_586 = vector.shape_cast %swap3A_585 : vector<1x16xf32> to vector<16xf32>
        %swap3A_587 = vector.shape_cast %get3A_581 : vector<16xf32> to vector<1x16xf32>
        tpu.vector_store %arg9[%swap3A_583, %swap3A_584], %swap3A_587 {strides = array<i32>} : memref<64x128xf32, #tpu.memory_space<vmem>>, vector<1x16xf32>,
        %get3A_588 = arith.constant 1 : i32
        %get3A_589 = arith.index_cast %get3A_588 : i32 to index
        %get3A_590 = arith.constant 32 : index
        %get3A_591 = tpu.vector_load %arg8[%get3A_589, %get3A_590] {strides = array<i32>} : memref<8x128xf32, #tpu.memory_space<vmem>>, vector<1x16xf32>,
        %get3A_592 = vector.shape_cast %get3A_591 : vector<1x16xf32> to vector<16xf32>
        %swap3A_593 = arith.constant 10 : i32
        %swap3A_594 = arith.index_cast %swap3A_593 : i32 to index
        %swap3A_595 = arith.constant 0 : index
        %swap3A_596 = tpu.vector_load %arg9[%swap3A_594, %swap3A_595] {strides = array<i32>} : memref<64x128xf32, #tpu.memory_space<vmem>>, vector<1x16xf32>,
        %swap3A_597 = vector.shape_cast %swap3A_596 : vector<1x16xf32> to vector<16xf32>
        %swap3A_598 = vector.shape_cast %get3A_592 : vector<16xf32> to vector<1x16xf32>
        tpu.vector_store %arg9[%swap3A_594, %swap3A_595], %swap3A_598 {strides = array<i32>} : memref<64x128xf32, #tpu.memory_space<vmem>>, vector<1x16xf32>,
        %get3A_599 = arith.constant 1 : i32
        %get3A_600 = arith.index_cast %get3A_599 : i32 to index
        %get3A_601 = arith.constant 48 : index
        %get3A_602 = tpu.vector_load %arg8[%get3A_600, %get3A_601] {strides = array<i32>} : memref<8x128xf32, #tpu.memory_space<vmem>>, vector<1x16xf32>,
        %get3A_603 = vector.shape_cast %get3A_602 : vector<1x16xf32> to vector<16xf32>
        %swap3A_604 = arith.constant 11 : i32
        %swap3A_605 = arith.index_cast %swap3A_604 : i32 to index
        %swap3A_606 = arith.constant 0 : index
        %swap3A_607 = tpu.vector_load %arg9[%swap3A_605, %swap3A_606] {strides = array<i32>} : memref<64x128xf32, #tpu.memory_space<vmem>>, vector<1x16xf32>,
        %swap3A_608 = vector.shape_cast %swap3A_607 : vector<1x16xf32> to vector<16xf32>
        %swap3A_609 = vector.shape_cast %get3A_603 : vector<16xf32> to vector<1x16xf32>
        tpu.vector_store %arg9[%swap3A_605, %swap3A_606], %swap3A_609 {strides = array<i32>} : memref<64x128xf32, #tpu.memory_space<vmem>>, vector<1x16xf32>,
        %get3A_610 = arith.constant 1 : i32
        %get3A_611 = arith.index_cast %get3A_610 : i32 to index
        %get3A_612 = arith.constant 64 : index
        %get3A_613 = tpu.vector_load %arg8[%get3A_611, %get3A_612] {strides = array<i32>} : memref<8x128xf32, #tpu.memory_space<vmem>>, vector<1x16xf32>,
        %get3A_614 = vector.shape_cast %get3A_613 : vector<1x16xf32> to vector<16xf32>
        %swap3A_615 = arith.constant 12 : i32
        %swap3A_616 = arith.index_cast %swap3A_615 : i32 to index
        %swap3A_617 = arith.constant 0 : index
        %swap3A_618 = tpu.vector_load %arg9[%swap3A_616, %swap3A_617] {strides = array<i32>} : memref<64x128xf32, #tpu.memory_space<vmem>>, vector<1x16xf32>,
        %swap3A_619 = vector.shape_cast %swap3A_618 : vector<1x16xf32> to vector<16xf32>
        %swap3A_620 = vector.shape_cast %get3A_614 : vector<16xf32> to vector<1x16xf32>
        tpu.vector_store %arg9[%swap3A_616, %swap3A_617], %swap3A_620 {strides = array<i32>} : memref<64x128xf32, #tpu.memory_space<vmem>>, vector<1x16xf32>,
        %get3A_621 = arith.constant 1 : i32
        %get3A_622 = arith.index_cast %get3A_621 : i32 to index
        %get3A_623 = arith.constant 80 : index
        %get3A_624 = tpu.vector_load %arg8[%get3A_622, %get3A_623] {strides = array<i32>} : memref<8x128xf32, #tpu.memory_space<vmem>>, vector<1x16xf32>,
        %get3A_625 = vector.shape_cast %get3A_624 : vector<1x16xf32> to vector<16xf32>
        %swap3A_626 = arith.constant 13 : i32
        %swap3A_627 = arith.index_cast %swap3A_626 : i32 to index
        %swap3A_628 = arith.constant 0 : index
        %swap3A_629 = tpu.vector_load %arg9[%swap3A_627, %swap3A_628] {strides = array<i32>} : memref<64x128xf32, #tpu.memory_space<vmem>>, vector<1x16xf32>,
        %swap3A_630 = vector.shape_cast %swap3A_629 : vector<1x16xf32> to vector<16xf32>
        %swap3A_631 = vector.shape_cast %get3A_625 : vector<16xf32> to vector<1x16xf32>
        tpu.vector_store %arg9[%swap3A_627, %swap3A_628], %swap3A_631 {strides = array<i32>} : memref<64x128xf32, #tpu.memory_space<vmem>>, vector<1x16xf32>,
        %get3A_632 = arith.constant 1 : i32
        %get3A_633 = arith.index_cast %get3A_632 : i32 to index
        %get3A_634 = arith.constant 96 : index
        %get3A_635 = tpu.vector_load %arg8[%get3A_633, %get3A_634] {strides = array<i32>} : memref<8x128xf32, #tpu.memory_space<vmem>>, vector<1x16xf32>,
        %get3A_636 = vector.shape_cast %get3A_635 : vector<1x16xf32> to vector<16xf32>
        %swap3A_637 = arith.constant 14 : i32
        %swap3A_638 = arith.index_cast %swap3A_637 : i32 to index
        %swap3A_639 = arith.constant 0 : index
        %swap3A_640 = tpu.vector_load %arg9[%swap3A_638, %swap3A_639] {strides = array<i32>} : memref<64x128xf32, #tpu.memory_space<vmem>>, vector<1x16xf32>,
        %swap3A_641 = vector.shape_cast %swap3A_640 : vector<1x16xf32> to vector<16xf32>
        %swap3A_642 = vector.shape_cast %get3A_636 : vector<16xf32> to vector<1x16xf32>
        tpu.vector_store %arg9[%swap3A_638, %swap3A_639], %swap3A_642 {strides = array<i32>} : memref<64x128xf32, #tpu.memory_space<vmem>>, vector<1x16xf32>,
        %get3A_643 = arith.constant 1 : i32
        %get3A_644 = arith.index_cast %get3A_643 : i32 to index
        %get3A_645 = arith.constant 112 : index
        %get3A_646 = tpu.vector_load %arg8[%get3A_644, %get3A_645] {strides = array<i32>} : memref<8x128xf32, #tpu.memory_space<vmem>>, vector<1x16xf32>,
        %get3A_647 = vector.shape_cast %get3A_646 : vector<1x16xf32> to vector<16xf32>
        %swap3A_648 = arith.constant 15 : i32
        %swap3A_649 = arith.index_cast %swap3A_648 : i32 to index
        %swap3A_650 = arith.constant 0 : index
        %swap3A_651 = tpu.vector_load %arg9[%swap3A_649, %swap3A_650] {strides = array<i32>} : memref<64x128xf32, #tpu.memory_space<vmem>>, vector<1x16xf32>,
        %swap3A_652 = vector.shape_cast %swap3A_651 : vector<1x16xf32> to vector<16xf32>
        %swap3A_653 = vector.shape_cast %get3A_647 : vector<16xf32> to vector<1x16xf32>
        tpu.vector_store %arg9[%swap3A_649, %swap3A_650], %swap3A_653 {strides = array<i32>} : memref<64x128xf32, #tpu.memory_space<vmem>>, vector<1x16xf32>,
        %get3A_654 = arith.constant 2 : i32
        %get3A_655 = arith.index_cast %get3A_654 : i32 to index
        %get3A_656 = arith.constant 0 : index
        %get3A_657 = tpu.vector_load %arg8[%get3A_655, %get3A_656] {strides = array<i32>} : memref<8x128xf32, #tpu.memory_space<vmem>>, vector<1x16xf32>,
        %get3A_658 = vector.shape_cast %get3A_657 : vector<1x16xf32> to vector<16xf32>
        %swap3A_659 = arith.constant 16 : i32
        %swap3A_660 = arith.index_cast %swap3A_659 : i32 to index
        %swap3A_661 = arith.constant 0 : index
        %swap3A_662 = tpu.vector_load %arg9[%swap3A_660, %swap3A_661] {strides = array<i32>} : memref<64x128xf32, #tpu.memory_space<vmem>>, vector<1x16xf32>,
        %swap3A_663 = vector.shape_cast %swap3A_662 : vector<1x16xf32> to vector<16xf32>
        %swap3A_664 = vector.shape_cast %get3A_658 : vector<16xf32> to vector<1x16xf32>
        tpu.vector_store %arg9[%swap3A_660, %swap3A_661], %swap3A_664 {strides = array<i32>} : memref<64x128xf32, #tpu.memory_space<vmem>>, vector<1x16xf32>,
        %get3A_665 = arith.constant 2 : i32
        %get3A_666 = arith.index_cast %get3A_665 : i32 to index
        %get3A_667 = arith.constant 16 : index
        %get3A_668 = tpu.vector_load %arg8[%get3A_666, %get3A_667] {strides = array<i32>} : memref<8x128xf32, #tpu.memory_space<vmem>>, vector<1x16xf32>,
        %get3A_669 = vector.shape_cast %get3A_668 : vector<1x16xf32> to vector<16xf32>
        %swap3A_670 = arith.constant 17 : i32
        %swap3A_671 = arith.index_cast %swap3A_670 : i32 to index
        %swap3A_672 = arith.constant 0 : index
        %swap3A_673 = tpu.vector_load %arg9[%swap3A_671, %swap3A_672] {strides = array<i32>} : memref<64x128xf32, #tpu.memory_space<vmem>>, vector<1x16xf32>,
        %swap3A_674 = vector.shape_cast %swap3A_673 : vector<1x16xf32> to vector<16xf32>
        %swap3A_675 = vector.shape_cast %get3A_669 : vector<16xf32> to vector<1x16xf32>
        tpu.vector_store %arg9[%swap3A_671, %swap3A_672], %swap3A_675 {strides = array<i32>} : memref<64x128xf32, #tpu.memory_space<vmem>>, vector<1x16xf32>,
        %get3A_676 = arith.constant 2 : i32
        %get3A_677 = arith.index_cast %get3A_676 : i32 to index
        %get3A_678 = arith.constant 32 : index
        %get3A_679 = tpu.vector_load %arg8[%get3A_677, %get3A_678] {strides = array<i32>} : memref<8x128xf32, #tpu.memory_space<vmem>>, vector<1x16xf32>,
        %get3A_680 = vector.shape_cast %get3A_679 : vector<1x16xf32> to vector<16xf32>
        %swap3A_681 = arith.constant 18 : i32
        %swap3A_682 = arith.index_cast %swap3A_681 : i32 to index
        %swap3A_683 = arith.constant 0 : index
        %swap3A_684 = tpu.vector_load %arg9[%swap3A_682, %swap3A_683] {strides = array<i32>} : memref<64x128xf32, #tpu.memory_space<vmem>>, vector<1x16xf32>,
        %swap3A_685 = vector.shape_cast %swap3A_684 : vector<1x16xf32> to vector<16xf32>
        %swap3A_686 = vector.shape_cast %get3A_680 : vector<16xf32> to vector<1x16xf32>
        tpu.vector_store %arg9[%swap3A_682, %swap3A_683], %swap3A_686 {strides = array<i32>} : memref<64x128xf32, #tpu.memory_space<vmem>>, vector<1x16xf32>,
        %get3A_687 = arith.constant 2 : i32
        %get3A_688 = arith.index_cast %get3A_687 : i32 to index
        %get3A_689 = arith.constant 48 : index
        %get3A_690 = tpu.vector_load %arg8[%get3A_688, %get3A_689] {strides = array<i32>} : memref<8x128xf32, #tpu.memory_space<vmem>>, vector<1x16xf32>,
        %get3A_691 = vector.shape_cast %get3A_690 : vector<1x16xf32> to vector<16xf32>
        %swap3A_692 = arith.constant 19 : i32
        %swap3A_693 = arith.index_cast %swap3A_692 : i32 to index
        %swap3A_694 = arith.constant 0 : index
        %swap3A_695 = tpu.vector_load %arg9[%swap3A_693, %swap3A_694] {strides = array<i32>} : memref<64x128xf32, #tpu.memory_space<vmem>>, vector<1x16xf32>,
        %swap3A_696 = vector.shape_cast %swap3A_695 : vector<1x16xf32> to vector<16xf32>
        %swap3A_697 = vector.shape_cast %get3A_691 : vector<16xf32> to vector<1x16xf32>
        tpu.vector_store %arg9[%swap3A_693, %swap3A_694], %swap3A_697 {strides = array<i32>} : memref<64x128xf32, #tpu.memory_space<vmem>>, vector<1x16xf32>,
        %get3A_698 = arith.constant 2 : i32
        %get3A_699 = arith.index_cast %get3A_698 : i32 to index
        %get3A_700 = arith.constant 64 : index
        %get3A_701 = tpu.vector_load %arg8[%get3A_699, %get3A_700] {strides = array<i32>} : memref<8x128xf32, #tpu.memory_space<vmem>>, vector<1x16xf32>,
        %get3A_702 = vector.shape_cast %get3A_701 : vector<1x16xf32> to vector<16xf32>
        %swap3A_703 = arith.constant 20 : i32
        %swap3A_704 = arith.index_cast %swap3A_703 : i32 to index
        %swap3A_705 = arith.constant 0 : index
        %swap3A_706 = tpu.vector_load %arg9[%swap3A_704, %swap3A_705] {strides = array<i32>} : memref<64x128xf32, #tpu.memory_space<vmem>>, vector<1x16xf32>,
        %swap3A_707 = vector.shape_cast %swap3A_706 : vector<1x16xf32> to vector<16xf32>
        %swap3A_708 = vector.shape_cast %get3A_702 : vector<16xf32> to vector<1x16xf32>
        tpu.vector_store %arg9[%swap3A_704, %swap3A_705], %swap3A_708 {strides = array<i32>} : memref<64x128xf32, #tpu.memory_space<vmem>>, vector<1x16xf32>,
        %get3A_709 = arith.constant 2 : i32
        %get3A_710 = arith.index_cast %get3A_709 : i32 to index
        %get3A_711 = arith.constant 80 : index
        %get3A_712 = tpu.vector_load %arg8[%get3A_710, %get3A_711] {strides = array<i32>} : memref<8x128xf32, #tpu.memory_space<vmem>>, vector<1x16xf32>,
        %get3A_713 = vector.shape_cast %get3A_712 : vector<1x16xf32> to vector<16xf32>
        %swap3A_714 = arith.constant 21 : i32
        %swap3A_715 = arith.index_cast %swap3A_714 : i32 to index
        %swap3A_716 = arith.constant 0 : index
        %swap3A_717 = tpu.vector_load %arg9[%swap3A_715, %swap3A_716] {strides = array<i32>} : memref<64x128xf32, #tpu.memory_space<vmem>>, vector<1x16xf32>,
        %swap3A_718 = vector.shape_cast %swap3A_717 : vector<1x16xf32> to vector<16xf32>
        %swap3A_719 = vector.shape_cast %get3A_713 : vector<16xf32> to vector<1x16xf32>
        tpu.vector_store %arg9[%swap3A_715, %swap3A_716], %swap3A_719 {strides = array<i32>} : memref<64x128xf32, #tpu.memory_space<vmem>>, vector<1x16xf32>,
        %get3A_720 = arith.constant 2 : i32
        %get3A_721 = arith.index_cast %get3A_720 : i32 to index
        %get3A_722 = arith.constant 96 : index
        %get3A_723 = tpu.vector_load %arg8[%get3A_721, %get3A_722] {strides = array<i32>} : memref<8x128xf32, #tpu.memory_space<vmem>>, vector<1x16xf32>,
        %get3A_724 = vector.shape_cast %get3A_723 : vector<1x16xf32> to vector<16xf32>
        %swap3A_725 = arith.constant 22 : i32
        %swap3A_726 = arith.index_cast %swap3A_725 : i32 to index
        %swap3A_727 = arith.constant 0 : index
        %swap3A_728 = tpu.vector_load %arg9[%swap3A_726, %swap3A_727] {strides = array<i32>} : memref<64x128xf32, #tpu.memory_space<vmem>>, vector<1x16xf32>,
        %swap3A_729 = vector.shape_cast %swap3A_728 : vector<1x16xf32> to vector<16xf32>
        %swap3A_730 = vector.shape_cast %get3A_724 : vector<16xf32> to vector<1x16xf32>
        tpu.vector_store %arg9[%swap3A_726, %swap3A_727], %swap3A_730 {strides = array<i32>} : memref<64x128xf32, #tpu.memory_space<vmem>>, vector<1x16xf32>,
        %get3A_731 = arith.constant 2 : i32
        %get3A_732 = arith.index_cast %get3A_731 : i32 to index
        %get3A_733 = arith.constant 112 : index
        %get3A_734 = tpu.vector_load %arg8[%get3A_732, %get3A_733] {strides = array<i32>} : memref<8x128xf32, #tpu.memory_space<vmem>>, vector<1x16xf32>,
        %get3A_735 = vector.shape_cast %get3A_734 : vector<1x16xf32> to vector<16xf32>
        %swap3A_736 = arith.constant 23 : i32
        %swap3A_737 = arith.index_cast %swap3A_736 : i32 to index
        %swap3A_738 = arith.constant 0 : index
        %swap3A_739 = tpu.vector_load %arg9[%swap3A_737, %swap3A_738] {strides = array<i32>} : memref<64x128xf32, #tpu.memory_space<vmem>>, vector<1x16xf32>,
        %swap3A_740 = vector.shape_cast %swap3A_739 : vector<1x16xf32> to vector<16xf32>
        %swap3A_741 = vector.shape_cast %get3A_735 : vector<16xf32> to vector<1x16xf32>
        tpu.vector_store %arg9[%swap3A_737, %swap3A_738], %swap3A_741 {strides = array<i32>} : memref<64x128xf32, #tpu.memory_space<vmem>>, vector<1x16xf32>,
        %get3A_742 = arith.constant 3 : i32
        %get3A_743 = arith.index_cast %get3A_742 : i32 to index
        %get3A_744 = arith.constant 0 : index
        %get3A_745 = tpu.vector_load %arg8[%get3A_743, %get3A_744] {strides = array<i32>} : memref<8x128xf32, #tpu.memory_space<vmem>>, vector<1x16xf32>,
        %get3A_746 = vector.shape_cast %get3A_745 : vector<1x16xf32> to vector<16xf32>
        %swap3A_747 = arith.constant 24 : i32
        %swap3A_748 = arith.index_cast %swap3A_747 : i32 to index
        %swap3A_749 = arith.constant 0 : index
        %swap3A_750 = tpu.vector_load %arg9[%swap3A_748, %swap3A_749] {strides = array<i32>} : memref<64x128xf32, #tpu.memory_space<vmem>>, vector<1x16xf32>,
        %swap3A_751 = vector.shape_cast %swap3A_750 : vector<1x16xf32> to vector<16xf32>
        %swap3A_752 = vector.shape_cast %get3A_746 : vector<16xf32> to vector<1x16xf32>
        tpu.vector_store %arg9[%swap3A_748, %swap3A_749], %swap3A_752 {strides = array<i32>} : memref<64x128xf32, #tpu.memory_space<vmem>>, vector<1x16xf32>,
        %get3A_753 = arith.constant 3 : i32
        %get3A_754 = arith.index_cast %get3A_753 : i32 to index
        %get3A_755 = arith.constant 16 : index
        %get3A_756 = tpu.vector_load %arg8[%get3A_754, %get3A_755] {strides = array<i32>} : memref<8x128xf32, #tpu.memory_space<vmem>>, vector<1x16xf32>,
        %get3A_757 = vector.shape_cast %get3A_756 : vector<1x16xf32> to vector<16xf32>
        %swap3A_758 = arith.constant 25 : i32
        %swap3A_759 = arith.index_cast %swap3A_758 : i32 to index
        %swap3A_760 = arith.constant 0 : index
        %swap3A_761 = tpu.vector_load %arg9[%swap3A_759, %swap3A_760] {strides = array<i32>} : memref<64x128xf32, #tpu.memory_space<vmem>>, vector<1x16xf32>,
        %swap3A_762 = vector.shape_cast %swap3A_761 : vector<1x16xf32> to vector<16xf32>
        %swap3A_763 = vector.shape_cast %get3A_757 : vector<16xf32> to vector<1x16xf32>
        tpu.vector_store %arg9[%swap3A_759, %swap3A_760], %swap3A_763 {strides = array<i32>} : memref<64x128xf32, #tpu.memory_space<vmem>>, vector<1x16xf32>,
        %get3A_764 = arith.constant 3 : i32
        %get3A_765 = arith.index_cast %get3A_764 : i32 to index
        %get3A_766 = arith.constant 32 : index
        %get3A_767 = tpu.vector_load %arg8[%get3A_765, %get3A_766] {strides = array<i32>} : memref<8x128xf32, #tpu.memory_space<vmem>>, vector<1x16xf32>,
        %get3A_768 = vector.shape_cast %get3A_767 : vector<1x16xf32> to vector<16xf32>
        %swap3A_769 = arith.constant 26 : i32
        %swap3A_770 = arith.index_cast %swap3A_769 : i32 to index
        %swap3A_771 = arith.constant 0 : index
        %swap3A_772 = tpu.vector_load %arg9[%swap3A_770, %swap3A_771] {strides = array<i32>} : memref<64x128xf32, #tpu.memory_space<vmem>>, vector<1x16xf32>,
        %swap3A_773 = vector.shape_cast %swap3A_772 : vector<1x16xf32> to vector<16xf32>
        %swap3A_774 = vector.shape_cast %get3A_768 : vector<16xf32> to vector<1x16xf32>
        tpu.vector_store %arg9[%swap3A_770, %swap3A_771], %swap3A_774 {strides = array<i32>} : memref<64x128xf32, #tpu.memory_space<vmem>>, vector<1x16xf32>,
        %get3A_775 = arith.constant 3 : i32
        %get3A_776 = arith.index_cast %get3A_775 : i32 to index
        %get3A_777 = arith.constant 48 : index
        %get3A_778 = tpu.vector_load %arg8[%get3A_776, %get3A_777] {strides = array<i32>} : memref<8x128xf32, #tpu.memory_space<vmem>>, vector<1x16xf32>,
        %get3A_779 = vector.shape_cast %get3A_778 : vector<1x16xf32> to vector<16xf32>
        %swap3A_780 = arith.constant 27 : i32
        %swap3A_781 = arith.index_cast %swap3A_780 : i32 to index
        %swap3A_782 = arith.constant 0 : index
        %swap3A_783 = tpu.vector_load %arg9[%swap3A_781, %swap3A_782] {strides = array<i32>} : memref<64x128xf32, #tpu.memory_space<vmem>>, vector<1x16xf32>,
        %swap3A_784 = vector.shape_cast %swap3A_783 : vector<1x16xf32> to vector<16xf32>
        %swap3A_785 = vector.shape_cast %get3A_779 : vector<16xf32> to vector<1x16xf32>
        tpu.vector_store %arg9[%swap3A_781, %swap3A_782], %swap3A_785 {strides = array<i32>} : memref<64x128xf32, #tpu.memory_space<vmem>>, vector<1x16xf32>,
        %get3A_786 = arith.constant 3 : i32
        %get3A_787 = arith.index_cast %get3A_786 : i32 to index
        %get3A_788 = arith.constant 64 : index
        %get3A_789 = tpu.vector_load %arg8[%get3A_787, %get3A_788] {strides = array<i32>} : memref<8x128xf32, #tpu.memory_space<vmem>>, vector<1x16xf32>,
        %get3A_790 = vector.shape_cast %get3A_789 : vector<1x16xf32> to vector<16xf32>
        %swap3A_791 = arith.constant 28 : i32
        %swap3A_792 = arith.index_cast %swap3A_791 : i32 to index
        %swap3A_793 = arith.constant 0 : index
        %swap3A_794 = tpu.vector_load %arg9[%swap3A_792, %swap3A_793] {strides = array<i32>} : memref<64x128xf32, #tpu.memory_space<vmem>>, vector<1x16xf32>,
        %swap3A_795 = vector.shape_cast %swap3A_794 : vector<1x16xf32> to vector<16xf32>
        %swap3A_796 = vector.shape_cast %get3A_790 : vector<16xf32> to vector<1x16xf32>
        tpu.vector_store %arg9[%swap3A_792, %swap3A_793], %swap3A_796 {strides = array<i32>} : memref<64x128xf32, #tpu.memory_space<vmem>>, vector<1x16xf32>,
        %get3A_797 = arith.constant 3 : i32
        %get3A_798 = arith.index_cast %get3A_797 : i32 to index
        %get3A_799 = arith.constant 80 : index
        %get3A_800 = tpu.vector_load %arg8[%get3A_798, %get3A_799] {strides = array<i32>} : memref<8x128xf32, #tpu.memory_space<vmem>>, vector<1x16xf32>,
        %get3A_801 = vector.shape_cast %get3A_800 : vector<1x16xf32> to vector<16xf32>
        %swap3A_802 = arith.constant 29 : i32
        %swap3A_803 = arith.index_cast %swap3A_802 : i32 to index
        %swap3A_804 = arith.constant 0 : index
        %swap3A_805 = tpu.vector_load %arg9[%swap3A_803, %swap3A_804] {strides = array<i32>} : memref<64x128xf32, #tpu.memory_space<vmem>>, vector<1x16xf32>,
        %swap3A_806 = vector.shape_cast %swap3A_805 : vector<1x16xf32> to vector<16xf32>
        %swap3A_807 = vector.shape_cast %get3A_801 : vector<16xf32> to vector<1x16xf32>
        tpu.vector_store %arg9[%swap3A_803, %swap3A_804], %swap3A_807 {strides = array<i32>} : memref<64x128xf32, #tpu.memory_space<vmem>>, vector<1x16xf32>,
        %get3A_808 = arith.constant 3 : i32
        %get3A_809 = arith.index_cast %get3A_808 : i32 to index
        %get3A_810 = arith.constant 96 : index
        %get3A_811 = tpu.vector_load %arg8[%get3A_809, %get3A_810] {strides = array<i32>} : memref<8x128xf32, #tpu.memory_space<vmem>>, vector<1x16xf32>,
        %get3A_812 = vector.shape_cast %get3A_811 : vector<1x16xf32> to vector<16xf32>
        %swap3A_813 = arith.constant 30 : i32
        %swap3A_814 = arith.index_cast %swap3A_813 : i32 to index
        %swap3A_815 = arith.constant 0 : index
        %swap3A_816 = tpu.vector_load %arg9[%swap3A_814, %swap3A_815] {strides = array<i32>} : memref<64x128xf32, #tpu.memory_space<vmem>>, vector<1x16xf32>,
        %swap3A_817 = vector.shape_cast %swap3A_816 : vector<1x16xf32> to vector<16xf32>
        %swap3A_818 = vector.shape_cast %get3A_812 : vector<16xf32> to vector<1x16xf32>
        tpu.vector_store %arg9[%swap3A_814, %swap3A_815], %swap3A_818 {strides = array<i32>} : memref<64x128xf32, #tpu.memory_space<vmem>>, vector<1x16xf32>,
        %get3A_819 = arith.constant 3 : i32
        %get3A_820 = arith.index_cast %get3A_819 : i32 to index
        %get3A_821 = arith.constant 112 : index
        %get3A_822 = tpu.vector_load %arg8[%get3A_820, %get3A_821] {strides = array<i32>} : memref<8x128xf32, #tpu.memory_space<vmem>>, vector<1x16xf32>,
        %get3A_823 = vector.shape_cast %get3A_822 : vector<1x16xf32> to vector<16xf32>
        %swap3A_824 = arith.constant 31 : i32
        %swap3A_825 = arith.index_cast %swap3A_824 : i32 to index
        %swap3A_826 = arith.constant 0 : index
        %swap3A_827 = tpu.vector_load %arg9[%swap3A_825, %swap3A_826] {strides = array<i32>} : memref<64x128xf32, #tpu.memory_space<vmem>>, vector<1x16xf32>,
        %swap3A_828 = vector.shape_cast %swap3A_827 : vector<1x16xf32> to vector<16xf32>
        %swap3A_829 = vector.shape_cast %get3A_823 : vector<16xf32> to vector<1x16xf32>
        tpu.vector_store %arg9[%swap3A_825, %swap3A_826], %swap3A_829 {strides = array<i32>} : memref<64x128xf32, #tpu.memory_space<vmem>>, vector<1x16xf32>,
        %get3A_830 = arith.constant 4 : i32
        %get3A_831 = arith.index_cast %get3A_830 : i32 to index
        %get3A_832 = arith.constant 0 : index
        %get3A_833 = tpu.vector_load %arg8[%get3A_831, %get3A_832] {strides = array<i32>} : memref<8x128xf32, #tpu.memory_space<vmem>>, vector<1x16xf32>,
        %get3A_834 = vector.shape_cast %get3A_833 : vector<1x16xf32> to vector<16xf32>
        %swap3A_835 = arith.constant 32 : i32
        %swap3A_836 = arith.index_cast %swap3A_835 : i32 to index
        %swap3A_837 = arith.constant 0 : index
        %swap3A_838 = tpu.vector_load %arg9[%swap3A_836, %swap3A_837] {strides = array<i32>} : memref<64x128xf32, #tpu.memory_space<vmem>>, vector<1x16xf32>,
        %swap3A_839 = vector.shape_cast %swap3A_838 : vector<1x16xf32> to vector<16xf32>
        %swap3A_840 = vector.shape_cast %get3A_834 : vector<16xf32> to vector<1x16xf32>
        tpu.vector_store %arg9[%swap3A_836, %swap3A_837], %swap3A_840 {strides = array<i32>} : memref<64x128xf32, #tpu.memory_space<vmem>>, vector<1x16xf32>,
        %get3A_841 = arith.constant 4 : i32
        %get3A_842 = arith.index_cast %get3A_841 : i32 to index
        %get3A_843 = arith.constant 16 : index
        %get3A_844 = tpu.vector_load %arg8[%get3A_842, %get3A_843] {strides = array<i32>} : memref<8x128xf32, #tpu.memory_space<vmem>>, vector<1x16xf32>,
        %get3A_845 = vector.shape_cast %get3A_844 : vector<1x16xf32> to vector<16xf32>
        %swap3A_846 = arith.constant 33 : i32
        %swap3A_847 = arith.index_cast %swap3A_846 : i32 to index
        %swap3A_848 = arith.constant 0 : index
        %swap3A_849 = tpu.vector_load %arg9[%swap3A_847, %swap3A_848] {strides = array<i32>} : memref<64x128xf32, #tpu.memory_space<vmem>>, vector<1x16xf32>,
        %swap3A_850 = vector.shape_cast %swap3A_849 : vector<1x16xf32> to vector<16xf32>
        %swap3A_851 = vector.shape_cast %get3A_845 : vector<16xf32> to vector<1x16xf32>
        tpu.vector_store %arg9[%swap3A_847, %swap3A_848], %swap3A_851 {strides = array<i32>} : memref<64x128xf32, #tpu.memory_space<vmem>>, vector<1x16xf32>,
        %get3A_852 = arith.constant 4 : i32
        %get3A_853 = arith.index_cast %get3A_852 : i32 to index
        %get3A_854 = arith.constant 32 : index
        %get3A_855 = tpu.vector_load %arg8[%get3A_853, %get3A_854] {strides = array<i32>} : memref<8x128xf32, #tpu.memory_space<vmem>>, vector<1x16xf32>,
        %get3A_856 = vector.shape_cast %get3A_855 : vector<1x16xf32> to vector<16xf32>
        %swap3A_857 = arith.constant 34 : i32
        %swap3A_858 = arith.index_cast %swap3A_857 : i32 to index
        %swap3A_859 = arith.constant 0 : index
        %swap3A_860 = tpu.vector_load %arg9[%swap3A_858, %swap3A_859] {strides = array<i32>} : memref<64x128xf32, #tpu.memory_space<vmem>>, vector<1x16xf32>,
        %swap3A_861 = vector.shape_cast %swap3A_860 : vector<1x16xf32> to vector<16xf32>
        %swap3A_862 = vector.shape_cast %get3A_856 : vector<16xf32> to vector<1x16xf32>
        tpu.vector_store %arg9[%swap3A_858, %swap3A_859], %swap3A_862 {strides = array<i32>} : memref<64x128xf32, #tpu.memory_space<vmem>>, vector<1x16xf32>,
        %get3A_863 = arith.constant 4 : i32
        %get3A_864 = arith.index_cast %get3A_863 : i32 to index
        %get3A_865 = arith.constant 48 : index
        %get3A_866 = tpu.vector_load %arg8[%get3A_864, %get3A_865] {strides = array<i32>} : memref<8x128xf32, #tpu.memory_space<vmem>>, vector<1x16xf32>,
        %get3A_867 = vector.shape_cast %get3A_866 : vector<1x16xf32> to vector<16xf32>
        %swap3A_868 = arith.constant 35 : i32
        %swap3A_869 = arith.index_cast %swap3A_868 : i32 to index
        %swap3A_870 = arith.constant 0 : index
        %swap3A_871 = tpu.vector_load %arg9[%swap3A_869, %swap3A_870] {strides = array<i32>} : memref<64x128xf32, #tpu.memory_space<vmem>>, vector<1x16xf32>,
        %swap3A_872 = vector.shape_cast %swap3A_871 : vector<1x16xf32> to vector<16xf32>
        %swap3A_873 = vector.shape_cast %get3A_867 : vector<16xf32> to vector<1x16xf32>
        tpu.vector_store %arg9[%swap3A_869, %swap3A_870], %swap3A_873 {strides = array<i32>} : memref<64x128xf32, #tpu.memory_space<vmem>>, vector<1x16xf32>,
        %get3A_874 = arith.constant 4 : i32
        %get3A_875 = arith.index_cast %get3A_874 : i32 to index
        %get3A_876 = arith.constant 64 : index
        %get3A_877 = tpu.vector_load %arg8[%get3A_875, %get3A_876] {strides = array<i32>} : memref<8x128xf32, #tpu.memory_space<vmem>>, vector<1x16xf32>,
        %get3A_878 = vector.shape_cast %get3A_877 : vector<1x16xf32> to vector<16xf32>
        %swap3A_879 = arith.constant 36 : i32
        %swap3A_880 = arith.index_cast %swap3A_879 : i32 to index
        %swap3A_881 = arith.constant 0 : index
        %swap3A_882 = tpu.vector_load %arg9[%swap3A_880, %swap3A_881] {strides = array<i32>} : memref<64x128xf32, #tpu.memory_space<vmem>>, vector<1x16xf32>,
        %swap3A_883 = vector.shape_cast %swap3A_882 : vector<1x16xf32> to vector<16xf32>
        %swap3A_884 = vector.shape_cast %get3A_878 : vector<16xf32> to vector<1x16xf32>
        tpu.vector_store %arg9[%swap3A_880, %swap3A_881], %swap3A_884 {strides = array<i32>} : memref<64x128xf32, #tpu.memory_space<vmem>>, vector<1x16xf32>,
        %get3A_885 = arith.constant 4 : i32
        %get3A_886 = arith.index_cast %get3A_885 : i32 to index
        %get3A_887 = arith.constant 80 : index
        %get3A_888 = tpu.vector_load %arg8[%get3A_886, %get3A_887] {strides = array<i32>} : memref<8x128xf32, #tpu.memory_space<vmem>>, vector<1x16xf32>,
        %get3A_889 = vector.shape_cast %get3A_888 : vector<1x16xf32> to vector<16xf32>
        %swap3A_890 = arith.constant 37 : i32
        %swap3A_891 = arith.index_cast %swap3A_890 : i32 to index
        %swap3A_892 = arith.constant 0 : index
        %swap3A_893 = tpu.vector_load %arg9[%swap3A_891, %swap3A_892] {strides = array<i32>} : memref<64x128xf32, #tpu.memory_space<vmem>>, vector<1x16xf32>,
        %swap3A_894 = vector.shape_cast %swap3A_893 : vector<1x16xf32> to vector<16xf32>
        %swap3A_895 = vector.shape_cast %get3A_889 : vector<16xf32> to vector<1x16xf32>
        tpu.vector_store %arg9[%swap3A_891, %swap3A_892], %swap3A_895 {strides = array<i32>} : memref<64x128xf32, #tpu.memory_space<vmem>>, vector<1x16xf32>,
        %get3A_896 = arith.constant 4 : i32
        %get3A_897 = arith.index_cast %get3A_896 : i32 to index
        %get3A_898 = arith.constant 96 : index
        %get3A_899 = tpu.vector_load %arg8[%get3A_897, %get3A_898] {strides = array<i32>} : memref<8x128xf32, #tpu.memory_space<vmem>>, vector<1x16xf32>,
        %get3A_900 = vector.shape_cast %get3A_899 : vector<1x16xf32> to vector<16xf32>
        %swap3A_901 = arith.constant 38 : i32
        %swap3A_902 = arith.index_cast %swap3A_901 : i32 to index
        %swap3A_903 = arith.constant 0 : index
        %swap3A_904 = tpu.vector_load %arg9[%swap3A_902, %swap3A_903] {strides = array<i32>} : memref<64x128xf32, #tpu.memory_space<vmem>>, vector<1x16xf32>,
        %swap3A_905 = vector.shape_cast %swap3A_904 : vector<1x16xf32> to vector<16xf32>
        %swap3A_906 = vector.shape_cast %get3A_900 : vector<16xf32> to vector<1x16xf32>
        tpu.vector_store %arg9[%swap3A_902, %swap3A_903], %swap3A_906 {strides = array<i32>} : memref<64x128xf32, #tpu.memory_space<vmem>>, vector<1x16xf32>,
        %get3A_907 = arith.constant 4 : i32
        %get3A_908 = arith.index_cast %get3A_907 : i32 to index
        %get3A_909 = arith.constant 112 : index
        %get3A_910 = tpu.vector_load %arg8[%get3A_908, %get3A_909] {strides = array<i32>} : memref<8x128xf32, #tpu.memory_space<vmem>>, vector<1x16xf32>,
        %get3A_911 = vector.shape_cast %get3A_910 : vector<1x16xf32> to vector<16xf32>
        %swap3A_912 = arith.constant 39 : i32
        %swap3A_913 = arith.index_cast %swap3A_912 : i32 to index
        %swap3A_914 = arith.constant 0 : index
        %swap3A_915 = tpu.vector_load %arg9[%swap3A_913, %swap3A_914] {strides = array<i32>} : memref<64x128xf32, #tpu.memory_space<vmem>>, vector<1x16xf32>,
        %swap3A_916 = vector.shape_cast %swap3A_915 : vector<1x16xf32> to vector<16xf32>
        %swap3A_917 = vector.shape_cast %get3A_911 : vector<16xf32> to vector<1x16xf32>
        tpu.vector_store %arg9[%swap3A_913, %swap3A_914], %swap3A_917 {strides = array<i32>} : memref<64x128xf32, #tpu.memory_space<vmem>>, vector<1x16xf32>,
        %get3A_918 = arith.constant 5 : i32
        %get3A_919 = arith.index_cast %get3A_918 : i32 to index
        %get3A_920 = arith.constant 0 : index
        %get3A_921 = tpu.vector_load %arg8[%get3A_919, %get3A_920] {strides = array<i32>} : memref<8x128xf32, #tpu.memory_space<vmem>>, vector<1x16xf32>,
        %get3A_922 = vector.shape_cast %get3A_921 : vector<1x16xf32> to vector<16xf32>
        %swap3A_923 = arith.constant 40 : i32
        %swap3A_924 = arith.index_cast %swap3A_923 : i32 to index
        %swap3A_925 = arith.constant 0 : index
        %swap3A_926 = tpu.vector_load %arg9[%swap3A_924, %swap3A_925] {strides = array<i32>} : memref<64x128xf32, #tpu.memory_space<vmem>>, vector<1x16xf32>,
        %swap3A_927 = vector.shape_cast %swap3A_926 : vector<1x16xf32> to vector<16xf32>
        %swap3A_928 = vector.shape_cast %get3A_922 : vector<16xf32> to vector<1x16xf32>
        tpu.vector_store %arg9[%swap3A_924, %swap3A_925], %swap3A_928 {strides = array<i32>} : memref<64x128xf32, #tpu.memory_space<vmem>>, vector<1x16xf32>,
        %get3A_929 = arith.constant 5 : i32
        %get3A_930 = arith.index_cast %get3A_929 : i32 to index
        %get3A_931 = arith.constant 16 : index
        %get3A_932 = tpu.vector_load %arg8[%get3A_930, %get3A_931] {strides = array<i32>} : memref<8x128xf32, #tpu.memory_space<vmem>>, vector<1x16xf32>,
        %get3A_933 = vector.shape_cast %get3A_932 : vector<1x16xf32> to vector<16xf32>
        %swap3A_934 = arith.constant 41 : i32
        %swap3A_935 = arith.index_cast %swap3A_934 : i32 to index
        %swap3A_936 = arith.constant 0 : index
        %swap3A_937 = tpu.vector_load %arg9[%swap3A_935, %swap3A_936] {strides = array<i32>} : memref<64x128xf32, #tpu.memory_space<vmem>>, vector<1x16xf32>,
        %swap3A_938 = vector.shape_cast %swap3A_937 : vector<1x16xf32> to vector<16xf32>
        %swap3A_939 = vector.shape_cast %get3A_933 : vector<16xf32> to vector<1x16xf32>
        tpu.vector_store %arg9[%swap3A_935, %swap3A_936], %swap3A_939 {strides = array<i32>} : memref<64x128xf32, #tpu.memory_space<vmem>>, vector<1x16xf32>,
        %get3A_940 = arith.constant 5 : i32
        %get3A_941 = arith.index_cast %get3A_940 : i32 to index
        %get3A_942 = arith.constant 32 : index
        %get3A_943 = tpu.vector_load %arg8[%get3A_941, %get3A_942] {strides = array<i32>} : memref<8x128xf32, #tpu.memory_space<vmem>>, vector<1x16xf32>,
        %get3A_944 = vector.shape_cast %get3A_943 : vector<1x16xf32> to vector<16xf32>
        %swap3A_945 = arith.constant 42 : i32
        %swap3A_946 = arith.index_cast %swap3A_945 : i32 to index
        %swap3A_947 = arith.constant 0 : index
        %swap3A_948 = tpu.vector_load %arg9[%swap3A_946, %swap3A_947] {strides = array<i32>} : memref<64x128xf32, #tpu.memory_space<vmem>>, vector<1x16xf32>,
        %swap3A_949 = vector.shape_cast %swap3A_948 : vector<1x16xf32> to vector<16xf32>
        %swap3A_950 = vector.shape_cast %get3A_944 : vector<16xf32> to vector<1x16xf32>
        tpu.vector_store %arg9[%swap3A_946, %swap3A_947], %swap3A_950 {strides = array<i32>} : memref<64x128xf32, #tpu.memory_space<vmem>>, vector<1x16xf32>,
        %get3A_951 = arith.constant 5 : i32
        %get3A_952 = arith.index_cast %get3A_951 : i32 to index
        %get3A_953 = arith.constant 48 : index
        %get3A_954 = tpu.vector_load %arg8[%get3A_952, %get3A_953] {strides = array<i32>} : memref<8x128xf32, #tpu.memory_space<vmem>>, vector<1x16xf32>,
        %get3A_955 = vector.shape_cast %get3A_954 : vector<1x16xf32> to vector<16xf32>
        %swap3A_956 = arith.constant 43 : i32
        %swap3A_957 = arith.index_cast %swap3A_956 : i32 to index
        %swap3A_958 = arith.constant 0 : index
        %swap3A_959 = tpu.vector_load %arg9[%swap3A_957, %swap3A_958] {strides = array<i32>} : memref<64x128xf32, #tpu.memory_space<vmem>>, vector<1x16xf32>,
        %swap3A_960 = vector.shape_cast %swap3A_959 : vector<1x16xf32> to vector<16xf32>
        %swap3A_961 = vector.shape_cast %get3A_955 : vector<16xf32> to vector<1x16xf32>
        tpu.vector_store %arg9[%swap3A_957, %swap3A_958], %swap3A_961 {strides = array<i32>} : memref<64x128xf32, #tpu.memory_space<vmem>>, vector<1x16xf32>,
        %get3A_962 = arith.constant 5 : i32
        %get3A_963 = arith.index_cast %get3A_962 : i32 to index
        %get3A_964 = arith.constant 64 : index
        %get3A_965 = tpu.vector_load %arg8[%get3A_963, %get3A_964] {strides = array<i32>} : memref<8x128xf32, #tpu.memory_space<vmem>>, vector<1x16xf32>,
        %get3A_966 = vector.shape_cast %get3A_965 : vector<1x16xf32> to vector<16xf32>
        %swap3A_967 = arith.constant 44 : i32
        %swap3A_968 = arith.index_cast %swap3A_967 : i32 to index
        %swap3A_969 = arith.constant 0 : index
        %swap3A_970 = tpu.vector_load %arg9[%swap3A_968, %swap3A_969] {strides = array<i32>} : memref<64x128xf32, #tpu.memory_space<vmem>>, vector<1x16xf32>,
        %swap3A_971 = vector.shape_cast %swap3A_970 : vector<1x16xf32> to vector<16xf32>
        %swap3A_972 = vector.shape_cast %get3A_966 : vector<16xf32> to vector<1x16xf32>
        tpu.vector_store %arg9[%swap3A_968, %swap3A_969], %swap3A_972 {strides = array<i32>} : memref<64x128xf32, #tpu.memory_space<vmem>>, vector<1x16xf32>,
        %get3A_973 = arith.constant 5 : i32
        %get3A_974 = arith.index_cast %get3A_973 : i32 to index
        %get3A_975 = arith.constant 80 : index
        %get3A_976 = tpu.vector_load %arg8[%get3A_974, %get3A_975] {strides = array<i32>} : memref<8x128xf32, #tpu.memory_space<vmem>>, vector<1x16xf32>,
        %get3A_977 = vector.shape_cast %get3A_976 : vector<1x16xf32> to vector<16xf32>
        %swap3A_978 = arith.constant 45 : i32
        %swap3A_979 = arith.index_cast %swap3A_978 : i32 to index
        %swap3A_980 = arith.constant 0 : index
        %swap3A_981 = tpu.vector_load %arg9[%swap3A_979, %swap3A_980] {strides = array<i32>} : memref<64x128xf32, #tpu.memory_space<vmem>>, vector<1x16xf32>,
        %swap3A_982 = vector.shape_cast %swap3A_981 : vector<1x16xf32> to vector<16xf32>
        %swap3A_983 = vector.shape_cast %get3A_977 : vector<16xf32> to vector<1x16xf32>
        tpu.vector_store %arg9[%swap3A_979, %swap3A_980], %swap3A_983 {strides = array<i32>} : memref<64x128xf32, #tpu.memory_space<vmem>>, vector<1x16xf32>,
        %get3A_984 = arith.constant 5 : i32
        %get3A_985 = arith.index_cast %get3A_984 : i32 to index
        %get3A_986 = arith.constant 96 : index
        %get3A_987 = tpu.vector_load %arg8[%get3A_985, %get3A_986] {strides = array<i32>} : memref<8x128xf32, #tpu.memory_space<vmem>>, vector<1x16xf32>,
        %get3A_988 = vector.shape_cast %get3A_987 : vector<1x16xf32> to vector<16xf32>
        %swap3A_989 = arith.constant 46 : i32
        %swap3A_990 = arith.index_cast %swap3A_989 : i32 to index
        %swap3A_991 = arith.constant 0 : index
        %swap3A_992 = tpu.vector_load %arg9[%swap3A_990, %swap3A_991] {strides = array<i32>} : memref<64x128xf32, #tpu.memory_space<vmem>>, vector<1x16xf32>,
        %swap3A_993 = vector.shape_cast %swap3A_992 : vector<1x16xf32> to vector<16xf32>
        %swap3A_994 = vector.shape_cast %get3A_988 : vector<16xf32> to vector<1x16xf32>
        tpu.vector_store %arg9[%swap3A_990, %swap3A_991], %swap3A_994 {strides = array<i32>} : memref<64x128xf32, #tpu.memory_space<vmem>>, vector<1x16xf32>,
        %get3A_995 = arith.constant 5 : i32
        %get3A_996 = arith.index_cast %get3A_995 : i32 to index
        %get3A_997 = arith.constant 112 : index
        %get3A_998 = tpu.vector_load %arg8[%get3A_996, %get3A_997] {strides = array<i32>} : memref<8x128xf32, #tpu.memory_space<vmem>>, vector<1x16xf32>,
        %get3A_999 = vector.shape_cast %get3A_998 : vector<1x16xf32> to vector<16xf32>
        %swap3A_1000 = arith.constant 47 : i32
        %swap3A_1001 = arith.index_cast %swap3A_1000 : i32 to index
        %swap3A_1002 = arith.constant 0 : index
        %swap3A_1003 = tpu.vector_load %arg9[%swap3A_1001, %swap3A_1002] {strides = array<i32>} : memref<64x128xf32, #tpu.memory_space<vmem>>, vector<1x16xf32>,
        %swap3A_1004 = vector.shape_cast %swap3A_1003 : vector<1x16xf32> to vector<16xf32>
        %swap3A_1005 = vector.shape_cast %get3A_999 : vector<16xf32> to vector<1x16xf32>
        tpu.vector_store %arg9[%swap3A_1001, %swap3A_1002], %swap3A_1005 {strides = array<i32>} : memref<64x128xf32, #tpu.memory_space<vmem>>, vector<1x16xf32>,
        %get3A_1006 = arith.constant 6 : i32
        %get3A_1007 = arith.index_cast %get3A_1006 : i32 to index
        %get3A_1008 = arith.constant 0 : index
        %get3A_1009 = tpu.vector_load %arg8[%get3A_1007, %get3A_1008] {strides = array<i32>} : memref<8x128xf32, #tpu.memory_space<vmem>>, vector<1x16xf32>,
        %get3A_1010 = vector.shape_cast %get3A_1009 : vector<1x16xf32> to vector<16xf32>
        %swap3A_1011 = arith.constant 48 : i32
        %swap3A_1012 = arith.index_cast %swap3A_1011 : i32 to index
        %swap3A_1013 = arith.constant 0 : index
        %swap3A_1014 = tpu.vector_load %arg9[%swap3A_1012, %swap3A_1013] {strides = array<i32>} : memref<64x128xf32, #tpu.memory_space<vmem>>, vector<1x16xf32>,
        %swap3A_1015 = vector.shape_cast %swap3A_1014 : vector<1x16xf32> to vector<16xf32>
        %swap3A_1016 = vector.shape_cast %get3A_1010 : vector<16xf32> to vector<1x16xf32>
        tpu.vector_store %arg9[%swap3A_1012, %swap3A_1013], %swap3A_1016 {strides = array<i32>} : memref<64x128xf32, #tpu.memory_space<vmem>>, vector<1x16xf32>,
        %get3A_1017 = arith.constant 6 : i32
        %get3A_1018 = arith.index_cast %get3A_1017 : i32 to index
        %get3A_1019 = arith.constant 16 : index
        %get3A_1020 = tpu.vector_load %arg8[%get3A_1018, %get3A_1019] {strides = array<i32>} : memref<8x128xf32, #tpu.memory_space<vmem>>, vector<1x16xf32>,
        %get3A_1021 = vector.shape_cast %get3A_1020 : vector<1x16xf32> to vector<16xf32>
        %swap3A_1022 = arith.constant 49 : i32
        %swap3A_1023 = arith.index_cast %swap3A_1022 : i32 to index
        %swap3A_1024 = arith.constant 0 : index
        %swap3A_1025 = tpu.vector_load %arg9[%swap3A_1023, %swap3A_1024] {strides = array<i32>} : memref<64x128xf32, #tpu.memory_space<vmem>>, vector<1x16xf32>,
        %swap3A_1026 = vector.shape_cast %swap3A_1025 : vector<1x16xf32> to vector<16xf32>
        %swap3A_1027 = vector.shape_cast %get3A_1021 : vector<16xf32> to vector<1x16xf32>
        tpu.vector_store %arg9[%swap3A_1023, %swap3A_1024], %swap3A_1027 {strides = array<i32>} : memref<64x128xf32, #tpu.memory_space<vmem>>, vector<1x16xf32>,
        %get3A_1028 = arith.constant 6 : i32
        %get3A_1029 = arith.index_cast %get3A_1028 : i32 to index
        %get3A_1030 = arith.constant 32 : index
        %get3A_1031 = tpu.vector_load %arg8[%get3A_1029, %get3A_1030] {strides = array<i32>} : memref<8x128xf32, #tpu.memory_space<vmem>>, vector<1x16xf32>,
        %get3A_1032 = vector.shape_cast %get3A_1031 : vector<1x16xf32> to vector<16xf32>
        %swap3A_1033 = arith.constant 50 : i32
        %swap3A_1034 = arith.index_cast %swap3A_1033 : i32 to index
        %swap3A_1035 = arith.constant 0 : index
        %swap3A_1036 = tpu.vector_load %arg9[%swap3A_1034, %swap3A_1035] {strides = array<i32>} : memref<64x128xf32, #tpu.memory_space<vmem>>, vector<1x16xf32>,
        %swap3A_1037 = vector.shape_cast %swap3A_1036 : vector<1x16xf32> to vector<16xf32>
        %swap3A_1038 = vector.shape_cast %get3A_1032 : vector<16xf32> to vector<1x16xf32>
        tpu.vector_store %arg9[%swap3A_1034, %swap3A_1035], %swap3A_1038 {strides = array<i32>} : memref<64x128xf32, #tpu.memory_space<vmem>>, vector<1x16xf32>,
        %get3A_1039 = arith.constant 6 : i32
        %get3A_1040 = arith.index_cast %get3A_1039 : i32 to index
        %get3A_1041 = arith.constant 48 : index
        %get3A_1042 = tpu.vector_load %arg8[%get3A_1040, %get3A_1041] {strides = array<i32>} : memref<8x128xf32, #tpu.memory_space<vmem>>, vector<1x16xf32>,
        %get3A_1043 = vector.shape_cast %get3A_1042 : vector<1x16xf32> to vector<16xf32>
        %swap3A_1044 = arith.constant 51 : i32
        %swap3A_1045 = arith.index_cast %swap3A_1044 : i32 to index
        %swap3A_1046 = arith.constant 0 : index
        %swap3A_1047 = tpu.vector_load %arg9[%swap3A_1045, %swap3A_1046] {strides = array<i32>} : memref<64x128xf32, #tpu.memory_space<vmem>>, vector<1x16xf32>,
        %swap3A_1048 = vector.shape_cast %swap3A_1047 : vector<1x16xf32> to vector<16xf32>
        %swap3A_1049 = vector.shape_cast %get3A_1043 : vector<16xf32> to vector<1x16xf32>
        tpu.vector_store %arg9[%swap3A_1045, %swap3A_1046], %swap3A_1049 {strides = array<i32>} : memref<64x128xf32, #tpu.memory_space<vmem>>, vector<1x16xf32>,
        %get3A_1050 = arith.constant 6 : i32
        %get3A_1051 = arith.index_cast %get3A_1050 : i32 to index
        %get3A_1052 = arith.constant 64 : index
        %get3A_1053 = tpu.vector_load %arg8[%get3A_1051, %get3A_1052] {strides = array<i32>} : memref<8x128xf32, #tpu.memory_space<vmem>>, vector<1x16xf32>,
        %get3A_1054 = vector.shape_cast %get3A_1053 : vector<1x16xf32> to vector<16xf32>
        %swap3A_1055 = arith.constant 52 : i32
        %swap3A_1056 = arith.index_cast %swap3A_1055 : i32 to index
        %swap3A_1057 = arith.constant 0 : index
        %swap3A_1058 = tpu.vector_load %arg9[%swap3A_1056, %swap3A_1057] {strides = array<i32>} : memref<64x128xf32, #tpu.memory_space<vmem>>, vector<1x16xf32>,
        %swap3A_1059 = vector.shape_cast %swap3A_1058 : vector<1x16xf32> to vector<16xf32>
        %swap3A_1060 = vector.shape_cast %get3A_1054 : vector<16xf32> to vector<1x16xf32>
        tpu.vector_store %arg9[%swap3A_1056, %swap3A_1057], %swap3A_1060 {strides = array<i32>} : memref<64x128xf32, #tpu.memory_space<vmem>>, vector<1x16xf32>,
        %get3A_1061 = arith.constant 6 : i32
        %get3A_1062 = arith.index_cast %get3A_1061 : i32 to index
        %get3A_1063 = arith.constant 80 : index
        %get3A_1064 = tpu.vector_load %arg8[%get3A_1062, %get3A_1063] {strides = array<i32>} : memref<8x128xf32, #tpu.memory_space<vmem>>, vector<1x16xf32>,
        %get3A_1065 = vector.shape_cast %get3A_1064 : vector<1x16xf32> to vector<16xf32>
        %swap3A_1066 = arith.constant 53 : i32
        %swap3A_1067 = arith.index_cast %swap3A_1066 : i32 to index
        %swap3A_1068 = arith.constant 0 : index
        %swap3A_1069 = tpu.vector_load %arg9[%swap3A_1067, %swap3A_1068] {strides = array<i32>} : memref<64x128xf32, #tpu.memory_space<vmem>>, vector<1x16xf32>,
        %swap3A_1070 = vector.shape_cast %swap3A_1069 : vector<1x16xf32> to vector<16xf32>
        %swap3A_1071 = vector.shape_cast %get3A_1065 : vector<16xf32> to vector<1x16xf32>
        tpu.vector_store %arg9[%swap3A_1067, %swap3A_1068], %swap3A_1071 {strides = array<i32>} : memref<64x128xf32, #tpu.memory_space<vmem>>, vector<1x16xf32>,
        %get3A_1072 = arith.constant 6 : i32
        %get3A_1073 = arith.index_cast %get3A_1072 : i32 to index
        %get3A_1074 = arith.constant 96 : index
        %get3A_1075 = tpu.vector_load %arg8[%get3A_1073, %get3A_1074] {strides = array<i32>} : memref<8x128xf32, #tpu.memory_space<vmem>>, vector<1x16xf32>,
        %get3A_1076 = vector.shape_cast %get3A_1075 : vector<1x16xf32> to vector<16xf32>
        %swap3A_1077 = arith.constant 54 : i32
        %swap3A_1078 = arith.index_cast %swap3A_1077 : i32 to index
        %swap3A_1079 = arith.constant 0 : index
        %swap3A_1080 = tpu.vector_load %arg9[%swap3A_1078, %swap3A_1079] {strides = array<i32>} : memref<64x128xf32, #tpu.memory_space<vmem>>, vector<1x16xf32>,
        %swap3A_1081 = vector.shape_cast %swap3A_1080 : vector<1x16xf32> to vector<16xf32>
        %swap3A_1082 = vector.shape_cast %get3A_1076 : vector<16xf32> to vector<1x16xf32>
        tpu.vector_store %arg9[%swap3A_1078, %swap3A_1079], %swap3A_1082 {strides = array<i32>} : memref<64x128xf32, #tpu.memory_space<vmem>>, vector<1x16xf32>,
        %get3A_1083 = arith.constant 6 : i32
        %get3A_1084 = arith.index_cast %get3A_1083 : i32 to index
        %get3A_1085 = arith.constant 112 : index
        %get3A_1086 = tpu.vector_load %arg8[%get3A_1084, %get3A_1085] {strides = array<i32>} : memref<8x128xf32, #tpu.memory_space<vmem>>, vector<1x16xf32>,
        %get3A_1087 = vector.shape_cast %get3A_1086 : vector<1x16xf32> to vector<16xf32>
        %swap3A_1088 = arith.constant 55 : i32
        %swap3A_1089 = arith.index_cast %swap3A_1088 : i32 to index
        %swap3A_1090 = arith.constant 0 : index
        %swap3A_1091 = tpu.vector_load %arg9[%swap3A_1089, %swap3A_1090] {strides = array<i32>} : memref<64x128xf32, #tpu.memory_space<vmem>>, vector<1x16xf32>,
        %swap3A_1092 = vector.shape_cast %swap3A_1091 : vector<1x16xf32> to vector<16xf32>
        %swap3A_1093 = vector.shape_cast %get3A_1087 : vector<16xf32> to vector<1x16xf32>
        tpu.vector_store %arg9[%swap3A_1089, %swap3A_1090], %swap3A_1093 {strides = array<i32>} : memref<64x128xf32, #tpu.memory_space<vmem>>, vector<1x16xf32>,
        %get3A_1094 = arith.constant 7 : i32
        %get3A_1095 = arith.index_cast %get3A_1094 : i32 to index
        %get3A_1096 = arith.constant 0 : index
        %get3A_1097 = tpu.vector_load %arg8[%get3A_1095, %get3A_1096] {strides = array<i32>} : memref<8x128xf32, #tpu.memory_space<vmem>>, vector<1x16xf32>,
        %get3A_1098 = vector.shape_cast %get3A_1097 : vector<1x16xf32> to vector<16xf32>
        %swap3A_1099 = arith.constant 56 : i32
        %swap3A_1100 = arith.index_cast %swap3A_1099 : i32 to index
        %swap3A_1101 = arith.constant 0 : index
        %swap3A_1102 = tpu.vector_load %arg9[%swap3A_1100, %swap3A_1101] {strides = array<i32>} : memref<64x128xf32, #tpu.memory_space<vmem>>, vector<1x16xf32>,
        %swap3A_1103 = vector.shape_cast %swap3A_1102 : vector<1x16xf32> to vector<16xf32>
        %swap3A_1104 = vector.shape_cast %get3A_1098 : vector<16xf32> to vector<1x16xf32>
        tpu.vector_store %arg9[%swap3A_1100, %swap3A_1101], %swap3A_1104 {strides = array<i32>} : memref<64x128xf32, #tpu.memory_space<vmem>>, vector<1x16xf32>,
        %get3A_1105 = arith.constant 7 : i32
        %get3A_1106 = arith.index_cast %get3A_1105 : i32 to index
        %get3A_1107 = arith.constant 16 : index
        %get3A_1108 = tpu.vector_load %arg8[%get3A_1106, %get3A_1107] {strides = array<i32>} : memref<8x128xf32, #tpu.memory_space<vmem>>, vector<1x16xf32>,
        %get3A_1109 = vector.shape_cast %get3A_1108 : vector<1x16xf32> to vector<16xf32>
        %swap3A_1110 = arith.constant 57 : i32
        %swap3A_1111 = arith.index_cast %swap3A_1110 : i32 to index
        %swap3A_1112 = arith.constant 0 : index
        %swap3A_1113 = tpu.vector_load %arg9[%swap3A_1111, %swap3A_1112] {strides = array<i32>} : memref<64x128xf32, #tpu.memory_space<vmem>>, vector<1x16xf32>,
        %swap3A_1114 = vector.shape_cast %swap3A_1113 : vector<1x16xf32> to vector<16xf32>
        %swap3A_1115 = vector.shape_cast %get3A_1109 : vector<16xf32> to vector<1x16xf32>
        tpu.vector_store %arg9[%swap3A_1111, %swap3A_1112], %swap3A_1115 {strides = array<i32>} : memref<64x128xf32, #tpu.memory_space<vmem>>, vector<1x16xf32>,
        %get3A_1116 = arith.constant 7 : i32
        %get3A_1117 = arith.index_cast %get3A_1116 : i32 to index
        %get3A_1118 = arith.constant 32 : index
        %get3A_1119 = tpu.vector_load %arg8[%get3A_1117, %get3A_1118] {strides = array<i32>} : memref<8x128xf32, #tpu.memory_space<vmem>>, vector<1x16xf32>,
        %get3A_1120 = vector.shape_cast %get3A_1119 : vector<1x16xf32> to vector<16xf32>
        %swap3A_1121 = arith.constant 58 : i32
        %swap3A_1122 = arith.index_cast %swap3A_1121 : i32 to index
        %swap3A_1123 = arith.constant 0 : index
        %swap3A_1124 = tpu.vector_load %arg9[%swap3A_1122, %swap3A_1123] {strides = array<i32>} : memref<64x128xf32, #tpu.memory_space<vmem>>, vector<1x16xf32>,
        %swap3A_1125 = vector.shape_cast %swap3A_1124 : vector<1x16xf32> to vector<16xf32>
        %swap3A_1126 = vector.shape_cast %get3A_1120 : vector<16xf32> to vector<1x16xf32>
        tpu.vector_store %arg9[%swap3A_1122, %swap3A_1123], %swap3A_1126 {strides = array<i32>} : memref<64x128xf32, #tpu.memory_space<vmem>>, vector<1x16xf32>,
        %get3A_1127 = arith.constant 7 : i32
        %get3A_1128 = arith.index_cast %get3A_1127 : i32 to index
        %get3A_1129 = arith.constant 48 : index
        %get3A_1130 = tpu.vector_load %arg8[%get3A_1128, %get3A_1129] {strides = array<i32>} : memref<8x128xf32, #tpu.memory_space<vmem>>, vector<1x16xf32>,
        %get3A_1131 = vector.shape_cast %get3A_1130 : vector<1x16xf32> to vector<16xf32>
        %swap3A_1132 = arith.constant 59 : i32
        %swap3A_1133 = arith.index_cast %swap3A_1132 : i32 to index
        %swap3A_1134 = arith.constant 0 : index
        %swap3A_1135 = tpu.vector_load %arg9[%swap3A_1133, %swap3A_1134] {strides = array<i32>} : memref<64x128xf32, #tpu.memory_space<vmem>>, vector<1x16xf32>,
        %swap3A_1136 = vector.shape_cast %swap3A_1135 : vector<1x16xf32> to vector<16xf32>
        %swap3A_1137 = vector.shape_cast %get3A_1131 : vector<16xf32> to vector<1x16xf32>
        tpu.vector_store %arg9[%swap3A_1133, %swap3A_1134], %swap3A_1137 {strides = array<i32>} : memref<64x128xf32, #tpu.memory_space<vmem>>, vector<1x16xf32>,
        %get3A_1138 = arith.constant 7 : i32
        %get3A_1139 = arith.index_cast %get3A_1138 : i32 to index
        %get3A_1140 = arith.constant 64 : index
        %get3A_1141 = tpu.vector_load %arg8[%get3A_1139, %get3A_1140] {strides = array<i32>} : memref<8x128xf32, #tpu.memory_space<vmem>>, vector<1x16xf32>,
        %get3A_1142 = vector.shape_cast %get3A_1141 : vector<1x16xf32> to vector<16xf32>
        %swap3A_1143 = arith.constant 60 : i32
        %swap3A_1144 = arith.index_cast %swap3A_1143 : i32 to index
        %swap3A_1145 = arith.constant 0 : index
        %swap3A_1146 = tpu.vector_load %arg9[%swap3A_1144, %swap3A_1145] {strides = array<i32>} : memref<64x128xf32, #tpu.memory_space<vmem>>, vector<1x16xf32>,
        %swap3A_1147 = vector.shape_cast %swap3A_1146 : vector<1x16xf32> to vector<16xf32>
        %swap3A_1148 = vector.shape_cast %get3A_1142 : vector<16xf32> to vector<1x16xf32>
        tpu.vector_store %arg9[%swap3A_1144, %swap3A_1145], %swap3A_1148 {strides = array<i32>} : memref<64x128xf32, #tpu.memory_space<vmem>>, vector<1x16xf32>,
        %get3A_1149 = arith.constant 7 : i32
        %get3A_1150 = arith.index_cast %get3A_1149 : i32 to index
        %get3A_1151 = arith.constant 80 : index
        %get3A_1152 = tpu.vector_load %arg8[%get3A_1150, %get3A_1151] {strides = array<i32>} : memref<8x128xf32, #tpu.memory_space<vmem>>, vector<1x16xf32>,
        %get3A_1153 = vector.shape_cast %get3A_1152 : vector<1x16xf32> to vector<16xf32>
        %swap3A_1154 = arith.constant 61 : i32
        %swap3A_1155 = arith.index_cast %swap3A_1154 : i32 to index
        %swap3A_1156 = arith.constant 0 : index
        %swap3A_1157 = tpu.vector_load %arg9[%swap3A_1155, %swap3A_1156] {strides = array<i32>} : memref<64x128xf32, #tpu.memory_space<vmem>>, vector<1x16xf32>,
        %swap3A_1158 = vector.shape_cast %swap3A_1157 : vector<1x16xf32> to vector<16xf32>
        %swap3A_1159 = vector.shape_cast %get3A_1153 : vector<16xf32> to vector<1x16xf32>
        tpu.vector_store %arg9[%swap3A_1155, %swap3A_1156], %swap3A_1159 {strides = array<i32>} : memref<64x128xf32, #tpu.memory_space<vmem>>, vector<1x16xf32>,
        %get3A_1160 = arith.constant 7 : i32
        %get3A_1161 = arith.index_cast %get3A_1160 : i32 to index
        %get3A_1162 = arith.constant 96 : index
        %get3A_1163 = tpu.vector_load %arg8[%get3A_1161, %get3A_1162] {strides = array<i32>} : memref<8x128xf32, #tpu.memory_space<vmem>>, vector<1x16xf32>,
        %get3A_1164 = vector.shape_cast %get3A_1163 : vector<1x16xf32> to vector<16xf32>
        %swap3A_1165 = arith.constant 62 : i32
        %swap3A_1166 = arith.index_cast %swap3A_1165 : i32 to index
        %swap3A_1167 = arith.constant 0 : index
        %swap3A_1168 = tpu.vector_load %arg9[%swap3A_1166, %swap3A_1167] {strides = array<i32>} : memref<64x128xf32, #tpu.memory_space<vmem>>, vector<1x16xf32>,
        %swap3A_1169 = vector.shape_cast %swap3A_1168 : vector<1x16xf32> to vector<16xf32>
        %swap3A_1170 = vector.shape_cast %get3A_1164 : vector<16xf32> to vector<1x16xf32>
        tpu.vector_store %arg9[%swap3A_1166, %swap3A_1167], %swap3A_1170 {strides = array<i32>} : memref<64x128xf32, #tpu.memory_space<vmem>>, vector<1x16xf32>,
        %get3A_1171 = arith.constant 7 : i32
        %get3A_1172 = arith.index_cast %get3A_1171 : i32 to index
        %get3A_1173 = arith.constant 112 : index
        %get3A_1174 = tpu.vector_load %arg8[%get3A_1172, %get3A_1173] {strides = array<i32>} : memref<8x128xf32, #tpu.memory_space<vmem>>, vector<1x16xf32>,
        %get3A_1175 = vector.shape_cast %get3A_1174 : vector<1x16xf32> to vector<16xf32>
        %swap3A_1176 = arith.constant 63 : i32
        %swap3A_1177 = arith.index_cast %swap3A_1176 : i32 to index
        %swap3A_1178 = arith.constant 0 : index
        %swap3A_1179 = tpu.vector_load %arg9[%swap3A_1177, %swap3A_1178] {strides = array<i32>} : memref<64x128xf32, #tpu.memory_space<vmem>>, vector<1x16xf32>,
        %swap3A_1180 = vector.shape_cast %swap3A_1179 : vector<1x16xf32> to vector<16xf32>
        %swap3A_1181 = vector.shape_cast %get3A_1175 : vector<16xf32> to vector<1x16xf32>
        tpu.vector_store %arg9[%swap3A_1177, %swap3A_1178], %swap3A_1181 {strides = array<i32>} : memref<64x128xf32, #tpu.memory_space<vmem>>, vector<1x16xf32>,
        %mul3A_1182 = arith.constant 32 : i32
        %mul3A_1183 = arith.muli %add3A_469, %mul3A_1182 : i32
        %add3A_1184 = arith.addi %add3A, %mul3A_1183 : i32
        %mul3A_1185 = arith.constant 64 : i32
        %mul3A_1186 = arith.muli %add3A_1184, %mul3A_1185 : i32
        %dma_wait3A_1187 = tpu.memref_slice %arg3[%mul3A_1186] : memref<320000xi32, #tpu.memory_space<hbm>> -> memref<64xi32, #tpu.memory_space<hbm>>
        %dma_wait3A_1188 = tpu.memref_slice %arg3[%mul3A_1186] : memref<320000xi32, #tpu.memory_space<hbm>> -> memref<64xi32, #tpu.memory_space<hbm>>
        tpu.wait_dma2 semaphore(%arg15 : memref<!tpu.dma_semaphore, #tpu.memory_space<semaphore_mem>>) src(%dma_wait3A_1188 : memref<64xi32, #tpu.memory_space<hbm>>) dst(%arg6 : memref<64xi32, #tpu.memory_space<vmem>>)
        "tpu.region"() ({
          %run_scoped3A = tpu.sem_alloc : memref<!tpu.dma_semaphore, #tpu.memory_space<semaphore_mem>>
          %dma_start3A_1199 = arith.constant 0 : i32
          %dma_start3A_1200 = arith.constant 0 : i32
          %dma_start3A_1201 = tpu.memref_slice %arg11[%dma_start3A_1199, %dma_start3A_1200] : memref<10240x128xf32, #tpu.memory_space<vmem_shared>> -> memref<10240x128xf32, #tpu.memory_space<vmem_shared>>
          tpu.enqueue_indirect_dma source(%arg9 : memref<64x128xf32, #tpu.memory_space<vmem>>) target(%dma_start3A_1201 : memref<10240x128xf32, #tpu.memory_space<vmem_shared>>) offsets(%arg6 : memref<64xi32, #tpu.memory_space<vmem>>) semaphore(%run_scoped3A : memref<!tpu.dma_semaphore, #tpu.memory_space<semaphore_mem>>) {add = true}
          %dma_wait3A_1202 = arith.constant 0 : i32
          %dma_wait3A_1203 = arith.constant 0 : i32
          %dma_wait3A_1204 = tpu.memref_slice %arg11[%dma_wait3A_1202, %dma_wait3A_1203] : memref<10240x128xf32, #tpu.memory_space<vmem_shared>> -> memref<10240x128xf32, #tpu.memory_space<vmem_shared>>
          tpu.wait_indirect_dma semaphore(%run_scoped3A : memref<!tpu.dma_semaphore, #tpu.memory_space<semaphore_mem>>) src(%arg9 : memref<64x128xf32, #tpu.memory_space<vmem>>) dst(%dma_wait3A_1204 : memref<10240x128xf32, #tpu.memory_space<vmem_shared>>)
          tpu.yield
        }) : () -> ()
        %add3A_1189 = arith.constant 2 : i32
        %add3A_1190 = arith.addi %add3A_469, %add3A_1189 : i32
        %mul3A_1191 = arith.constant 32 : i32
        %mul3A_1192 = arith.muli %add3A_1190, %mul3A_1191 : i32
        %add3A_1193 = arith.addi %add3A, %mul3A_1192 : i32
        %lt3A_1194 = arith.constant 5000 : i32
        %lt3A_1195 = arith.cmpi slt, %add3A_1193, %lt3A_1194 : i32
        %convert_element_type3A_1196 = arith.extui %lt3A_1195 : i1 to i32
        %cond3A_1197 = arith.constant 0 : i32
        %cond3A_1198 = arith.cmpi ne, %convert_element_type3A_1196, %cond3A_1197 : i32
        scf.if %cond3A_1198 {
          %add3A_1199 = arith.constant 2 : i32
          %add3A_1200 = arith.addi %add3A_469, %add3A_1199 : i32
          %mul3A_1201 = arith.constant 32 : i32
          %mul3A_1202 = arith.muli %add3A_1200, %mul3A_1201 : i32
          %add3A_1203 = arith.addi %add3A, %mul3A_1202 : i32
          %mul3A_1204 = arith.constant 64 : i32
          %mul3A_1205 = arith.muli %add3A_1203, %mul3A_1204 : i32
          %dma_start3A_1206 = tpu.memref_slice %arg3[%mul3A_1205] : memref<320000xi32, #tpu.memory_space<hbm>> -> memref<64xi32, #tpu.memory_space<hbm>>
          %dma_start3A_1207 = tpu.memref_slice %arg3[%mul3A_1205] : memref<320000xi32, #tpu.memory_space<hbm>> -> memref<64xi32, #tpu.memory_space<hbm>>
          tpu.enqueue_dma source(%dma_start3A_1207 : memref<64xi32, #tpu.memory_space<hbm>>) target(%arg6 : memref<64xi32, #tpu.memory_space<vmem>>) target_semaphore(%arg15 : memref<!tpu.dma_semaphore, #tpu.memory_space<semaphore_mem>>)
          %add3A_1208 = arith.constant 2 : i32
          %add3A_1209 = arith.addi %add3A_469, %add3A_1208 : i32
          %mul3A_1210 = arith.constant 32 : i32
          %mul3A_1211 = arith.muli %add3A_1209, %mul3A_1210 : i32
          %add3A_1212 = arith.addi %add3A, %mul3A_1211 : i32
          %mul3A_1213 = arith.constant 8 : i32
          %mul3A_1214 = arith.muli %add3A_1212, %mul3A_1213 : i32
          %multiple_of3A_1215 = tpu.assume_multiple %mul3A_1214, 8 : i32
          %dma_start3A_1216 = arith.constant 0 : i32
          %dma_start3A_1217 = tpu.memref_slice %arg2[%multiple_of3A_1215, %dma_start3A_1216] : memref<40000x128xf32, #tpu.memory_space<hbm>> -> memref<8x128xf32, #tpu.memory_space<hbm>>
          %dma_start3A_1218 = arith.constant 0 : i32
          %dma_start3A_1219 = tpu.memref_slice %arg2[%multiple_of3A_1215, %dma_start3A_1218] : memref<40000x128xf32, #tpu.memory_space<hbm>> -> memref<8x128xf32, #tpu.memory_space<hbm>>
          tpu.enqueue_dma source(%dma_start3A_1219 : memref<8x128xf32, #tpu.memory_space<hbm>>) target(%arg8 : memref<8x128xf32, #tpu.memory_space<vmem>>) target_semaphore(%arg13 : memref<!tpu.dma_semaphore, #tpu.memory_space<semaphore_mem>>)
        } else {
        }
      } else {
      }
    }
    %scan3A_442 = arith.constant 79 : i32
    %barrier3A_443 = arith.constant 0 : index
    tpu.barrier barrier_id(%barrier3A_443)
    %scan3A_444 = arith.constant 0 : i32
    %scan3A_445 = arith.constant 0 : i32
    %scan3A_446 = arith.constant 20 : i32
    %scan3A_447 = arith.addi %scan3A_445, %scan3A_446 : i32
    %scan3A_448 = arith.constant 1 : i32
    scf.for %scan3A_450 = %scan3A_445 to %scan3A_447 step %scan3A_448  : i32 {
      %mul3A_451 = arith.constant 640 : i32
      %mul3A_452 = arith.muli %arg1, %mul3A_451 : i32
      %mul3A_453 = arith.constant 32 : i32
      %mul3A_454 = arith.muli %scan3A_450, %mul3A_453 : i32
      %add3A_455 = arith.addi %mul3A_452, %mul3A_454 : i32
      "tpu.region"() ({
        %run_scoped3A = tpu.sem_alloc : memref<!tpu.dma_semaphore, #tpu.memory_space<semaphore_mem>>
        %dma_start3A_456 = arith.constant 0 : i32
        %dma_start3A_457 = tpu.memref_slice %arg11[%add3A_455, %dma_start3A_456] : memref<10240x128xf32, #tpu.memory_space<vmem_shared>> -> memref<32x128xf32, #tpu.memory_space<vmem_shared>>
        %dma_start3A_458 = arith.constant 0 : i32
        %dma_start3A_459 = tpu.memref_slice %arg11[%add3A_455, %dma_start3A_458] : memref<10240x128xf32, #tpu.memory_space<vmem_shared>> -> memref<32x128xf32, #tpu.memory_space<vmem_shared>>
        tpu.enqueue_dma source(%dma_start3A_459 : memref<32x128xf32, #tpu.memory_space<vmem_shared>>) target(%arg10 : memref<32x128xf32, #tpu.memory_space<vmem>>) target_semaphore(%run_scoped3A : memref<!tpu.dma_semaphore, #tpu.memory_space<semaphore_mem>>)
        %dma_wait3A = arith.constant 0 : i32
        %dma_wait3A_460 = tpu.memref_slice %arg11[%add3A_455, %dma_wait3A] : memref<10240x128xf32, #tpu.memory_space<vmem_shared>> -> memref<32x128xf32, #tpu.memory_space<vmem_shared>>
        %dma_wait3A_461 = arith.constant 0 : i32
        %dma_wait3A_462 = tpu.memref_slice %arg11[%add3A_455, %dma_wait3A_461] : memref<10240x128xf32, #tpu.memory_space<vmem_shared>> -> memref<32x128xf32, #tpu.memory_space<vmem_shared>>
        tpu.wait_dma2 semaphore(%run_scoped3A : memref<!tpu.dma_semaphore, #tpu.memory_space<semaphore_mem>>) src(%dma_wait3A_462 : memref<32x128xf32, #tpu.memory_space<vmem_shared>>) dst(%arg10 : memref<32x128xf32, #tpu.memory_space<vmem>>)
        tpu.yield
      }) : () -> ()
      "tpu.region"() ({
        %run_scoped3A = tpu.sem_alloc : memref<!tpu.dma_semaphore, #tpu.memory_space<semaphore_mem>>
        %dma_start3A_456 = arith.constant 0 : i32
        %dma_start3A_457 = tpu.memref_slice %arg4[%arg0, %add3A_455, %dma_start3A_456] : memref<2x10240x128xf32, #tpu.memory_space<hbm>> -> memref<1x32x128xf32, #tpu.memory_space<hbm>>
        %dma_start3A_458 = tpu.memref_squeeze %dma_start3A_457 : memref<1x32x128xf32, #tpu.memory_space<hbm>> -> memref<32x128xf32, #tpu.memory_space<hbm>>
        %dma_start3A_459 = arith.constant 0 : i32
        %dma_start3A_460 = tpu.memref_slice %arg4[%arg0, %add3A_455, %dma_start3A_459] : memref<2x10240x128xf32, #tpu.memory_space<hbm>> -> memref<1x32x128xf32, #tpu.memory_space<hbm>>
        %dma_start3A_461 = tpu.memref_squeeze %dma_start3A_460 : memref<1x32x128xf32, #tpu.memory_space<hbm>> -> memref<32x128xf32, #tpu.memory_space<hbm>>
        tpu.enqueue_dma source(%arg10 : memref<32x128xf32, #tpu.memory_space<vmem>>) target(%dma_start3A_461 : memref<32x128xf32, #tpu.memory_space<hbm>>) target_semaphore(%run_scoped3A : memref<!tpu.dma_semaphore, #tpu.memory_space<semaphore_mem>>)
        %dma_wait3A = arith.constant 0 : i32
        %dma_wait3A_462 = tpu.memref_slice %arg4[%arg0, %add3A_455, %dma_wait3A] : memref<2x10240x128xf32, #tpu.memory_space<hbm>> -> memref<1x32x128xf32, #tpu.memory_space<hbm>>
        %dma_wait3A_463 = tpu.memref_squeeze %dma_wait3A_462 : memref<1x32x128xf32, #tpu.memory_space<hbm>> -> memref<32x128xf32, #tpu.memory_space<hbm>>
        %dma_wait3A_464 = arith.constant 0 : i32
        %dma_wait3A_465 = tpu.memref_slice %arg4[%arg0, %add3A_455, %dma_wait3A_464] : memref<2x10240x128xf32, #tpu.memory_space<hbm>> -> memref<1x32x128xf32, #tpu.memory_space<hbm>>
        %dma_wait3A_466 = tpu.memref_squeeze %dma_wait3A_465 : memref<1x32x128xf32, #tpu.memory_space<hbm>> -> memref<32x128xf32, #tpu.memory_space<hbm>>
        tpu.wait_dma2 semaphore(%run_scoped3A : memref<!tpu.dma_semaphore, #tpu.memory_space<semaphore_mem>>) src(%arg10 : memref<32x128xf32, #tpu.memory_space<vmem>>) dst(%dma_wait3A_466 : memref<32x128xf32, #tpu.memory_space<hbm>>)
        tpu.yield
      }) : () -> ()
    }
    %scan3A_449 = arith.constant 20 : i32
    return
  }
}

#map = affine_map<(d0, d1) -> (0, 0)>
#map1 = affine_map<(d0, d1) -> (0)>
#map2 = affine_map<(d0, d1) -> (0, 0, 0)>
module attributes {stable_mosaic.version = 14 : i64} {
  func.func @k(%arg0: i32, %arg1: i32, %arg2: memref<10000x128xf32, #tpu.memory_space<hbm>>, %arg3: memref<320000xi32, #tpu.memory_space<hbm>>, %arg4: memref<320000xi32, #tpu.memory_space<hbm>>, %arg5: memref<2x10240x128xf32, #tpu.memory_space<hbm>>, %arg6: memref<80xi32, #tpu.memory_space<vmem>>, %arg7: memref<80xi32, #tpu.memory_space<vmem>>, %arg8: memref<80xi32, #tpu.memory_space<vmem>>, %arg9: memref<80xi32, #tpu.memory_space<vmem>>, %arg10: memref<80xi32, #tpu.memory_space<vmem>>, %arg11: memref<80xi32, #tpu.memory_space<vmem>>, %arg12: memref<80xi32, #tpu.memory_space<vmem>>, %arg13: memref<80xi32, #tpu.memory_space<vmem>>, %arg14: memref<80x128xf32, #tpu.memory_space<vmem>>, %arg15: memref<80x128xf32, #tpu.memory_space<vmem>>, %arg16: memref<80x128xf32, #tpu.memory_space<vmem>>, %arg17: memref<80x128xf32, #tpu.memory_space<vmem>>, %arg18: memref<32x128xf32, #tpu.memory_space<vmem>>, %arg19: memref<10240x128xf32, #tpu.memory_space<vmem_shared>>, %arg20: memref<!tpu.dma_semaphore, #tpu.memory_space<semaphore_mem>>, %arg21: memref<!tpu.dma_semaphore, #tpu.memory_space<semaphore_mem>>, %arg22: memref<!tpu.dma_semaphore, #tpu.memory_space<semaphore_mem>>, %arg23: memref<!tpu.dma_semaphore, #tpu.memory_space<semaphore_mem>>, %arg24: memref<!tpu.dma_semaphore, #tpu.memory_space<semaphore_mem>>, %arg25: memref<!tpu.dma_semaphore, #tpu.memory_space<semaphore_mem>>, %arg26: memref<!tpu.dma_semaphore, #tpu.memory_space<semaphore_mem>>, %arg27: memref<!tpu.dma_semaphore, #tpu.memory_space<semaphore_mem>>, %arg28: memref<!tpu.dma_semaphore, #tpu.memory_space<semaphore_mem>>, %arg29: memref<!tpu.dma_semaphore, #tpu.memory_space<semaphore_mem>>, %arg30: memref<!tpu.dma_semaphore, #tpu.memory_space<semaphore_mem>>, %arg31: memref<!tpu.dma_semaphore, #tpu.memory_space<semaphore_mem>>) attributes {dimension_semantics = [#tpu.dimension_semantics<core_parallel>, #tpu.dimension_semantics<subcore_parallel>], iteration_bounds = array<i64: 2, 16>, scalar_prefetch = 0 : i64, scratch_operands = 26 : i64, tpu.core_type = #tpu.core_type<sc_vector_subcore>, window_params = [{transform_indices = #map}, {transform_indices = #map1}, {transform_indices = #map1}, {transform_indices = #map2}]} {
    %mul3A = arith.constant 2 : i32
    %mul3A_0 = arith.muli %arg1, %mul3A : i32
    %add3A = arith.addi %mul3A_0, %arg0 : i32
    %mul3A_1 = arith.constant 10000 : i32
    %mul3A_2 = arith.muli %add3A, %mul3A_1 : i32
    %add3A_3 = arith.constant 0 : i32
    %add3A_4 = arith.addi %mul3A_2, %add3A_3 : i32
    %dma_start3A = tpu.memref_slice %arg3[%add3A_4] : memref<320000xi32, #tpu.memory_space<hbm>> -> memref<80xi32, #tpu.memory_space<hbm>>
    %dma_start3A_5 = tpu.memref_slice %arg3[%add3A_4] : memref<320000xi32, #tpu.memory_space<hbm>> -> memref<80xi32, #tpu.memory_space<hbm>>
    tpu.enqueue_dma source(%dma_start3A_5 : memref<80xi32, #tpu.memory_space<hbm>>) target(%arg6 : memref<80xi32, #tpu.memory_space<vmem>>) target_semaphore(%arg24 : memref<!tpu.dma_semaphore, #tpu.memory_space<semaphore_mem>>)
    %mul3A_6 = arith.constant 10000 : i32
    %mul3A_7 = arith.muli %add3A, %mul3A_6 : i32
    %add3A_8 = arith.constant 0 : i32
    %add3A_9 = arith.addi %mul3A_7, %add3A_8 : i32
    %dma_start3A_10 = tpu.memref_slice %arg4[%add3A_9] : memref<320000xi32, #tpu.memory_space<hbm>> -> memref<80xi32, #tpu.memory_space<hbm>>
    %dma_start3A_11 = tpu.memref_slice %arg4[%add3A_9] : memref<320000xi32, #tpu.memory_space<hbm>> -> memref<80xi32, #tpu.memory_space<hbm>>
    tpu.enqueue_dma source(%dma_start3A_11 : memref<80xi32, #tpu.memory_space<hbm>>) target(%arg10 : memref<80xi32, #tpu.memory_space<vmem>>) target_semaphore(%arg28 : memref<!tpu.dma_semaphore, #tpu.memory_space<semaphore_mem>>)
    %mul3A_12 = arith.constant 10000 : i32
    %mul3A_13 = arith.muli %add3A, %mul3A_12 : i32
    %add3A_14 = arith.constant 80 : i32
    %add3A_15 = arith.addi %mul3A_13, %add3A_14 : i32
    %dma_start3A_16 = tpu.memref_slice %arg3[%add3A_15] : memref<320000xi32, #tpu.memory_space<hbm>> -> memref<80xi32, #tpu.memory_space<hbm>>
    %dma_start3A_17 = tpu.memref_slice %arg3[%add3A_15] : memref<320000xi32, #tpu.memory_space<hbm>> -> memref<80xi32, #tpu.memory_space<hbm>>
    tpu.enqueue_dma source(%dma_start3A_17 : memref<80xi32, #tpu.memory_space<hbm>>) target(%arg7 : memref<80xi32, #tpu.memory_space<vmem>>) target_semaphore(%arg25 : memref<!tpu.dma_semaphore, #tpu.memory_space<semaphore_mem>>)
    %mul3A_18 = arith.constant 10000 : i32
    %mul3A_19 = arith.muli %add3A, %mul3A_18 : i32
    %add3A_20 = arith.constant 80 : i32
    %add3A_21 = arith.addi %mul3A_19, %add3A_20 : i32
    %dma_start3A_22 = tpu.memref_slice %arg4[%add3A_21] : memref<320000xi32, #tpu.memory_space<hbm>> -> memref<80xi32, #tpu.memory_space<hbm>>
    %dma_start3A_23 = tpu.memref_slice %arg4[%add3A_21] : memref<320000xi32, #tpu.memory_space<hbm>> -> memref<80xi32, #tpu.memory_space<hbm>>
    tpu.enqueue_dma source(%dma_start3A_23 : memref<80xi32, #tpu.memory_space<hbm>>) target(%arg11 : memref<80xi32, #tpu.memory_space<vmem>>) target_semaphore(%arg29 : memref<!tpu.dma_semaphore, #tpu.memory_space<semaphore_mem>>)
    %mul3A_24 = arith.constant 10000 : i32
    %mul3A_25 = arith.muli %add3A, %mul3A_24 : i32
    %add3A_26 = arith.constant 160 : i32
    %add3A_27 = arith.addi %mul3A_25, %add3A_26 : i32
    %dma_start3A_28 = tpu.memref_slice %arg3[%add3A_27] : memref<320000xi32, #tpu.memory_space<hbm>> -> memref<80xi32, #tpu.memory_space<hbm>>
    %dma_start3A_29 = tpu.memref_slice %arg3[%add3A_27] : memref<320000xi32, #tpu.memory_space<hbm>> -> memref<80xi32, #tpu.memory_space<hbm>>
    tpu.enqueue_dma source(%dma_start3A_29 : memref<80xi32, #tpu.memory_space<hbm>>) target(%arg8 : memref<80xi32, #tpu.memory_space<vmem>>) target_semaphore(%arg26 : memref<!tpu.dma_semaphore, #tpu.memory_space<semaphore_mem>>)
    %mul3A_30 = arith.constant 10000 : i32
    %mul3A_31 = arith.muli %add3A, %mul3A_30 : i32
    %add3A_32 = arith.constant 160 : i32
    %add3A_33 = arith.addi %mul3A_31, %add3A_32 : i32
    %dma_start3A_34 = tpu.memref_slice %arg4[%add3A_33] : memref<320000xi32, #tpu.memory_space<hbm>> -> memref<80xi32, #tpu.memory_space<hbm>>
    %dma_start3A_35 = tpu.memref_slice %arg4[%add3A_33] : memref<320000xi32, #tpu.memory_space<hbm>> -> memref<80xi32, #tpu.memory_space<hbm>>
    tpu.enqueue_dma source(%dma_start3A_35 : memref<80xi32, #tpu.memory_space<hbm>>) target(%arg12 : memref<80xi32, #tpu.memory_space<vmem>>) target_semaphore(%arg30 : memref<!tpu.dma_semaphore, #tpu.memory_space<semaphore_mem>>)
    %mul3A_36 = arith.constant 10000 : i32
    %mul3A_37 = arith.muli %add3A, %mul3A_36 : i32
    %add3A_38 = arith.constant 240 : i32
    %add3A_39 = arith.addi %mul3A_37, %add3A_38 : i32
    %dma_start3A_40 = tpu.memref_slice %arg3[%add3A_39] : memref<320000xi32, #tpu.memory_space<hbm>> -> memref<80xi32, #tpu.memory_space<hbm>>
    %dma_start3A_41 = tpu.memref_slice %arg3[%add3A_39] : memref<320000xi32, #tpu.memory_space<hbm>> -> memref<80xi32, #tpu.memory_space<hbm>>
    tpu.enqueue_dma source(%dma_start3A_41 : memref<80xi32, #tpu.memory_space<hbm>>) target(%arg9 : memref<80xi32, #tpu.memory_space<vmem>>) target_semaphore(%arg27 : memref<!tpu.dma_semaphore, #tpu.memory_space<semaphore_mem>>)
    %mul3A_42 = arith.constant 10000 : i32
    %mul3A_43 = arith.muli %add3A, %mul3A_42 : i32
    %add3A_44 = arith.constant 240 : i32
    %add3A_45 = arith.addi %mul3A_43, %add3A_44 : i32
    %dma_start3A_46 = tpu.memref_slice %arg4[%add3A_45] : memref<320000xi32, #tpu.memory_space<hbm>> -> memref<80xi32, #tpu.memory_space<hbm>>
    %dma_start3A_47 = tpu.memref_slice %arg4[%add3A_45] : memref<320000xi32, #tpu.memory_space<hbm>> -> memref<80xi32, #tpu.memory_space<hbm>>
    tpu.enqueue_dma source(%dma_start3A_47 : memref<80xi32, #tpu.memory_space<hbm>>) target(%arg13 : memref<80xi32, #tpu.memory_space<vmem>>) target_semaphore(%arg31 : memref<!tpu.dma_semaphore, #tpu.memory_space<semaphore_mem>>)
    %broadcast_in_dim3A = arith.constant 0.000000e+00 : f32
    %broadcast_in_dim3A_48 = vector.broadcast %broadcast_in_dim3A : f32 to vector<16xf32>
    %scan3A = arith.constant 0 : i32
    %scan3A_49 = arith.constant 0 : i32
    %scan3A_50 = arith.constant 256 : i32
    %scan3A_51 = arith.addi %scan3A_49, %scan3A_50 : i32
    %scan3A_52 = arith.constant 1 : i32
    scf.for %scan3A_99 = %scan3A_49 to %scan3A_51 step %scan3A_52  : i32 {
      %jit3A = arith.constant 8 : i32
      %div3A = arith.divsi %scan3A_99, %jit3A : i32
      %sign3A = arith.constant 0 : i32
      %sign3A_100 = arith.cmpi sgt, %scan3A_99, %sign3A : i32
      %sign3A_101 = arith.extui %sign3A_100 : i1 to i32
      %sign3A_102 = arith.constant 0 : i32
      %sign3A_103 = arith.cmpi slt, %scan3A_99, %sign3A_102 : i32
      %sign3A_104 = arith.extui %sign3A_103 : i1 to i32
      %sign3A_105 = arith.subi %sign3A_101, %sign3A_104 : i32
      %sign3A_106 = arith.constant 0 : i32
      %sign3A_107 = arith.cmpi sgt, %jit3A, %sign3A_106 : i32
      %sign3A_108 = arith.extui %sign3A_107 : i1 to i32
      %sign3A_109 = arith.constant 0 : i32
      %sign3A_110 = arith.cmpi slt, %jit3A, %sign3A_109 : i32
      %sign3A_111 = arith.extui %sign3A_110 : i1 to i32
      %sign3A_112 = arith.subi %sign3A_108, %sign3A_111 : i32
      %ne3A = arith.cmpi ne, %sign3A_105, %sign3A_112 : i32
      %rem3A = arith.remsi %scan3A_99, %jit3A : i32
      %ne3A_113 = arith.constant 0 : i32
      %ne3A_114 = arith.cmpi ne, %rem3A, %ne3A_113 : i32
      %and3A = arith.andi %ne3A, %ne3A_114 : i1
      %sub3A = arith.constant 1 : i32
      %sub3A_115 = arith.subi %div3A, %sub3A : i32
      %select_n3A = arith.select %and3A, %sub3A_115, %div3A : i32
      %jit3A_116 = arith.constant 8 : i32
      %eq3A = arith.constant 0 : i32
      %eq3A_117 = arith.cmpi eq, %jit3A_116, %eq3A : i32
      %jit3A_118 = arith.constant 1 : i32
      %select_n3A_119 = arith.select %eq3A_117, %jit3A_118, %jit3A_116 : i32
      %rem3A_120 = arith.remsi %scan3A_99, %select_n3A_119 : i32
      %ne3A_121 = arith.constant 0 : i32
      %ne3A_122 = arith.cmpi ne, %rem3A_120, %ne3A_121 : i32
      %lt3A = arith.constant 0 : i32
      %lt3A_123 = arith.cmpi slt, %rem3A_120, %lt3A : i32
      %lt3A_124 = arith.constant 0 : i32
      %lt3A_125 = arith.cmpi slt, %select_n3A_119, %lt3A_124 : i32
      %ne3A_126 = arith.xori %lt3A_123, %lt3A_125 : i1
      %and3A_127 = arith.andi %ne3A_126, %ne3A_122 : i1
      %add3A_128 = arith.addi %rem3A_120, %select_n3A_119 : i32
      %select_n3A_129 = arith.select %and3A_127, %add3A_128, %rem3A_120 : i32
      %mul3A_130 = arith.constant 16 : i32
      %mul3A_131 = arith.muli %select_n3A_129, %mul3A_130 : i32
      %swap3A = arith.index_cast %select_n3A : i32 to index
      %swap3A_132 = arith.index_cast %mul3A_131 : i32 to index
      %swap3A_133 = tpu.vector_load %arg18[%swap3A, %swap3A_132] {strides = array<i32>} : memref<32x128xf32, #tpu.memory_space<vmem>>, vector<1x16xf32>,
      %swap3A_134 = vector.shape_cast %swap3A_133 : vector<1x16xf32> to vector<16xf32>
      %swap3A_135 = vector.shape_cast %broadcast_in_dim3A_48 : vector<16xf32> to vector<1x16xf32>
      tpu.vector_store %arg18[%swap3A, %swap3A_132], %swap3A_135 {strides = array<i32>} : memref<32x128xf32, #tpu.memory_space<vmem>>, vector<1x16xf32>,
    }
    %scan3A_53 = arith.constant 256 : i32
    %scan3A_54 = arith.constant 0 : i32
    %scan3A_55 = arith.constant 0 : i32
    %scan3A_56 = arith.constant 20 : i32
    %scan3A_57 = arith.addi %scan3A_55, %scan3A_56 : i32
    %scan3A_58 = arith.constant 1 : i32
    scf.for %scan3A_99 = %scan3A_55 to %scan3A_57 step %scan3A_58  : i32 {
      %mul3A_100 = arith.constant 640 : i32
      %mul3A_101 = arith.muli %arg1, %mul3A_100 : i32
      %mul3A_102 = arith.constant 32 : i32
      %mul3A_103 = arith.muli %scan3A_99, %mul3A_102 : i32
      %add3A_104 = arith.addi %mul3A_101, %mul3A_103 : i32
      "tpu.region"() ({
        %run_scoped3A = tpu.sem_alloc : memref<!tpu.dma_semaphore, #tpu.memory_space<semaphore_mem>>
        %dma_start3A_105 = arith.constant 0 : i32
        %dma_start3A_106 = tpu.memref_slice %arg19[%add3A_104, %dma_start3A_105] : memref<10240x128xf32, #tpu.memory_space<vmem_shared>> -> memref<32x128xf32, #tpu.memory_space<vmem_shared>>
        %dma_start3A_107 = arith.constant 0 : i32
        %dma_start3A_108 = tpu.memref_slice %arg19[%add3A_104, %dma_start3A_107] : memref<10240x128xf32, #tpu.memory_space<vmem_shared>> -> memref<32x128xf32, #tpu.memory_space<vmem_shared>>
        tpu.enqueue_dma source(%arg18 : memref<32x128xf32, #tpu.memory_space<vmem>>) target(%dma_start3A_108 : memref<32x128xf32, #tpu.memory_space<vmem_shared>>) target_semaphore(%run_scoped3A : memref<!tpu.dma_semaphore, #tpu.memory_space<semaphore_mem>>)
        %dma_wait3A_109 = arith.constant 0 : i32
        %dma_wait3A_110 = tpu.memref_slice %arg19[%add3A_104, %dma_wait3A_109] : memref<10240x128xf32, #tpu.memory_space<vmem_shared>> -> memref<32x128xf32, #tpu.memory_space<vmem_shared>>
        %dma_wait3A_111 = arith.constant 0 : i32
        %dma_wait3A_112 = tpu.memref_slice %arg19[%add3A_104, %dma_wait3A_111] : memref<10240x128xf32, #tpu.memory_space<vmem_shared>> -> memref<32x128xf32, #tpu.memory_space<vmem_shared>>
        tpu.wait_dma2 semaphore(%run_scoped3A : memref<!tpu.dma_semaphore, #tpu.memory_space<semaphore_mem>>) src(%arg18 : memref<32x128xf32, #tpu.memory_space<vmem>>) dst(%dma_wait3A_112 : memref<32x128xf32, #tpu.memory_space<vmem_shared>>)
        tpu.yield
      }) : () -> ()
    }
    %scan3A_59 = arith.constant 20 : i32
    %mul3A_60 = arith.constant 10000 : i32
    %mul3A_61 = arith.muli %add3A, %mul3A_60 : i32
    %add3A_62 = arith.constant 0 : i32
    %add3A_63 = arith.addi %mul3A_61, %add3A_62 : i32
    %dma_wait3A = tpu.memref_slice %arg3[%add3A_63] : memref<320000xi32, #tpu.memory_space<hbm>> -> memref<80xi32, #tpu.memory_space<hbm>>
    %dma_wait3A_64 = tpu.memref_slice %arg3[%add3A_63] : memref<320000xi32, #tpu.memory_space<hbm>> -> memref<80xi32, #tpu.memory_space<hbm>>
    tpu.wait_dma2 semaphore(%arg24 : memref<!tpu.dma_semaphore, #tpu.memory_space<semaphore_mem>>) src(%dma_wait3A_64 : memref<80xi32, #tpu.memory_space<hbm>>) dst(%arg6 : memref<80xi32, #tpu.memory_space<vmem>>)
    %mul3A_65 = arith.constant 10000 : i32
    %mul3A_66 = arith.muli %add3A, %mul3A_65 : i32
    %add3A_67 = arith.constant 80 : i32
    %add3A_68 = arith.addi %mul3A_66, %add3A_67 : i32
    %dma_wait3A_69 = tpu.memref_slice %arg3[%add3A_68] : memref<320000xi32, #tpu.memory_space<hbm>> -> memref<80xi32, #tpu.memory_space<hbm>>
    %dma_wait3A_70 = tpu.memref_slice %arg3[%add3A_68] : memref<320000xi32, #tpu.memory_space<hbm>> -> memref<80xi32, #tpu.memory_space<hbm>>
    tpu.wait_dma2 semaphore(%arg25 : memref<!tpu.dma_semaphore, #tpu.memory_space<semaphore_mem>>) src(%dma_wait3A_70 : memref<80xi32, #tpu.memory_space<hbm>>) dst(%arg7 : memref<80xi32, #tpu.memory_space<vmem>>)
    %mul3A_71 = arith.constant 10000 : i32
    %mul3A_72 = arith.muli %add3A, %mul3A_71 : i32
    %add3A_73 = arith.constant 160 : i32
    %add3A_74 = arith.addi %mul3A_72, %add3A_73 : i32
    %dma_wait3A_75 = tpu.memref_slice %arg3[%add3A_74] : memref<320000xi32, #tpu.memory_space<hbm>> -> memref<80xi32, #tpu.memory_space<hbm>>
    %dma_wait3A_76 = tpu.memref_slice %arg3[%add3A_74] : memref<320000xi32, #tpu.memory_space<hbm>> -> memref<80xi32, #tpu.memory_space<hbm>>
    tpu.wait_dma2 semaphore(%arg26 : memref<!tpu.dma_semaphore, #tpu.memory_space<semaphore_mem>>) src(%dma_wait3A_76 : memref<80xi32, #tpu.memory_space<hbm>>) dst(%arg8 : memref<80xi32, #tpu.memory_space<vmem>>)
    %barrier3A = arith.constant 0 : index
    tpu.barrier barrier_id(%barrier3A)
    %dma_start3A_77 = arith.constant 0 : i32
    %dma_start3A_78 = arith.constant 0 : i32
    %dma_start3A_79 = tpu.memref_slice %arg2[%dma_start3A_77, %dma_start3A_78] : memref<10000x128xf32, #tpu.memory_space<hbm>> -> memref<10000x128xf32, #tpu.memory_space<hbm>>
    tpu.enqueue_indirect_dma source(%dma_start3A_79 : memref<10000x128xf32, #tpu.memory_space<hbm>>) target(%arg14 : memref<80x128xf32, #tpu.memory_space<vmem>>) offsets(%arg6 : memref<80xi32, #tpu.memory_space<vmem>>) semaphore(%arg20 : memref<!tpu.dma_semaphore, #tpu.memory_space<semaphore_mem>>)
    %dma_start3A_80 = arith.constant 0 : i32
    %dma_start3A_81 = arith.constant 0 : i32
    %dma_start3A_82 = tpu.memref_slice %arg2[%dma_start3A_80, %dma_start3A_81] : memref<10000x128xf32, #tpu.memory_space<hbm>> -> memref<10000x128xf32, #tpu.memory_space<hbm>>
    tpu.enqueue_indirect_dma source(%dma_start3A_82 : memref<10000x128xf32, #tpu.memory_space<hbm>>) target(%arg15 : memref<80x128xf32, #tpu.memory_space<vmem>>) offsets(%arg7 : memref<80xi32, #tpu.memory_space<vmem>>) semaphore(%arg21 : memref<!tpu.dma_semaphore, #tpu.memory_space<semaphore_mem>>)
    %dma_start3A_83 = arith.constant 0 : i32
    %dma_start3A_84 = arith.constant 0 : i32
    %dma_start3A_85 = tpu.memref_slice %arg2[%dma_start3A_83, %dma_start3A_84] : memref<10000x128xf32, #tpu.memory_space<hbm>> -> memref<10000x128xf32, #tpu.memory_space<hbm>>
    tpu.enqueue_indirect_dma source(%dma_start3A_85 : memref<10000x128xf32, #tpu.memory_space<hbm>>) target(%arg16 : memref<80x128xf32, #tpu.memory_space<vmem>>) offsets(%arg8 : memref<80xi32, #tpu.memory_space<vmem>>) semaphore(%arg22 : memref<!tpu.dma_semaphore, #tpu.memory_space<semaphore_mem>>)
    %scan3A_86 = arith.constant 0 : i32
    %scan3A_87 = arith.constant 0 : i32
    %scan3A_88 = arith.constant 32 : i32
    %scan3A_89 = arith.addi %scan3A_87, %scan3A_88 : i32
    %scan3A_90 = arith.constant 1 : i32
    scf.for %scan3A_99 = %scan3A_87 to %scan3A_89 step %scan3A_90  : i32 {
      %mul3A_100 = arith.constant 4 : i32
      %mul3A_101 = arith.muli %scan3A_99, %mul3A_100 : i32
      %add3A_102 = arith.constant 0 : i32
      %add3A_103 = arith.addi %mul3A_101, %add3A_102 : i32
      %add3A_104 = arith.constant 3 : i32
      %add3A_105 = arith.addi %add3A_103, %add3A_104 : i32
      %lt3A = arith.constant 125 : i32
      %lt3A_106 = arith.cmpi slt, %add3A_105, %lt3A : i32
      %convert_element_type3A = arith.extui %lt3A_106 : i1 to i32
      %cond3A = arith.constant 0 : i32
      %cond3A_107 = arith.cmpi ne, %convert_element_type3A, %cond3A : i32
      scf.if %cond3A_107 {
        %add3A_161 = arith.constant 3 : i32
        %add3A_162 = arith.addi %add3A_103, %add3A_161 : i32
        %mul3A_163 = arith.constant 10000 : i32
        %mul3A_164 = arith.muli %add3A, %mul3A_163 : i32
        %mul3A_165 = arith.constant 80 : i32
        %mul3A_166 = arith.muli %add3A_162, %mul3A_165 : i32
        %add3A_167 = arith.addi %mul3A_164, %mul3A_166 : i32
        %dma_wait3A_168 = tpu.memref_slice %arg3[%add3A_167] : memref<320000xi32, #tpu.memory_space<hbm>> -> memref<80xi32, #tpu.memory_space<hbm>>
        %dma_wait3A_169 = tpu.memref_slice %arg3[%add3A_167] : memref<320000xi32, #tpu.memory_space<hbm>> -> memref<80xi32, #tpu.memory_space<hbm>>
        tpu.wait_dma2 semaphore(%arg27 : memref<!tpu.dma_semaphore, #tpu.memory_space<semaphore_mem>>) src(%dma_wait3A_169 : memref<80xi32, #tpu.memory_space<hbm>>) dst(%arg9 : memref<80xi32, #tpu.memory_space<vmem>>)
        %add3A_170 = arith.constant 3 : i32
        %add3A_171 = arith.addi %add3A_103, %add3A_170 : i32
        %dma_start3A_172 = arith.constant 0 : i32
        %dma_start3A_173 = arith.constant 0 : i32
        %dma_start3A_174 = tpu.memref_slice %arg2[%dma_start3A_172, %dma_start3A_173] : memref<10000x128xf32, #tpu.memory_space<hbm>> -> memref<10000x128xf32, #tpu.memory_space<hbm>>
        tpu.enqueue_indirect_dma source(%dma_start3A_174 : memref<10000x128xf32, #tpu.memory_space<hbm>>) target(%arg17 : memref<80x128xf32, #tpu.memory_space<vmem>>) offsets(%arg9 : memref<80xi32, #tpu.memory_space<vmem>>) semaphore(%arg23 : memref<!tpu.dma_semaphore, #tpu.memory_space<semaphore_mem>>)
      } else {
      }
      %lt3A_108 = arith.constant 125 : i32
      %lt3A_109 = arith.cmpi slt, %add3A_103, %lt3A_108 : i32
      %convert_element_type3A_110 = arith.extui %lt3A_109 : i1 to i32
      %cond3A_111 = arith.constant 0 : i32
      %cond3A_112 = arith.cmpi ne, %convert_element_type3A_110, %cond3A_111 : i32
      scf.if %cond3A_112 {
        %dma_wait3A_161 = arith.constant 0 : i32
        %dma_wait3A_162 = arith.constant 0 : i32
        %dma_wait3A_163 = tpu.memref_slice %arg2[%dma_wait3A_161, %dma_wait3A_162] : memref<10000x128xf32, #tpu.memory_space<hbm>> -> memref<10000x128xf32, #tpu.memory_space<hbm>>
        tpu.wait_indirect_dma semaphore(%arg20 : memref<!tpu.dma_semaphore, #tpu.memory_space<semaphore_mem>>) src(%dma_wait3A_163 : memref<10000x128xf32, #tpu.memory_space<hbm>>) dst(%arg14 : memref<80x128xf32, #tpu.memory_space<vmem>>)
        %mul3A_164 = arith.constant 10000 : i32
        %mul3A_165 = arith.muli %add3A, %mul3A_164 : i32
        %mul3A_166 = arith.constant 80 : i32
        %mul3A_167 = arith.muli %add3A_103, %mul3A_166 : i32
        %add3A_168 = arith.addi %mul3A_165, %mul3A_167 : i32
        %dma_wait3A_169 = tpu.memref_slice %arg4[%add3A_168] : memref<320000xi32, #tpu.memory_space<hbm>> -> memref<80xi32, #tpu.memory_space<hbm>>
        %dma_wait3A_170 = tpu.memref_slice %arg4[%add3A_168] : memref<320000xi32, #tpu.memory_space<hbm>> -> memref<80xi32, #tpu.memory_space<hbm>>
        tpu.wait_dma2 semaphore(%arg28 : memref<!tpu.dma_semaphore, #tpu.memory_space<semaphore_mem>>) src(%dma_wait3A_170 : memref<80xi32, #tpu.memory_space<hbm>>) dst(%arg10 : memref<80xi32, #tpu.memory_space<vmem>>)
        %add3A_171 = arith.constant 4 : i32
        %add3A_172 = arith.addi %add3A_103, %add3A_171 : i32
        %lt3A_173 = arith.constant 125 : i32
        %lt3A_174 = arith.cmpi slt, %add3A_172, %lt3A_173 : i32
        %convert_element_type3A_175 = arith.extui %lt3A_174 : i1 to i32
        %cond3A_176 = arith.constant 0 : i32
        %cond3A_177 = arith.cmpi ne, %convert_element_type3A_175, %cond3A_176 : i32
        scf.if %cond3A_177 {
          %add3A_185 = arith.constant 4 : i32
          %add3A_186 = arith.addi %add3A_103, %add3A_185 : i32
          %mul3A_187 = arith.constant 10000 : i32
          %mul3A_188 = arith.muli %add3A, %mul3A_187 : i32
          %mul3A_189 = arith.constant 80 : i32
          %mul3A_190 = arith.muli %add3A_186, %mul3A_189 : i32
          %add3A_191 = arith.addi %mul3A_188, %mul3A_190 : i32
          %dma_start3A_192 = tpu.memref_slice %arg3[%add3A_191] : memref<320000xi32, #tpu.memory_space<hbm>> -> memref<80xi32, #tpu.memory_space<hbm>>
          %dma_start3A_193 = tpu.memref_slice %arg3[%add3A_191] : memref<320000xi32, #tpu.memory_space<hbm>> -> memref<80xi32, #tpu.memory_space<hbm>>
          tpu.enqueue_dma source(%dma_start3A_193 : memref<80xi32, #tpu.memory_space<hbm>>) target(%arg6 : memref<80xi32, #tpu.memory_space<vmem>>) target_semaphore(%arg24 : memref<!tpu.dma_semaphore, #tpu.memory_space<semaphore_mem>>)
        } else {
        }
        "tpu.region"() ({
          %run_scoped3A = tpu.sem_alloc : memref<!tpu.dma_semaphore, #tpu.memory_space<semaphore_mem>>
          %dma_start3A_185 = arith.constant 0 : i32
          %dma_start3A_186 = arith.constant 0 : i32
          %dma_start3A_187 = tpu.memref_slice %arg19[%dma_start3A_185, %dma_start3A_186] : memref<10240x128xf32, #tpu.memory_space<vmem_shared>> -> memref<10240x128xf32, #tpu.memory_space<vmem_shared>>
          tpu.enqueue_indirect_dma source(%arg14 : memref<80x128xf32, #tpu.memory_space<vmem>>) target(%dma_start3A_187 : memref<10240x128xf32, #tpu.memory_space<vmem_shared>>) offsets(%arg10 : memref<80xi32, #tpu.memory_space<vmem>>) semaphore(%run_scoped3A : memref<!tpu.dma_semaphore, #tpu.memory_space<semaphore_mem>>) {add = true}
          %dma_wait3A_188 = arith.constant 0 : i32
          %dma_wait3A_189 = arith.constant 0 : i32
          %dma_wait3A_190 = tpu.memref_slice %arg19[%dma_wait3A_188, %dma_wait3A_189] : memref<10240x128xf32, #tpu.memory_space<vmem_shared>> -> memref<10240x128xf32, #tpu.memory_space<vmem_shared>>
          tpu.wait_indirect_dma semaphore(%run_scoped3A : memref<!tpu.dma_semaphore, #tpu.memory_space<semaphore_mem>>) src(%arg14 : memref<80x128xf32, #tpu.memory_space<vmem>>) dst(%dma_wait3A_190 : memref<10240x128xf32, #tpu.memory_space<vmem_shared>>)
          tpu.yield
        }) : () -> ()
        %add3A_178 = arith.constant 4 : i32
        %add3A_179 = arith.addi %add3A_103, %add3A_178 : i32
        %lt3A_180 = arith.constant 125 : i32
        %lt3A_181 = arith.cmpi slt, %add3A_179, %lt3A_180 : i32
        %convert_element_type3A_182 = arith.extui %lt3A_181 : i1 to i32
        %cond3A_183 = arith.constant 0 : i32
        %cond3A_184 = arith.cmpi ne, %convert_element_type3A_182, %cond3A_183 : i32
        scf.if %cond3A_184 {
          %add3A_185 = arith.constant 4 : i32
          %add3A_186 = arith.addi %add3A_103, %add3A_185 : i32
          %mul3A_187 = arith.constant 10000 : i32
          %mul3A_188 = arith.muli %add3A, %mul3A_187 : i32
          %mul3A_189 = arith.constant 80 : i32
          %mul3A_190 = arith.muli %add3A_186, %mul3A_189 : i32
          %add3A_191 = arith.addi %mul3A_188, %mul3A_190 : i32
          %dma_start3A_192 = tpu.memref_slice %arg4[%add3A_191] : memref<320000xi32, #tpu.memory_space<hbm>> -> memref<80xi32, #tpu.memory_space<hbm>>
          %dma_start3A_193 = tpu.memref_slice %arg4[%add3A_191] : memref<320000xi32, #tpu.memory_space<hbm>> -> memref<80xi32, #tpu.memory_space<hbm>>
          tpu.enqueue_dma source(%dma_start3A_193 : memref<80xi32, #tpu.memory_space<hbm>>) target(%arg10 : memref<80xi32, #tpu.memory_space<vmem>>) target_semaphore(%arg28 : memref<!tpu.dma_semaphore, #tpu.memory_space<semaphore_mem>>)
        } else {
        }
      } else {
      }
      %mul3A_113 = arith.constant 4 : i32
      %mul3A_114 = arith.muli %scan3A_99, %mul3A_113 : i32
      %add3A_115 = arith.constant 1 : i32
      %add3A_116 = arith.addi %mul3A_114, %add3A_115 : i32
      %add3A_117 = arith.constant 3 : i32
      %add3A_118 = arith.addi %add3A_116, %add3A_117 : i32
      %lt3A_119 = arith.constant 125 : i32
      %lt3A_120 = arith.cmpi slt, %add3A_118, %lt3A_119 : i32
      %convert_element_type3A_121 = arith.extui %lt3A_120 : i1 to i32
      %cond3A_122 = arith.constant 0 : i32
      %cond3A_123 = arith.cmpi ne, %convert_element_type3A_121, %cond3A_122 : i32
      scf.if %cond3A_123 {
        %add3A_161 = arith.constant 3 : i32
        %add3A_162 = arith.addi %add3A_116, %add3A_161 : i32
        %mul3A_163 = arith.constant 10000 : i32
        %mul3A_164 = arith.muli %add3A, %mul3A_163 : i32
        %mul3A_165 = arith.constant 80 : i32
        %mul3A_166 = arith.muli %add3A_162, %mul3A_165 : i32
        %add3A_167 = arith.addi %mul3A_164, %mul3A_166 : i32
        %dma_wait3A_168 = tpu.memref_slice %arg3[%add3A_167] : memref<320000xi32, #tpu.memory_space<hbm>> -> memref<80xi32, #tpu.memory_space<hbm>>
        %dma_wait3A_169 = tpu.memref_slice %arg3[%add3A_167] : memref<320000xi32, #tpu.memory_space<hbm>> -> memref<80xi32, #tpu.memory_space<hbm>>
        tpu.wait_dma2 semaphore(%arg24 : memref<!tpu.dma_semaphore, #tpu.memory_space<semaphore_mem>>) src(%dma_wait3A_169 : memref<80xi32, #tpu.memory_space<hbm>>) dst(%arg6 : memref<80xi32, #tpu.memory_space<vmem>>)
        %add3A_170 = arith.constant 3 : i32
        %add3A_171 = arith.addi %add3A_116, %add3A_170 : i32
        %dma_start3A_172 = arith.constant 0 : i32
        %dma_start3A_173 = arith.constant 0 : i32
        %dma_start3A_174 = tpu.memref_slice %arg2[%dma_start3A_172, %dma_start3A_173] : memref<10000x128xf32, #tpu.memory_space<hbm>> -> memref<10000x128xf32, #tpu.memory_space<hbm>>
        tpu.enqueue_indirect_dma source(%dma_start3A_174 : memref<10000x128xf32, #tpu.memory_space<hbm>>) target(%arg14 : memref<80x128xf32, #tpu.memory_space<vmem>>) offsets(%arg6 : memref<80xi32, #tpu.memory_space<vmem>>) semaphore(%arg20 : memref<!tpu.dma_semaphore, #tpu.memory_space<semaphore_mem>>)
      } else {
      }
      %lt3A_124 = arith.constant 125 : i32
      %lt3A_125 = arith.cmpi slt, %add3A_116, %lt3A_124 : i32
      %convert_element_type3A_126 = arith.extui %lt3A_125 : i1 to i32
      %cond3A_127 = arith.constant 0 : i32
      %cond3A_128 = arith.cmpi ne, %convert_element_type3A_126, %cond3A_127 : i32
      scf.if %cond3A_128 {
        %dma_wait3A_161 = arith.constant 0 : i32
        %dma_wait3A_162 = arith.constant 0 : i32
        %dma_wait3A_163 = tpu.memref_slice %arg2[%dma_wait3A_161, %dma_wait3A_162] : memref<10000x128xf32, #tpu.memory_space<hbm>> -> memref<10000x128xf32, #tpu.memory_space<hbm>>
        tpu.wait_indirect_dma semaphore(%arg21 : memref<!tpu.dma_semaphore, #tpu.memory_space<semaphore_mem>>) src(%dma_wait3A_163 : memref<10000x128xf32, #tpu.memory_space<hbm>>) dst(%arg15 : memref<80x128xf32, #tpu.memory_space<vmem>>)
        %mul3A_164 = arith.constant 10000 : i32
        %mul3A_165 = arith.muli %add3A, %mul3A_164 : i32
        %mul3A_166 = arith.constant 80 : i32
        %mul3A_167 = arith.muli %add3A_116, %mul3A_166 : i32
        %add3A_168 = arith.addi %mul3A_165, %mul3A_167 : i32
        %dma_wait3A_169 = tpu.memref_slice %arg4[%add3A_168] : memref<320000xi32, #tpu.memory_space<hbm>> -> memref<80xi32, #tpu.memory_space<hbm>>
        %dma_wait3A_170 = tpu.memref_slice %arg4[%add3A_168] : memref<320000xi32, #tpu.memory_space<hbm>> -> memref<80xi32, #tpu.memory_space<hbm>>
        tpu.wait_dma2 semaphore(%arg29 : memref<!tpu.dma_semaphore, #tpu.memory_space<semaphore_mem>>) src(%dma_wait3A_170 : memref<80xi32, #tpu.memory_space<hbm>>) dst(%arg11 : memref<80xi32, #tpu.memory_space<vmem>>)
        %add3A_171 = arith.constant 4 : i32
        %add3A_172 = arith.addi %add3A_116, %add3A_171 : i32
        %lt3A_173 = arith.constant 125 : i32
        %lt3A_174 = arith.cmpi slt, %add3A_172, %lt3A_173 : i32
        %convert_element_type3A_175 = arith.extui %lt3A_174 : i1 to i32
        %cond3A_176 = arith.constant 0 : i32
        %cond3A_177 = arith.cmpi ne, %convert_element_type3A_175, %cond3A_176 : i32
        scf.if %cond3A_177 {
          %add3A_185 = arith.constant 4 : i32
          %add3A_186 = arith.addi %add3A_116, %add3A_185 : i32
          %mul3A_187 = arith.constant 10000 : i32
          %mul3A_188 = arith.muli %add3A, %mul3A_187 : i32
          %mul3A_189 = arith.constant 80 : i32
          %mul3A_190 = arith.muli %add3A_186, %mul3A_189 : i32
          %add3A_191 = arith.addi %mul3A_188, %mul3A_190 : i32
          %dma_start3A_192 = tpu.memref_slice %arg3[%add3A_191] : memref<320000xi32, #tpu.memory_space<hbm>> -> memref<80xi32, #tpu.memory_space<hbm>>
          %dma_start3A_193 = tpu.memref_slice %arg3[%add3A_191] : memref<320000xi32, #tpu.memory_space<hbm>> -> memref<80xi32, #tpu.memory_space<hbm>>
          tpu.enqueue_dma source(%dma_start3A_193 : memref<80xi32, #tpu.memory_space<hbm>>) target(%arg7 : memref<80xi32, #tpu.memory_space<vmem>>) target_semaphore(%arg25 : memref<!tpu.dma_semaphore, #tpu.memory_space<semaphore_mem>>)
        } else {
        }
        "tpu.region"() ({
          %run_scoped3A = tpu.sem_alloc : memref<!tpu.dma_semaphore, #tpu.memory_space<semaphore_mem>>
          %dma_start3A_185 = arith.constant 0 : i32
          %dma_start3A_186 = arith.constant 0 : i32
          %dma_start3A_187 = tpu.memref_slice %arg19[%dma_start3A_185, %dma_start3A_186] : memref<10240x128xf32, #tpu.memory_space<vmem_shared>> -> memref<10240x128xf32, #tpu.memory_space<vmem_shared>>
          tpu.enqueue_indirect_dma source(%arg15 : memref<80x128xf32, #tpu.memory_space<vmem>>) target(%dma_start3A_187 : memref<10240x128xf32, #tpu.memory_space<vmem_shared>>) offsets(%arg11 : memref<80xi32, #tpu.memory_space<vmem>>) semaphore(%run_scoped3A : memref<!tpu.dma_semaphore, #tpu.memory_space<semaphore_mem>>) {add = true}
          %dma_wait3A_188 = arith.constant 0 : i32
          %dma_wait3A_189 = arith.constant 0 : i32
          %dma_wait3A_190 = tpu.memref_slice %arg19[%dma_wait3A_188, %dma_wait3A_189] : memref<10240x128xf32, #tpu.memory_space<vmem_shared>> -> memref<10240x128xf32, #tpu.memory_space<vmem_shared>>
          tpu.wait_indirect_dma semaphore(%run_scoped3A : memref<!tpu.dma_semaphore, #tpu.memory_space<semaphore_mem>>) src(%arg15 : memref<80x128xf32, #tpu.memory_space<vmem>>) dst(%dma_wait3A_190 : memref<10240x128xf32, #tpu.memory_space<vmem_shared>>)
          tpu.yield
        }) : () -> ()
        %add3A_178 = arith.constant 4 : i32
        %add3A_179 = arith.addi %add3A_116, %add3A_178 : i32
        %lt3A_180 = arith.constant 125 : i32
        %lt3A_181 = arith.cmpi slt, %add3A_179, %lt3A_180 : i32
        %convert_element_type3A_182 = arith.extui %lt3A_181 : i1 to i32
        %cond3A_183 = arith.constant 0 : i32
        %cond3A_184 = arith.cmpi ne, %convert_element_type3A_182, %cond3A_183 : i32
        scf.if %cond3A_184 {
          %add3A_185 = arith.constant 4 : i32
          %add3A_186 = arith.addi %add3A_116, %add3A_185 : i32
          %mul3A_187 = arith.constant 10000 : i32
          %mul3A_188 = arith.muli %add3A, %mul3A_187 : i32
          %mul3A_189 = arith.constant 80 : i32
          %mul3A_190 = arith.muli %add3A_186, %mul3A_189 : i32
          %add3A_191 = arith.addi %mul3A_188, %mul3A_190 : i32
          %dma_start3A_192 = tpu.memref_slice %arg4[%add3A_191] : memref<320000xi32, #tpu.memory_space<hbm>> -> memref<80xi32, #tpu.memory_space<hbm>>
          %dma_start3A_193 = tpu.memref_slice %arg4[%add3A_191] : memref<320000xi32, #tpu.memory_space<hbm>> -> memref<80xi32, #tpu.memory_space<hbm>>
          tpu.enqueue_dma source(%dma_start3A_193 : memref<80xi32, #tpu.memory_space<hbm>>) target(%arg11 : memref<80xi32, #tpu.memory_space<vmem>>) target_semaphore(%arg29 : memref<!tpu.dma_semaphore, #tpu.memory_space<semaphore_mem>>)
        } else {
        }
      } else {
      }
      %mul3A_129 = arith.constant 4 : i32
      %mul3A_130 = arith.muli %scan3A_99, %mul3A_129 : i32
      %add3A_131 = arith.constant 2 : i32
      %add3A_132 = arith.addi %mul3A_130, %add3A_131 : i32
      %add3A_133 = arith.constant 3 : i32
      %add3A_134 = arith.addi %add3A_132, %add3A_133 : i32
      %lt3A_135 = arith.constant 125 : i32
      %lt3A_136 = arith.cmpi slt, %add3A_134, %lt3A_135 : i32
      %convert_element_type3A_137 = arith.extui %lt3A_136 : i1 to i32
      %cond3A_138 = arith.constant 0 : i32
      %cond3A_139 = arith.cmpi ne, %convert_element_type3A_137, %cond3A_138 : i32
      scf.if %cond3A_139 {
        %add3A_161 = arith.constant 3 : i32
        %add3A_162 = arith.addi %add3A_132, %add3A_161 : i32
        %mul3A_163 = arith.constant 10000 : i32
        %mul3A_164 = arith.muli %add3A, %mul3A_163 : i32
        %mul3A_165 = arith.constant 80 : i32
        %mul3A_166 = arith.muli %add3A_162, %mul3A_165 : i32
        %add3A_167 = arith.addi %mul3A_164, %mul3A_166 : i32
        %dma_wait3A_168 = tpu.memref_slice %arg3[%add3A_167] : memref<320000xi32, #tpu.memory_space<hbm>> -> memref<80xi32, #tpu.memory_space<hbm>>
        %dma_wait3A_169 = tpu.memref_slice %arg3[%add3A_167] : memref<320000xi32, #tpu.memory_space<hbm>> -> memref<80xi32, #tpu.memory_space<hbm>>
        tpu.wait_dma2 semaphore(%arg25 : memref<!tpu.dma_semaphore, #tpu.memory_space<semaphore_mem>>) src(%dma_wait3A_169 : memref<80xi32, #tpu.memory_space<hbm>>) dst(%arg7 : memref<80xi32, #tpu.memory_space<vmem>>)
        %add3A_170 = arith.constant 3 : i32
        %add3A_171 = arith.addi %add3A_132, %add3A_170 : i32
        %dma_start3A_172 = arith.constant 0 : i32
        %dma_start3A_173 = arith.constant 0 : i32
        %dma_start3A_174 = tpu.memref_slice %arg2[%dma_start3A_172, %dma_start3A_173] : memref<10000x128xf32, #tpu.memory_space<hbm>> -> memref<10000x128xf32, #tpu.memory_space<hbm>>
        tpu.enqueue_indirect_dma source(%dma_start3A_174 : memref<10000x128xf32, #tpu.memory_space<hbm>>) target(%arg15 : memref<80x128xf32, #tpu.memory_space<vmem>>) offsets(%arg7 : memref<80xi32, #tpu.memory_space<vmem>>) semaphore(%arg21 : memref<!tpu.dma_semaphore, #tpu.memory_space<semaphore_mem>>)
      } else {
      }
      %lt3A_140 = arith.constant 125 : i32
      %lt3A_141 = arith.cmpi slt, %add3A_132, %lt3A_140 : i32
      %convert_element_type3A_142 = arith.extui %lt3A_141 : i1 to i32
      %cond3A_143 = arith.constant 0 : i32
      %cond3A_144 = arith.cmpi ne, %convert_element_type3A_142, %cond3A_143 : i32
      scf.if %cond3A_144 {
        %dma_wait3A_161 = arith.constant 0 : i32
        %dma_wait3A_162 = arith.constant 0 : i32
        %dma_wait3A_163 = tpu.memref_slice %arg2[%dma_wait3A_161, %dma_wait3A_162] : memref<10000x128xf32, #tpu.memory_space<hbm>> -> memref<10000x128xf32, #tpu.memory_space<hbm>>
        tpu.wait_indirect_dma semaphore(%arg22 : memref<!tpu.dma_semaphore, #tpu.memory_space<semaphore_mem>>) src(%dma_wait3A_163 : memref<10000x128xf32, #tpu.memory_space<hbm>>) dst(%arg16 : memref<80x128xf32, #tpu.memory_space<vmem>>)
        %mul3A_164 = arith.constant 10000 : i32
        %mul3A_165 = arith.muli %add3A, %mul3A_164 : i32
        %mul3A_166 = arith.constant 80 : i32
        %mul3A_167 = arith.muli %add3A_132, %mul3A_166 : i32
        %add3A_168 = arith.addi %mul3A_165, %mul3A_167 : i32
        %dma_wait3A_169 = tpu.memref_slice %arg4[%add3A_168] : memref<320000xi32, #tpu.memory_space<hbm>> -> memref<80xi32, #tpu.memory_space<hbm>>
        %dma_wait3A_170 = tpu.memref_slice %arg4[%add3A_168] : memref<320000xi32, #tpu.memory_space<hbm>> -> memref<80xi32, #tpu.memory_space<hbm>>
        tpu.wait_dma2 semaphore(%arg30 : memref<!tpu.dma_semaphore, #tpu.memory_space<semaphore_mem>>) src(%dma_wait3A_170 : memref<80xi32, #tpu.memory_space<hbm>>) dst(%arg12 : memref<80xi32, #tpu.memory_space<vmem>>)
        %add3A_171 = arith.constant 4 : i32
        %add3A_172 = arith.addi %add3A_132, %add3A_171 : i32
        %lt3A_173 = arith.constant 125 : i32
        %lt3A_174 = arith.cmpi slt, %add3A_172, %lt3A_173 : i32
        %convert_element_type3A_175 = arith.extui %lt3A_174 : i1 to i32
        %cond3A_176 = arith.constant 0 : i32
        %cond3A_177 = arith.cmpi ne, %convert_element_type3A_175, %cond3A_176 : i32
        scf.if %cond3A_177 {
          %add3A_185 = arith.constant 4 : i32
          %add3A_186 = arith.addi %add3A_132, %add3A_185 : i32
          %mul3A_187 = arith.constant 10000 : i32
          %mul3A_188 = arith.muli %add3A, %mul3A_187 : i32
          %mul3A_189 = arith.constant 80 : i32
          %mul3A_190 = arith.muli %add3A_186, %mul3A_189 : i32
          %add3A_191 = arith.addi %mul3A_188, %mul3A_190 : i32
          %dma_start3A_192 = tpu.memref_slice %arg3[%add3A_191] : memref<320000xi32, #tpu.memory_space<hbm>> -> memref<80xi32, #tpu.memory_space<hbm>>
          %dma_start3A_193 = tpu.memref_slice %arg3[%add3A_191] : memref<320000xi32, #tpu.memory_space<hbm>> -> memref<80xi32, #tpu.memory_space<hbm>>
          tpu.enqueue_dma source(%dma_start3A_193 : memref<80xi32, #tpu.memory_space<hbm>>) target(%arg8 : memref<80xi32, #tpu.memory_space<vmem>>) target_semaphore(%arg26 : memref<!tpu.dma_semaphore, #tpu.memory_space<semaphore_mem>>)
        } else {
        }
        "tpu.region"() ({
          %run_scoped3A = tpu.sem_alloc : memref<!tpu.dma_semaphore, #tpu.memory_space<semaphore_mem>>
          %dma_start3A_185 = arith.constant 0 : i32
          %dma_start3A_186 = arith.constant 0 : i32
          %dma_start3A_187 = tpu.memref_slice %arg19[%dma_start3A_185, %dma_start3A_186] : memref<10240x128xf32, #tpu.memory_space<vmem_shared>> -> memref<10240x128xf32, #tpu.memory_space<vmem_shared>>
          tpu.enqueue_indirect_dma source(%arg16 : memref<80x128xf32, #tpu.memory_space<vmem>>) target(%dma_start3A_187 : memref<10240x128xf32, #tpu.memory_space<vmem_shared>>) offsets(%arg12 : memref<80xi32, #tpu.memory_space<vmem>>) semaphore(%run_scoped3A : memref<!tpu.dma_semaphore, #tpu.memory_space<semaphore_mem>>) {add = true}
          %dma_wait3A_188 = arith.constant 0 : i32
          %dma_wait3A_189 = arith.constant 0 : i32
          %dma_wait3A_190 = tpu.memref_slice %arg19[%dma_wait3A_188, %dma_wait3A_189] : memref<10240x128xf32, #tpu.memory_space<vmem_shared>> -> memref<10240x128xf32, #tpu.memory_space<vmem_shared>>
          tpu.wait_indirect_dma semaphore(%run_scoped3A : memref<!tpu.dma_semaphore, #tpu.memory_space<semaphore_mem>>) src(%arg16 : memref<80x128xf32, #tpu.memory_space<vmem>>) dst(%dma_wait3A_190 : memref<10240x128xf32, #tpu.memory_space<vmem_shared>>)
          tpu.yield
        }) : () -> ()
        %add3A_178 = arith.constant 4 : i32
        %add3A_179 = arith.addi %add3A_132, %add3A_178 : i32
        %lt3A_180 = arith.constant 125 : i32
        %lt3A_181 = arith.cmpi slt, %add3A_179, %lt3A_180 : i32
        %convert_element_type3A_182 = arith.extui %lt3A_181 : i1 to i32
        %cond3A_183 = arith.constant 0 : i32
        %cond3A_184 = arith.cmpi ne, %convert_element_type3A_182, %cond3A_183 : i32
        scf.if %cond3A_184 {
          %add3A_185 = arith.constant 4 : i32
          %add3A_186 = arith.addi %add3A_132, %add3A_185 : i32
          %mul3A_187 = arith.constant 10000 : i32
          %mul3A_188 = arith.muli %add3A, %mul3A_187 : i32
          %mul3A_189 = arith.constant 80 : i32
          %mul3A_190 = arith.muli %add3A_186, %mul3A_189 : i32
          %add3A_191 = arith.addi %mul3A_188, %mul3A_190 : i32
          %dma_start3A_192 = tpu.memref_slice %arg4[%add3A_191] : memref<320000xi32, #tpu.memory_space<hbm>> -> memref<80xi32, #tpu.memory_space<hbm>>
          %dma_start3A_193 = tpu.memref_slice %arg4[%add3A_191] : memref<320000xi32, #tpu.memory_space<hbm>> -> memref<80xi32, #tpu.memory_space<hbm>>
          tpu.enqueue_dma source(%dma_start3A_193 : memref<80xi32, #tpu.memory_space<hbm>>) target(%arg12 : memref<80xi32, #tpu.memory_space<vmem>>) target_semaphore(%arg30 : memref<!tpu.dma_semaphore, #tpu.memory_space<semaphore_mem>>)
        } else {
        }
      } else {
      }
      %mul3A_145 = arith.constant 4 : i32
      %mul3A_146 = arith.muli %scan3A_99, %mul3A_145 : i32
      %add3A_147 = arith.constant 3 : i32
      %add3A_148 = arith.addi %mul3A_146, %add3A_147 : i32
      %add3A_149 = arith.constant 3 : i32
      %add3A_150 = arith.addi %add3A_148, %add3A_149 : i32
      %lt3A_151 = arith.constant 125 : i32
      %lt3A_152 = arith.cmpi slt, %add3A_150, %lt3A_151 : i32
      %convert_element_type3A_153 = arith.extui %lt3A_152 : i1 to i32
      %cond3A_154 = arith.constant 0 : i32
      %cond3A_155 = arith.cmpi ne, %convert_element_type3A_153, %cond3A_154 : i32
      scf.if %cond3A_155 {
        %add3A_161 = arith.constant 3 : i32
        %add3A_162 = arith.addi %add3A_148, %add3A_161 : i32
        %mul3A_163 = arith.constant 10000 : i32
        %mul3A_164 = arith.muli %add3A, %mul3A_163 : i32
        %mul3A_165 = arith.constant 80 : i32
        %mul3A_166 = arith.muli %add3A_162, %mul3A_165 : i32
        %add3A_167 = arith.addi %mul3A_164, %mul3A_166 : i32
        %dma_wait3A_168 = tpu.memref_slice %arg3[%add3A_167] : memref<320000xi32, #tpu.memory_space<hbm>> -> memref<80xi32, #tpu.memory_space<hbm>>
        %dma_wait3A_169 = tpu.memref_slice %arg3[%add3A_167] : memref<320000xi32, #tpu.memory_space<hbm>> -> memref<80xi32, #tpu.memory_space<hbm>>
        tpu.wait_dma2 semaphore(%arg26 : memref<!tpu.dma_semaphore, #tpu.memory_space<semaphore_mem>>) src(%dma_wait3A_169 : memref<80xi32, #tpu.memory_space<hbm>>) dst(%arg8 : memref<80xi32, #tpu.memory_space<vmem>>)
        %add3A_170 = arith.constant 3 : i32
        %add3A_171 = arith.addi %add3A_148, %add3A_170 : i32
        %dma_start3A_172 = arith.constant 0 : i32
        %dma_start3A_173 = arith.constant 0 : i32
        %dma_start3A_174 = tpu.memref_slice %arg2[%dma_start3A_172, %dma_start3A_173] : memref<10000x128xf32, #tpu.memory_space<hbm>> -> memref<10000x128xf32, #tpu.memory_space<hbm>>
        tpu.enqueue_indirect_dma source(%dma_start3A_174 : memref<10000x128xf32, #tpu.memory_space<hbm>>) target(%arg16 : memref<80x128xf32, #tpu.memory_space<vmem>>) offsets(%arg8 : memref<80xi32, #tpu.memory_space<vmem>>) semaphore(%arg22 : memref<!tpu.dma_semaphore, #tpu.memory_space<semaphore_mem>>)
      } else {
      }
      %lt3A_156 = arith.constant 125 : i32
      %lt3A_157 = arith.cmpi slt, %add3A_148, %lt3A_156 : i32
      %convert_element_type3A_158 = arith.extui %lt3A_157 : i1 to i32
      %cond3A_159 = arith.constant 0 : i32
      %cond3A_160 = arith.cmpi ne, %convert_element_type3A_158, %cond3A_159 : i32
      scf.if %cond3A_160 {
        %dma_wait3A_161 = arith.constant 0 : i32
        %dma_wait3A_162 = arith.constant 0 : i32
        %dma_wait3A_163 = tpu.memref_slice %arg2[%dma_wait3A_161, %dma_wait3A_162] : memref<10000x128xf32, #tpu.memory_space<hbm>> -> memref<10000x128xf32, #tpu.memory_space<hbm>>
        tpu.wait_indirect_dma semaphore(%arg23 : memref<!tpu.dma_semaphore, #tpu.memory_space<semaphore_mem>>) src(%dma_wait3A_163 : memref<10000x128xf32, #tpu.memory_space<hbm>>) dst(%arg17 : memref<80x128xf32, #tpu.memory_space<vmem>>)
        %mul3A_164 = arith.constant 10000 : i32
        %mul3A_165 = arith.muli %add3A, %mul3A_164 : i32
        %mul3A_166 = arith.constant 80 : i32
        %mul3A_167 = arith.muli %add3A_148, %mul3A_166 : i32
        %add3A_168 = arith.addi %mul3A_165, %mul3A_167 : i32
        %dma_wait3A_169 = tpu.memref_slice %arg4[%add3A_168] : memref<320000xi32, #tpu.memory_space<hbm>> -> memref<80xi32, #tpu.memory_space<hbm>>
        %dma_wait3A_170 = tpu.memref_slice %arg4[%add3A_168] : memref<320000xi32, #tpu.memory_space<hbm>> -> memref<80xi32, #tpu.memory_space<hbm>>
        tpu.wait_dma2 semaphore(%arg31 : memref<!tpu.dma_semaphore, #tpu.memory_space<semaphore_mem>>) src(%dma_wait3A_170 : memref<80xi32, #tpu.memory_space<hbm>>) dst(%arg13 : memref<80xi32, #tpu.memory_space<vmem>>)
        %add3A_171 = arith.constant 4 : i32
        %add3A_172 = arith.addi %add3A_148, %add3A_171 : i32
        %lt3A_173 = arith.constant 125 : i32
        %lt3A_174 = arith.cmpi slt, %add3A_172, %lt3A_173 : i32
        %convert_element_type3A_175 = arith.extui %lt3A_174 : i1 to i32
        %cond3A_176 = arith.constant 0 : i32
        %cond3A_177 = arith.cmpi ne, %convert_element_type3A_175, %cond3A_176 : i32
        scf.if %cond3A_177 {
          %add3A_185 = arith.constant 4 : i32
          %add3A_186 = arith.addi %add3A_148, %add3A_185 : i32
          %mul3A_187 = arith.constant 10000 : i32
          %mul3A_188 = arith.muli %add3A, %mul3A_187 : i32
          %mul3A_189 = arith.constant 80 : i32
          %mul3A_190 = arith.muli %add3A_186, %mul3A_189 : i32
          %add3A_191 = arith.addi %mul3A_188, %mul3A_190 : i32
          %dma_start3A_192 = tpu.memref_slice %arg3[%add3A_191] : memref<320000xi32, #tpu.memory_space<hbm>> -> memref<80xi32, #tpu.memory_space<hbm>>
          %dma_start3A_193 = tpu.memref_slice %arg3[%add3A_191] : memref<320000xi32, #tpu.memory_space<hbm>> -> memref<80xi32, #tpu.memory_space<hbm>>
          tpu.enqueue_dma source(%dma_start3A_193 : memref<80xi32, #tpu.memory_space<hbm>>) target(%arg9 : memref<80xi32, #tpu.memory_space<vmem>>) target_semaphore(%arg27 : memref<!tpu.dma_semaphore, #tpu.memory_space<semaphore_mem>>)
        } else {
        }
        "tpu.region"() ({
          %run_scoped3A = tpu.sem_alloc : memref<!tpu.dma_semaphore, #tpu.memory_space<semaphore_mem>>
          %dma_start3A_185 = arith.constant 0 : i32
          %dma_start3A_186 = arith.constant 0 : i32
          %dma_start3A_187 = tpu.memref_slice %arg19[%dma_start3A_185, %dma_start3A_186] : memref<10240x128xf32, #tpu.memory_space<vmem_shared>> -> memref<10240x128xf32, #tpu.memory_space<vmem_shared>>
          tpu.enqueue_indirect_dma source(%arg17 : memref<80x128xf32, #tpu.memory_space<vmem>>) target(%dma_start3A_187 : memref<10240x128xf32, #tpu.memory_space<vmem_shared>>) offsets(%arg13 : memref<80xi32, #tpu.memory_space<vmem>>) semaphore(%run_scoped3A : memref<!tpu.dma_semaphore, #tpu.memory_space<semaphore_mem>>) {add = true}
          %dma_wait3A_188 = arith.constant 0 : i32
          %dma_wait3A_189 = arith.constant 0 : i32
          %dma_wait3A_190 = tpu.memref_slice %arg19[%dma_wait3A_188, %dma_wait3A_189] : memref<10240x128xf32, #tpu.memory_space<vmem_shared>> -> memref<10240x128xf32, #tpu.memory_space<vmem_shared>>
          tpu.wait_indirect_dma semaphore(%run_scoped3A : memref<!tpu.dma_semaphore, #tpu.memory_space<semaphore_mem>>) src(%arg17 : memref<80x128xf32, #tpu.memory_space<vmem>>) dst(%dma_wait3A_190 : memref<10240x128xf32, #tpu.memory_space<vmem_shared>>)
          tpu.yield
        }) : () -> ()
        %add3A_178 = arith.constant 4 : i32
        %add3A_179 = arith.addi %add3A_148, %add3A_178 : i32
        %lt3A_180 = arith.constant 125 : i32
        %lt3A_181 = arith.cmpi slt, %add3A_179, %lt3A_180 : i32
        %convert_element_type3A_182 = arith.extui %lt3A_181 : i1 to i32
        %cond3A_183 = arith.constant 0 : i32
        %cond3A_184 = arith.cmpi ne, %convert_element_type3A_182, %cond3A_183 : i32
        scf.if %cond3A_184 {
          %add3A_185 = arith.constant 4 : i32
          %add3A_186 = arith.addi %add3A_148, %add3A_185 : i32
          %mul3A_187 = arith.constant 10000 : i32
          %mul3A_188 = arith.muli %add3A, %mul3A_187 : i32
          %mul3A_189 = arith.constant 80 : i32
          %mul3A_190 = arith.muli %add3A_186, %mul3A_189 : i32
          %add3A_191 = arith.addi %mul3A_188, %mul3A_190 : i32
          %dma_start3A_192 = tpu.memref_slice %arg4[%add3A_191] : memref<320000xi32, #tpu.memory_space<hbm>> -> memref<80xi32, #tpu.memory_space<hbm>>
          %dma_start3A_193 = tpu.memref_slice %arg4[%add3A_191] : memref<320000xi32, #tpu.memory_space<hbm>> -> memref<80xi32, #tpu.memory_space<hbm>>
          tpu.enqueue_dma source(%dma_start3A_193 : memref<80xi32, #tpu.memory_space<hbm>>) target(%arg13 : memref<80xi32, #tpu.memory_space<vmem>>) target_semaphore(%arg31 : memref<!tpu.dma_semaphore, #tpu.memory_space<semaphore_mem>>)
        } else {
        }
      } else {
      }
    }
    %scan3A_91 = arith.constant 32 : i32
    %barrier3A_92 = arith.constant 0 : index
    tpu.barrier barrier_id(%barrier3A_92)
    %scan3A_93 = arith.constant 0 : i32
    %scan3A_94 = arith.constant 0 : i32
    %scan3A_95 = arith.constant 20 : i32
    %scan3A_96 = arith.addi %scan3A_94, %scan3A_95 : i32
    %scan3A_97 = arith.constant 1 : i32
    scf.for %scan3A_99 = %scan3A_94 to %scan3A_96 step %scan3A_97  : i32 {
      %mul3A_100 = arith.constant 640 : i32
      %mul3A_101 = arith.muli %arg1, %mul3A_100 : i32
      %mul3A_102 = arith.constant 32 : i32
      %mul3A_103 = arith.muli %scan3A_99, %mul3A_102 : i32
      %add3A_104 = arith.addi %mul3A_101, %mul3A_103 : i32
      "tpu.region"() ({
        %run_scoped3A = tpu.sem_alloc : memref<!tpu.dma_semaphore, #tpu.memory_space<semaphore_mem>>
        %dma_start3A_105 = arith.constant 0 : i32
        %dma_start3A_106 = tpu.memref_slice %arg19[%add3A_104, %dma_start3A_105] : memref<10240x128xf32, #tpu.memory_space<vmem_shared>> -> memref<32x128xf32, #tpu.memory_space<vmem_shared>>
        %dma_start3A_107 = arith.constant 0 : i32
        %dma_start3A_108 = tpu.memref_slice %arg19[%add3A_104, %dma_start3A_107] : memref<10240x128xf32, #tpu.memory_space<vmem_shared>> -> memref<32x128xf32, #tpu.memory_space<vmem_shared>>
        tpu.enqueue_dma source(%dma_start3A_108 : memref<32x128xf32, #tpu.memory_space<vmem_shared>>) target(%arg18 : memref<32x128xf32, #tpu.memory_space<vmem>>) target_semaphore(%run_scoped3A : memref<!tpu.dma_semaphore, #tpu.memory_space<semaphore_mem>>)
        %dma_wait3A_109 = arith.constant 0 : i32
        %dma_wait3A_110 = tpu.memref_slice %arg19[%add3A_104, %dma_wait3A_109] : memref<10240x128xf32, #tpu.memory_space<vmem_shared>> -> memref<32x128xf32, #tpu.memory_space<vmem_shared>>
        %dma_wait3A_111 = arith.constant 0 : i32
        %dma_wait3A_112 = tpu.memref_slice %arg19[%add3A_104, %dma_wait3A_111] : memref<10240x128xf32, #tpu.memory_space<vmem_shared>> -> memref<32x128xf32, #tpu.memory_space<vmem_shared>>
        tpu.wait_dma2 semaphore(%run_scoped3A : memref<!tpu.dma_semaphore, #tpu.memory_space<semaphore_mem>>) src(%dma_wait3A_112 : memref<32x128xf32, #tpu.memory_space<vmem_shared>>) dst(%arg18 : memref<32x128xf32, #tpu.memory_space<vmem>>)
        tpu.yield
      }) : () -> ()
      "tpu.region"() ({
        %run_scoped3A = tpu.sem_alloc : memref<!tpu.dma_semaphore, #tpu.memory_space<semaphore_mem>>
        %dma_start3A_105 = arith.constant 0 : i32
        %dma_start3A_106 = tpu.memref_slice %arg5[%arg0, %add3A_104, %dma_start3A_105] : memref<2x10240x128xf32, #tpu.memory_space<hbm>> -> memref<1x32x128xf32, #tpu.memory_space<hbm>>
        %dma_start3A_107 = tpu.memref_squeeze %dma_start3A_106 : memref<1x32x128xf32, #tpu.memory_space<hbm>> -> memref<32x128xf32, #tpu.memory_space<hbm>>
        %dma_start3A_108 = arith.constant 0 : i32
        %dma_start3A_109 = tpu.memref_slice %arg5[%arg0, %add3A_104, %dma_start3A_108] : memref<2x10240x128xf32, #tpu.memory_space<hbm>> -> memref<1x32x128xf32, #tpu.memory_space<hbm>>
        %dma_start3A_110 = tpu.memref_squeeze %dma_start3A_109 : memref<1x32x128xf32, #tpu.memory_space<hbm>> -> memref<32x128xf32, #tpu.memory_space<hbm>>
        tpu.enqueue_dma source(%arg18 : memref<32x128xf32, #tpu.memory_space<vmem>>) target(%dma_start3A_110 : memref<32x128xf32, #tpu.memory_space<hbm>>) target_semaphore(%run_scoped3A : memref<!tpu.dma_semaphore, #tpu.memory_space<semaphore_mem>>)
        %dma_wait3A_111 = arith.constant 0 : i32
        %dma_wait3A_112 = tpu.memref_slice %arg5[%arg0, %add3A_104, %dma_wait3A_111] : memref<2x10240x128xf32, #tpu.memory_space<hbm>> -> memref<1x32x128xf32, #tpu.memory_space<hbm>>
        %dma_wait3A_113 = tpu.memref_squeeze %dma_wait3A_112 : memref<1x32x128xf32, #tpu.memory_space<hbm>> -> memref<32x128xf32, #tpu.memory_space<hbm>>
        %dma_wait3A_114 = arith.constant 0 : i32
        %dma_wait3A_115 = tpu.memref_slice %arg5[%arg0, %add3A_104, %dma_wait3A_114] : memref<2x10240x128xf32, #tpu.memory_space<hbm>> -> memref<1x32x128xf32, #tpu.memory_space<hbm>>
        %dma_wait3A_116 = tpu.memref_squeeze %dma_wait3A_115 : memref<1x32x128xf32, #tpu.memory_space<hbm>> -> memref<32x128xf32, #tpu.memory_space<hbm>>
        tpu.wait_dma2 semaphore(%run_scoped3A : memref<!tpu.dma_semaphore, #tpu.memory_space<semaphore_mem>>) src(%arg18 : memref<32x128xf32, #tpu.memory_space<vmem>>) dst(%dma_wait3A_116 : memref<32x128xf32, #tpu.memory_space<hbm>>)
        tpu.yield
      }) : () -> ()
    }
    %scan3A_98 = arith.constant 20 : i32
    return
  }
}

module attributes {stable_mosaic.version = 14 : i64} {
  func.func @body(%arg0: i32, %arg1: memref<2x320000xi32, #tpu.memory_space<vmem>>, %arg2: memref<320000xi32, #tpu.memory_space<vmem>>, %arg3: memref<320000xi32, #tpu.memory_space<vmem>>) attributes {dimension_semantics = [#tpu.dimension_semantics<arbitrary>], iteration_bounds = array<i64: 1>, scalar_prefetch = 0 : i64, scratch_operands = 0 : i64, tpu.core_type = #tpu.core_type<tc>, window_params = [{pipeline_mode = #tpu.pipeline_mode<synchronous>, transform_indices = @transform_0, window_bounds = array<i64: 2, 320000>}, {pipeline_mode = #tpu.pipeline_mode<synchronous>, transform_indices = @transform_1, window_bounds = array<i64: 320000>}, {pipeline_mode = #tpu.pipeline_mode<synchronous>, transform_indices = @transform_2, window_bounds = array<i64: 320000>}]} {
    %get3A = arith.constant 0 : index
    %get3A_0 = arith.constant 0 : index
    %get3A_1 = vector.load %arg1[%get3A, %get3A_0] : memref<2x320000xi32, #tpu.memory_space<vmem>>, vector<1x320000xi32>
    %get3A_2 = vector.shape_cast %get3A_1 : vector<1x320000xi32> to vector<320000xi32>
    %swap3A = arith.constant 0 : index
    %swap3A_3 = vector.load %arg2[%swap3A] : memref<320000xi32, #tpu.memory_space<vmem>>, vector<320000xi32>
    tpu.vector_store %arg2[%swap3A], %get3A_2 {strides = array<i32>} : memref<320000xi32, #tpu.memory_space<vmem>>, vector<320000xi32>,
    %get3A_4 = arith.constant 1 : index
    %get3A_5 = arith.constant 0 : index
    %get3A_6 = vector.load %arg1[%get3A_4, %get3A_5] : memref<2x320000xi32, #tpu.memory_space<vmem>>, vector<1x320000xi32>
    %get3A_7 = vector.shape_cast %get3A_6 : vector<1x320000xi32> to vector<320000xi32>
    %swap3A_8 = arith.constant 0 : index
    %swap3A_9 = vector.load %arg3[%swap3A_8] : memref<320000xi32, #tpu.memory_space<vmem>>, vector<320000xi32>
    tpu.vector_store %arg3[%swap3A_8], %get3A_7 {strides = array<i32>} : memref<320000xi32, #tpu.memory_space<vmem>>, vector<320000xi32>,
    return
  }
  func.func @transform_0(%arg0: i32) -> (i32, i32) {
    %c0_i32 = arith.constant 0 : i32
    %c0_i32_0 = arith.constant 0 : i32
    %c0_i32_1 = arith.constant 0 : i32
    return %c0_i32, %c0_i32_0 : i32, i32
  }
  func.func @transform_1(%arg0: i32) -> i32 {
    %c0_i32 = arith.constant 0 : i32
    %c0_i32_0 = arith.constant 0 : i32
    return %c0_i32 : i32
  }
  func.func @transform_2(%arg0: i32) -> i32 {
    %c0_i32 = arith.constant 0 : i32
    %c0_i32_0 = arith.constant 0 : i32
    return %c0_i32 : i32
  }
}

module attributes {stable_mosaic.version = 14 : i64} {
  func.func @body(%arg0: i32, %arg1: memref<1000x128xf32, #tpu.memory_space<vmem>>, %arg2: memref<128x128xf32, #tpu.memory_space<vmem>>, %arg3: memref<1x128xf32, #tpu.memory_space<vmem>>, %arg4: memref<1000x128xf32, #tpu.memory_space<vmem>>) attributes {dimension_semantics = [#tpu.dimension_semantics<arbitrary>], iteration_bounds = array<i64: 40>, scalar_prefetch = 0 : i64, scratch_operands = 0 : i64, tpu.core_type = #tpu.core_type<tc>, window_params = [{transform_indices = @transform_0, window_bounds = array<i64: 1000, 128>}, {pipeline_mode = #tpu.pipeline_mode<synchronous>, transform_indices = @transform_1, window_bounds = array<i64: 128, 128>}, {pipeline_mode = #tpu.pipeline_mode<synchronous>, transform_indices = @transform_2, window_bounds = array<i64: 1, 128>}, {transform_indices = @transform_3, window_bounds = array<i64: 1000, 128>}]} {
    %get3A = arith.constant 0 : index
    %get3A_0 = arith.constant 0 : index
    %get3A_1 = vector.load %arg1[%get3A, %get3A_0] : memref<1000x128xf32, #tpu.memory_space<vmem>>, vector<1000x128xf32>
    %get3A_2 = arith.constant 0 : index
    %get3A_3 = arith.constant 0 : index
    %get3A_4 = vector.load %arg2[%get3A_2, %get3A_3] : memref<128x128xf32, #tpu.memory_space<vmem>>, vector<128x128xf32>
    %dot_general3A = arith.constant dense<0.000000e+00> : vector<1000x128xf32>
    %dot_general3A_5 = tpu.matmul %get3A_1, %get3A_4, %dot_general3A {dimension_numbers = #tpu.dot_dimension_numbers<[1], [0], [0], [1], [0, 0, 1, 1], [], []>, transpose_lhs_hint = false} : vector<1000x128xf32>, vector<128x128xf32>, vector<1000x128xf32> -> vector<1000x128xf32>
    %get3A_6 = arith.constant 0 : index
    %get3A_7 = arith.constant 0 : index
    %get3A_8 = vector.load %arg3[%get3A_6, %get3A_7] : memref<1x128xf32, #tpu.memory_space<vmem>>, vector<1x128xf32>
    %add3A = vector.broadcast %get3A_8 : vector<1x128xf32> to vector<1000x128xf32>
    %add3A_9 = arith.addf %dot_general3A_5, %add3A : vector<1000x128xf32>
    %max3A = arith.constant 0.000000e+00 : f32
    %max3A_10 = vector.broadcast %max3A : f32 to vector<1000x128xf32>
    %max3A_11 = arith.maximumf %add3A_9, %max3A_10 : vector<1000x128xf32>
    %swap3A = arith.constant 0 : index
    %swap3A_12 = arith.constant 0 : index
    %swap3A_13 = vector.load %arg4[%swap3A, %swap3A_12] : memref<1000x128xf32, #tpu.memory_space<vmem>>, vector<1000x128xf32>
    tpu.vector_store %arg4[%swap3A, %swap3A_12], %max3A_11 {strides = array<i32>} : memref<1000x128xf32, #tpu.memory_space<vmem>>, vector<1000x128xf32>,
    return
  }
  func.func @transform_0(%arg0: i32) -> (i32, i32) {
    %c0_i32 = arith.constant 0 : i32
    %c0_i32_0 = arith.constant 0 : i32
    return %arg0, %c0_i32 : i32, i32
  }
  func.func @transform_1(%arg0: i32) -> (i32, i32) {
    %c0_i32 = arith.constant 0 : i32
    %c0_i32_0 = arith.constant 0 : i32
    %c0_i32_1 = arith.constant 0 : i32
    return %c0_i32, %c0_i32_0 : i32, i32
  }
  func.func @transform_2(%arg0: i32) -> (i32, i32) {
    %c0_i32 = arith.constant 0 : i32
    %c0_i32_0 = arith.constant 0 : i32
    %c0_i32_1 = arith.constant 0 : i32
    return %c0_i32, %c0_i32_0 : i32, i32
  }
  func.func @transform_3(%arg0: i32) -> (i32, i32) {
    %c0_i32 = arith.constant 0 : i32
    %c0_i32_0 = arith.constant 0 : i32
    return %arg0, %c0_i32 : i32, i32
  }
}

module attributes {stable_mosaic.version = 14 : i64} {
  func.func @body(%arg0: i32, %arg1: memref<400x128xf32, #tpu.memory_space<vmem>>, %arg2: memref<128x128xf32, #tpu.memory_space<vmem>>, %arg3: memref<1x128xf32, #tpu.memory_space<vmem>>, %arg4: memref<128x128xf32, #tpu.memory_space<vmem>>, %arg5: memref<1x128xf32, #tpu.memory_space<vmem>>, %arg6: memref<400x128xf32, #tpu.memory_space<vmem>>) attributes {dimension_semantics = [#tpu.dimension_semantics<arbitrary>], iteration_bounds = array<i64: 25>, scalar_prefetch = 0 : i64, scratch_operands = 0 : i64, tpu.core_type = #tpu.core_type<tc>, window_params = [{transform_indices = @transform_0, window_bounds = array<i64: 400, 128>}, {pipeline_mode = #tpu.pipeline_mode<synchronous>, transform_indices = @transform_1, window_bounds = array<i64: 128, 128>}, {pipeline_mode = #tpu.pipeline_mode<synchronous>, transform_indices = @transform_2, window_bounds = array<i64: 1, 128>}, {pipeline_mode = #tpu.pipeline_mode<synchronous>, transform_indices = @transform_3, window_bounds = array<i64: 128, 128>}, {pipeline_mode = #tpu.pipeline_mode<synchronous>, transform_indices = @transform_4, window_bounds = array<i64: 1, 128>}, {transform_indices = @transform_5, window_bounds = array<i64: 400, 128>}]} {
    %get3A = arith.constant 0 : index
    %get3A_0 = arith.constant 0 : index
    %get3A_1 = vector.load %arg1[%get3A, %get3A_0] : memref<400x128xf32, #tpu.memory_space<vmem>>, vector<400x128xf32>
    %get3A_2 = arith.constant 0 : index
    %get3A_3 = arith.constant 0 : index
    %get3A_4 = vector.load %arg2[%get3A_2, %get3A_3] : memref<128x128xf32, #tpu.memory_space<vmem>>, vector<128x128xf32>
    %dot_general3A = arith.constant dense<0.000000e+00> : vector<400x128xf32>
    %dot_general3A_5 = tpu.matmul %get3A_1, %get3A_4, %dot_general3A {dimension_numbers = #tpu.dot_dimension_numbers<[1], [0], [0], [1], [0, 0, 1, 1], [], []>, transpose_lhs_hint = false} : vector<400x128xf32>, vector<128x128xf32>, vector<400x128xf32> -> vector<400x128xf32>
    %get3A_6 = arith.constant 0 : index
    %get3A_7 = arith.constant 0 : index
    %get3A_8 = vector.load %arg3[%get3A_6, %get3A_7] : memref<1x128xf32, #tpu.memory_space<vmem>>, vector<1x128xf32>
    %add3A = vector.broadcast %get3A_8 : vector<1x128xf32> to vector<400x128xf32>
    %add3A_9 = arith.addf %dot_general3A_5, %add3A : vector<400x128xf32>
    %max3A = arith.constant 0.000000e+00 : f32
    %max3A_10 = vector.broadcast %max3A : f32 to vector<400x128xf32>
    %max3A_11 = arith.maximumf %add3A_9, %max3A_10 : vector<400x128xf32>
    %get3A_12 = arith.constant 0 : index
    %get3A_13 = arith.constant 0 : index
    %get3A_14 = vector.load %arg4[%get3A_12, %get3A_13] : memref<128x128xf32, #tpu.memory_space<vmem>>, vector<128x128xf32>
    %dot_general3A_15 = arith.constant dense<0.000000e+00> : vector<400x128xf32>
    %dot_general3A_16 = tpu.matmul %max3A_11, %get3A_14, %dot_general3A_15 {dimension_numbers = #tpu.dot_dimension_numbers<[1], [0], [0], [1], [0, 0, 1, 1], [], []>, transpose_lhs_hint = false} : vector<400x128xf32>, vector<128x128xf32>, vector<400x128xf32> -> vector<400x128xf32>
    %get3A_17 = arith.constant 0 : index
    %get3A_18 = arith.constant 0 : index
    %get3A_19 = vector.load %arg5[%get3A_17, %get3A_18] : memref<1x128xf32, #tpu.memory_space<vmem>>, vector<1x128xf32>
    %add3A_20 = vector.broadcast %get3A_19 : vector<1x128xf32> to vector<400x128xf32>
    %add3A_21 = arith.addf %dot_general3A_16, %add3A_20 : vector<400x128xf32>
    %swap3A = arith.constant 0 : index
    %swap3A_22 = arith.constant 0 : index
    %swap3A_23 = vector.load %arg6[%swap3A, %swap3A_22] : memref<400x128xf32, #tpu.memory_space<vmem>>, vector<400x128xf32>
    tpu.vector_store %arg6[%swap3A, %swap3A_22], %add3A_21 {strides = array<i32>} : memref<400x128xf32, #tpu.memory_space<vmem>>, vector<400x128xf32>,
    return
  }
  func.func @transform_0(%arg0: i32) -> (i32, i32) {
    %c0_i32 = arith.constant 0 : i32
    %c0_i32_0 = arith.constant 0 : i32
    return %arg0, %c0_i32 : i32, i32
  }
  func.func @transform_1(%arg0: i32) -> (i32, i32) {
    %c0_i32 = arith.constant 0 : i32
    %c0_i32_0 = arith.constant 0 : i32
    %c0_i32_1 = arith.constant 0 : i32
    return %c0_i32, %c0_i32_0 : i32, i32
  }
  func.func @transform_2(%arg0: i32) -> (i32, i32) {
    %c0_i32 = arith.constant 0 : i32
    %c0_i32_0 = arith.constant 0 : i32
    %c0_i32_1 = arith.constant 0 : i32
    return %c0_i32, %c0_i32_0 : i32, i32
  }
  func.func @transform_3(%arg0: i32) -> (i32, i32) {
    %c0_i32 = arith.constant 0 : i32
    %c0_i32_0 = arith.constant 0 : i32
    %c0_i32_1 = arith.constant 0 : i32
    return %c0_i32, %c0_i32_0 : i32, i32
  }
  func.func @transform_4(%arg0: i32) -> (i32, i32) {
    %c0_i32 = arith.constant 0 : i32
    %c0_i32_0 = arith.constant 0 : i32
    %c0_i32_1 = arith.constant 0 : i32
    return %c0_i32, %c0_i32_0 : i32, i32
  }
  func.func @transform_5(%arg0: i32) -> (i32, i32) {
    %c0_i32 = arith.constant 0 : i32
    %c0_i32_0 = arith.constant 0 : i32
    return %arg0, %c0_i32 : i32, i32
  }
}

module attributes {stable_mosaic.version = 14 : i64} {
  func.func @body(%arg0: i32, %arg1: memref<400x128xf32, #tpu.memory_space<vmem>>, %arg2: memref<400x128xf32, #tpu.memory_space<vmem>>, %arg3: memref<400x128xf32, #tpu.memory_space<vmem>>, %arg4: memref<400x128xf32, #tpu.memory_space<vmem>>, %arg5: memref<400x128xf32, #tpu.memory_space<vmem>>, %arg6: memref<128x128xf32, #tpu.memory_space<vmem>>, %arg7: memref<128x128xf32, #tpu.memory_space<vmem>>, %arg8: memref<128x128xf32, #tpu.memory_space<vmem>>, %arg9: memref<1x128xf32, #tpu.memory_space<vmem>>, %arg10: memref<1x128xf32, #tpu.memory_space<vmem>>, %arg11: memref<1x128xf32, #tpu.memory_space<vmem>>, %arg12: memref<128x128xf32, #tpu.memory_space<vmem>>, %arg13: memref<1x128xf32, #tpu.memory_space<vmem>>, %arg14: memref<400x128xf32, #tpu.memory_space<vmem>>) attributes {dimension_semantics = [#tpu.dimension_semantics<arbitrary>], iteration_bounds = array<i64: 25>, scalar_prefetch = 0 : i64, scratch_operands = 0 : i64, tpu.core_type = #tpu.core_type<tc>, window_params = [{transform_indices = @transform_0, window_bounds = array<i64: 400, 128>}, {transform_indices = @transform_1, window_bounds = array<i64: 400, 128>}, {transform_indices = @transform_2, window_bounds = array<i64: 400, 128>}, {transform_indices = @transform_3, window_bounds = array<i64: 400, 128>}, {transform_indices = @transform_4, window_bounds = array<i64: 400, 128>}, {pipeline_mode = #tpu.pipeline_mode<synchronous>, transform_indices = @transform_5, window_bounds = array<i64: 128, 128>}, {pipeline_mode = #tpu.pipeline_mode<synchronous>, transform_indices = @transform_6, window_bounds = array<i64: 128, 128>}, {pipeline_mode = #tpu.pipeline_mode<synchronous>, transform_indices = @transform_7, window_bounds = array<i64: 128, 128>}, {pipeline_mode = #tpu.pipeline_mode<synchronous>, transform_indices = @transform_8, window_bounds = array<i64: 1, 128>}, {pipeline_mode = #tpu.pipeline_mode<synchronous>, transform_indices = @transform_9, window_bounds = array<i64: 1, 128>}, {pipeline_mode = #tpu.pipeline_mode<synchronous>, transform_indices = @transform_10, window_bounds = array<i64: 1, 128>}, {pipeline_mode = #tpu.pipeline_mode<synchronous>, transform_indices = @transform_11, window_bounds = array<i64: 128, 128>}, {pipeline_mode = #tpu.pipeline_mode<synchronous>, transform_indices = @transform_12, window_bounds = array<i64: 1, 128>}, {transform_indices = @transform_13, window_bounds = array<i64: 400, 128>}]} {
    %get3A = arith.constant 0 : index
    %get3A_0 = arith.constant 0 : index
    %get3A_1 = vector.load %arg2[%get3A, %get3A_0] : memref<400x128xf32, #tpu.memory_space<vmem>>, vector<400x128xf32>
    %get3A_2 = arith.constant 0 : index
    %get3A_3 = arith.constant 0 : index
    %get3A_4 = vector.load %arg3[%get3A_2, %get3A_3] : memref<400x128xf32, #tpu.memory_space<vmem>>, vector<400x128xf32>
    %add3A = arith.addf %get3A_1, %get3A_4 : vector<400x128xf32>
    %get3A_5 = arith.constant 0 : index
    %get3A_6 = arith.constant 0 : index
    %get3A_7 = vector.load %arg4[%get3A_5, %get3A_6] : memref<400x128xf32, #tpu.memory_space<vmem>>, vector<400x128xf32>
    %get3A_8 = arith.constant 0 : index
    %get3A_9 = arith.constant 0 : index
    %get3A_10 = vector.load %arg5[%get3A_8, %get3A_9] : memref<400x128xf32, #tpu.memory_space<vmem>>, vector<400x128xf32>
    %add3A_11 = arith.addf %get3A_7, %get3A_10 : vector<400x128xf32>
    %slice3A = vector.extract_strided_slice %add3A_11 {offsets = [0, 16], sizes = [400, 1], strides = [1, 1]} : vector<400x128xf32> to vector<400x1xf32>
    %get3A_12 = arith.constant 0 : index
    %get3A_13 = arith.constant 0 : index
    %get3A_14 = vector.load %arg6[%get3A_12, %get3A_13] : memref<128x128xf32, #tpu.memory_space<vmem>>, vector<128x128xf32>
    %dot_general3A = arith.constant dense<0.000000e+00> : vector<400x128xf32>
    %dot_general3A_15 = tpu.matmul %add3A, %get3A_14, %dot_general3A {dimension_numbers = #tpu.dot_dimension_numbers<[1], [0], [0], [1], [0, 0, 1, 1], [], []>, transpose_lhs_hint = false} : vector<400x128xf32>, vector<128x128xf32>, vector<400x128xf32> -> vector<400x128xf32>
    %get3A_16 = arith.constant 0 : index
    %get3A_17 = arith.constant 0 : index
    %get3A_18 = vector.load %arg7[%get3A_16, %get3A_17] : memref<128x128xf32, #tpu.memory_space<vmem>>, vector<128x128xf32>
    %dot_general3A_19 = arith.constant dense<0.000000e+00> : vector<400x128xf32>
    %dot_general3A_20 = tpu.matmul %add3A_11, %get3A_18, %dot_general3A_19 {dimension_numbers = #tpu.dot_dimension_numbers<[1], [0], [0], [1], [0, 0, 1, 1], [], []>, transpose_lhs_hint = false} : vector<400x128xf32>, vector<128x128xf32>, vector<400x128xf32> -> vector<400x128xf32>
    %add3A_21 = arith.addf %dot_general3A_15, %dot_general3A_20 : vector<400x128xf32>
    %max3A = arith.constant 1.000000e+00 : f32
    %max3A_22 = vector.broadcast %max3A : f32 to vector<400x1xf32>
    %max3A_23 = arith.maximumf %slice3A, %max3A_22 : vector<400x1xf32>
    %div3A = arith.constant 1.000000e+00 : f32
    %div3A_24 = vector.broadcast %div3A : f32 to vector<400x1xf32>
    %div3A_25 = arith.divf %div3A_24, %max3A_23 : vector<400x1xf32>
    %get3A_26 = arith.constant 0 : index
    %get3A_27 = arith.constant 0 : index
    %get3A_28 = vector.load %arg1[%get3A_26, %get3A_27] : memref<400x128xf32, #tpu.memory_space<vmem>>, vector<400x128xf32>
    %get3A_29 = arith.constant 0 : index
    %get3A_30 = arith.constant 0 : index
    %get3A_31 = vector.load %arg8[%get3A_29, %get3A_30] : memref<128x128xf32, #tpu.memory_space<vmem>>, vector<128x128xf32>
    %dot_general3A_32 = arith.constant dense<0.000000e+00> : vector<400x128xf32>
    %dot_general3A_33 = tpu.matmul %get3A_28, %get3A_31, %dot_general3A_32 {dimension_numbers = #tpu.dot_dimension_numbers<[1], [0], [0], [1], [0, 0, 1, 1], [], []>, transpose_lhs_hint = false} : vector<400x128xf32>, vector<128x128xf32>, vector<400x128xf32> -> vector<400x128xf32>
    %mul3A = vector.broadcast %div3A_25 : vector<400x1xf32> to vector<400x128xf32>
    %mul3A_34 = arith.mulf %add3A_21, %mul3A : vector<400x128xf32>
    %add3A_35 = arith.addf %dot_general3A_33, %mul3A_34 : vector<400x128xf32>
    %get3A_36 = arith.constant 0 : index
    %get3A_37 = arith.constant 0 : index
    %get3A_38 = vector.load %arg9[%get3A_36, %get3A_37] : memref<1x128xf32, #tpu.memory_space<vmem>>, vector<1x128xf32>
    %add3A_39 = vector.broadcast %get3A_38 : vector<1x128xf32> to vector<400x128xf32>
    %add3A_40 = arith.addf %add3A_35, %add3A_39 : vector<400x128xf32>
    %reduce_sum3A = arith.constant dense<0.000000e+00> : vector<400xf32>
    %reduce_sum3A_41 = vector.multi_reduction <add>, %add3A_40, %reduce_sum3A [1] : vector<400x128xf32> to vector<400xf32>
    %broadcast_in_dim3A = vector.shape_cast %reduce_sum3A_41 : vector<400xf32> to vector<400x1xf32>
    %div3A_42 = arith.constant 1.280000e+02 : f32
    %div3A_43 = vector.broadcast %div3A_42 : f32 to vector<400x1xf32>
    %div3A_44 = arith.divf %broadcast_in_dim3A, %div3A_43 : vector<400x1xf32>
    %sub3A = vector.broadcast %div3A_44 : vector<400x1xf32> to vector<400x128xf32>
    %sub3A_45 = arith.subf %add3A_40, %sub3A : vector<400x128xf32>
    %integer_pow3A = arith.mulf %sub3A_45, %sub3A_45 : vector<400x128xf32>
    %reduce_sum3A_46 = arith.constant dense<0.000000e+00> : vector<400xf32>
    %reduce_sum3A_47 = vector.multi_reduction <add>, %integer_pow3A, %reduce_sum3A_46 [1] : vector<400x128xf32> to vector<400xf32>
    %broadcast_in_dim3A_48 = vector.shape_cast %reduce_sum3A_47 : vector<400xf32> to vector<400x1xf32>
    %div3A_49 = arith.constant 1.280000e+02 : f32
    %div3A_50 = vector.broadcast %div3A_49 : f32 to vector<400x1xf32>
    %div3A_51 = arith.divf %broadcast_in_dim3A_48, %div3A_50 : vector<400x1xf32>
    %sub3A_52 = vector.broadcast %div3A_44 : vector<400x1xf32> to vector<400x128xf32>
    %sub3A_53 = arith.subf %add3A_40, %sub3A_52 : vector<400x128xf32>
    %add3A_54 = arith.constant 9.99999974E-6 : f32
    %add3A_55 = vector.broadcast %add3A_54 : f32 to vector<400x1xf32>
    %add3A_56 = arith.addf %div3A_51, %add3A_55 : vector<400x1xf32>
    %rsqrt3A = math.rsqrt %add3A_56 : vector<400x1xf32>
    %mul3A_57 = vector.broadcast %rsqrt3A : vector<400x1xf32> to vector<400x128xf32>
    %mul3A_58 = arith.mulf %sub3A_53, %mul3A_57 : vector<400x128xf32>
    %get3A_59 = arith.constant 0 : index
    %get3A_60 = arith.constant 0 : index
    %get3A_61 = vector.load %arg10[%get3A_59, %get3A_60] : memref<1x128xf32, #tpu.memory_space<vmem>>, vector<1x128xf32>
    %mul3A_62 = vector.broadcast %get3A_61 : vector<1x128xf32> to vector<400x128xf32>
    %mul3A_63 = arith.mulf %mul3A_58, %mul3A_62 : vector<400x128xf32>
    %get3A_64 = arith.constant 0 : index
    %get3A_65 = arith.constant 0 : index
    %get3A_66 = vector.load %arg11[%get3A_64, %get3A_65] : memref<1x128xf32, #tpu.memory_space<vmem>>, vector<1x128xf32>
    %add3A_67 = vector.broadcast %get3A_66 : vector<1x128xf32> to vector<400x128xf32>
    %add3A_68 = arith.addf %mul3A_63, %add3A_67 : vector<400x128xf32>
    %max3A_69 = arith.constant 0.000000e+00 : f32
    %max3A_70 = vector.broadcast %max3A_69 : f32 to vector<400x128xf32>
    %max3A_71 = arith.maximumf %add3A_68, %max3A_70 : vector<400x128xf32>
    %get3A_72 = arith.constant 0 : index
    %get3A_73 = arith.constant 0 : index
    %get3A_74 = vector.load %arg12[%get3A_72, %get3A_73] : memref<128x128xf32, #tpu.memory_space<vmem>>, vector<128x128xf32>
    %dot_general3A_75 = arith.constant dense<0.000000e+00> : vector<400x128xf32>
    %dot_general3A_76 = tpu.matmul %max3A_71, %get3A_74, %dot_general3A_75 {dimension_numbers = #tpu.dot_dimension_numbers<[1], [0], [0], [1], [0, 0, 1, 1], [], []>, transpose_lhs_hint = false} : vector<400x128xf32>, vector<128x128xf32>, vector<400x128xf32> -> vector<400x128xf32>
    %get3A_77 = arith.constant 0 : index
    %get3A_78 = arith.constant 0 : index
    %get3A_79 = vector.load %arg13[%get3A_77, %get3A_78] : memref<1x128xf32, #tpu.memory_space<vmem>>, vector<1x128xf32>
    %add3A_80 = vector.broadcast %get3A_79 : vector<1x128xf32> to vector<400x128xf32>
    %add3A_81 = arith.addf %dot_general3A_76, %add3A_80 : vector<400x128xf32>
    %swap3A = arith.constant 0 : index
    %swap3A_82 = arith.constant 0 : index
    %swap3A_83 = vector.load %arg14[%swap3A, %swap3A_82] : memref<400x128xf32, #tpu.memory_space<vmem>>, vector<400x128xf32>
    tpu.vector_store %arg14[%swap3A, %swap3A_82], %add3A_81 {strides = array<i32>} : memref<400x128xf32, #tpu.memory_space<vmem>>, vector<400x128xf32>,
    return
  }
  func.func @transform_0(%arg0: i32) -> (i32, i32) {
    %c0_i32 = arith.constant 0 : i32
    %c0_i32_0 = arith.constant 0 : i32
    return %arg0, %c0_i32 : i32, i32
  }
  func.func @transform_1(%arg0: i32) -> (i32, i32) {
    %c0_i32 = arith.constant 0 : i32
    %c0_i32_0 = arith.constant 0 : i32
    return %arg0, %c0_i32 : i32, i32
  }
  func.func @transform_2(%arg0: i32) -> (i32, i32) {
    %c0_i32 = arith.constant 0 : i32
    %c0_i32_0 = arith.constant 0 : i32
    return %arg0, %c0_i32 : i32, i32
  }
  func.func @transform_3(%arg0: i32) -> (i32, i32) {
    %c0_i32 = arith.constant 0 : i32
    %c0_i32_0 = arith.constant 0 : i32
    return %arg0, %c0_i32 : i32, i32
  }
  func.func @transform_4(%arg0: i32) -> (i32, i32) {
    %c0_i32 = arith.constant 0 : i32
    %c0_i32_0 = arith.constant 0 : i32
    return %arg0, %c0_i32 : i32, i32
  }
  func.func @transform_5(%arg0: i32) -> (i32, i32) {
    %c0_i32 = arith.constant 0 : i32
    %c0_i32_0 = arith.constant 0 : i32
    %c0_i32_1 = arith.constant 0 : i32
    return %c0_i32, %c0_i32_0 : i32, i32
  }
  func.func @transform_6(%arg0: i32) -> (i32, i32) {
    %c0_i32 = arith.constant 0 : i32
    %c0_i32_0 = arith.constant 0 : i32
    %c0_i32_1 = arith.constant 0 : i32
    return %c0_i32, %c0_i32_0 : i32, i32
  }
  func.func @transform_7(%arg0: i32) -> (i32, i32) {
    %c0_i32 = arith.constant 0 : i32
    %c0_i32_0 = arith.constant 0 : i32
    %c0_i32_1 = arith.constant 0 : i32
    return %c0_i32, %c0_i32_0 : i32, i32
  }
  func.func @transform_8(%arg0: i32) -> (i32, i32) {
    %c0_i32 = arith.constant 0 : i32
    %c0_i32_0 = arith.constant 0 : i32
    %c0_i32_1 = arith.constant 0 : i32
    return %c0_i32, %c0_i32_0 : i32, i32
  }
  func.func @transform_9(%arg0: i32) -> (i32, i32) {
    %c0_i32 = arith.constant 0 : i32
    %c0_i32_0 = arith.constant 0 : i32
    %c0_i32_1 = arith.constant 0 : i32
    return %c0_i32, %c0_i32_0 : i32, i32
  }
  func.func @transform_10(%arg0: i32) -> (i32, i32) {
    %c0_i32 = arith.constant 0 : i32
    %c0_i32_0 = arith.constant 0 : i32
    %c0_i32_1 = arith.constant 0 : i32
    return %c0_i32, %c0_i32_0 : i32, i32
  }
  func.func @transform_11(%arg0: i32) -> (i32, i32) {
    %c0_i32 = arith.constant 0 : i32
    %c0_i32_0 = arith.constant 0 : i32
    %c0_i32_1 = arith.constant 0 : i32
    return %c0_i32, %c0_i32_0 : i32, i32
  }
  func.func @transform_12(%arg0: i32) -> (i32, i32) {
    %c0_i32 = arith.constant 0 : i32
    %c0_i32_0 = arith.constant 0 : i32
    %c0_i32_1 = arith.constant 0 : i32
    return %c0_i32, %c0_i32_0 : i32, i32
  }
  func.func @transform_13(%arg0: i32) -> (i32, i32) {
    %c0_i32 = arith.constant 0 : i32
    %c0_i32_0 = arith.constant 0 : i32
    return %arg0, %c0_i32 : i32, i32
  }
}

module attributes {stable_mosaic.version = 14 : i64} {
  func.func @body(%arg0: i32, %arg1: memref<1x128xf32, #tpu.memory_space<vmem>>, %arg2: memref<128x128xf32, #tpu.memory_space<vmem>>, %arg3: memref<1x128xf32, #tpu.memory_space<vmem>>, %arg4: memref<1x128xf32, #tpu.memory_space<vmem>>) attributes {dimension_semantics = [#tpu.dimension_semantics<arbitrary>], iteration_bounds = array<i64: 1>, scalar_prefetch = 0 : i64, scratch_operands = 0 : i64, tpu.core_type = #tpu.core_type<tc>, window_params = [{pipeline_mode = #tpu.pipeline_mode<synchronous>, transform_indices = @transform_0, window_bounds = array<i64: 1, 128>}, {pipeline_mode = #tpu.pipeline_mode<synchronous>, transform_indices = @transform_1, window_bounds = array<i64: 128, 128>}, {pipeline_mode = #tpu.pipeline_mode<synchronous>, transform_indices = @transform_2, window_bounds = array<i64: 1, 128>}, {pipeline_mode = #tpu.pipeline_mode<synchronous>, transform_indices = @transform_3, window_bounds = array<i64: 1, 128>}]} {
    %get3A = arith.constant 0 : index
    %get3A_0 = arith.constant 0 : index
    %get3A_1 = vector.load %arg1[%get3A, %get3A_0] : memref<1x128xf32, #tpu.memory_space<vmem>>, vector<1x128xf32>
    %mul3A = arith.constant 9.99999974E-5 : f32
    %mul3A_2 = vector.broadcast %mul3A : f32 to vector<1x128xf32>
    %mul3A_3 = arith.mulf %get3A_1, %mul3A_2 : vector<1x128xf32>
    %get3A_4 = arith.constant 0 : index
    %get3A_5 = arith.constant 0 : index
    %get3A_6 = vector.load %arg2[%get3A_4, %get3A_5] : memref<128x128xf32, #tpu.memory_space<vmem>>, vector<128x128xf32>
    %dot_general3A = arith.constant dense<0.000000e+00> : vector<1x128xf32>
    %dot_general3A_7 = tpu.matmul %mul3A_3, %get3A_6, %dot_general3A {dimension_numbers = #tpu.dot_dimension_numbers<[1], [0], [0], [1], [0, 0, 1, 1], [], []>, transpose_lhs_hint = false} : vector<1x128xf32>, vector<128x128xf32>, vector<1x128xf32> -> vector<1x128xf32>
    %get3A_8 = arith.constant 0 : index
    %get3A_9 = arith.constant 0 : index
    %get3A_10 = vector.load %arg3[%get3A_8, %get3A_9] : memref<1x128xf32, #tpu.memory_space<vmem>>, vector<1x128xf32>
    %add3A = arith.addf %dot_general3A_7, %get3A_10 : vector<1x128xf32>
    %max3A = arith.constant 0.000000e+00 : f32
    %max3A_11 = vector.broadcast %max3A : f32 to vector<1x128xf32>
    %max3A_12 = arith.maximumf %add3A, %max3A_11 : vector<1x128xf32>
    %swap3A = arith.constant 0 : index
    %swap3A_13 = arith.constant 0 : index
    %swap3A_14 = vector.load %arg4[%swap3A, %swap3A_13] : memref<1x128xf32, #tpu.memory_space<vmem>>, vector<1x128xf32>
    tpu.vector_store %arg4[%swap3A, %swap3A_13], %max3A_12 {strides = array<i32>} : memref<1x128xf32, #tpu.memory_space<vmem>>, vector<1x128xf32>,
    return
  }
  func.func @transform_0(%arg0: i32) -> (i32, i32) {
    %c0_i32 = arith.constant 0 : i32
    %c0_i32_0 = arith.constant 0 : i32
    %c0_i32_1 = arith.constant 0 : i32
    return %c0_i32, %c0_i32_0 : i32, i32
  }
  func.func @transform_1(%arg0: i32) -> (i32, i32) {
    %c0_i32 = arith.constant 0 : i32
    %c0_i32_0 = arith.constant 0 : i32
    %c0_i32_1 = arith.constant 0 : i32
    return %c0_i32, %c0_i32_0 : i32, i32
  }
  func.func @transform_2(%arg0: i32) -> (i32, i32) {
    %c0_i32 = arith.constant 0 : i32
    %c0_i32_0 = arith.constant 0 : i32
    %c0_i32_1 = arith.constant 0 : i32
    return %c0_i32, %c0_i32_0 : i32, i32
  }
  func.func @transform_3(%arg0: i32) -> (i32, i32) {
    %c0_i32 = arith.constant 0 : i32
    %c0_i32_0 = arith.constant 0 : i32
    %c0_i32_1 = arith.constant 0 : i32
    return %c0_i32, %c0_i32_0 : i32, i32
  }
}

module attributes {stable_mosaic.version = 14 : i64} {
  func.func @body(%arg0: i32, %arg1: memref<400x128xf32, #tpu.memory_space<vmem>>, %arg2: memref<400x128xf32, #tpu.memory_space<vmem>>, %arg3: memref<400x128xf32, #tpu.memory_space<vmem>>, %arg4: memref<400x128xf32, #tpu.memory_space<vmem>>, %arg5: memref<400x128xf32, #tpu.memory_space<vmem>>, %arg6: memref<128x128xf32, #tpu.memory_space<vmem>>, %arg7: memref<128x128xf32, #tpu.memory_space<vmem>>, %arg8: memref<128x128xf32, #tpu.memory_space<vmem>>, %arg9: memref<1x128xf32, #tpu.memory_space<vmem>>, %arg10: memref<1x128xf32, #tpu.memory_space<vmem>>, %arg11: memref<1x128xf32, #tpu.memory_space<vmem>>, %arg12: memref<400x128xf32, #tpu.memory_space<vmem>>, %arg13: memref<1x128xf32, #tpu.memory_space<vmem>>) attributes {dimension_semantics = [#tpu.dimension_semantics<arbitrary>], iteration_bounds = array<i64: 25>, scalar_prefetch = 0 : i64, scratch_operands = 0 : i64, tpu.core_type = #tpu.core_type<tc>, window_params = [{transform_indices = @transform_0, window_bounds = array<i64: 400, 128>}, {transform_indices = @transform_1, window_bounds = array<i64: 400, 128>}, {transform_indices = @transform_2, window_bounds = array<i64: 400, 128>}, {transform_indices = @transform_3, window_bounds = array<i64: 400, 128>}, {transform_indices = @transform_4, window_bounds = array<i64: 400, 128>}, {pipeline_mode = #tpu.pipeline_mode<synchronous>, transform_indices = @transform_5, window_bounds = array<i64: 128, 128>}, {pipeline_mode = #tpu.pipeline_mode<synchronous>, transform_indices = @transform_6, window_bounds = array<i64: 128, 128>}, {pipeline_mode = #tpu.pipeline_mode<synchronous>, transform_indices = @transform_7, window_bounds = array<i64: 128, 128>}, {pipeline_mode = #tpu.pipeline_mode<synchronous>, transform_indices = @transform_8, window_bounds = array<i64: 1, 128>}, {pipeline_mode = #tpu.pipeline_mode<synchronous>, transform_indices = @transform_9, window_bounds = array<i64: 1, 128>}, {pipeline_mode = #tpu.pipeline_mode<synchronous>, transform_indices = @transform_10, window_bounds = array<i64: 1, 128>}, {transform_indices = @transform_11, window_bounds = array<i64: 400, 128>}, {pipeline_mode = #tpu.pipeline_mode<synchronous>, transform_indices = @transform_12, window_bounds = array<i64: 1, 128>}]} {
    %get3A = arith.constant 0 : index
    %get3A_0 = arith.constant 0 : index
    %get3A_1 = vector.load %arg2[%get3A, %get3A_0] : memref<400x128xf32, #tpu.memory_space<vmem>>, vector<400x128xf32>
    %get3A_2 = arith.constant 0 : index
    %get3A_3 = arith.constant 0 : index
    %get3A_4 = vector.load %arg3[%get3A_2, %get3A_3] : memref<400x128xf32, #tpu.memory_space<vmem>>, vector<400x128xf32>
    %add3A = arith.addf %get3A_1, %get3A_4 : vector<400x128xf32>
    %get3A_5 = arith.constant 0 : index
    %get3A_6 = arith.constant 0 : index
    %get3A_7 = vector.load %arg4[%get3A_5, %get3A_6] : memref<400x128xf32, #tpu.memory_space<vmem>>, vector<400x128xf32>
    %get3A_8 = arith.constant 0 : index
    %get3A_9 = arith.constant 0 : index
    %get3A_10 = vector.load %arg5[%get3A_8, %get3A_9] : memref<400x128xf32, #tpu.memory_space<vmem>>, vector<400x128xf32>
    %add3A_11 = arith.addf %get3A_7, %get3A_10 : vector<400x128xf32>
    %slice3A = vector.extract_strided_slice %add3A_11 {offsets = [0, 16], sizes = [400, 1], strides = [1, 1]} : vector<400x128xf32> to vector<400x1xf32>
    %get3A_12 = arith.constant 0 : index
    %get3A_13 = arith.constant 0 : index
    %get3A_14 = vector.load %arg6[%get3A_12, %get3A_13] : memref<128x128xf32, #tpu.memory_space<vmem>>, vector<128x128xf32>
    %dot_general3A = arith.constant dense<0.000000e+00> : vector<400x128xf32>
    %dot_general3A_15 = tpu.matmul %add3A, %get3A_14, %dot_general3A {dimension_numbers = #tpu.dot_dimension_numbers<[1], [0], [0], [1], [0, 0, 1, 1], [], []>, transpose_lhs_hint = false} : vector<400x128xf32>, vector<128x128xf32>, vector<400x128xf32> -> vector<400x128xf32>
    %get3A_16 = arith.constant 0 : index
    %get3A_17 = arith.constant 0 : index
    %get3A_18 = vector.load %arg7[%get3A_16, %get3A_17] : memref<128x128xf32, #tpu.memory_space<vmem>>, vector<128x128xf32>
    %dot_general3A_19 = arith.constant dense<0.000000e+00> : vector<400x128xf32>
    %dot_general3A_20 = tpu.matmul %add3A_11, %get3A_18, %dot_general3A_19 {dimension_numbers = #tpu.dot_dimension_numbers<[1], [0], [0], [1], [0, 0, 1, 1], [], []>, transpose_lhs_hint = false} : vector<400x128xf32>, vector<128x128xf32>, vector<400x128xf32> -> vector<400x128xf32>
    %add3A_21 = arith.addf %dot_general3A_15, %dot_general3A_20 : vector<400x128xf32>
    %max3A = arith.constant 1.000000e+00 : f32
    %max3A_22 = vector.broadcast %max3A : f32 to vector<400x1xf32>
    %max3A_23 = arith.maximumf %slice3A, %max3A_22 : vector<400x1xf32>
    %div3A = arith.constant 1.000000e+00 : f32
    %div3A_24 = vector.broadcast %div3A : f32 to vector<400x1xf32>
    %div3A_25 = arith.divf %div3A_24, %max3A_23 : vector<400x1xf32>
    %get3A_26 = arith.constant 0 : index
    %get3A_27 = arith.constant 0 : index
    %get3A_28 = vector.load %arg1[%get3A_26, %get3A_27] : memref<400x128xf32, #tpu.memory_space<vmem>>, vector<400x128xf32>
    %get3A_29 = arith.constant 0 : index
    %get3A_30 = arith.constant 0 : index
    %get3A_31 = vector.load %arg8[%get3A_29, %get3A_30] : memref<128x128xf32, #tpu.memory_space<vmem>>, vector<128x128xf32>
    %dot_general3A_32 = arith.constant dense<0.000000e+00> : vector<400x128xf32>
    %dot_general3A_33 = tpu.matmul %get3A_28, %get3A_31, %dot_general3A_32 {dimension_numbers = #tpu.dot_dimension_numbers<[1], [0], [0], [1], [0, 0, 1, 1], [], []>, transpose_lhs_hint = false} : vector<400x128xf32>, vector<128x128xf32>, vector<400x128xf32> -> vector<400x128xf32>
    %mul3A = vector.broadcast %div3A_25 : vector<400x1xf32> to vector<400x128xf32>
    %mul3A_34 = arith.mulf %add3A_21, %mul3A : vector<400x128xf32>
    %add3A_35 = arith.addf %dot_general3A_33, %mul3A_34 : vector<400x128xf32>
    %get3A_36 = arith.constant 0 : index
    %get3A_37 = arith.constant 0 : index
    %get3A_38 = vector.load %arg9[%get3A_36, %get3A_37] : memref<1x128xf32, #tpu.memory_space<vmem>>, vector<1x128xf32>
    %add3A_39 = vector.broadcast %get3A_38 : vector<1x128xf32> to vector<400x128xf32>
    %add3A_40 = arith.addf %add3A_35, %add3A_39 : vector<400x128xf32>
    %reduce_sum3A = arith.constant dense<0.000000e+00> : vector<400xf32>
    %reduce_sum3A_41 = vector.multi_reduction <add>, %add3A_40, %reduce_sum3A [1] : vector<400x128xf32> to vector<400xf32>
    %broadcast_in_dim3A = vector.shape_cast %reduce_sum3A_41 : vector<400xf32> to vector<400x1xf32>
    %div3A_42 = arith.constant 1.280000e+02 : f32
    %div3A_43 = vector.broadcast %div3A_42 : f32 to vector<400x1xf32>
    %div3A_44 = arith.divf %broadcast_in_dim3A, %div3A_43 : vector<400x1xf32>
    %sub3A = vector.broadcast %div3A_44 : vector<400x1xf32> to vector<400x128xf32>
    %sub3A_45 = arith.subf %add3A_40, %sub3A : vector<400x128xf32>
    %integer_pow3A = arith.mulf %sub3A_45, %sub3A_45 : vector<400x128xf32>
    %reduce_sum3A_46 = arith.constant dense<0.000000e+00> : vector<400xf32>
    %reduce_sum3A_47 = vector.multi_reduction <add>, %integer_pow3A, %reduce_sum3A_46 [1] : vector<400x128xf32> to vector<400xf32>
    %broadcast_in_dim3A_48 = vector.shape_cast %reduce_sum3A_47 : vector<400xf32> to vector<400x1xf32>
    %div3A_49 = arith.constant 1.280000e+02 : f32
    %div3A_50 = vector.broadcast %div3A_49 : f32 to vector<400x1xf32>
    %div3A_51 = arith.divf %broadcast_in_dim3A_48, %div3A_50 : vector<400x1xf32>
    %sub3A_52 = vector.broadcast %div3A_44 : vector<400x1xf32> to vector<400x128xf32>
    %sub3A_53 = arith.subf %add3A_40, %sub3A_52 : vector<400x128xf32>
    %add3A_54 = arith.constant 9.99999974E-6 : f32
    %add3A_55 = vector.broadcast %add3A_54 : f32 to vector<400x1xf32>
    %add3A_56 = arith.addf %div3A_51, %add3A_55 : vector<400x1xf32>
    %rsqrt3A = math.rsqrt %add3A_56 : vector<400x1xf32>
    %mul3A_57 = vector.broadcast %rsqrt3A : vector<400x1xf32> to vector<400x128xf32>
    %mul3A_58 = arith.mulf %sub3A_53, %mul3A_57 : vector<400x128xf32>
    %get3A_59 = arith.constant 0 : index
    %get3A_60 = arith.constant 0 : index
    %get3A_61 = vector.load %arg10[%get3A_59, %get3A_60] : memref<1x128xf32, #tpu.memory_space<vmem>>, vector<1x128xf32>
    %mul3A_62 = vector.broadcast %get3A_61 : vector<1x128xf32> to vector<400x128xf32>
    %mul3A_63 = arith.mulf %mul3A_58, %mul3A_62 : vector<400x128xf32>
    %get3A_64 = arith.constant 0 : index
    %get3A_65 = arith.constant 0 : index
    %get3A_66 = vector.load %arg11[%get3A_64, %get3A_65] : memref<1x128xf32, #tpu.memory_space<vmem>>, vector<1x128xf32>
    %add3A_67 = vector.broadcast %get3A_66 : vector<1x128xf32> to vector<400x128xf32>
    %add3A_68 = arith.addf %mul3A_63, %add3A_67 : vector<400x128xf32>
    %max3A_69 = arith.constant 0.000000e+00 : f32
    %max3A_70 = vector.broadcast %max3A_69 : f32 to vector<400x128xf32>
    %max3A_71 = arith.maximumf %add3A_68, %max3A_70 : vector<400x128xf32>
    %swap3A = arith.constant 0 : index
    %swap3A_72 = arith.constant 0 : index
    %swap3A_73 = vector.load %arg12[%swap3A, %swap3A_72] : memref<400x128xf32, #tpu.memory_space<vmem>>, vector<400x128xf32>
    tpu.vector_store %arg12[%swap3A, %swap3A_72], %max3A_71 {strides = array<i32>} : memref<400x128xf32, #tpu.memory_space<vmem>>, vector<400x128xf32>,
    %eq3A = arith.constant 0 : i32
    %eq3A_74 = arith.cmpi eq, %arg0, %eq3A : i32
    %convert_element_type3A = arith.extui %eq3A_74 : i1 to i32
    %cond3A = arith.constant 0 : i32
    %cond3A_75 = arith.cmpi ne, %convert_element_type3A, %cond3A : i32
    scf.if %cond3A_75 {
      %broadcast_in_dim3A_86 = arith.constant 0.000000e+00 : f32
      %broadcast_in_dim3A_87 = vector.broadcast %broadcast_in_dim3A_86 : f32 to vector<1x128xf32>
      %swap3A_88 = arith.constant 0 : index
      %swap3A_89 = arith.constant 0 : index
      %swap3A_90 = vector.load %arg13[%swap3A_88, %swap3A_89] : memref<1x128xf32, #tpu.memory_space<vmem>>, vector<1x128xf32>
      tpu.vector_store %arg13[%swap3A_88, %swap3A_89], %broadcast_in_dim3A_87 {strides = array<i32>} : memref<1x128xf32, #tpu.memory_space<vmem>>, vector<1x128xf32>,
    } else {
    }
    %get3A_76 = arith.constant 0 : index
    %get3A_77 = arith.constant 0 : index
    %get3A_78 = vector.load %arg13[%get3A_76, %get3A_77] : memref<1x128xf32, #tpu.memory_space<vmem>>, vector<1x128xf32>
    %reduce_sum3A_79 = arith.constant dense<0.000000e+00> : vector<128xf32>
    %reduce_sum3A_80 = vector.multi_reduction <add>, %max3A_71, %reduce_sum3A_79 [0] : vector<400x128xf32> to vector<128xf32>
    %broadcast_in_dim3A_81 = vector.shape_cast %reduce_sum3A_80 : vector<128xf32> to vector<1x128xf32>
    %add3A_82 = arith.addf %get3A_78, %broadcast_in_dim3A_81 : vector<1x128xf32>
    %swap3A_83 = arith.constant 0 : index
    %swap3A_84 = arith.constant 0 : index
    %swap3A_85 = vector.load %arg13[%swap3A_83, %swap3A_84] : memref<1x128xf32, #tpu.memory_space<vmem>>, vector<1x128xf32>
    tpu.vector_store %arg13[%swap3A_83, %swap3A_84], %add3A_82 {strides = array<i32>} : memref<1x128xf32, #tpu.memory_space<vmem>>, vector<1x128xf32>,
    return
  }
  func.func @transform_0(%arg0: i32) -> (i32, i32) {
    %c0_i32 = arith.constant 0 : i32
    %c0_i32_0 = arith.constant 0 : i32
    return %arg0, %c0_i32 : i32, i32
  }
  func.func @transform_1(%arg0: i32) -> (i32, i32) {
    %c0_i32 = arith.constant 0 : i32
    %c0_i32_0 = arith.constant 0 : i32
    return %arg0, %c0_i32 : i32, i32
  }
  func.func @transform_2(%arg0: i32) -> (i32, i32) {
    %c0_i32 = arith.constant 0 : i32
    %c0_i32_0 = arith.constant 0 : i32
    return %arg0, %c0_i32 : i32, i32
  }
  func.func @transform_3(%arg0: i32) -> (i32, i32) {
    %c0_i32 = arith.constant 0 : i32
    %c0_i32_0 = arith.constant 0 : i32
    return %arg0, %c0_i32 : i32, i32
  }
  func.func @transform_4(%arg0: i32) -> (i32, i32) {
    %c0_i32 = arith.constant 0 : i32
    %c0_i32_0 = arith.constant 0 : i32
    return %arg0, %c0_i32 : i32, i32
  }
  func.func @transform_5(%arg0: i32) -> (i32, i32) {
    %c0_i32 = arith.constant 0 : i32
    %c0_i32_0 = arith.constant 0 : i32
    %c0_i32_1 = arith.constant 0 : i32
    return %c0_i32, %c0_i32_0 : i32, i32
  }
  func.func @transform_6(%arg0: i32) -> (i32, i32) {
    %c0_i32 = arith.constant 0 : i32
    %c0_i32_0 = arith.constant 0 : i32
    %c0_i32_1 = arith.constant 0 : i32
    return %c0_i32, %c0_i32_0 : i32, i32
  }
  func.func @transform_7(%arg0: i32) -> (i32, i32) {
    %c0_i32 = arith.constant 0 : i32
    %c0_i32_0 = arith.constant 0 : i32
    %c0_i32_1 = arith.constant 0 : i32
    return %c0_i32, %c0_i32_0 : i32, i32
  }
  func.func @transform_8(%arg0: i32) -> (i32, i32) {
    %c0_i32 = arith.constant 0 : i32
    %c0_i32_0 = arith.constant 0 : i32
    %c0_i32_1 = arith.constant 0 : i32
    return %c0_i32, %c0_i32_0 : i32, i32
  }
  func.func @transform_9(%arg0: i32) -> (i32, i32) {
    %c0_i32 = arith.constant 0 : i32
    %c0_i32_0 = arith.constant 0 : i32
    %c0_i32_1 = arith.constant 0 : i32
    return %c0_i32, %c0_i32_0 : i32, i32
  }
  func.func @transform_10(%arg0: i32) -> (i32, i32) {
    %c0_i32 = arith.constant 0 : i32
    %c0_i32_0 = arith.constant 0 : i32
    %c0_i32_1 = arith.constant 0 : i32
    return %c0_i32, %c0_i32_0 : i32, i32
  }
  func.func @transform_11(%arg0: i32) -> (i32, i32) {
    %c0_i32 = arith.constant 0 : i32
    %c0_i32_0 = arith.constant 0 : i32
    return %arg0, %c0_i32 : i32, i32
  }
  func.func @transform_12(%arg0: i32) -> (i32, i32) {
    %c0_i32 = arith.constant 0 : i32
    %c0_i32_0 = arith.constant 0 : i32
    %c0_i32_1 = arith.constant 0 : i32
    return %c0_i32, %c0_i32_0 : i32, i32
  }
}

</mosaic_0001>

<sc_bundles>
// kernel: kernel.11.cloned.1.call-start
scs
__scs_entry_jumppad:
0x0: {  	(pc) =	sbr.rel $0x88, $3  }
0x1: {  	(tag) =	ssettag $0x0;
	lr =	simm.s32 $0x1  }
0x2: {  	[smem:$0x3F84] =	sst lr;
	_ =	strace $0xD0000000  }
0x3: {  	_ = 	snop  }
0x4: {  	_ = 	snop  }
0x5: {  	_ = 	snop  }
0x6: {  	_ = 	snop  }
0x7: {  	_ = 	snop  }
__scs_overlays_trampoline_lowered:
0x8: {  	[smem:$0x3F93] =	sst s0  }
0x9: {  	[smem:$0x3F94] =	sst s1  }
0xa: {  	[smem:$0x3F95] =	sst s2  }
0xb: {  	[smem:$0x3F96] =	sst s3  }
0xc: {  	[smem:$0x3F97] =	sst s4  }
0xd: {  	[smem:$0x3F98] =	sst s5  }
0xe: {  	[smem:$0x3F99] =	sst s6  }
0xf: {  	[smem:$0x3F9A] =	sst s7  }
0x10: {  	[smem:$0x3F9B] =	sst s8  }
0x11: {  	[smem:$0x3F9C] =	sst s9;
	s0 =	simm.s32 @!p0 $0x0  }
0x12: {  	s1 =	sld [smem:$0x3F82];
	s0 =	simm.s32 @p0 $0x1  }
0x13: {  	[smem:$0x3F9D] =	sst s0;
	s0 =	simm.s32 @!p1 $0x0  }
0x14: {  	s2 =	sld [smem:$0x3F81];
	s0 =	simm.s32 @p1 $0x1  }
0x15: {  	[smem:$0x3F9E] =	sst s0;
	s0 =	simm.s32 @!p2 $0x0  }
0x16: {  	s3 =	sld [smem:$0x3FDB];
	s0 =	simm.s32 @p2 $0x1  }
0x17: {  	s4 =	simm.s32 $0x1BF5;
	[smem:$0x3FA0] =	sst s0  }
0x18: {  	s0 =	sld [smem:$0x3F83];
	_ =	swait.ge [sflag:s4], $0x0  }
0x19: {  	s7 =	sld [smem:$0x3F84]  }
0x1a: {  	s8 =	sadd.s32 $0xFFFFE003, lr  }
0x1b: {  	s9 =	sadd.s32 $0xFFFFFEF7, lr;
	s5 =	simm.s32 $0xFFFFFFFF;
	p2 =	slt.u32 s8, $0xFFFFF086  }
0x1c: {  	p1 =	slt.u32 s9, $0xF7A;
	s5 =	simm.s32 @!p2 $0x0  }
0x1d: {  	s5 =	simm.s32 @p1 $0x1;
	p0 =	seq.s32 s7, s2  }
0x1e: {  	s7 =	smul.u32 @!p0 $0xF7A, s2;
	p2 =	seq.s32 @!p0 s5, $0x0  }
0x1f: {  	s9 =	smul.u32 $0xF7A, s1;
	s8 =	simm.s32 @!p0 $0x1BF5;
	p2 =	por !p2, p0  }
0x20: {  	[sflag:s8] =	ssyncset.s32 @!p0 $0xFFFFF086;
	s6 =	sadd.s32 @!p0 s3, s7;
	s7 =	simm.s32 @!p0 $0x108  }
0x21: {  	s3 =	sadd.s32 s3, s9;
	s6 =	sadd.s32 @!p0 $0x88, s6;
	s7 =	simm.s32 @p2 $0x1082  }
0x22: {  	[simem:s7], [sflag:s8] =	dma.local @!p0 [hbm:s6], $0xF7A  }
0x23: {  	s9 =	sor.u32 $0xD0000000, s2;
	s6 =	simm.s32 $0x108;
	_ =	swait.ge @!p0 [sflag:s8], $0x0  }
0x24: {  	s3 =	sadd.s32 $0x88, s3;
	s6 =	simm.s32 @!p1 $0x1082;
	[sflag:s4] =	ssyncset.s32 $0xFFFFF086  }
0x25: {  	[simem:s6], [sflag:s4] =	dma.local [hbm:s3], $0xF7A  }
0x26: {  	[smem:$0x3F84] =	sst s1;
	(tag) =	ssettag s2;
	_ =	strace s9  }
0x27: {  	s1 =	sld [smem:$0x3F94]  }
0x28: {  	s2 =	sld [smem:$0x3F95]  }
0x29: {  	s4 =	sld [smem:$0x3F97]  }
0x2a: {  	p0 =	seq.s32 s5, $0x0;
	s5 =	sld [smem:$0x3F98]  }
0x2b: {  	s6 =	sld [smem:$0x3F99]  }
0x2c: {  	s7 =	sld [smem:$0x3F9A]  }
0x2d: {  	s3 =	simm.s32 $0x108;
	s8 =	sld [smem:$0x3F9B]  }
0x2e: {  	s3 =	simm.s32 @!p0 $0x1082;
	s9 =	sld [smem:$0x3F9C]  }
0x2f: {  	lr =	sadd.s32 s0, s3;
	s0 =	sld [smem:$0x3F93]  }
0x30: {  	s3 =	sld [smem:$0x3F96]  }
0x31: {  	[smem:$0x3F9F] =	sst s10  }
0x32: {  	s10 =	sld [smem:$0x3F9D];
	_ =	sdelay $0x3  }
0x33: {  	p0 =	seq.s32 s10, $0x1;
	s10 =	sld [smem:$0x3F9F];
	_ =	sdelay $0x3  }
0x34: {  	[smem:$0x3F9F] =	sst s10  }
0x35: {  	s10 =	sld [smem:$0x3F9E];
	_ =	sdelay $0x3  }
0x36: {  	p1 =	seq.s32 s10, $0x1;
	s10 =	sld [smem:$0x3F9F];
	_ =	sdelay $0x3  }
0x37: {  	[smem:$0x3F9F] =	sst s10  }
0x38: {  	s10 =	sld [smem:$0x3FA0]  }
0x39: {  	_ = 	snop;
	(pc) =	sbr.ind lr, $3  }
0x3a: {  	_ = 	snop  }
0x3b: {  	_ = 	snop  }
0x3c: {  	p2 =	seq.s32 s10, $0x1;
	s10 =	sld [smem:$0x3F9F]  }
0x3d: {  	_ =	shalt  }
0x3e: {  	_ =	shalt  }
0x3f: {  	_ =	shalt  }
0x40: {  	_ =	shalt  }
0x41: {  	_ =	shalt  }
0x42: {  	_ =	shalt  }
0x43: {  	_ =	shalt  }
0x44: {  	_ =	shalt  }
0x45: {  	_ =	shalt  }
0x46: {  	_ =	shalt  }
0x47: {  	_ =	shalt  }
0x48: {  	_ =	shalt  }
0x49: {  	_ =	shalt  }
0x4a: {  	_ =	shalt  }
0x4b: {  	_ =	shalt  }
0x4c: {  	_ =	shalt  }
0x4d: {  	_ =	shalt  }
0x4e: {  	_ =	shalt  }
0x4f: {  	_ =	shalt  }
0x50: {  	_ =	shalt  }
0x51: {  	_ =	shalt  }
0x52: {  	_ =	shalt  }
0x53: {  	_ =	shalt  }
0x54: {  	_ =	shalt  }
0x55: {  	_ =	shalt  }
0x56: {  	_ =	shalt  }
0x57: {  	_ =	shalt  }
0x58: {  	_ =	shalt  }
0x59: {  	_ =	shalt  }
0x5a: {  	_ =	shalt  }
0x5b: {  	_ =	shalt  }
0x5c: {  	_ =	shalt  }
0x5d: {  	_ =	shalt  }
0x5e: {  	_ =	shalt  }
0x5f: {  	_ =	shalt  }
0x60: {  	_ =	shalt  }
0x61: {  	_ =	shalt  }
0x62: {  	_ =	shalt  }
0x63: {  	_ =	shalt  }
0x64: {  	_ =	shalt  }
0x65: {  	_ =	shalt  }
0x66: {  	_ =	shalt  }
0x67: {  	_ =	shalt  }
0x68: {  	_ =	shalt  }
0x69: {  	_ =	shalt  }
0x6a: {  	_ =	shalt  }
0x6b: {  	_ =	shalt  }
0x6c: {  	_ =	shalt  }
0x6d: {  	_ =	shalt  }
0x6e: {  	_ =	shalt  }
0x6f: {  	_ =	shalt  }
0x70: {  	_ =	shalt  }
0x71: {  	_ =	shalt  }
0x72: {  	_ =	shalt  }
0x73: {  	_ =	shalt  }
0x74: {  	_ =	shalt  }
0x75: {  	_ =	shalt  }
0x76: {  	_ =	shalt  }
0x77: {  	_ =	shalt  }
0x78: {  	_ =	shalt  }
0x79: {  	_ =	shalt  }
0x7a: {  	_ =	shalt  }
0x7b: {  	_ =	shalt  }
0x7c: {  	_ =	shalt  }
0x7d: {  	_ =	shalt  }
0x7e: {  	_ =	shalt  }
0x7f: {  	_ =	shalt  }
0x80: {  	_ =	shalt  }
0x81: {  	_ =	shalt  }
0x82: {  	_ =	shalt  }
0x83: {  	_ =	shalt  }
0x84: {  	_ =	shalt  }
0x85: {  	_ =	shalt  }
0x86: {  	_ =	shalt  }
0x87: {  	_ =	shalt  }
.Lfunc_end0:
.L_simem_size_0:
called_computation_lowered:
.L_overlay_start_0:
0x88: {  	s2 =	sld [smem:$0x3FD9]  }
0x89: {  	s3 =	sld [smem:$0x3FFE];
	_ =	sdelay $0x1  }
0x8a: {  	s1 =	srdreg.scid  }
0x8b: {  	s0 =	sand.u32 $0x1, s1  }
0x8c: {  	s14 =	sshll.u32 s0, $0xA;
	s2 =	sadd.s32 s3, s2  }
0x8d: {  	s2 =	sadd.s32 s2, s14  }
0x8e: {  	[smem:$0x3FAB] =	sst s2  }
0x8f: {  	_ = 	snop  }
0x90: {  	s2 =	sld [smem:$0x3FD0];
	_ =	sdelay $0x2  }
0x91: {  	s15 =	simm.s32 $0xA;
	s4 =	simm.s32 $0x10  }
0x92: {  	[smem:s4], [sflag:s15] =	dma.local [hbm:s2], $0x1  }
0x93: {  	_ =	swait.eq [sflag:s15], $0x1  }
0x94: {  	[sflag:s15] =	ssyncset.done $0x0  }
0x95: {  	[sflag:s15] =	ssyncadd.s32 $0xFFFFFFFF  }
0x96: {  	s16 =	sld [smem:$0x11];
	(tm) =	ssettm $0x1  }
0x97: {  	s17 =	sld [smem:$0x3FFB];
	_ =	sdelay $0x3  }
0x98: {  	_ =	strace s17  }
0x99: {  	s3 =	sld [smem:$0x3FFC];
	_ =	sdelay $0x3  }
0x9a: {  	_ =	strace s3  }
0x9b: {  	s3 =	sld [smem:$0x3FFD];
	_ =	sdelay $0x3  }
0x9c: {  	_ =	strace s3  }
0x9d: {  	_ =	strace $0x8FFFFFFF  }
0x9e: {  	s18 =	sld [smem:$0x3FDB];
	_ =	sdelay $0x1  }
0x9f: {  	s19 =	simm.s32 $_scs_section_size  }
0xa0: {  	s5 =	simm.s32 $_size__tile_overlayer_lowered;
	s6 =	simm.s32 $_tile_overlayer_lowered  }
0xa1: {  	s22 =	simm.s32 $0x1BFF;
	s21 =	sshll.u32 s6, $0x1;
	s3 =	sadd.s32 s19, s18  }
0xa2: {  	s7 =	simm.s32 $0x0;
	s20 =	sshll.u32 s5, $0x1;
	s5 =	sadd.s32 s21, s3  }
0xa3: {  	[timem:s7], [sflag:s22] =	dma.local [hbm:s5], s20  }
0xa4: {  	_ =	swait.ge [sflag:s22], s20  }
0xa5: {  	s4 =	ssub.s32 $0x0, s20;
	[sflag:s22] =	ssyncset.done $0x0  }
0xa6: {  	[sflag:s22] =	ssyncadd.s32 s4;
	_ =	sdelay $0x1  }
0xa7: {  	s23 =	simm.s32 $0x1B8B  }
0xa8: {  	_ =	swait.ge [sflag:s23], $0x1  }
0xa9: {  	[sflag:s23] =	ssyncset.done $0x0  }
0xaa: {  	s25 =	simm.s32 $0x1B8E;
	s24 =	sld [smem:$0x3FFE];
	[sflag:s23] =	ssyncadd.s32 $0xFFFFFFFF  }
0xab: {  	s26 =	simm.s32 $execute0_lowered;
	[smem:$0x3FD2] =	sst s25  }
0xac: {  	s5 =	sshll.u32 s26, $0x1;
	_ =	strace $0x80000046;
	[dreg:$0x1] =	wrdreg $0xFFFFFFFF  }
0xad: {  	s28 =	simm.s32 $_size_execute0_lowered;
	s3 =	sadd.s32 s3, s5;
	[dreg:$0x0] =	wrdreg $0x0  }
0xae: {  	s5 =	sshll.u32 s28, $0x1;
	[dreg:$0x2] =	wrdreg s3  }
0xaf: {  	[dreg:$0x3] =	wrdreg s5  }
0xb0: {  	[dreg:$0x4] =	wrdreg $0xC0  }
0xb1: {  	_ =	task [dreg:s7], $0x5FFFF  }
0xb2: {  	[dreg:$0x1] =	wrdreg $0xFFFFFFFF  }
0xb3: {  	[dreg:$0x0] =	wrdreg $0x60  }
0xb4: {  	[dreg:$0x2] =	wrdreg s16  }
0xb5: {  	[dreg:$0x3] =	wrdreg s24  }
0xb6: {  	[dreg:$0x4] =	wrdreg $0x39000  }
0xb7: {  	[dreg:$0x5] =	wrdreg $0x9  }
0xb8: {  	_ =	task.clear_ibuf [dreg:s7], $0x6FFFF;
	_ =	strace $0x90000046  }
0xb9: {  	s29 =	simm.s32 $0x9;
	_ =	strace $0x80000048  }
0xba: {  	_ =	swait.ge [sflag:s29], $0x1  }
0xbb: {  	[sflag:s29] =	ssyncadd.s32 $0xFFFFFFFF  }
0xbc: {  	_ =	strace $0x90000048  }
0xbd: {  	_ =	sfence  }
0xbe: {  	s30 =	sld [smem:$0x0];
	_ =	sdelay $0x2  }
0xbf: {  	s31 =	sshll.u32 s1, $0xD;
	s1 =	sshrl.u32 s1, $0x2  }
0xc0: {  	s3 =	sand.u32 $0x4000, s31;
	s1 =	sadd.s32 s1, s30  }
0xc1: {  	s0 =	sor.u32 s3, s0;
	s1 =	sshll.u32 s1, $0x11  }
0xc2: {  	s0 =	sor.u32 s1, s0  }
0xc3: {  	s0 =	sadd.s32 $0x8F2B, s0  }
0xc4: {  	[sflag:s0] =	ssyncadd.remote.s32 $0x1  }
0xc5: {  	_ =	sfence.sel $0xFFFF  }
0xc6: {  	[dreg:$0x0] =	wrdreg $0xFFFFFFFF;
	(pc) =	sbr.abs _section_cstart, $3  }
0xc7: {  	[dreg:$0x1] =	wrdreg $0xFFFFFFFF  }
0xc8: {  	_ =	task.clear_ibuf [dreg:s7], $0x2FFFF;
	_ =	strace $0x9FFFFFFF  }
0xc9: {  	(tm) =	ssettm $0x7FFFFFFF  }
tec
execute0_lowered:
.L_overlay_start_1:
0x0: {  	(tag) =	ssettag $0x1  }
0x1: {  	s0 =	rddreg [dreg:$0x0]  }
0x2: {  	s2 =	rddreg [dreg:$0x1];
	s3 =	srdreg.scid  }
0x3: {  	s1 =	rddreg [dreg:$0x2];
	s12 =	stileid.u32;
	s5 =	sand.u32 $0x1, s3  }
0x4: {  	s3 =	simm.s32 $0x0;
	s6 =	smul.u32 $0x14000, s12;
	s7 =	sadd.s32 $0x8C00, s2  }
0x5: {  	s11 =	sshll.u32 s12, $0x1;
	s10 =	smul.u32 $0x50000, s12;
	s18 =	sshll.u32 s12, $0x4  }
0x6: {  	s22 =	sshll.u32 s12, $0x8;
	s12 =	simm.s32 $0x5;
	s4 =	smul.u32 $0x140000, s5  }
0x7: {  	[smem:$0x7FF] =	sst s3;
	s24 =	ssub.s32 $0x2, s5;
	s20 =	sshll.u32 s5, $0x3  }
0x8: {  	_ =	strace $0x80000047;
	s8 =	sshrl.u32 s24, $0x1;
	s4 =	sadd.s32 s6, s4  }
0x9: {  	s10 =	sshrl.u32 s10, $0x2;
	s6 =	ssub.s32 s24, s8;
	s4 =	sshrl.u32 s4, $0x3  }
0xa: {  	s6 =	smax.u32 s6, $0x1;
	s2 =	sadd.s32 s4, s2;
	s4 =	sor.u32 s5, s11  }
0xb: {  	[dreg:$0x8] =	wrdreg s6;
	s6 =	sadd.s32 s18, s7;
	s5 =	sshll.u32 s5, $0x7  }
0xc: {  	s18 =	simm.s32 $0x4;
	s25 =	sshll.u32 s4, $0x3;
	s9 =	sshll.u32 s4, $0x7  }
0xd: {  	s28 =	sor.u32 $0x20, s4;
	s6 =	sadd.s32 s20, s6;
	s8 =	sadd.s32 s7, s25  }
0xe: {  	s26 =	sadd.s32 s0, s9;
	s29 =	sshll.u32 s28, $0x3;
	[dreg:$0x4] =	wrdreg s8  }
0xf: {  	[dreg:$0x5] =	wrdreg s26;
	s8 =	sshll.u32 s28, $0x7;
	s9 =	sadd.s32 s7, s29  }
0x10: {  	[dreg:$0x6] =	wrdreg s9;
	s8 =	sadd.s32 s0, s8;
	s9 =	sadd.s32 s10, s1  }
0x11: {  	s7 =	simm.s32 $0x80;
	[dreg:$0x7] =	wrdreg s8;
	s13 =	sadd.s32 $0x1000, s9  }
0x12: {  	s10 =	ssub.s32 $0x1388, s11;
	s14 =	sadd.s32 $0x2000, s9;
	[dreg:$0x9] =	wrdreg s13  }
0x13: {  	s11 =	ssub.s32 $0x1368, s11;
	s15 =	sadd.s32 $0x3000, s9;
	[dreg:$0xa] =	wrdreg s14  }
0x14: {  	s0 =	sadd.s32 s22, s0;
	s16 =	sadd.s32 $0x4000, s9;
	[dreg:$0xb] =	wrdreg s15  }
0x15: {  	s22 =	sadd.s32 $0x300, s6;
	s17 =	sadd.s32 $0x5000, s9;
	[dreg:$0xc] =	wrdreg s16  }
0x16: {  	s19 =	sadd.s32 $0x6000, s9;
	s21 =	sadd.s32 $0x7000, s9;
	[dreg:$0xd] =	wrdreg s17  }
0x17: {  	s23 =	sadd.s32 $0x8000, s9;
	s24 =	sadd.s32 $0x9000, s9;
	[dreg:$0xe] =	wrdreg s19  }
0x18: {  	s0 =	sadd.s32 s5, s0;
	s25 =	sadd.s32 $0xA000, s9;
	[dreg:$0xf] =	wrdreg s21  }
0x19: {  	s26 =	sadd.s32 $0xB000, s9;
	s28 =	sadd.s32 $0xC000, s9;
	[dreg:$0x10] =	wrdreg s23  }
0x1a: {  	s29 =	sadd.s32 $0xD000, s9;
	s30 =	sadd.s32 $0xE000, s9;
	[dreg:$0x11] =	wrdreg s24  }
0x1b: {  	s31 =	sadd.s32 $0xF000, s9;
	s5 =	sadd.s32 $0x12000, s9;
	[dreg:$0x12] =	wrdreg s25  }
0x1c: {  	s6 =	sadd.s32 $0x13000, s9;
	s8 =	simm.s32 $0x2900;
	[dreg:$0x13] =	wrdreg s26  }
0x1d: {  	s21 =	sadd.s32 $0x3000, s0;
	s25 =	sadd.s32 $0x1C800, s2;
	[dreg:$0x14] =	wrdreg s28  }
0x1e: {  	[dreg:$0x15] =	wrdreg s29;
	s0 =	sadd.s32 $0x10000, s9;
	s2 =	sadd.s32 $0x11000, s9  }
0x1f: {  	v0 =	vimm.f32 $0.0e+00;
	vm0 =	vcmask $0x300;
	s13 =	simm.s32 $0x1;
	s14 =	simm.s32 $0x3;
	s15 =	simm.s32 $0x40  }
0x20: {  	v1 =	vsel vm0, $0x3F800000, v0;
	s16 =	simm.s32 $0x900;
	s17 =	simm.s32 $0x2;
	s19 =	simm.s32 $0x0  }
.LBB2_1:
0x21: {  	s20 =	rddreg [dreg:$0x4]  }
0x22: {  	[tilespmem:s3], [sflag:$0x3] =	stream.linear.gather [hbm4b:s20+s3], $0x40, $0x38;
	[tilespmem:$0x17900] =	vst v63  }
0x23: {  	s29 =	rddreg [dreg:$0x5];
	s23 =	simm.s32 $0x100  }
0x24: {  	[tilespmem:s23], [sflag:$0x1] =	stream.linear.gather [hbm4b:s29+s3], $0x400, $0x38;
	[tilespmem:$0x17900] =	vst v63  }
0x25: {  	s23 =	rddreg [dreg:$0x6]  }
0x26: {  	[tilespmem:s7], [sflag:$0x4] =	stream.linear.gather [hbm4b:s23+s3], $0x40, $0x38;
	[tilespmem:$0x17900] =	vst v63  }
0x27: {  	s24 =	rddreg [dreg:$0x7];
	s26 =	simm.s32 $0x500;
	s28 =	sand.u32 $0x7E00, s3  }
0x28: {  	[tilespmem:s26], [sflag:$0x2] =	stream.linear.gather [hbm4b:s24+s3], $0x400, $0x38;
	[tilespmem:$0x17900] =	vst v63  }
0x29: {  	s29 =	sand.u32 $0x70, s3;
	s24 =	sshrl.u32 s28, $0x2  }
0x2a: {  	s20 =	simm.s32 $0x40;
	s23 =	simm.s32 $0x0;
	s24 =	sor.u32 s29, s24  }
.LBB2_2:
0x2b: {  	p0 =	sne.s32 s20, $0x7FC0  }
0x2c: {  	[tilespmem:s24+$0x900] =	vst v0;
	s23 =	sadd.s32 $0x10, s23;
	s24 =	smov.u32 s20;
	s20 =	sadd.s32 $0x40, s20  }
.Ltmp0:
0x2d: {  	(pc) =	sbr.rel @p0 .LBB2_2-.Ltmp0, $4  }
0x2e: {  	_ = 	snop  }
0x2f: {  	s24 =	sand.u32 $0x7E00, s24  }
0x30: {  	s26 =	sand.u32 $0x70, s23;
	s24 =	sshrl.u32 s24, $0x2  }
0x31: {  	s24 =	sor.u32 s26, s24  }
0x32: {  	[tilespmem:s24+$0x900] =	vst v0  }
0x33: {  	[tilespmem:$0x910] =	vst v1  }
0x34: {  	[tilespmem:$0x990] =	vst v1  }
0x35: {  	[tilespmem:$0xA10] =	vst v1  }
0x36: {  	[tilespmem:$0xA90] =	vst v1  }
0x37: {  	[tilespmem:$0xB10] =	vst v1  }
0x38: {  	[tilespmem:$0xB90] =	vst v1  }
0x39: {  	[tilespmem:$0xC10] =	vst v1  }
0x3a: {  	[tilespmem:$0xC90] =	vst v1  }
0x3b: {  	[tilespmem:$0xD10] =	vst v1  }
0x3c: {  	[tilespmem:$0xD90] =	vst v1  }
0x3d: {  	[tilespmem:$0xE10] =	vst v1  }
0x3e: {  	[tilespmem:$0xE90] =	vst v1  }
0x3f: {  	[tilespmem:$0xF10] =	vst v1  }
0x40: {  	[tilespmem:$0xF90] =	vst v1  }
0x41: {  	[tilespmem:$0x1010] =	vst v1  }
0x42: {  	[tilespmem:$0x1090] =	vst v1  }
0x43: {  	[tilespmem:$0x1110] =	vst v1  }
0x44: {  	[tilespmem:$0x1190] =	vst v1  }
0x45: {  	[tilespmem:$0x1210] =	vst v1  }
0x46: {  	[tilespmem:$0x1290] =	vst v1  }
0x47: {  	[tilespmem:$0x1310] =	vst v1  }
0x48: {  	[tilespmem:$0x1390] =	vst v1  }
0x49: {  	[tilespmem:$0x1410] =	vst v1  }
0x4a: {  	[tilespmem:$0x1490] =	vst v1  }
0x4b: {  	[tilespmem:$0x1510] =	vst v1  }
0x4c: {  	[tilespmem:$0x1590] =	vst v1  }
0x4d: {  	[tilespmem:$0x1610] =	vst v1  }
0x4e: {  	[tilespmem:$0x1690] =	vst v1  }
0x4f: {  	[tilespmem:$0x1710] =	vst v1  }
0x50: {  	[tilespmem:$0x1790] =	vst v1  }
0x51: {  	[tilespmem:$0x1810] =	vst v1  }
0x52: {  	[tilespmem:$0x1890] =	vst v1  }
0x53: {  	[tilespmem:$0x1910] =	vst v1  }
0x54: {  	[tilespmem:$0x1990] =	vst v1  }
0x55: {  	[tilespmem:$0x1A10] =	vst v1  }
0x56: {  	[tilespmem:$0x1A90] =	vst v1  }
0x57: {  	[tilespmem:$0x1B10] =	vst v1  }
0x58: {  	[tilespmem:$0x1B90] =	vst v1  }
0x59: {  	[tilespmem:$0x1C10] =	vst v1  }
0x5a: {  	[tilespmem:$0x1C90] =	vst v1  }
0x5b: {  	[tilespmem:$0x1D10] =	vst v1  }
0x5c: {  	[tilespmem:$0x1D90] =	vst v1  }
0x5d: {  	[tilespmem:$0x1E10] =	vst v1  }
0x5e: {  	[tilespmem:$0x1E90] =	vst v1  }
0x5f: {  	[tilespmem:$0x1F10] =	vst v1  }
0x60: {  	[tilespmem:$0x1F90] =	vst v1  }
0x61: {  	[tilespmem:$0x2010] =	vst v1  }
0x62: {  	[tilespmem:$0x2090] =	vst v1  }
0x63: {  	[tilespmem:$0x2110] =	vst v1  }
0x64: {  	[tilespmem:$0x2190] =	vst v1  }
0x65: {  	[tilespmem:$0x2210] =	vst v1  }
0x66: {  	[tilespmem:$0x2290] =	vst v1  }
0x67: {  	[tilespmem:$0x2310] =	vst v1  }
0x68: {  	[tilespmem:$0x2390] =	vst v1  }
0x69: {  	[tilespmem:$0x2410] =	vst v1  }
0x6a: {  	[tilespmem:$0x2490] =	vst v1  }
0x6b: {  	[tilespmem:$0x2510] =	vst v1  }
0x6c: {  	[tilespmem:$0x2590] =	vst v1  }
0x6d: {  	[tilespmem:$0x2610] =	vst v1  }
0x6e: {  	[tilespmem:$0x2690] =	vst v1  }
0x6f: {  	s20 =	simm.s32 $0x0;
	[tilespmem:$0x2710] =	vst v1  }
0x70: {  	[tilespmem:$0x2790] =	vst v1;
	s23 =	sand.u32 $0x3E00, s20  }
0x71: {  	[tilespmem:$0x2810] =	vst v1;
	s29 =	sand.u32 $0x70, s20;
	s26 =	sshrl.u32 s23, $0x2  }
0x72: {  	[tilespmem:$0x2890] =	vst v1;
	s23 =	simm.s32 $0x40;
	s24 =	sor.u32 s29, s26  }
.LBB2_4:
0x73: {  	p0 =	sne.s32 s23, $0x3FC0  }
0x74: {  	[tilespmem:s24+$0x2900] =	vst v0;
	s20 =	sadd.s32 $0x10, s20;
	s24 =	smov.u32 s23;
	s23 =	sadd.s32 $0x40, s23  }
.Ltmp1:
0x75: {  	(pc) =	sbr.rel @p0 .LBB2_4-.Ltmp1, $4  }
0x76: {  	_ = 	snop  }
0x77: {  	s24 =	sand.u32 $0x3E00, s24  }
0x78: {  	s26 =	sand.u32 $0x70, s20;
	s24 =	sshrl.u32 s24, $0x2  }
0x79: {  	s24 =	sor.u32 s26, s24  }
0x7a: {  	[tilespmem:s24+$0x2900] =	vst v0  }
0x7b: {  	[spmem:s9] =	stream.linear.scatter [tilespmem:s8], [sflag:$0x5], $0x1000, $0x38;
	[tilespmem:$0x17900] =	vst v63  }
0x7c: {  	_ =	swait.ge [sflag:s12], $0x1000  }
0x7d: {  	[sflag:s12] =	ssyncset.done $0x0  }
0x7e: {  	s20 =	rddreg [dreg:$0x9];
	[sflag:s12] =	ssyncadd.s32 $0xFFFFF000  }
0x7f: {  	[spmem:s20] =	stream.linear.scatter [tilespmem:s8], [sflag:$0x5], $0x1000, $0x38;
	[tilespmem:$0x17900] =	vst v63  }
0x80: {  	_ =	swait.ge [sflag:s12], $0x1000  }
0x81: {  	[sflag:s12] =	ssyncset.done $0x0  }
0x82: {  	s28 =	rddreg [dreg:$0xa];
	[sflag:s12] =	ssyncadd.s32 $0xFFFFF000  }
0x83: {  	[spmem:s28] =	stream.linear.scatter [tilespmem:s8], [sflag:$0x5], $0x1000, $0x38;
	[tilespmem:$0x17900] =	vst v63  }
0x84: {  	_ =	swait.ge [sflag:s12], $0x1000  }
0x85: {  	[sflag:s12] =	ssyncset.done $0x0  }
0x86: {  	s29 =	rddreg [dreg:$0xb];
	[sflag:s12] =	ssyncadd.s32 $0xFFFFF000  }
0x87: {  	[spmem:s29] =	stream.linear.scatter [tilespmem:s8], [sflag:$0x5], $0x1000, $0x38;
	[tilespmem:$0x17900] =	vst v63  }
0x88: {  	_ =	swait.ge [sflag:s12], $0x1000  }
0x89: {  	[sflag:s12] =	ssyncset.done $0x0  }
0x8a: {  	s23 =	rddreg [dreg:$0xc];
	[sflag:s12] =	ssyncadd.s32 $0xFFFFF000  }
0x8b: {  	[spmem:s23] =	stream.linear.scatter [tilespmem:s8], [sflag:$0x5], $0x1000, $0x38;
	[tilespmem:$0x17900] =	vst v63  }
0x8c: {  	_ =	swait.ge [sflag:s12], $0x1000  }
0x8d: {  	[sflag:s12] =	ssyncset.done $0x0  }
0x8e: {  	s24 =	rddreg [dreg:$0xd];
	[sflag:s12] =	ssyncadd.s32 $0xFFFFF000  }
0x8f: {  	[spmem:s24] =	stream.linear.scatter [tilespmem:s8], [sflag:$0x5], $0x1000, $0x38;
	[tilespmem:$0x17900] =	vst v63  }
0x90: {  	_ =	swait.ge [sflag:s12], $0x1000  }
0x91: {  	[sflag:s12] =	ssyncset.done $0x0  }
0x92: {  	s26 =	rddreg [dreg:$0xe];
	[sflag:s12] =	ssyncadd.s32 $0xFFFFF000  }
0x93: {  	[spmem:s26] =	stream.linear.scatter [tilespmem:s8], [sflag:$0x5], $0x1000, $0x38;
	[tilespmem:$0x17900] =	vst v63  }
0x94: {  	_ =	swait.ge [sflag:s12], $0x1000  }
0x95: {  	[sflag:s12] =	ssyncset.done $0x0  }
0x96: {  	s28 =	rddreg [dreg:$0xf];
	[sflag:s12] =	ssyncadd.s32 $0xFFFFF000  }
0x97: {  	[spmem:s28] =	stream.linear.scatter [tilespmem:s8], [sflag:$0x5], $0x1000, $0x38;
	[tilespmem:$0x17900] =	vst v63  }
0x98: {  	_ =	swait.ge [sflag:s12], $0x1000  }
0x99: {  	[sflag:s12] =	ssyncset.done $0x0  }
0x9a: {  	s29 =	rddreg [dreg:$0x10];
	[sflag:s12] =	ssyncadd.s32 $0xFFFFF000  }
0x9b: {  	[spmem:s29] =	stream.linear.scatter [tilespmem:s8], [sflag:$0x5], $0x1000, $0x38;
	[tilespmem:$0x17900] =	vst v63  }
0x9c: {  	_ =	swait.ge [sflag:s12], $0x1000  }
0x9d: {  	[sflag:s12] =	ssyncset.done $0x0  }
0x9e: {  	s23 =	rddreg [dreg:$0x11];
	[sflag:s12] =	ssyncadd.s32 $0xFFFFF000  }
0x9f: {  	[spmem:s23] =	stream.linear.scatter [tilespmem:s8], [sflag:$0x5], $0x1000, $0x38;
	[tilespmem:$0x17900] =	vst v63  }
0xa0: {  	_ =	swait.ge [sflag:s12], $0x1000  }
0xa1: {  	[sflag:s12] =	ssyncset.done $0x0  }
0xa2: {  	s24 =	rddreg [dreg:$0x12];
	[sflag:s12] =	ssyncadd.s32 $0xFFFFF000  }
0xa3: {  	[spmem:s24] =	stream.linear.scatter [tilespmem:s8], [sflag:$0x5], $0x1000, $0x38;
	[tilespmem:$0x17900] =	vst v63  }
0xa4: {  	_ =	swait.ge [sflag:s12], $0x1000  }
0xa5: {  	[sflag:s12] =	ssyncset.done $0x0  }
0xa6: {  	s26 =	rddreg [dreg:$0x13];
	[sflag:s12] =	ssyncadd.s32 $0xFFFFF000  }
0xa7: {  	[spmem:s26] =	stream.linear.scatter [tilespmem:s8], [sflag:$0x5], $0x1000, $0x38;
	[tilespmem:$0x17900] =	vst v63  }
0xa8: {  	_ =	swait.ge [sflag:s12], $0x1000  }
0xa9: {  	[sflag:s12] =	ssyncset.done $0x0  }
0xaa: {  	s28 =	rddreg [dreg:$0x14];
	[sflag:s12] =	ssyncadd.s32 $0xFFFFF000  }
0xab: {  	[spmem:s28] =	stream.linear.scatter [tilespmem:s8], [sflag:$0x5], $0x1000, $0x38;
	[tilespmem:$0x17900] =	vst v63  }
0xac: {  	_ =	swait.ge [sflag:s12], $0x1000  }
0xad: {  	[sflag:s12] =	ssyncset.done $0x0  }
0xae: {  	s29 =	rddreg [dreg:$0x15];
	[sflag:s12] =	ssyncadd.s32 $0xFFFFF000  }
0xaf: {  	[spmem:s29] =	stream.linear.scatter [tilespmem:s8], [sflag:$0x5], $0x1000, $0x38;
	[tilespmem:$0x17900] =	vst v63  }
0xb0: {  	_ =	swait.ge [sflag:s12], $0x1000  }
0xb1: {  	[sflag:s12] =	ssyncset.done $0x0  }
0xb2: {  	[sflag:s12] =	ssyncadd.s32 $0xFFFFF000  }
0xb3: {  	[spmem:s30] =	stream.linear.scatter [tilespmem:s8], [sflag:$0x5], $0x1000, $0x38;
	[tilespmem:$0x17900] =	vst v63  }
0xb4: {  	_ =	swait.ge [sflag:s12], $0x1000  }
0xb5: {  	[sflag:s12] =	ssyncset.done $0x0  }
0xb6: {  	[sflag:s12] =	ssyncadd.s32 $0xFFFFF000  }
0xb7: {  	[spmem:s31] =	stream.linear.scatter [tilespmem:s8], [sflag:$0x5], $0x1000, $0x38;
	[tilespmem:$0x17900] =	vst v63  }
0xb8: {  	_ =	swait.ge [sflag:s12], $0x1000  }
0xb9: {  	[sflag:s12] =	ssyncset.done $0x0  }
0xba: {  	[sflag:s12] =	ssyncadd.s32 $0xFFFFF000  }
0xbb: {  	[spmem:s0] =	stream.linear.scatter [tilespmem:s8], [sflag:$0x5], $0x1000, $0x38;
	[tilespmem:$0x17900] =	vst v63  }
0xbc: {  	_ =	swait.ge [sflag:s12], $0x1000  }
0xbd: {  	[sflag:s12] =	ssyncset.done $0x0  }
0xbe: {  	[sflag:s12] =	ssyncadd.s32 $0xFFFFF000  }
0xbf: {  	[spmem:s2] =	stream.linear.scatter [tilespmem:s8], [sflag:$0x5], $0x1000, $0x38;
	[tilespmem:$0x17900] =	vst v63  }
0xc0: {  	_ =	swait.ge [sflag:s12], $0x1000  }
0xc1: {  	[sflag:s12] =	ssyncset.done $0x0  }
0xc2: {  	[sflag:s12] =	ssyncadd.s32 $0xFFFFF000  }
0xc3: {  	[spmem:s5] =	stream.linear.scatter [tilespmem:s8], [sflag:$0x5], $0x1000, $0x38;
	[tilespmem:$0x17900] =	vst v63  }
0xc4: {  	_ =	swait.ge [sflag:s12], $0x1000  }
0xc5: {  	[sflag:s12] =	ssyncset.done $0x0  }
0xc6: {  	[sflag:s12] =	ssyncadd.s32 $0xFFFFF000  }
0xc7: {  	[spmem:s6] =	stream.linear.scatter [tilespmem:s8], [sflag:$0x5], $0x1000, $0x38;
	[tilespmem:$0x17900] =	vst v63  }
.Ltmp2:
0xc8: {  	_ =	swait.ge [sflag:s12], $0x1000;
	(pc) =	sbr.rel .LBB2_6-.Ltmp2, $4  }
0xc9: {  	[sflag:s12] =	ssyncset.done $0x0  }
0xca: {  	[sflag:s12] =	ssyncadd.s32 $0xFFFFF000  }
0xcb: {  	[bflag:$0x0] =	sbarrier.arrive $0xFFFF  }
0xcc: {  	s20 =	simm.s32 $0x0;
	s23 =	smov.u32 s22;
	s24 =	smov.u32 s21  }
.LBB2_10:
0xcd: {  	s20 =	sadd.s32 $0x40, s20  }
0xce: {  	p0 =	sne.s32 s20, $0x13C0  }
.Ltmp3:
0xcf: {  	_ = 	snop;
	(pc) =	sbr.rel @!p0 .LBB2_11-.Ltmp3, $2  }
0xd0: {  	_ =	sdelay $0x2  }
0xd1: {  	s23 =	sadd.s32 $0x200, s23;
	s24 =	sadd.s32 $0x2000, s24  }
.LBB2_6:
0xd2: {  	p0 =	sge.u32 s20, s10  }
.Ltmp4:
0xd3: {  	_ = 	snop;
	(pc) =	sbr.rel @p0 .LBB2_8-.Ltmp4, $1  }
0xd4: {  	_ =	sdelay $0x3  }
0xd5: {  	_ =	swait.ge [sflag:s13], $0x400  }
0xd6: {  	[sflag:s13] =	ssyncset.done $0x0  }
0xd7: {  	[sflag:s13] =	ssyncadd.s32 $0xFFFFFC00  }
0xd8: {  	v2 =	vld [tilespmem:$0x100]  }
0xd9: {  	v3 =	vld [tilespmem:$0x110]  }
0xda: {  	v4 =	vld [tilespmem:$0x120]  }
0xdb: {  	v5 =	vld [tilespmem:$0x130]  }
0xdc: {  	v6 =	vld [tilespmem:$0x140]  }
0xdd: {  	v29 =	vld [tilespmem:$0x170];
	[tilespmem:$0x900] =	vst v2  }
0xde: {  	v30 =	vld [tilespmem:$0x180];
	[tilespmem:$0x980] =	vst v3  }
0xdf: {  	v2 =	vld [tilespmem:$0x150];
	[tilespmem:$0xA00] =	vst v4  }
0xe0: {  	v3 =	vld [tilespmem:$0x160];
	[tilespmem:$0xA80] =	vst v5  }
0xe1: {  	v31 =	vld [tilespmem:$0x190];
	[tilespmem:$0xB00] =	vst v6  }
0xe2: {  	v32 =	vld [tilespmem:$0x1C0];
	[tilespmem:$0xC80] =	vst v29  }
0xe3: {  	v33 =	vld [tilespmem:$0x1D0];
	[tilespmem:$0xD00] =	vst v30  }
0xe4: {  	[tilespmem:$0xB80] =	vst v2;
	v2 =	vld [tilespmem:$0x1A0]  }
0xe5: {  	[tilespmem:$0xC00] =	vst v3;
	v3 =	vld [tilespmem:$0x1B0]  }
0xe6: {  	v34 =	vld [tilespmem:$0x1E0];
	[tilespmem:$0xD80] =	vst v31  }
0xe7: {  	v35 =	vld [tilespmem:$0x210];
	[tilespmem:$0xF00] =	vst v32  }
0xe8: {  	v36 =	vld [tilespmem:$0x220];
	[tilespmem:$0xF80] =	vst v33  }
0xe9: {  	[tilespmem:$0xE00] =	vst v2;
	v2 =	vld [tilespmem:$0x1F0]  }
0xea: {  	[tilespmem:$0xE80] =	vst v3;
	v3 =	vld [tilespmem:$0x200]  }
0xeb: {  	v37 =	vld [tilespmem:$0x230];
	[tilespmem:$0x1000] =	vst v34  }
0xec: {  	v38 =	vld [tilespmem:$0x260];
	[tilespmem:$0x1180] =	vst v35  }
0xed: {  	v39 =	vld [tilespmem:$0x270];
	[tilespmem:$0x1200] =	vst v36  }
0xee: {  	[tilespmem:$0x1080] =	vst v2;
	v2 =	vld [tilespmem:$0x240]  }
0xef: {  	[tilespmem:$0x1100] =	vst v3;
	v3 =	vld [tilespmem:$0x250]  }
0xf0: {  	v40 =	vld [tilespmem:$0x280];
	[tilespmem:$0x1280] =	vst v37  }
0xf1: {  	v41 =	vld [tilespmem:$0x2B0];
	[tilespmem:$0x1400] =	vst v38  }
0xf2: {  	v42 =	vld [tilespmem:$0x2C0];
	[tilespmem:$0x1480] =	vst v39  }
0xf3: {  	[tilespmem:$0x1300] =	vst v2;
	v2 =	vld [tilespmem:$0x290]  }
0xf4: {  	[tilespmem:$0x1380] =	vst v3;
	v3 =	vld [tilespmem:$0x2A0]  }
0xf5: {  	v43 =	vld [tilespmem:$0x2D0];
	[tilespmem:$0x1500] =	vst v40  }
0xf6: {  	v44 =	vld [tilespmem:$0x300];
	[tilespmem:$0x1680] =	vst v41  }
0xf7: {  	v45 =	vld [tilespmem:$0x310];
	[tilespmem:$0x1700] =	vst v42  }
0xf8: {  	[tilespmem:$0x1580] =	vst v2;
	v2 =	vld [tilespmem:$0x2E0]  }
0xf9: {  	[tilespmem:$0x1600] =	vst v3;
	v3 =	vld [tilespmem:$0x2F0]  }
0xfa: {  	v46 =	vld [tilespmem:$0x320];
	[tilespmem:$0x1780] =	vst v43  }
0xfb: {  	v47 =	vld [tilespmem:$0x350];
	[tilespmem:$0x1900] =	vst v44  }
0xfc: {  	v48 =	vld [tilespmem:$0x360];
	[tilespmem:$0x1980] =	vst v45  }
0xfd: {  	[tilespmem:$0x1800] =	vst v2;
	v2 =	vld [tilespmem:$0x330]  }
0xfe: {  	[tilespmem:$0x1880] =	vst v3;
	v3 =	vld [tilespmem:$0x340]  }
0xff: {  	v49 =	vld [tilespmem:$0x370];
	[tilespmem:$0x1A00] =	vst v46  }
0x100: {  	v50 =	vld [tilespmem:$0x3A0];
	[tilespmem:$0x1B80] =	vst v47  }
0x101: {  	v51 =	vld [tilespmem:$0x3B0];
	[tilespmem:$0x1C00] =	vst v48  }
0x102: {  	[tilespmem:$0x1A80] =	vst v2;
	v2 =	vld [tilespmem:$0x380]  }
0x103: {  	[tilespmem:$0x1B00] =	vst v3;
	v3 =	vld [tilespmem:$0x390]  }
0x104: {  	v52 =	vld [tilespmem:$0x3C0];
	[tilespmem:$0x1C80] =	vst v49  }
0x105: {  	v53 =	vld [tilespmem:$0x3F0];
	[tilespmem:$0x1E00] =	vst v50  }
0x106: {  	v54 =	vld [tilespmem:$0x400];
	[tilespmem:$0x1E80] =	vst v51  }
0x107: {  	[tilespmem:$0x1D00] =	vst v2;
	v2 =	vld [tilespmem:$0x3D0]  }
0x108: {  	[tilespmem:$0x1D80] =	vst v3;
	v3 =	vld [tilespmem:$0x3E0]  }
0x109: {  	v55 =	vld [tilespmem:$0x410];
	[tilespmem:$0x1F00] =	vst v52  }
0x10a: {  	v56 =	vld [tilespmem:$0x440];
	[tilespmem:$0x2080] =	vst v53  }
0x10b: {  	v57 =	vld [tilespmem:$0x450];
	[tilespmem:$0x2100] =	vst v54  }
0x10c: {  	[tilespmem:$0x1F80] =	vst v2;
	v2 =	vld [tilespmem:$0x420]  }
0x10d: {  	[tilespmem:$0x2000] =	vst v3;
	v3 =	vld [tilespmem:$0x430]  }
0x10e: {  	v58 =	vld [tilespmem:$0x460];
	[tilespmem:$0x2180] =	vst v55  }
0x10f: {  	v59 =	vld [tilespmem:$0x490];
	[tilespmem:$0x2300] =	vst v56  }
0x110: {  	v60 =	vld [tilespmem:$0x4A0];
	[tilespmem:$0x2380] =	vst v57  }
0x111: {  	[tilespmem:$0x2200] =	vst v2;
	v2 =	vld [tilespmem:$0x470]  }
0x112: {  	[tilespmem:$0x2280] =	vst v3;
	v3 =	vld [tilespmem:$0x480]  }
0x113: {  	v61 =	vld [tilespmem:$0x4B0];
	[tilespmem:$0x2400] =	vst v58  }
0x114: {  	v62 =	vld [tilespmem:$0x4E0];
	[tilespmem:$0x2580] =	vst v59  }
0x115: {  	v63 =	vld [tilespmem:$0x4F0];
	[tilespmem:$0x2600] =	vst v60  }
0x116: {  	[tilespmem:$0x2480] =	vst v2;
	v2 =	vld [tilespmem:$0x4C0]  }
0x117: {  	[tilespmem:$0x2500] =	vst v3;
	v3 =	vld [tilespmem:$0x4D0]  }
0x118: {  	[tilespmem:$0x2680] =	vst v61  }
0x119: {  	[tilespmem:$0x2800] =	vst v62  }
0x11a: {  	[tilespmem:$0x2880] =	vst v63  }
0x11b: {  	[tilespmem:$0x2700] =	vst v2  }
0x11c: {  	[tilespmem:$0x2780] =	vst v3  }
0x11d: {  	_ =	swait.ge [sflag:s14], $0x40  }
0x11e: {  	[sflag:s14] =	ssyncset.done $0x0  }
0x11f: {  	s26 =	sadd.s32 s20, s4;
	[sflag:s14] =	ssyncadd.s32 $0xFFFFFFC0  }
0x120: {  	[spmem:s1] =	stream.indirect.scatter.add.f32 [tilespmem:s16], [sflag:$0x5], $0x80, s3, s15, $0xb8;
	[tilespmem:$0x17900] =	vst v63  }
0x121: {  	s26 =	sadd.s32 $0x40, s26;
	_ =	swait.ge [sflag:s12], $0x2000  }
0x122: {  	p0 =	sgt.u32 s26, $0x1387;
	[sflag:s12] =	ssyncset.done $0x0  }
0x123: {  	s26 =	sadd.s32 @!p0 $0xFFFFFF00, s23;
	s28 =	simm.s32 @!p0 $0x0;
	[sflag:s12] =	ssyncadd.s32 $0xFFFFE000  }
0x124: {  	[tilespmem:s28], [sflag:$0x3] =	stream.linear.gather @!p0 [hbm4b:s26+s28], $0x40, $0x38;
	[tilespmem:$0x17900] =	vst v63  }
0x125: {  	s29 =	simm.s32 @!p0 $0x100;
	s26 =	sadd.s32 @!p0 $0xFFFFF000, s24  }
0x126: {  	[tilespmem:s29], [sflag:$0x1] =	stream.linear.gather @!p0 [hbm4b:s26+s28], $0x400, $0x38;
	[tilespmem:$0x17900] =	vst v63  }
.LBB2_8:
0x127: {  	p0 =	sge.u32 s20, s11  }
.Ltmp5:
0x128: {  	_ = 	snop;
	(pc) =	sbr.rel @p0 .LBB2_10-.Ltmp5, $1  }
0x129: {  	_ =	sdelay $0x3  }
0x12a: {  	_ =	swait.ge [sflag:s17], $0x400  }
0x12b: {  	[sflag:s17] =	ssyncset.done $0x0  }
0x12c: {  	[sflag:s17] =	ssyncadd.s32 $0xFFFFFC00  }
0x12d: {  	v2 =	vld [tilespmem:$0x500]  }
0x12e: {  	v3 =	vld [tilespmem:$0x510]  }
0x12f: {  	v4 =	vld [tilespmem:$0x520]  }
0x130: {  	v5 =	vld [tilespmem:$0x530]  }
0x131: {  	v6 =	vld [tilespmem:$0x540]  }
0x132: {  	v29 =	vld [tilespmem:$0x570];
	[tilespmem:$0x900] =	vst v2  }
0x133: {  	v30 =	vld [tilespmem:$0x580];
	[tilespmem:$0x980] =	vst v3  }
0x134: {  	v2 =	vld [tilespmem:$0x550];
	[tilespmem:$0xA00] =	vst v4  }
0x135: {  	v3 =	vld [tilespmem:$0x560];
	[tilespmem:$0xA80] =	vst v5  }
0x136: {  	v31 =	vld [tilespmem:$0x590];
	[tilespmem:$0xB00] =	vst v6  }
0x137: {  	v32 =	vld [tilespmem:$0x5C0];
	[tilespmem:$0xC80] =	vst v29  }
0x138: {  	v33 =	vld [tilespmem:$0x5D0];
	[tilespmem:$0xD00] =	vst v30  }
0x139: {  	[tilespmem:$0xB80] =	vst v2;
	v2 =	vld [tilespmem:$0x5A0]  }
0x13a: {  	[tilespmem:$0xC00] =	vst v3;
	v3 =	vld [tilespmem:$0x5B0]  }
0x13b: {  	v34 =	vld [tilespmem:$0x5E0];
	[tilespmem:$0xD80] =	vst v31  }
0x13c: {  	v35 =	vld [tilespmem:$0x610];
	[tilespmem:$0xF00] =	vst v32  }
0x13d: {  	v36 =	vld [tilespmem:$0x620];
	[tilespmem:$0xF80] =	vst v33  }
0x13e: {  	[tilespmem:$0xE00] =	vst v2;
	v2 =	vld [tilespmem:$0x5F0]  }
0x13f: {  	[tilespmem:$0xE80] =	vst v3;
	v3 =	vld [tilespmem:$0x600]  }
0x140: {  	v37 =	vld [tilespmem:$0x630];
	[tilespmem:$0x1000] =	vst v34  }
0x141: {  	v38 =	vld [tilespmem:$0x660];
	[tilespmem:$0x1180] =	vst v35  }
0x142: {  	v39 =	vld [tilespmem:$0x670];
	[tilespmem:$0x1200] =	vst v36  }
0x143: {  	[tilespmem:$0x1080] =	vst v2;
	v2 =	vld [tilespmem:$0x640]  }
0x144: {  	[tilespmem:$0x1100] =	vst v3;
	v3 =	vld [tilespmem:$0x650]  }
0x145: {  	v40 =	vld [tilespmem:$0x680];
	[tilespmem:$0x1280] =	vst v37  }
0x146: {  	v41 =	vld [tilespmem:$0x6B0];
	[tilespmem:$0x1400] =	vst v38  }
0x147: {  	v42 =	vld [tilespmem:$0x6C0];
	[tilespmem:$0x1480] =	vst v39  }
0x148: {  	[tilespmem:$0x1300] =	vst v2;
	v2 =	vld [tilespmem:$0x690]  }
0x149: {  	[tilespmem:$0x1380] =	vst v3;
	v3 =	vld [tilespmem:$0x6A0]  }
0x14a: {  	v43 =	vld [tilespmem:$0x6D0];
	[tilespmem:$0x1500] =	vst v40  }
0x14b: {  	v44 =	vld [tilespmem:$0x700];
	[tilespmem:$0x1680] =	vst v41  }
0x14c: {  	v45 =	vld [tilespmem:$0x710];
	[tilespmem:$0x1700] =	vst v42  }
0x14d: {  	[tilespmem:$0x1580] =	vst v2;
	v2 =	vld [tilespmem:$0x6E0]  }
0x14e: {  	[tilespmem:$0x1600] =	vst v3;
	v3 =	vld [tilespmem:$0x6F0]  }
0x14f: {  	v46 =	vld [tilespmem:$0x720];
	[tilespmem:$0x1780] =	vst v43  }
0x150: {  	v47 =	vld [tilespmem:$0x750];
	[tilespmem:$0x1900] =	vst v44  }
0x151: {  	v48 =	vld [tilespmem:$0x760];
	[tilespmem:$0x1980] =	vst v45  }
0x152: {  	[tilespmem:$0x1800] =	vst v2;
	v2 =	vld [tilespmem:$0x730]  }
0x153: {  	[tilespmem:$0x1880] =	vst v3;
	v3 =	vld [tilespmem:$0x740]  }
0x154: {  	v49 =	vld [tilespmem:$0x770];
	[tilespmem:$0x1A00] =	vst v46  }
0x155: {  	v50 =	vld [tilespmem:$0x7A0];
	[tilespmem:$0x1B80] =	vst v47  }
0x156: {  	v51 =	vld [tilespmem:$0x7B0];
	[tilespmem:$0x1C00] =	vst v48  }
0x157: {  	[tilespmem:$0x1A80] =	vst v2;
	v2 =	vld [tilespmem:$0x780]  }
0x158: {  	[tilespmem:$0x1B00] =	vst v3;
	v3 =	vld [tilespmem:$0x790]  }
0x159: {  	v52 =	vld [tilespmem:$0x7C0];
	[tilespmem:$0x1C80] =	vst v49  }
0x15a: {  	v53 =	vld [tilespmem:$0x7F0];
	[tilespmem:$0x1E00] =	vst v50  }
0x15b: {  	v54 =	vld [tilespmem:$0x800];
	[tilespmem:$0x1E80] =	vst v51  }
0x15c: {  	[tilespmem:$0x1D00] =	vst v2;
	v2 =	vld [tilespmem:$0x7D0]  }
0x15d: {  	[tilespmem:$0x1D80] =	vst v3;
	v3 =	vld [tilespmem:$0x7E0]  }
0x15e: {  	v55 =	vld [tilespmem:$0x810];
	[tilespmem:$0x1F00] =	vst v52  }
0x15f: {  	v56 =	vld [tilespmem:$0x840];
	[tilespmem:$0x2080] =	vst v53  }
0x160: {  	v57 =	vld [tilespmem:$0x850];
	[tilespmem:$0x2100] =	vst v54  }
0x161: {  	[tilespmem:$0x1F80] =	vst v2;
	v2 =	vld [tilespmem:$0x820]  }
0x162: {  	[tilespmem:$0x2000] =	vst v3;
	v3 =	vld [tilespmem:$0x830]  }
0x163: {  	v58 =	vld [tilespmem:$0x860];
	[tilespmem:$0x2180] =	vst v55  }
0x164: {  	v59 =	vld [tilespmem:$0x890];
	[tilespmem:$0x2300] =	vst v56  }
0x165: {  	v60 =	vld [tilespmem:$0x8A0];
	[tilespmem:$0x2380] =	vst v57  }
0x166: {  	[tilespmem:$0x2200] =	vst v2;
	v2 =	vld [tilespmem:$0x870]  }
0x167: {  	[tilespmem:$0x2280] =	vst v3;
	v3 =	vld [tilespmem:$0x880]  }
0x168: {  	v61 =	vld [tilespmem:$0x8B0];
	[tilespmem:$0x2400] =	vst v58  }
0x169: {  	v62 =	vld [tilespmem:$0x8E0];
	[tilespmem:$0x2580] =	vst v59  }
0x16a: {  	v63 =	vld [tilespmem:$0x8F0];
	[tilespmem:$0x2600] =	vst v60  }
0x16b: {  	[tilespmem:$0x2480] =	vst v2;
	v2 =	vld [tilespmem:$0x8C0]  }
0x16c: {  	[tilespmem:$0x2500] =	vst v3;
	v3 =	vld [tilespmem:$0x8D0]  }
0x16d: {  	[tilespmem:$0x2680] =	vst v61  }
0x16e: {  	[tilespmem:$0x2800] =	vst v62  }
0x16f: {  	[tilespmem:$0x2880] =	vst v63  }
0x170: {  	[tilespmem:$0x2700] =	vst v2  }
0x171: {  	[tilespmem:$0x2780] =	vst v3  }
0x172: {  	_ =	swait.ge [sflag:s18], $0x40  }
0x173: {  	[sflag:s18] =	ssyncset.done $0x0  }
0x174: {  	s26 =	sadd.s32 s20, s4;
	[sflag:s18] =	ssyncadd.s32 $0xFFFFFFC0  }
0x175: {  	[spmem:s1] =	stream.indirect.scatter.add.f32 [tilespmem:s16], [sflag:$0x5], $0x80, s7, s15, $0xb8;
	[tilespmem:$0x17900] =	vst v63  }
0x176: {  	s26 =	sadd.s32 $0x60, s26;
	_ =	swait.ge [sflag:s12], $0x2000  }
.Ltmp6:
0x177: {  	p0 =	sgt.u32 s26, $0x1387;
	[sflag:s12] =	ssyncset.done $0x0;
	(pc) =	sbr.rel .LBB2_10-.Ltmp6, $4  }
0x178: {  	s26 =	simm.s32 @!p0 $0x0;
	s28 =	simm.s32 @!p0 $0x80;
	[sflag:s12] =	ssyncadd.s32 $0xFFFFE000  }
0x179: {  	[tilespmem:s28], [sflag:$0x4] =	stream.linear.gather @!p0 [hbm4b:s23+s26], $0x40, $0x38;
	[tilespmem:$0x17900] =	vst v63  }
0x17a: {  	s28 =	simm.s32 @!p0 $0x500  }
0x17b: {  	[tilespmem:s28], [sflag:$0x2] =	stream.linear.gather @!p0 [hbm4b:s24+s26], $0x400, $0x38;
	[tilespmem:$0x17900] =	vst v63  }
.LBB2_11:
0x17c: {  	[bflag:$0x0] =	sbarrier.arrive $0xFFFF  }
0x17d: {  	[tilespmem:s8], [sflag:$0x5] =	stream.linear.gather [spmem:s9], $0x1000, $0x38;
	[tilespmem:$0x17900] =	vst v63  }
0x17e: {  	_ =	swait.ge [sflag:s12], $0x1000  }
0x17f: {  	[sflag:s12] =	ssyncset.done $0x0  }
0x180: {  	s20 =	sadd.s32 $0x0, s25;
	[sflag:s12] =	ssyncadd.s32 $0xFFFFF000  }
0x181: {  	[hbm4b:s20+s3] =	stream.linear.scatter [tilespmem:s8], [sflag:$0x5], $0x1000, $0x38;
	[tilespmem:$0x17900] =	vst v63  }
0x182: {  	_ =	swait.ge [sflag:s12], $0x1000  }
0x183: {  	s23 =	smov.u32 s9;
	s20 =	simm.s32 $0x200;
	[sflag:s12] =	ssyncset.done $0x0  }
.LBB2_12:
0x184: {  	p0 =	sne.s32 s20, $0x2600;
	[sflag:s12] =	ssyncadd.s32 $0xFFFFF000;
	s23 =	sadd.s32 $0x1000, s23  }
0x185: {  	[tilespmem:s8], [sflag:$0x5] =	stream.linear.gather [spmem:s23], $0x1000, $0x38;
	[tilespmem:$0x17900] =	vst v63  }
0x186: {  	s24 =	smov.u32 s20;
	s20 =	sadd.s32 $0x200, s20;
	_ =	swait.ge [sflag:s12], $0x1000  }
.Ltmp7:
0x187: {  	[sflag:s12] =	ssyncset.done $0x0;
	(pc) =	sbr.rel @p0 .LBB2_12-.Ltmp7, $4  }
0x188: {  	s24 =	sadd.s32 s24, s25;
	[sflag:s12] =	ssyncadd.s32 $0xFFFFF000  }
0x189: {  	[hbm4b:s24+s3] =	stream.linear.scatter [tilespmem:s8], [sflag:$0x5], $0x1000, $0x38;
	[tilespmem:$0x17900] =	vst v63  }
0x18a: {  	_ =	swait.ge [sflag:s12], $0x1000  }
0x18b: {  	[sflag:s12] =	ssyncset.done $0x0  }
0x18c: {  	s19 =	sadd.s32 $0x1, s19;
	s20 =	rddreg [dreg:$0x8]  }
0x18d: {  	p0 =	sne.s32 s19, s20  }
.Ltmp8:
0x18e: {  	_ = 	snop;
	(pc) =	sbr.rel @p0 .LBB2_1-.Ltmp8, $2  }
0x18f: {  	_ =	sdelay $0x2  }
0x190: {  	[sflag:s12] =	ssyncadd.s32 $0xFFFFF000  }
0x191: {  	_ =	sfence.sel $0x180000  }
0x192: {  	[bflag:$0x0] =	sbarrier.arrive $0xFFFF  }
0x193: {  	_ =	strace $0x90000047  }
0x194: {  	s0 =	stileid.u32;
	[bflag:$0x2] =	sbarrier.arrive $0xFFFF  }
0x195: {  	p0 =	sne.s32 s0, $0x0;
	s0 =	rddreg [dreg:$0x3]  }
0x196: {  	s0 =	sadd.s32 @!p0 $0x100000, s0  }
0x197: {  	[sflag:s0] =	ssyncadd.tile.s32 @!p0 $0x1;
	_ =	shalt  }
.Lfunc_end2:
_tile_overlayer_lowered:
.L_overlay_start_2:
0x198: {  	(tag) =	ssettag $0x2  }
0x199: {  	s0 =	rddreg [dreg:$0x0];
	s2 =	stileid.u32  }
0x19a: {  	s1 =	rddreg [dreg:$0x1];
	p0 =	sne.s32 s2, $0x0  }
0x19b: {  	s3 =	rddreg [dreg:$0x2];
	[bflag:$0x3] =	sbarrier.arrive $0xFFFF;
	s2 =	simm.s32 @!p0 $0x1C05  }
0x19c: {  	[timem:s3], [sflag:s2] =	dma.local @!p0 [hbm:s0], s1  }
0x19d: {  	s0 =	simm.s32 @!p0 $0x5  }
0x19e: {  	_ =	swait.ge @!p0 [sflag:s0], s1  }
0x19f: {  	s1 =	ssub.s32 @!p0 $0x0, s1;
	[sflag:s0] =	ssyncset.done @!p0 $0x0  }
0x1a0: {  	[sflag:s0] =	ssyncadd.s32 @!p0 s1  }
0x1a1: {  	[bflag:$0x3] =	sbarrier.arrive $0xFFFF  }
0x1a2: {  	_ =	shalt  }

// kernel: kernel.14.cloned.1.call-start
scs
__scs_entry_jumppad:
0x0: {  	(pc) =	sbr.rel $0x88, $3  }
0x1: {  	(tag) =	ssettag $0x0;
	lr =	simm.s32 $0x1  }
0x2: {  	[smem:$0x3F84] =	sst lr;
	_ =	strace $0xD0000000  }
0x3: {  	_ = 	snop  }
0x4: {  	_ = 	snop  }
0x5: {  	_ = 	snop  }
0x6: {  	_ = 	snop  }
0x7: {  	_ = 	snop  }
__scs_overlays_trampoline_lowered:
0x8: {  	[smem:$0x3F93] =	sst s0  }
0x9: {  	[smem:$0x3F94] =	sst s1  }
0xa: {  	[smem:$0x3F95] =	sst s2  }
0xb: {  	[smem:$0x3F96] =	sst s3  }
0xc: {  	[smem:$0x3F97] =	sst s4  }
0xd: {  	[smem:$0x3F98] =	sst s5  }
0xe: {  	[smem:$0x3F99] =	sst s6  }
0xf: {  	[smem:$0x3F9A] =	sst s7  }
0x10: {  	[smem:$0x3F9B] =	sst s8  }
0x11: {  	[smem:$0x3F9C] =	sst s9;
	s0 =	simm.s32 @!p0 $0x0  }
0x12: {  	s1 =	sld [smem:$0x3F82];
	s0 =	simm.s32 @p0 $0x1  }
0x13: {  	[smem:$0x3F9D] =	sst s0;
	s0 =	simm.s32 @!p1 $0x0  }
0x14: {  	s2 =	sld [smem:$0x3F81];
	s0 =	simm.s32 @p1 $0x1  }
0x15: {  	[smem:$0x3F9E] =	sst s0;
	s0 =	simm.s32 @!p2 $0x0  }
0x16: {  	s3 =	sld [smem:$0x3FDB];
	s0 =	simm.s32 @p2 $0x1  }
0x17: {  	s4 =	simm.s32 $0x1BF5;
	[smem:$0x3FA0] =	sst s0  }
0x18: {  	s0 =	sld [smem:$0x3F83];
	_ =	swait.ge [sflag:s4], $0x0  }
0x19: {  	s7 =	sld [smem:$0x3F84]  }
0x1a: {  	s8 =	sadd.s32 $0xFFFFE003, lr  }
0x1b: {  	s9 =	sadd.s32 $0xFFFFFEF7, lr;
	s5 =	simm.s32 $0xFFFFFFFF;
	p2 =	slt.u32 s8, $0xFFFFF086  }
0x1c: {  	p1 =	slt.u32 s9, $0xF7A;
	s5 =	simm.s32 @!p2 $0x0  }
0x1d: {  	s5 =	simm.s32 @p1 $0x1;
	p0 =	seq.s32 s7, s2  }
0x1e: {  	s7 =	smul.u32 @!p0 $0xF7A, s2;
	p2 =	seq.s32 @!p0 s5, $0x0  }
0x1f: {  	s9 =	smul.u32 $0xF7A, s1;
	s8 =	simm.s32 @!p0 $0x1BF5;
	p2 =	por !p2, p0  }
0x20: {  	[sflag:s8] =	ssyncset.s32 @!p0 $0xFFFFF086;
	s6 =	sadd.s32 @!p0 s3, s7;
	s7 =	simm.s32 @!p0 $0x108  }
0x21: {  	s3 =	sadd.s32 s3, s9;
	s6 =	sadd.s32 @!p0 $0x88, s6;
	s7 =	simm.s32 @p2 $0x1082  }
0x22: {  	[simem:s7], [sflag:s8] =	dma.local @!p0 [hbm:s6], $0xF7A  }
0x23: {  	s9 =	sor.u32 $0xD0000000, s2;
	s6 =	simm.s32 $0x108;
	_ =	swait.ge @!p0 [sflag:s8], $0x0  }
0x24: {  	s3 =	sadd.s32 $0x88, s3;
	s6 =	simm.s32 @!p1 $0x1082;
	[sflag:s4] =	ssyncset.s32 $0xFFFFF086  }
0x25: {  	[simem:s6], [sflag:s4] =	dma.local [hbm:s3], $0xF7A  }
0x26: {  	[smem:$0x3F84] =	sst s1;
	(tag) =	ssettag s2;
	_ =	strace s9  }
0x27: {  	s1 =	sld [smem:$0x3F94]  }
0x28: {  	s2 =	sld [smem:$0x3F95]  }
0x29: {  	s4 =	sld [smem:$0x3F97]  }
0x2a: {  	p0 =	seq.s32 s5, $0x0;
	s5 =	sld [smem:$0x3F98]  }
0x2b: {  	s6 =	sld [smem:$0x3F99]  }
0x2c: {  	s7 =	sld [smem:$0x3F9A]  }
0x2d: {  	s3 =	simm.s32 $0x108;
	s8 =	sld [smem:$0x3F9B]  }
0x2e: {  	s3 =	simm.s32 @!p0 $0x1082;
	s9 =	sld [smem:$0x3F9C]  }
0x2f: {  	lr =	sadd.s32 s0, s3;
	s0 =	sld [smem:$0x3F93]  }
0x30: {  	s3 =	sld [smem:$0x3F96]  }
0x31: {  	[smem:$0x3F9F] =	sst s10  }
0x32: {  	s10 =	sld [smem:$0x3F9D];
	_ =	sdelay $0x3  }
0x33: {  	p0 =	seq.s32 s10, $0x1;
	s10 =	sld [smem:$0x3F9F];
	_ =	sdelay $0x3  }
0x34: {  	[smem:$0x3F9F] =	sst s10  }
0x35: {  	s10 =	sld [smem:$0x3F9E];
	_ =	sdelay $0x3  }
0x36: {  	p1 =	seq.s32 s10, $0x1;
	s10 =	sld [smem:$0x3F9F];
	_ =	sdelay $0x3  }
0x37: {  	[smem:$0x3F9F] =	sst s10  }
0x38: {  	s10 =	sld [smem:$0x3FA0]  }
0x39: {  	_ = 	snop;
	(pc) =	sbr.ind lr, $3  }
0x3a: {  	_ = 	snop  }
0x3b: {  	_ = 	snop  }
0x3c: {  	p2 =	seq.s32 s10, $0x1;
	s10 =	sld [smem:$0x3F9F]  }
0x3d: {  	_ =	shalt  }
0x3e: {  	_ =	shalt  }
0x3f: {  	_ =	shalt  }
0x40: {  	_ =	shalt  }
0x41: {  	_ =	shalt  }
0x42: {  	_ =	shalt  }
0x43: {  	_ =	shalt  }
0x44: {  	_ =	shalt  }
0x45: {  	_ =	shalt  }
0x46: {  	_ =	shalt  }
0x47: {  	_ =	shalt  }
0x48: {  	_ =	shalt  }
0x49: {  	_ =	shalt  }
0x4a: {  	_ =	shalt  }
0x4b: {  	_ =	shalt  }
0x4c: {  	_ =	shalt  }
0x4d: {  	_ =	shalt  }
0x4e: {  	_ =	shalt  }
0x4f: {  	_ =	shalt  }
0x50: {  	_ =	shalt  }
0x51: {  	_ =	shalt  }
0x52: {  	_ =	shalt  }
0x53: {  	_ =	shalt  }
0x54: {  	_ =	shalt  }
0x55: {  	_ =	shalt  }
0x56: {  	_ =	shalt  }
0x57: {  	_ =	shalt  }
0x58: {  	_ =	shalt  }
0x59: {  	_ =	shalt  }
0x5a: {  	_ =	shalt  }
0x5b: {  	_ =	shalt  }
0x5c: {  	_ =	shalt  }
0x5d: {  	_ =	shalt  }
0x5e: {  	_ =	shalt  }
0x5f: {  	_ =	shalt  }
0x60: {  	_ =	shalt  }
0x61: {  	_ =	shalt  }
0x62: {  	_ =	shalt  }
0x63: {  	_ =	shalt  }
0x64: {  	_ =	shalt  }
0x65: {  	_ =	shalt  }
0x66: {  	_ =	shalt  }
0x67: {  	_ =	shalt  }
0x68: {  	_ =	shalt  }
0x69: {  	_ =	shalt  }
0x6a: {  	_ =	shalt  }
0x6b: {  	_ =	shalt  }
0x6c: {  	_ =	shalt  }
0x6d: {  	_ =	shalt  }
0x6e: {  	_ =	shalt  }
0x6f: {  	_ =	shalt  }
0x70: {  	_ =	shalt  }
0x71: {  	_ =	shalt  }
0x72: {  	_ =	shalt  }
0x73: {  	_ =	shalt  }
0x74: {  	_ =	shalt  }
0x75: {  	_ =	shalt  }
0x76: {  	_ =	shalt  }
0x77: {  	_ =	shalt  }
0x78: {  	_ =	shalt  }
0x79: {  	_ =	shalt  }
0x7a: {  	_ =	shalt  }
0x7b: {  	_ =	shalt  }
0x7c: {  	_ =	shalt  }
0x7d: {  	_ =	shalt  }
0x7e: {  	_ =	shalt  }
0x7f: {  	_ =	shalt  }
0x80: {  	_ =	shalt  }
0x81: {  	_ =	shalt  }
0x82: {  	_ =	shalt  }
0x83: {  	_ =	shalt  }
0x84: {  	_ =	shalt  }
0x85: {  	_ =	shalt  }
0x86: {  	_ =	shalt  }
0x87: {  	_ =	shalt  }
.Lfunc_end0:
.L_simem_size_0:
called_computation.1_lowered:
.L_overlay_start_0:
0x88: {  	s2 =	sld [smem:$0x3FD9]  }
0x89: {  	s3 =	sld [smem:$0x3FFE];
	_ =	sdelay $0x1  }
0x8a: {  	s1 =	srdreg.scid  }
0x8b: {  	s0 =	sand.u32 $0x1, s1  }
0x8c: {  	s14 =	sshll.u32 s0, $0xA;
	s2 =	sadd.s32 s3, s2  }
0x8d: {  	s2 =	sadd.s32 s2, s14  }
0x8e: {  	[smem:$0x3FAB] =	sst s2  }
0x8f: {  	_ = 	snop  }
0x90: {  	s2 =	sld [smem:$0x3FD0];
	_ =	sdelay $0x2  }
0x91: {  	s15 =	simm.s32 $0xA;
	s4 =	simm.s32 $0x10  }
0x92: {  	[smem:s4], [sflag:s15] =	dma.local [hbm:s2], $0x1  }
0x93: {  	_ =	swait.eq [sflag:s15], $0x1  }
0x94: {  	[sflag:s15] =	ssyncset.done $0x0  }
0x95: {  	[sflag:s15] =	ssyncadd.s32 $0xFFFFFFFF  }
0x96: {  	s16 =	sld [smem:$0x10];
	(tm) =	ssettm $0x1  }
0x97: {  	s17 =	sld [smem:$0x3FFB];
	_ =	sdelay $0x3  }
0x98: {  	_ =	strace s17  }
0x99: {  	s3 =	sld [smem:$0x3FFC];
	_ =	sdelay $0x3  }
0x9a: {  	_ =	strace s3  }
0x9b: {  	s3 =	sld [smem:$0x3FFD];
	_ =	sdelay $0x3  }
0x9c: {  	_ =	strace s3  }
0x9d: {  	_ =	strace $0x8FFFFFFF  }
0x9e: {  	s18 =	sld [smem:$0x3FDB];
	_ =	sdelay $0x1  }
0x9f: {  	s19 =	simm.s32 $_scs_section_size  }
0xa0: {  	s5 =	simm.s32 $_size__tile_overlayer_lowered;
	s6 =	simm.s32 $_tile_overlayer_lowered  }
0xa1: {  	s22 =	simm.s32 $0x1BFF;
	s21 =	sshll.u32 s6, $0x1;
	s3 =	sadd.s32 s19, s18  }
0xa2: {  	s7 =	simm.s32 $0x0;
	s20 =	sshll.u32 s5, $0x1;
	s5 =	sadd.s32 s21, s3  }
0xa3: {  	[timem:s7], [sflag:s22] =	dma.local [hbm:s5], s20  }
0xa4: {  	_ =	swait.ge [sflag:s22], s20  }
0xa5: {  	s4 =	ssub.s32 $0x0, s20;
	[sflag:s22] =	ssyncset.done $0x0  }
0xa6: {  	[sflag:s22] =	ssyncadd.s32 s4;
	_ =	sdelay $0x1  }
0xa7: {  	s23 =	simm.s32 $0x1B8B  }
0xa8: {  	_ =	swait.ge [sflag:s23], $0x1  }
0xa9: {  	[sflag:s23] =	ssyncset.done $0x0  }
0xaa: {  	s25 =	simm.s32 $0x1B8E;
	s24 =	sld [smem:$0x3FFE];
	[sflag:s23] =	ssyncadd.s32 $0xFFFFFFFF  }
0xab: {  	s26 =	simm.s32 $execute0_lowered;
	[smem:$0x3FD2] =	sst s25  }
0xac: {  	s5 =	sshll.u32 s26, $0x1;
	_ =	strace $0x80000049;
	[dreg:$0x1] =	wrdreg $0xFFFFFFFF  }
0xad: {  	s28 =	simm.s32 $_size_execute0_lowered;
	s3 =	sadd.s32 s3, s5;
	[dreg:$0x0] =	wrdreg $0x0  }
0xae: {  	s5 =	sshll.u32 s28, $0x1;
	[dreg:$0x2] =	wrdreg s3  }
0xaf: {  	[dreg:$0x3] =	wrdreg s5  }
0xb0: {  	[dreg:$0x4] =	wrdreg $0xC0  }
0xb1: {  	_ =	task [dreg:s7], $0x5FFFF  }
0xb2: {  	[dreg:$0x1] =	wrdreg $0xFFFFFFFF  }
0xb3: {  	[dreg:$0x0] =	wrdreg $0x60  }
0xb4: {  	[dreg:$0x2] =	wrdreg s16  }
0xb5: {  	[dreg:$0x3] =	wrdreg s24  }
0xb6: {  	[dreg:$0x4] =	wrdreg $0xB4000  }
0xb7: {  	[dreg:$0x5] =	wrdreg $0x9  }
0xb8: {  	_ =	task.clear_ibuf [dreg:s7], $0x6FFFF;
	_ =	strace $0x90000049  }
0xb9: {  	s29 =	simm.s32 $0x9;
	_ =	strace $0x8000004B  }
0xba: {  	_ =	swait.ge [sflag:s29], $0x1  }
0xbb: {  	[sflag:s29] =	ssyncadd.s32 $0xFFFFFFFF  }
0xbc: {  	_ =	strace $0x9000004B  }
0xbd: {  	_ =	sfence  }
0xbe: {  	s30 =	sld [smem:$0x0];
	_ =	sdelay $0x2  }
0xbf: {  	s31 =	sshll.u32 s1, $0xD;
	s1 =	sshrl.u32 s1, $0x2  }
0xc0: {  	s3 =	sand.u32 $0x4000, s31;
	s1 =	sadd.s32 s1, s30  }
0xc1: {  	s0 =	sor.u32 s3, s0;
	s1 =	sshll.u32 s1, $0x11  }
0xc2: {  	s0 =	sor.u32 s1, s0  }
0xc3: {  	s0 =	sadd.s32 $0x8F2B, s0  }
0xc4: {  	[sflag:s0] =	ssyncadd.remote.s32 $0x1  }
0xc5: {  	_ =	sfence.sel $0xFFFF  }
0xc6: {  	[dreg:$0x0] =	wrdreg $0xFFFFFFFF;
	(pc) =	sbr.abs _section_cstart, $3  }
0xc7: {  	[dreg:$0x1] =	wrdreg $0xFFFFFFFF  }
0xc8: {  	_ =	task.clear_ibuf [dreg:s7], $0x2FFFF;
	_ =	strace $0x9FFFFFFF  }
0xc9: {  	(tm) =	ssettm $0x7FFFFFFF  }
tec
execute0_lowered:
.L_overlay_start_1:
0x0: {  	(tag) =	ssettag $0x1  }
0x1: {  	s1 =	rddreg [dreg:$0x0]  }
0x2: {  	s0 =	rddreg [dreg:$0x1]  }
0x3: {  	s2 =	rddreg [dreg:$0x2];
	s11 =	stileid.u32  }
0x4: {  	s3 =	srdreg.scid;
	s7 =	smul.u32 $0x14000, s11  }
0x5: {  	s4 =	simm.s32 $0x0;
	s3 =	sand.u32 $0x1, s3;
	s14 =	smul.u32 $0x4E20, s11  }
0x6: {  	[smem:$0x7FF] =	sst s4;
	s5 =	sshll.u32 s11, $0x1;
	s11 =	smul.u32 $0x50000, s11  }
0x7: {  	s6 =	smul.u32 $0x140000, s3;
	_ =	strace $0x8000004A;
	s8 =	sor.u32 s3, s5  }
0x8: {  	s5 =	sadd.s32 $0x6C800, s0;
	s9 =	ssub.s32 $0x2, s3;
	s3 =	smul.u32 $0x2710, s3  }
0x9: {  	s8 =	smul.u32 $0x2710, s8;
	s26 =	sshrl.u32 s9, $0x1;
	s17 =	sshrl.u32 s11, $0x2  }
0xa: {  	s7 =	sadd.s32 s7, s6;
	s6 =	sadd.s32 $0x8C00, s0;
	s3 =	sadd.s32 s3, s14  }
0xb: {  	s23 =	sadd.s32 s17, s2;
	s18 =	sadd.s32 $0x230, s3;
	s21 =	sadd.s32 $0x1E0, s3  }
0xc: {  	s24 =	sadd.s32 $0x190, s3;
	s3 =	sadd.s32 $0x140, s3;
	[dreg:$0xc] =	wrdreg s23  }
0xd: {  	s7 =	sshrl.u32 s7, $0x3;
	s11 =	sadd.s32 $0x6000, s23;
	[dreg:$0x15] =	wrdreg s3  }
0xe: {  	s8 =	sshrl.u32 s8, $0x3;
	s14 =	sadd.s32 $0x9000, s23;
	[dreg:$0x1a] =	wrdreg s11  }
0xf: {  	s17 =	sadd.s32 $0xC000, s23;
	s0 =	sadd.s32 s7, s0;
	[dreg:$0x1d] =	wrdreg s14  }
0x10: {  	s7 =	ssub.s32 s9, s26;
	s10 =	sadd.s32 s5, s8;
	[smem:$0x7F6] =	sst s17  }
0x11: {  	s19 =	sshrl.u32 s18, $0x3;
	s18 =	sadd.s32 $0xD000, s23;
	[dreg:$0x4] =	wrdreg s10  }
0x12: {  	s22 =	sshrl.u32 s21, $0x3;
	s21 =	sadd.s32 $0x10000, s23;
	[smem:$0x7F7] =	sst s18  }
0x13: {  	s26 =	sshrl.u32 s24, $0x3;
	s24 =	sadd.s32 $0x12000, s23;
	[smem:$0x7FA] =	sst s21  }
0x14: {  	s12 =	sadd.s32 $0xA, s8;
	s10 =	sadd.s32 s6, s8;
	[smem:$0x7FC] =	sst s24  }
0x15: {  	s13 =	sadd.s32 s5, s12;
	[dreg:$0x5] =	wrdreg s10  }
0x16: {  	s15 =	sadd.s32 $0x14, s8;
	s9 =	sadd.s32 s6, s12;
	[dreg:$0x6] =	wrdreg s13  }
0x17: {  	s12 =	sadd.s32 s5, s15;
	[dreg:$0x7] =	wrdreg s9  }
0x18: {  	s7 =	smax.u32 s7, $0x1;
	[dreg:$0x8] =	wrdreg s12  }
0x19: {  	s20 =	sadd.s32 s19, s6;
	[dreg:$0xd] =	wrdreg s7  }
0x1a: {  	s25 =	sadd.s32 s22, s6;
	[dreg:$0xf] =	wrdreg s20  }
0x1b: {  	s8 =	sadd.s32 $0x1E, s8;
	s9 =	sadd.s32 s6, s15;
	[dreg:$0x11] =	wrdreg s25  }
0x1c: {  	s16 =	sadd.s32 s5, s8;
	[dreg:$0x9] =	wrdreg s9  }
0x1d: {  	s28 =	simm.s32 $0x200;
	s8 =	sadd.s32 s6, s8;
	[dreg:$0xa] =	wrdreg s16  }
0x1e: {  	s29 =	simm.s32 $0x280;
	s7 =	sadd.s32 s19, s5;
	[dreg:$0xb] =	wrdreg s8  }
0x1f: {  	s31 =	simm.s32 $0x3;
	s10 =	sadd.s32 $0x5000, s23;
	[dreg:$0x10] =	wrdreg s7  }
0x20: {  	s30 =	simm.s32 $0x4;
	s12 =	sadd.s32 $0x7000, s23;
	[dreg:$0x19] =	wrdreg s10  }
0x21: {  	s3 =	simm.s32 $0xA400;
	s13 =	sadd.s32 $0x8000, s23;
	[dreg:$0x1b] =	wrdreg s12  }
0x22: {  	s11 =	simm.s32 $0x50;
	s15 =	sadd.s32 $0xA000, s23;
	[dreg:$0x1c] =	wrdreg s13  }
0x23: {  	s17 =	simm.s32 $0x9;
	s19 =	sadd.s32 $0xE000, s23;
	[dreg:$0x1e] =	wrdreg s15  }
0x24: {  	s18 =	simm.s32 $0xC;
	s20 =	sadd.s32 $0xF000, s23;
	[smem:$0x7F8] =	sst s19  }
0x25: {  	s25 =	sadd.s32 $0x76600, s0;
	s8 =	sadd.s32 $0x1000, s23;
	[smem:$0x7F9] =	sst s20  }
0x26: {  	s0 =	simm.s32 $0xB;
	s7 =	sadd.s32 s22, s5;
	[dreg:$0xe] =	wrdreg s8  }
0x27: {  	s9 =	sadd.s32 $0x4000, s23;
	s16 =	sadd.s32 $0xB000, s23;
	[dreg:$0x12] =	wrdreg s7  }
0x28: {  	s22 =	sadd.s32 $0x11000, s23;
	s10 =	simm.s32 $0x7;
	[dreg:$0x18] =	wrdreg s9  }
0x29: {  	s12 =	simm.s32 $0x400;
	s13 =	simm.s32 $0x2C00;
	[dreg:$0x1f] =	wrdreg s16  }
0x2a: {  	s15 =	simm.s32 $0xA;
	s8 =	sadd.s32 s26, s6;
	[smem:$0x7FB] =	sst s22  }
0x2b: {  	s19 =	simm.s32 $0x0;
	s7 =	sadd.s32 s26, s5;
	[dreg:$0x13] =	wrdreg s8  }
0x2c: {  	s26 =	sadd.s32 $0x13000, s23;
	s9 =	simm.s32 $0x6;
	[dreg:$0x14] =	wrdreg s7  }
0x2d: {  	s16 =	simm.s32 $0x1;
	s7 =	sadd.s32 $0x2000, s23;
	[smem:$0x7FD] =	sst s26  }
0x2e: {  	s8 =	sadd.s32 $0x3000, s23;
	s26 =	simm.s32 $0x2;
	[dreg:$0x16] =	wrdreg s7  }
0x2f: {  	v0 =	vimm.f32 $0.0e+00;
	[dreg:$0x17] =	wrdreg s8;
	s7 =	simm.s32 $0xD;
	s8 =	simm.s32 $0x5  }
.LBB2_1:
0x30: {  	[smem:$0x7F5] =	sst s19  }
0x31: {  	s14 =	rddreg [dreg:$0x4]  }
0x32: {  	[tilespmem:s4], [sflag:$0x5] =	stream.linear.gather [hbm4b:s14+s4], $0x50, $0x38;
	[tilespmem:$0x1F400] =	vst v63  }
0x33: {  	s21 =	rddreg [dreg:$0x5]  }
0x34: {  	[tilespmem:s28], [sflag:$0x9] =	stream.linear.gather [hbm4b:s21+s4], $0x50, $0x38;
	[tilespmem:$0x1F400] =	vst v63  }
0x35: {  	s22 =	rddreg [dreg:$0x6];
	s24 =	simm.s32 $0x80  }
0x36: {  	[tilespmem:s24], [sflag:$0x6] =	stream.linear.gather [hbm4b:s22+s4], $0x50, $0x38;
	[tilespmem:$0x1F400] =	vst v63  }
0x37: {  	s19 =	rddreg [dreg:$0x7]  }
0x38: {  	[tilespmem:s29], [sflag:$0xA] =	stream.linear.gather [hbm4b:s19+s4], $0x50, $0x38;
	[tilespmem:$0x1F400] =	vst v63  }
0x39: {  	s20 =	rddreg [dreg:$0x8];
	s21 =	simm.s32 $0x100  }
0x3a: {  	[tilespmem:s21], [sflag:$0x7] =	stream.linear.gather [hbm4b:s20+s4], $0x50, $0x38;
	[tilespmem:$0x1F400] =	vst v63  }
0x3b: {  	s22 =	rddreg [dreg:$0x9];
	s24 =	simm.s32 $0x300  }
0x3c: {  	[tilespmem:s24], [sflag:$0xB] =	stream.linear.gather [hbm4b:s22+s4], $0x50, $0x38;
	[tilespmem:$0x1F400] =	vst v63  }
0x3d: {  	s19 =	rddreg [dreg:$0xa];
	s20 =	simm.s32 $0x180  }
0x3e: {  	[tilespmem:s20], [sflag:$0x8] =	stream.linear.gather [hbm4b:s19+s4], $0x50, $0x38;
	[tilespmem:$0x1F400] =	vst v63  }
0x3f: {  	s21 =	rddreg [dreg:$0xb];
	s22 =	simm.s32 $0x380;
	s24 =	sand.u32 $0x3E00, s4  }
0x40: {  	[tilespmem:s22], [sflag:$0xC] =	stream.linear.gather [hbm4b:s21+s4], $0x50, $0x38;
	[tilespmem:$0x1F400] =	vst v63  }
0x41: {  	s20 =	sand.u32 $0x70, s4;
	s21 =	sshrl.u32 s24, $0x2  }
0x42: {  	s19 =	simm.s32 $0x40;
	s21 =	sor.u32 s20, s21;
	s20 =	simm.s32 $0x0  }
.LBB2_2:
0x43: {  	p0 =	sne.s32 s19, $0x3FC0  }
0x44: {  	[tilespmem:s21+$0xA400] =	vst v0;
	s20 =	sadd.s32 $0x10, s20;
	s21 =	smov.u32 s19;
	s19 =	sadd.s32 $0x40, s19  }
.Ltmp0:
0x45: {  	(pc) =	sbr.rel @p0 .LBB2_2-.Ltmp0, $4  }
0x46: {  	_ = 	snop  }
0x47: {  	s21 =	sand.u32 $0x3E00, s21  }
0x48: {  	s22 =	sand.u32 $0x70, s20;
	s21 =	sshrl.u32 s21, $0x2  }
0x49: {  	s21 =	sor.u32 s22, s21  }
0x4a: {  	[tilespmem:s21+$0xA400] =	vst v0  }
0x4b: {  	[spmem:s23] =	stream.linear.scatter [tilespmem:s3], [sflag:$0xD], $0x1000, $0x38;
	[tilespmem:$0x1F400] =	vst v63  }
0x4c: {  	_ =	swait.ge [sflag:s7], $0x1000  }
0x4d: {  	[sflag:s7] =	ssyncset.done $0x0  }
0x4e: {  	s14 =	rddreg [dreg:$0xe];
	[sflag:s7] =	ssyncadd.s32 $0xFFFFF000  }
0x4f: {  	[spmem:s14] =	stream.linear.scatter [tilespmem:s3], [sflag:$0xD], $0x1000, $0x38;
	[tilespmem:$0x1F400] =	vst v63  }
0x50: {  	_ =	swait.ge [sflag:s7], $0x1000  }
0x51: {  	[sflag:s7] =	ssyncset.done $0x0  }
0x52: {  	s23 =	rddreg [dreg:$0x16];
	[sflag:s7] =	ssyncadd.s32 $0xFFFFF000  }
0x53: {  	[spmem:s23] =	stream.linear.scatter [tilespmem:s3], [sflag:$0xD], $0x1000, $0x38;
	[tilespmem:$0x1F400] =	vst v63  }
0x54: {  	_ =	swait.ge [sflag:s7], $0x1000  }
0x55: {  	[sflag:s7] =	ssyncset.done $0x0  }
0x56: {  	s24 =	rddreg [dreg:$0x17];
	[sflag:s7] =	ssyncadd.s32 $0xFFFFF000  }
0x57: {  	[spmem:s24] =	stream.linear.scatter [tilespmem:s3], [sflag:$0xD], $0x1000, $0x38;
	[tilespmem:$0x1F400] =	vst v63  }
0x58: {  	_ =	swait.ge [sflag:s7], $0x1000  }
0x59: {  	[sflag:s7] =	ssyncset.done $0x0  }
0x5a: {  	s19 =	rddreg [dreg:$0x18];
	[sflag:s7] =	ssyncadd.s32 $0xFFFFF000  }
0x5b: {  	[spmem:s19] =	stream.linear.scatter [tilespmem:s3], [sflag:$0xD], $0x1000, $0x38;
	[tilespmem:$0x1F400] =	vst v63  }
0x5c: {  	_ =	swait.ge [sflag:s7], $0x1000  }
0x5d: {  	[sflag:s7] =	ssyncset.done $0x0  }
0x5e: {  	s20 =	rddreg [dreg:$0x19];
	[sflag:s7] =	ssyncadd.s32 $0xFFFFF000  }
0x5f: {  	[spmem:s20] =	stream.linear.scatter [tilespmem:s3], [sflag:$0xD], $0x1000, $0x38;
	[tilespmem:$0x1F400] =	vst v63  }
0x60: {  	_ =	swait.ge [sflag:s7], $0x1000  }
0x61: {  	[sflag:s7] =	ssyncset.done $0x0  }
0x62: {  	s21 =	rddreg [dreg:$0x1a];
	[sflag:s7] =	ssyncadd.s32 $0xFFFFF000  }
0x63: {  	[spmem:s21] =	stream.linear.scatter [tilespmem:s3], [sflag:$0xD], $0x1000, $0x38;
	[tilespmem:$0x1F400] =	vst v63  }
0x64: {  	_ =	swait.ge [sflag:s7], $0x1000  }
0x65: {  	[sflag:s7] =	ssyncset.done $0x0  }
0x66: {  	s22 =	rddreg [dreg:$0x1b];
	[sflag:s7] =	ssyncadd.s32 $0xFFFFF000  }
0x67: {  	[spmem:s22] =	stream.linear.scatter [tilespmem:s3], [sflag:$0xD], $0x1000, $0x38;
	[tilespmem:$0x1F400] =	vst v63  }
0x68: {  	_ =	swait.ge [sflag:s7], $0x1000  }
0x69: {  	[sflag:s7] =	ssyncset.done $0x0  }
0x6a: {  	s23 =	rddreg [dreg:$0x1c];
	[sflag:s7] =	ssyncadd.s32 $0xFFFFF000  }
0x6b: {  	[spmem:s23] =	stream.linear.scatter [tilespmem:s3], [sflag:$0xD], $0x1000, $0x38;
	[tilespmem:$0x1F400] =	vst v63  }
0x6c: {  	_ =	swait.ge [sflag:s7], $0x1000  }
0x6d: {  	[sflag:s7] =	ssyncset.done $0x0  }
0x6e: {  	s24 =	rddreg [dreg:$0x1d];
	[sflag:s7] =	ssyncadd.s32 $0xFFFFF000  }
0x6f: {  	[spmem:s24] =	stream.linear.scatter [tilespmem:s3], [sflag:$0xD], $0x1000, $0x38;
	[tilespmem:$0x1F400] =	vst v63  }
0x70: {  	_ =	swait.ge [sflag:s7], $0x1000  }
0x71: {  	[sflag:s7] =	ssyncset.done $0x0  }
0x72: {  	s19 =	rddreg [dreg:$0x1e];
	[sflag:s7] =	ssyncadd.s32 $0xFFFFF000  }
0x73: {  	[spmem:s19] =	stream.linear.scatter [tilespmem:s3], [sflag:$0xD], $0x1000, $0x38;
	[tilespmem:$0x1F400] =	vst v63  }
0x74: {  	_ =	swait.ge [sflag:s7], $0x1000  }
0x75: {  	[sflag:s7] =	ssyncset.done $0x0  }
0x76: {  	s20 =	rddreg [dreg:$0x1f];
	[sflag:s7] =	ssyncadd.s32 $0xFFFFF000  }
0x77: {  	[spmem:s20] =	stream.linear.scatter [tilespmem:s3], [sflag:$0xD], $0x1000, $0x38;
	[tilespmem:$0x1F400] =	vst v63  }
0x78: {  	_ =	swait.ge [sflag:s7], $0x1000  }
0x79: {  	s21 =	sld [smem:$0x7F6]  }
0x7a: {  	[sflag:s7] =	ssyncset.done $0x0  }
0x7b: {  	[sflag:s7] =	ssyncadd.s32 $0xFFFFF000  }
0x7c: {  	[spmem:s21] =	stream.linear.scatter [tilespmem:s3], [sflag:$0xD], $0x1000, $0x38;
	[tilespmem:$0x1F400] =	vst v63  }
0x7d: {  	_ =	swait.ge [sflag:s7], $0x1000  }
0x7e: {  	s22 =	sld [smem:$0x7F7]  }
0x7f: {  	[sflag:s7] =	ssyncset.done $0x0  }
0x80: {  	[sflag:s7] =	ssyncadd.s32 $0xFFFFF000  }
0x81: {  	[spmem:s22] =	stream.linear.scatter [tilespmem:s3], [sflag:$0xD], $0x1000, $0x38;
	[tilespmem:$0x1F400] =	vst v63  }
0x82: {  	_ =	swait.ge [sflag:s7], $0x1000  }
0x83: {  	s23 =	sld [smem:$0x7F8]  }
0x84: {  	[sflag:s7] =	ssyncset.done $0x0  }
0x85: {  	[sflag:s7] =	ssyncadd.s32 $0xFFFFF000  }
0x86: {  	[spmem:s23] =	stream.linear.scatter [tilespmem:s3], [sflag:$0xD], $0x1000, $0x38;
	[tilespmem:$0x1F400] =	vst v63  }
0x87: {  	_ =	swait.ge [sflag:s7], $0x1000  }
0x88: {  	s24 =	sld [smem:$0x7F9]  }
0x89: {  	[sflag:s7] =	ssyncset.done $0x0  }
0x8a: {  	[sflag:s7] =	ssyncadd.s32 $0xFFFFF000  }
0x8b: {  	[spmem:s24] =	stream.linear.scatter [tilespmem:s3], [sflag:$0xD], $0x1000, $0x38;
	[tilespmem:$0x1F400] =	vst v63  }
0x8c: {  	_ =	swait.ge [sflag:s7], $0x1000  }
0x8d: {  	s19 =	sld [smem:$0x7FA]  }
0x8e: {  	[sflag:s7] =	ssyncset.done $0x0  }
0x8f: {  	[sflag:s7] =	ssyncadd.s32 $0xFFFFF000  }
0x90: {  	[spmem:s19] =	stream.linear.scatter [tilespmem:s3], [sflag:$0xD], $0x1000, $0x38;
	[tilespmem:$0x1F400] =	vst v63  }
0x91: {  	_ =	swait.ge [sflag:s7], $0x1000  }
0x92: {  	s20 =	sld [smem:$0x7FB]  }
0x93: {  	[sflag:s7] =	ssyncset.done $0x0  }
0x94: {  	[sflag:s7] =	ssyncadd.s32 $0xFFFFF000  }
0x95: {  	[spmem:s20] =	stream.linear.scatter [tilespmem:s3], [sflag:$0xD], $0x1000, $0x38;
	[tilespmem:$0x1F400] =	vst v63  }
0x96: {  	_ =	swait.ge [sflag:s7], $0x1000  }
0x97: {  	s21 =	sld [smem:$0x7FC]  }
0x98: {  	[sflag:s7] =	ssyncset.done $0x0  }
0x99: {  	[sflag:s7] =	ssyncadd.s32 $0xFFFFF000  }
0x9a: {  	[spmem:s21] =	stream.linear.scatter [tilespmem:s3], [sflag:$0xD], $0x1000, $0x38;
	[tilespmem:$0x1F400] =	vst v63  }
0x9b: {  	_ =	swait.ge [sflag:s7], $0x1000  }
0x9c: {  	s22 =	sld [smem:$0x7FD]  }
0x9d: {  	[sflag:s7] =	ssyncset.done $0x0  }
0x9e: {  	[sflag:s7] =	ssyncadd.s32 $0xFFFFF000  }
0x9f: {  	[spmem:s22] =	stream.linear.scatter [tilespmem:s3], [sflag:$0xD], $0x1000, $0x38;
	[tilespmem:$0x1F400] =	vst v63  }
0xa0: {  	_ =	swait.ge [sflag:s7], $0x1000  }
0xa1: {  	[sflag:s7] =	ssyncset.done $0x0  }
0xa2: {  	[sflag:s7] =	ssyncadd.s32 $0xFFFFF000  }
0xa3: {  	_ =	swait.ge [sflag:s8], $0x50  }
0xa4: {  	[sflag:s8] =	ssyncset.done $0x0  }
0xa5: {  	[sflag:s8] =	ssyncadd.s32 $0xFFFFFFB0  }
0xa6: {  	_ =	swait.ge [sflag:s9], $0x50  }
0xa7: {  	[sflag:s9] =	ssyncset.done $0x0  }
0xa8: {  	[sflag:s9] =	ssyncadd.s32 $0xFFFFFFB0  }
0xa9: {  	_ =	swait.ge [sflag:s10], $0x50  }
0xaa: {  	[sflag:s10] =	ssyncset.done $0x0  }
0xab: {  	[sflag:s10] =	ssyncadd.s32 $0xFFFFFFB0  }
0xac: {  	s19 =	simm.s32 $0x0;
	[bflag:$0x0] =	sbarrier.arrive $0xFFFF  }
0xad: {  	[tilespmem:s12], [sflag:$0x1] =	stream.indirect.gather [hbm4b:s1+s11], $0x80, s19, s11, $0xb8;
	[tilespmem:$0x1F400] =	vst v63  }
.Ltmp1:
0xae: {  	s23 =	simm.s32 $0x80;
	(pc) =	sbr.rel .LBB2_4-.Ltmp1, $4  }
0xaf: {  	[tilespmem:s13], [sflag:$0x2] =	stream.indirect.gather [hbm4b:s1+s11], $0x80, s23, s11, $0xb8;
	[tilespmem:$0x1F400] =	vst v63  }
0xb0: {  	s24 =	simm.s32 $0x100;
	s20 =	simm.s32 $0x5400  }
0xb1: {  	[tilespmem:s20], [sflag:$0x3] =	stream.indirect.gather [hbm4b:s1+s11], $0x80, s24, s11, $0xb8;
	[tilespmem:$0x1F400] =	vst v63  }
0xb2: {  	s21 =	simm.s32 $0x0;
	s20 =	rddreg [dreg:$0x15]  }
.LBB2_7:
0xb3: {  	s14 =	rddreg [dreg:$0x14]  }
0xb4: {  	s23 =	simm.s32 $0x80;
	s22 =	sadd.s32 s19, s14  }
0xb5: {  	[tilespmem:s23], [sflag:$0x6] =	stream.linear.gather [hbm4b:s22+s4], $0x50, $0x38;
	[tilespmem:$0x1F400] =	vst v63  }
0xb6: {  	_ = 	snop  }
0xb7: {  	[spmem:s2] =	stream.indirect.scatter.add.f32 [tilespmem:s13], [sflag:$0xD], $0x80, s29, s11, $0xb8;
	[tilespmem:$0x1F400] =	vst v63  }
0xb8: {  	_ =	swait.ge [sflag:s7], $0x2800  }
0xb9: {  	[sflag:s7] =	ssyncset.done $0x0;
	s22 =	rddreg [dreg:$0x13]  }
0xba: {  	[sflag:s7] =	ssyncadd.s32 $0xFFFFD800;
	s24 =	sadd.s32 s19, s22  }
0xbb: {  	[tilespmem:s29], [sflag:$0xA] =	stream.linear.gather [hbm4b:s24+s4], $0x50, $0x38;
	[tilespmem:$0x1F400] =	vst v63  }
0xbc: {  	_ =	swait.ge [sflag:s9], $0x50  }
0xbd: {  	[sflag:s9] =	ssyncset.done $0x0  }
0xbe: {  	s22 =	simm.s32 @!p0 $0x3;
	[sflag:s9] =	ssyncadd.s32 $0xFFFFFFB0  }
0xbf: {  	[tilespmem:s13], [sflag:$0x2] =	stream.indirect.gather [hbm4b:s1+s11], $0x80, s23, s11, $0xb8;
	[tilespmem:$0x1F400] =	vst v63  }
0xc0: {  	_ =	swait.ge @!p0 [sflag:s22], $0x2800  }
0xc1: {  	[sflag:s22] =	ssyncset.done @!p0 $0x0  }
0xc2: {  	[sflag:s22] =	ssyncadd.s32 @!p0 $0xFFFFD800;
	s22 =	simm.s32 @!p0 $0xB  }
0xc3: {  	_ =	swait.ge @!p0 [sflag:s22], $0x50  }
0xc4: {  	s24 =	simm.s32 @!p0 $0x100;
	[sflag:s22] =	ssyncset.done @!p0 $0x0;
	s14 =	rddreg [dreg:$0x12]  }
0xc5: {  	s23 =	simm.s32 @!p0 $0x0;
	[sflag:s22] =	ssyncadd.s32 @!p0 $0xFFFFFFB0;
	s22 =	sadd.s32 @!p0 s19, s14  }
0xc6: {  	[tilespmem:s24], [sflag:$0x7] =	stream.linear.gather @!p0 [hbm4b:s22+s23], $0x50, $0x38;
	[tilespmem:$0x1F400] =	vst v63  }
0xc7: {  	s14 =	simm.s32 @!p0 $0x5400;
	s22 =	simm.s32 @!p0 $0x50;
	s24 =	simm.s32 @!p0 $0x300  }
0xc8: {  	[spmem:s2] =	stream.indirect.scatter.add.f32 @!p0 [tilespmem:s14], [sflag:$0xD], $0x80, s24, s22, $0xb8;
	[tilespmem:$0x1F400] =	vst v63  }
0xc9: {  	s14 =	simm.s32 @!p0 $0xD  }
0xca: {  	_ =	swait.ge @!p0 [sflag:s14], $0x2800  }
0xcb: {  	[sflag:s14] =	ssyncset.done @!p0 $0x0;
	s29 =	rddreg [dreg:$0x11]  }
0xcc: {  	[sflag:s14] =	ssyncadd.s32 @!p0 $0xFFFFD800;
	s29 =	sadd.s32 @!p0 s19, s29  }
0xcd: {  	[tilespmem:s24], [sflag:$0xB] =	stream.linear.gather @!p0 [hbm4b:s29+s23], $0x50, $0x38;
	[tilespmem:$0x1F400] =	vst v63  }
0xce: {  	_ =	swait.ge [sflag:s10], $0x50  }
0xcf: {  	[sflag:s10] =	ssyncset.done $0x0  }
0xd0: {  	s24 =	simm.s32 $0x100;
	s29 =	simm.s32 $0x5400;
	[sflag:s10] =	ssyncadd.s32 $0xFFFFFFB0  }
0xd1: {  	[tilespmem:s29], [sflag:$0x3] =	stream.indirect.gather [hbm4b:s1+s11], $0x80, s24, s11, $0xb8;
	[tilespmem:$0x1F400] =	vst v63  }
0xd2: {  	s24 =	simm.s32 @!p0 $0x4  }
0xd3: {  	_ =	swait.ge @!p0 [sflag:s24], $0x2800  }
0xd4: {  	[sflag:s24] =	ssyncset.done @!p0 $0x0  }
0xd5: {  	[sflag:s24] =	ssyncadd.s32 @!p0 $0xFFFFD800;
	s24 =	simm.s32 @!p0 $0xC  }
0xd6: {  	_ =	swait.ge @!p0 [sflag:s24], $0x50  }
0xd7: {  	[sflag:s24] =	ssyncset.done @!p0 $0x0  }
0xd8: {  	[sflag:s24] =	ssyncadd.s32 @!p0 $0xFFFFFFB0;
	s24 =	rddreg [dreg:$0x10]  }
0xd9: {  	s29 =	simm.s32 @!p0 $0x180;
	s24 =	sadd.s32 @!p0 s19, s24  }
0xda: {  	[tilespmem:s29], [sflag:$0x8] =	stream.linear.gather @!p0 [hbm4b:s24+s23], $0x50, $0x38;
	[tilespmem:$0x1F400] =	vst v63  }
0xdb: {  	s24 =	simm.s32 @!p0 $0x380;
	s29 =	simm.s32 @!p0 $0x7C00  }
0xdc: {  	[spmem:s2] =	stream.indirect.scatter.add.f32 @!p0 [tilespmem:s29], [sflag:$0xD], $0x80, s24, s22, $0xb8;
	[tilespmem:$0x1F400] =	vst v63  }
0xdd: {  	_ =	swait.ge @!p0 [sflag:s14], $0x2800  }
0xde: {  	[sflag:s14] =	ssyncset.done @!p0 $0x0  }
0xdf: {  	[sflag:s14] =	ssyncadd.s32 @!p0 $0xFFFFD800;
	s14 =	rddreg [dreg:$0xf]  }
0xe0: {  	s29 =	simm.s32 $0x280;
	s14 =	sadd.s32 @!p0 s19, s14  }
0xe1: {  	[tilespmem:s24], [sflag:$0xC] =	stream.linear.gather @!p0 [hbm4b:s14+s23], $0x50, $0x38;
	[tilespmem:$0x1F400] =	vst v63  }
.LBB2_8:
0xe2: {  	s21 =	sadd.s32 $0x1, s21;
	s19 =	sadd.s32 $0x28, s19;
	s20 =	sadd.s32 $0x140, s20  }
.LBB2_4:
0xe3: {  	p0 =	sgt.u32 s21, $0x1E  }
0xe4: {  	s22 =	simm.s32 @!p0 $0x8  }
0xe5: {  	_ =	swait.ge @!p0 [sflag:s22], $0x50  }
0xe6: {  	s23 =	simm.s32 @!p0 $0x180;
	[sflag:s22] =	ssyncset.done @!p0 $0x0  }
0xe7: {  	s24 =	simm.s32 @!p0 $0x7C00;
	[sflag:s22] =	ssyncadd.s32 @!p0 $0xFFFFFFB0;
	s22 =	simm.s32 @!p0 $0x50  }
0xe8: {  	[tilespmem:s24], [sflag:$0x4] =	stream.indirect.gather @!p0 [hbm4b:s1+s22], $0x80, s23, s22, $0xb8;
	[tilespmem:$0x1F400] =	vst v63  }
0xe9: {  	p1 =	seq.s32 s19, $0x4D8;
	_ =	swait.ge [sflag:s16], $0x2800  }
.Ltmp2:
0xea: {  	[sflag:s16] =	ssyncset.done $0x0;
	(pc) =	sbr.rel @p1 .LBB2_9-.Ltmp2, $4  }
0xeb: {  	[sflag:s16] =	ssyncadd.s32 $0xFFFFD800  }
0xec: {  	_ =	swait.ge [sflag:s17], $0x50  }
0xed: {  	[sflag:s17] =	ssyncset.done $0x0  }
0xee: {  	[sflag:s17] =	ssyncadd.s32 $0xFFFFFFB0  }
0xef: {  	s22 =	sshrl.u32 s20, $0x3  }
0xf0: {  	s23 =	sadd.s32 s5, s22  }
0xf1: {  	[tilespmem:s4], [sflag:$0x5] =	stream.linear.gather [hbm4b:s23+s4], $0x50, $0x38;
	[tilespmem:$0x1F400] =	vst v63  }
0xf2: {  	_ = 	snop  }
0xf3: {  	[spmem:s2] =	stream.indirect.scatter.add.f32 [tilespmem:s12], [sflag:$0xD], $0x80, s28, s11, $0xb8;
	[tilespmem:$0x1F400] =	vst v63  }
0xf4: {  	_ =	swait.ge [sflag:s7], $0x2800  }
0xf5: {  	[sflag:s7] =	ssyncset.done $0x0  }
0xf6: {  	s22 =	sadd.s32 s6, s22;
	[sflag:s7] =	ssyncadd.s32 $0xFFFFD800  }
0xf7: {  	[tilespmem:s28], [sflag:$0x9] =	stream.linear.gather [hbm4b:s22+s4], $0x50, $0x38;
	[tilespmem:$0x1F400] =	vst v63  }
0xf8: {  	_ =	swait.ge [sflag:s8], $0x50  }
0xf9: {  	[sflag:s8] =	ssyncset.done $0x0  }
0xfa: {  	[sflag:s8] =	ssyncadd.s32 $0xFFFFFFB0  }
0xfb: {  	[tilespmem:s12], [sflag:$0x1] =	stream.indirect.gather [hbm4b:s1+s11], $0x80, s4, s11, $0xb8;
	[tilespmem:$0x1F400] =	vst v63  }
0xfc: {  	p1 =	sne.s32 s19, $0x4B0;
	_ =	swait.ge [sflag:s26], $0x2800  }
.Ltmp3:
0xfd: {  	[sflag:s26] =	ssyncset.done $0x0;
	(pc) =	sbr.rel @p1 .LBB2_7-.Ltmp3, $4  }
0xfe: {  	[sflag:s26] =	ssyncadd.s32 $0xFFFFD800  }
0xff: {  	_ =	swait.ge [sflag:s15], $0x50  }
0x100: {  	[sflag:s15] =	ssyncset.done $0x0  }
0x101: {  	[sflag:s15] =	ssyncadd.s32 $0xFFFFFFB0  }
0x102: {  	[spmem:s2] =	stream.indirect.scatter.add.f32 [tilespmem:s13], [sflag:$0xD], $0x80, s29, s11, $0xb8;
	[tilespmem:$0x1F400] =	vst v63  }
0x103: {  	_ =	swait.ge [sflag:s7], $0x2800  }
0x104: {  	[sflag:s7] =	ssyncset.done $0x0  }
0x105: {  	[sflag:s7] =	ssyncadd.s32 $0xFFFFD800  }
0x106: {  	_ =	swait.ge [sflag:s31], $0x2800  }
0x107: {  	[sflag:s31] =	ssyncset.done $0x0  }
0x108: {  	[sflag:s31] =	ssyncadd.s32 $0xFFFFD800  }
0x109: {  	_ =	swait.ge [sflag:s0], $0x50  }
0x10a: {  	[sflag:s0] =	ssyncset.done $0x0  }
0x10b: {  	s14 =	simm.s32 $0x300;
	s22 =	simm.s32 $0x5400;
	[sflag:s0] =	ssyncadd.s32 $0xFFFFFFB0  }
0x10c: {  	[spmem:s2] =	stream.indirect.scatter.add.f32 [tilespmem:s22], [sflag:$0xD], $0x80, s14, s11, $0xb8;
	[tilespmem:$0x1F400] =	vst v63  }
0x10d: {  	_ =	swait.ge [sflag:s7], $0x2800  }
0x10e: {  	[sflag:s7] =	ssyncset.done $0x0  }
0x10f: {  	[sflag:s7] =	ssyncadd.s32 $0xFFFFD800  }
0x110: {  	_ =	swait.ge [sflag:s30], $0x2800  }
0x111: {  	[sflag:s30] =	ssyncset.done $0x0  }
0x112: {  	[sflag:s30] =	ssyncadd.s32 $0xFFFFD800  }
0x113: {  	_ =	swait.ge [sflag:s18], $0x50  }
0x114: {  	s23 =	simm.s32 $0x380;
	[sflag:s18] =	ssyncset.done $0x0  }
.Ltmp4:
0x115: {  	s24 =	simm.s32 $0x7C00;
	[sflag:s18] =	ssyncadd.s32 $0xFFFFFFB0;
	(pc) =	sbr.rel .LBB2_8-.Ltmp4, $4  }
0x116: {  	[spmem:s2] =	stream.indirect.scatter.add.f32 [tilespmem:s24], [sflag:$0xD], $0x80, s23, s11, $0xb8;
	[tilespmem:$0x1F400] =	vst v63  }
0x117: {  	_ =	swait.ge [sflag:s7], $0x2800  }
0x118: {  	[sflag:s7] =	ssyncset.done $0x0  }
0x119: {  	[sflag:s7] =	ssyncadd.s32 $0xFFFFD800  }
.LBB2_9:
0x11a: {  	[spmem:s2] =	stream.indirect.scatter.add.f32 [tilespmem:s12], [sflag:$0xD], $0x80, s28, s11, $0xb8;
	[tilespmem:$0x1F400] =	vst v63  }
0x11b: {  	_ =	swait.ge [sflag:s7], $0x2800  }
0x11c: {  	[sflag:s7] =	ssyncset.done $0x0  }
0x11d: {  	[sflag:s7] =	ssyncadd.s32 $0xFFFFD800  }
0x11e: {  	[bflag:$0x0] =	sbarrier.arrive $0xFFFF  }
0x11f: {  	s23 =	rddreg [dreg:$0xc]  }
0x120: {  	[tilespmem:s3], [sflag:$0xD] =	stream.linear.gather [spmem:s23], $0x1000, $0x38;
	[tilespmem:$0x1F400] =	vst v63  }
0x121: {  	_ =	swait.ge [sflag:s7], $0x1000  }
0x122: {  	[sflag:s7] =	ssyncset.done $0x0  }
0x123: {  	s14 =	sadd.s32 $0x0, s25;
	[sflag:s7] =	ssyncadd.s32 $0xFFFFF000  }
0x124: {  	[hbm4b:s14+s4] =	stream.linear.scatter [tilespmem:s3], [sflag:$0xD], $0x1000, $0x38;
	[tilespmem:$0x1F400] =	vst v63  }
0x125: {  	_ =	swait.ge [sflag:s7], $0x1000  }
0x126: {  	s19 =	simm.s32 $0x200;
	s20 =	smov.u32 s23;
	[sflag:s7] =	ssyncset.done $0x0  }
.LBB2_10:
0x127: {  	p0 =	sne.s32 s19, $0x2600;
	[sflag:s7] =	ssyncadd.s32 $0xFFFFF000;
	s20 =	sadd.s32 $0x1000, s20  }
0x128: {  	[tilespmem:s3], [sflag:$0xD] =	stream.linear.gather [spmem:s20], $0x1000, $0x38;
	[tilespmem:$0x1F400] =	vst v63  }
0x129: {  	s14 =	smov.u32 s19;
	s19 =	sadd.s32 $0x200, s19;
	_ =	swait.ge [sflag:s7], $0x1000  }
.Ltmp5:
0x12a: {  	[sflag:s7] =	ssyncset.done $0x0;
	(pc) =	sbr.rel @p0 .LBB2_10-.Ltmp5, $4  }
0x12b: {  	s14 =	sadd.s32 s14, s25;
	[sflag:s7] =	ssyncadd.s32 $0xFFFFF000  }
0x12c: {  	[hbm4b:s14+s4] =	stream.linear.scatter [tilespmem:s3], [sflag:$0xD], $0x1000, $0x38;
	[tilespmem:$0x1F400] =	vst v63  }
0x12d: {  	_ =	swait.ge [sflag:s7], $0x1000  }
0x12e: {  	[sflag:s7] =	ssyncset.done $0x0  }
0x12f: {  	s19 =	sld [smem:$0x7F5];
	_ =	sdelay $0x2  }
0x130: {  	s14 =	rddreg [dreg:$0xd];
	s19 =	sadd.s32 $0x1, s19  }
0x131: {  	p0 =	sne.s32 s19, s14  }
.Ltmp6:
0x132: {  	_ = 	snop;
	(pc) =	sbr.rel @p0 .LBB2_1-.Ltmp6, $2  }
0x133: {  	_ =	sdelay $0x2  }
0x134: {  	[sflag:s7] =	ssyncadd.s32 $0xFFFFF000  }
0x135: {  	_ =	sfence.sel $0x180000  }
0x136: {  	[bflag:$0x0] =	sbarrier.arrive $0xFFFF  }
0x137: {  	_ =	strace $0x9000004A  }
0x138: {  	s0 =	stileid.u32;
	[bflag:$0x2] =	sbarrier.arrive $0xFFFF  }
0x139: {  	p0 =	sne.s32 s0, $0x0;
	s0 =	rddreg [dreg:$0x3]  }
0x13a: {  	s0 =	sadd.s32 @!p0 $0x100000, s0  }
0x13b: {  	[sflag:s0] =	ssyncadd.tile.s32 @!p0 $0x1;
	_ =	shalt  }
.Lfunc_end2:
_tile_overlayer_lowered:
.L_overlay_start_2:
0x13c: {  	(tag) =	ssettag $0x2  }
0x13d: {  	s0 =	rddreg [dreg:$0x0];
	s2 =	stileid.u32  }
0x13e: {  	s1 =	rddreg [dreg:$0x1];
	p0 =	sne.s32 s2, $0x0  }
0x13f: {  	s3 =	rddreg [dreg:$0x2];
	[bflag:$0x3] =	sbarrier.arrive $0xFFFF;
	s2 =	simm.s32 @!p0 $0x1C0D  }
0x140: {  	[timem:s3], [sflag:s2] =	dma.local @!p0 [hbm:s0], s1  }
0x141: {  	s0 =	simm.s32 @!p0 $0xD  }
0x142: {  	_ =	swait.ge @!p0 [sflag:s0], s1  }
0x143: {  	s1 =	ssub.s32 @!p0 $0x0, s1;
	[sflag:s0] =	ssyncset.done @!p0 $0x0  }
0x144: {  	[sflag:s0] =	ssyncadd.s32 @!p0 s1  }
0x145: {  	[bflag:$0x3] =	sbarrier.arrive $0xFFFF  }
0x146: {  	_ =	shalt  }

// kernel: kernel.17.cloned.1.call-start
scs
__scs_entry_jumppad:
0x0: {  	(pc) =	sbr.rel $0x88, $3  }
0x1: {  	(tag) =	ssettag $0x0;
	lr =	simm.s32 $0x1  }
0x2: {  	[smem:$0x3F84] =	sst lr;
	_ =	strace $0xD0000000  }
0x3: {  	_ = 	snop  }
0x4: {  	_ = 	snop  }
0x5: {  	_ = 	snop  }
0x6: {  	_ = 	snop  }
0x7: {  	_ = 	snop  }
__scs_overlays_trampoline_lowered:
0x8: {  	[smem:$0x3F93] =	sst s0  }
0x9: {  	[smem:$0x3F94] =	sst s1  }
0xa: {  	[smem:$0x3F95] =	sst s2  }
0xb: {  	[smem:$0x3F96] =	sst s3  }
0xc: {  	[smem:$0x3F97] =	sst s4  }
0xd: {  	[smem:$0x3F98] =	sst s5  }
0xe: {  	[smem:$0x3F99] =	sst s6  }
0xf: {  	[smem:$0x3F9A] =	sst s7  }
0x10: {  	[smem:$0x3F9B] =	sst s8  }
0x11: {  	[smem:$0x3F9C] =	sst s9;
	s0 =	simm.s32 @!p0 $0x0  }
0x12: {  	s1 =	sld [smem:$0x3F82];
	s0 =	simm.s32 @p0 $0x1  }
0x13: {  	[smem:$0x3F9D] =	sst s0;
	s0 =	simm.s32 @!p1 $0x0  }
0x14: {  	s2 =	sld [smem:$0x3F81];
	s0 =	simm.s32 @p1 $0x1  }
0x15: {  	[smem:$0x3F9E] =	sst s0;
	s0 =	simm.s32 @!p2 $0x0  }
0x16: {  	s3 =	sld [smem:$0x3FDB];
	s0 =	simm.s32 @p2 $0x1  }
0x17: {  	s4 =	simm.s32 $0x1BF5;
	[smem:$0x3FA0] =	sst s0  }
0x18: {  	s0 =	sld [smem:$0x3F83];
	_ =	swait.ge [sflag:s4], $0x0  }
0x19: {  	s7 =	sld [smem:$0x3F84]  }
0x1a: {  	s8 =	sadd.s32 $0xFFFFE003, lr  }
0x1b: {  	s9 =	sadd.s32 $0xFFFFFEF7, lr;
	s5 =	simm.s32 $0xFFFFFFFF;
	p2 =	slt.u32 s8, $0xFFFFF086  }
0x1c: {  	p1 =	slt.u32 s9, $0xF7A;
	s5 =	simm.s32 @!p2 $0x0  }
0x1d: {  	s5 =	simm.s32 @p1 $0x1;
	p0 =	seq.s32 s7, s2  }
0x1e: {  	s7 =	smul.u32 @!p0 $0xF7A, s2;
	p2 =	seq.s32 @!p0 s5, $0x0  }
0x1f: {  	s9 =	smul.u32 $0xF7A, s1;
	s8 =	simm.s32 @!p0 $0x1BF5;
	p2 =	por !p2, p0  }
0x20: {  	[sflag:s8] =	ssyncset.s32 @!p0 $0xFFFFF086;
	s6 =	sadd.s32 @!p0 s3, s7;
	s7 =	simm.s32 @!p0 $0x108  }
0x21: {  	s3 =	sadd.s32 s3, s9;
	s6 =	sadd.s32 @!p0 $0x88, s6;
	s7 =	simm.s32 @p2 $0x1082  }
0x22: {  	[simem:s7], [sflag:s8] =	dma.local @!p0 [hbm:s6], $0xF7A  }
0x23: {  	s9 =	sor.u32 $0xD0000000, s2;
	s6 =	simm.s32 $0x108;
	_ =	swait.ge @!p0 [sflag:s8], $0x0  }
0x24: {  	s3 =	sadd.s32 $0x88, s3;
	s6 =	simm.s32 @!p1 $0x1082;
	[sflag:s4] =	ssyncset.s32 $0xFFFFF086  }
0x25: {  	[simem:s6], [sflag:s4] =	dma.local [hbm:s3], $0xF7A  }
0x26: {  	[smem:$0x3F84] =	sst s1;
	(tag) =	ssettag s2;
	_ =	strace s9  }
0x27: {  	s1 =	sld [smem:$0x3F94]  }
0x28: {  	s2 =	sld [smem:$0x3F95]  }
0x29: {  	s4 =	sld [smem:$0x3F97]  }
0x2a: {  	p0 =	seq.s32 s5, $0x0;
	s5 =	sld [smem:$0x3F98]  }
0x2b: {  	s6 =	sld [smem:$0x3F99]  }
0x2c: {  	s7 =	sld [smem:$0x3F9A]  }
0x2d: {  	s3 =	simm.s32 $0x108;
	s8 =	sld [smem:$0x3F9B]  }
0x2e: {  	s3 =	simm.s32 @!p0 $0x1082;
	s9 =	sld [smem:$0x3F9C]  }
0x2f: {  	lr =	sadd.s32 s0, s3;
	s0 =	sld [smem:$0x3F93]  }
0x30: {  	s3 =	sld [smem:$0x3F96]  }
0x31: {  	[smem:$0x3F9F] =	sst s10  }
0x32: {  	s10 =	sld [smem:$0x3F9D];
	_ =	sdelay $0x3  }
0x33: {  	p0 =	seq.s32 s10, $0x1;
	s10 =	sld [smem:$0x3F9F];
	_ =	sdelay $0x3  }
0x34: {  	[smem:$0x3F9F] =	sst s10  }
0x35: {  	s10 =	sld [smem:$0x3F9E];
	_ =	sdelay $0x3  }
0x36: {  	p1 =	seq.s32 s10, $0x1;
	s10 =	sld [smem:$0x3F9F];
	_ =	sdelay $0x3  }
0x37: {  	[smem:$0x3F9F] =	sst s10  }
0x38: {  	s10 =	sld [smem:$0x3FA0]  }
0x39: {  	_ = 	snop;
	(pc) =	sbr.ind lr, $3  }
0x3a: {  	_ = 	snop  }
0x3b: {  	_ = 	snop  }
0x3c: {  	p2 =	seq.s32 s10, $0x1;
	s10 =	sld [smem:$0x3F9F]  }
0x3d: {  	_ =	shalt  }
0x3e: {  	_ =	shalt  }
0x3f: {  	_ =	shalt  }
0x40: {  	_ =	shalt  }
0x41: {  	_ =	shalt  }
0x42: {  	_ =	shalt  }
0x43: {  	_ =	shalt  }
0x44: {  	_ =	shalt  }
0x45: {  	_ =	shalt  }
0x46: {  	_ =	shalt  }
0x47: {  	_ =	shalt  }
0x48: {  	_ =	shalt  }
0x49: {  	_ =	shalt  }
0x4a: {  	_ =	shalt  }
0x4b: {  	_ =	shalt  }
0x4c: {  	_ =	shalt  }
0x4d: {  	_ =	shalt  }
0x4e: {  	_ =	shalt  }
0x4f: {  	_ =	shalt  }
0x50: {  	_ =	shalt  }
0x51: {  	_ =	shalt  }
0x52: {  	_ =	shalt  }
0x53: {  	_ =	shalt  }
0x54: {  	_ =	shalt  }
0x55: {  	_ =	shalt  }
0x56: {  	_ =	shalt  }
0x57: {  	_ =	shalt  }
0x58: {  	_ =	shalt  }
0x59: {  	_ =	shalt  }
0x5a: {  	_ =	shalt  }
0x5b: {  	_ =	shalt  }
0x5c: {  	_ =	shalt  }
0x5d: {  	_ =	shalt  }
0x5e: {  	_ =	shalt  }
0x5f: {  	_ =	shalt  }
0x60: {  	_ =	shalt  }
0x61: {  	_ =	shalt  }
0x62: {  	_ =	shalt  }
0x63: {  	_ =	shalt  }
0x64: {  	_ =	shalt  }
0x65: {  	_ =	shalt  }
0x66: {  	_ =	shalt  }
0x67: {  	_ =	shalt  }
0x68: {  	_ =	shalt  }
0x69: {  	_ =	shalt  }
0x6a: {  	_ =	shalt  }
0x6b: {  	_ =	shalt  }
0x6c: {  	_ =	shalt  }
0x6d: {  	_ =	shalt  }
0x6e: {  	_ =	shalt  }
0x6f: {  	_ =	shalt  }
0x70: {  	_ =	shalt  }
0x71: {  	_ =	shalt  }
0x72: {  	_ =	shalt  }
0x73: {  	_ =	shalt  }
0x74: {  	_ =	shalt  }
0x75: {  	_ =	shalt  }
0x76: {  	_ =	shalt  }
0x77: {  	_ =	shalt  }
0x78: {  	_ =	shalt  }
0x79: {  	_ =	shalt  }
0x7a: {  	_ =	shalt  }
0x7b: {  	_ =	shalt  }
0x7c: {  	_ =	shalt  }
0x7d: {  	_ =	shalt  }
0x7e: {  	_ =	shalt  }
0x7f: {  	_ =	shalt  }
0x80: {  	_ =	shalt  }
0x81: {  	_ =	shalt  }
0x82: {  	_ =	shalt  }
0x83: {  	_ =	shalt  }
0x84: {  	_ =	shalt  }
0x85: {  	_ =	shalt  }
0x86: {  	_ =	shalt  }
0x87: {  	_ =	shalt  }
.Lfunc_end0:
.L_simem_size_0:
called_computation.2_lowered:
.L_overlay_start_0:
0x88: {  	s2 =	sld [smem:$0x3FD9]  }
0x89: {  	s3 =	sld [smem:$0x3FFE];
	_ =	sdelay $0x1  }
0x8a: {  	s1 =	srdreg.scid  }
0x8b: {  	s0 =	sand.u32 $0x1, s1  }
0x8c: {  	s14 =	sshll.u32 s0, $0xA;
	s2 =	sadd.s32 s3, s2  }
0x8d: {  	s2 =	sadd.s32 s2, s14  }
0x8e: {  	[smem:$0x3FAB] =	sst s2  }
0x8f: {  	_ = 	snop  }
0x90: {  	s2 =	sld [smem:$0x3FD0];
	_ =	sdelay $0x2  }
0x91: {  	s15 =	simm.s32 $0xA;
	s4 =	simm.s32 $0x10  }
0x92: {  	[smem:s4], [sflag:s15] =	dma.local [hbm:s2], $0x1  }
0x93: {  	_ =	swait.eq [sflag:s15], $0x1  }
0x94: {  	[sflag:s15] =	ssyncset.done $0x0  }
0x95: {  	[sflag:s15] =	ssyncadd.s32 $0xFFFFFFFF  }
0x96: {  	s16 =	sld [smem:$0x10];
	(tm) =	ssettm $0x1  }
0x97: {  	s17 =	sld [smem:$0x3FFB];
	_ =	sdelay $0x3  }
0x98: {  	_ =	strace s17  }
0x99: {  	s3 =	sld [smem:$0x3FFC];
	_ =	sdelay $0x3  }
0x9a: {  	_ =	strace s3  }
0x9b: {  	s3 =	sld [smem:$0x3FFD];
	_ =	sdelay $0x3  }
0x9c: {  	_ =	strace s3  }
0x9d: {  	_ =	strace $0x8FFFFFFF  }
0x9e: {  	s18 =	sld [smem:$0x3FDB];
	_ =	sdelay $0x1  }
0x9f: {  	s19 =	simm.s32 $_scs_section_size  }
0xa0: {  	s5 =	simm.s32 $_size__tile_overlayer_lowered;
	s6 =	simm.s32 $_tile_overlayer_lowered  }
0xa1: {  	s22 =	simm.s32 $0x1BFF;
	s21 =	sshll.u32 s6, $0x1;
	s3 =	sadd.s32 s19, s18  }
0xa2: {  	s7 =	simm.s32 $0x0;
	s20 =	sshll.u32 s5, $0x1;
	s5 =	sadd.s32 s21, s3  }
0xa3: {  	[timem:s7], [sflag:s22] =	dma.local [hbm:s5], s20  }
0xa4: {  	_ =	swait.ge [sflag:s22], s20  }
0xa5: {  	s4 =	ssub.s32 $0x0, s20;
	[sflag:s22] =	ssyncset.done $0x0  }
0xa6: {  	[sflag:s22] =	ssyncadd.s32 s4;
	_ =	sdelay $0x1  }
0xa7: {  	s23 =	simm.s32 $0x1B8B  }
0xa8: {  	_ =	swait.ge [sflag:s23], $0x1  }
0xa9: {  	[sflag:s23] =	ssyncset.done $0x0  }
0xaa: {  	s25 =	simm.s32 $0x1B8E;
	s24 =	sld [smem:$0x3FFE];
	[sflag:s23] =	ssyncadd.s32 $0xFFFFFFFF  }
0xab: {  	s26 =	simm.s32 $execute0_lowered;
	[smem:$0x3FD2] =	sst s25  }
0xac: {  	s5 =	sshll.u32 s26, $0x1;
	_ =	strace $0x8000004C;
	[dreg:$0x1] =	wrdreg $0xFFFFFFFF  }
0xad: {  	s28 =	simm.s32 $_size_execute0_lowered;
	s3 =	sadd.s32 s3, s5;
	[dreg:$0x0] =	wrdreg $0x0  }
0xae: {  	s5 =	sshll.u32 s28, $0x1;
	[dreg:$0x2] =	wrdreg s3  }
0xaf: {  	[dreg:$0x3] =	wrdreg s5  }
0xb0: {  	[dreg:$0x4] =	wrdreg $0xC0  }
0xb1: {  	_ =	task [dreg:s7], $0x5FFFF  }
0xb2: {  	[dreg:$0x1] =	wrdreg $0xFFFFFFFF  }
0xb3: {  	[dreg:$0x0] =	wrdreg $0x60  }
0xb4: {  	[dreg:$0x2] =	wrdreg s16  }
0xb5: {  	[dreg:$0x3] =	wrdreg s24  }
0xb6: {  	[dreg:$0x4] =	wrdreg $0xB4000  }
0xb7: {  	[dreg:$0x5] =	wrdreg $0x9  }
0xb8: {  	_ =	task.clear_ibuf [dreg:s7], $0x6FFFF;
	_ =	strace $0x9000004C  }
0xb9: {  	s29 =	simm.s32 $0x9;
	_ =	strace $0x8000004E  }
0xba: {  	_ =	swait.ge [sflag:s29], $0x1  }
0xbb: {  	[sflag:s29] =	ssyncadd.s32 $0xFFFFFFFF  }
0xbc: {  	_ =	strace $0x9000004E  }
0xbd: {  	_ =	sfence  }
0xbe: {  	s30 =	sld [smem:$0x0];
	_ =	sdelay $0x2  }
0xbf: {  	s31 =	sshll.u32 s1, $0xD;
	s1 =	sshrl.u32 s1, $0x2  }
0xc0: {  	s3 =	sand.u32 $0x4000, s31;
	s1 =	sadd.s32 s1, s30  }
0xc1: {  	s0 =	sor.u32 s3, s0;
	s1 =	sshll.u32 s1, $0x11  }
0xc2: {  	s0 =	sor.u32 s1, s0  }
0xc3: {  	s0 =	sadd.s32 $0x8F2B, s0  }
0xc4: {  	[sflag:s0] =	ssyncadd.remote.s32 $0x1  }
0xc5: {  	_ =	sfence.sel $0xFFFF  }
0xc6: {  	[dreg:$0x0] =	wrdreg $0xFFFFFFFF;
	(pc) =	sbr.abs _section_cstart, $3  }
0xc7: {  	[dreg:$0x1] =	wrdreg $0xFFFFFFFF  }
0xc8: {  	_ =	task.clear_ibuf [dreg:s7], $0x2FFFF;
	_ =	strace $0x9FFFFFFF  }
0xc9: {  	(tm) =	ssettm $0x7FFFFFFF  }
tec
execute0_lowered:
.L_overlay_start_1:
0x0: {  	(tag) =	ssettag $0x1  }
0x1: {  	s1 =	rddreg [dreg:$0x0]  }
0x2: {  	s0 =	rddreg [dreg:$0x1]  }
0x3: {  	s2 =	rddreg [dreg:$0x2];
	s11 =	stileid.u32  }
0x4: {  	s3 =	srdreg.scid;
	s7 =	smul.u32 $0x14000, s11  }
0x5: {  	s4 =	simm.s32 $0x0;
	s3 =	sand.u32 $0x1, s3;
	s14 =	smul.u32 $0x4E20, s11  }
0x6: {  	[smem:$0x7FF] =	sst s4;
	s5 =	sshll.u32 s11, $0x1;
	s11 =	smul.u32 $0x50000, s11  }
0x7: {  	s6 =	smul.u32 $0x140000, s3;
	_ =	strace $0x8000004D;
	s8 =	sor.u32 s3, s5  }
0x8: {  	s5 =	sadd.s32 $0x12A00, s0;
	s9 =	ssub.s32 $0x2, s3;
	s3 =	smul.u32 $0x2710, s3  }
0x9: {  	s8 =	smul.u32 $0x2710, s8;
	s26 =	sshrl.u32 s9, $0x1;
	s17 =	sshrl.u32 s11, $0x2  }
0xa: {  	s7 =	sadd.s32 s7, s6;
	s6 =	sadd.s32 $0x8C00, s0;
	s3 =	sadd.s32 s3, s14  }
0xb: {  	s23 =	sadd.s32 s17, s2;
	s18 =	sadd.s32 $0x230, s3;
	s21 =	sadd.s32 $0x1E0, s3  }
0xc: {  	s24 =	sadd.s32 $0x190, s3;
	s3 =	sadd.s32 $0x140, s3;
	[dreg:$0xc] =	wrdreg s23  }
0xd: {  	s7 =	sshrl.u32 s7, $0x3;
	s11 =	sadd.s32 $0x6000, s23;
	[dreg:$0x15] =	wrdreg s3  }
0xe: {  	s8 =	sshrl.u32 s8, $0x3;
	s14 =	sadd.s32 $0x9000, s23;
	[dreg:$0x1a] =	wrdreg s11  }
0xf: {  	s17 =	sadd.s32 $0xC000, s23;
	s0 =	sadd.s32 s7, s0;
	[dreg:$0x1d] =	wrdreg s14  }
0x10: {  	s7 =	ssub.s32 s9, s26;
	s10 =	sadd.s32 s5, s8;
	[smem:$0x7F6] =	sst s17  }
0x11: {  	s19 =	sshrl.u32 s18, $0x3;
	s18 =	sadd.s32 $0xD000, s23;
	[dreg:$0x4] =	wrdreg s10  }
0x12: {  	s22 =	sshrl.u32 s21, $0x3;
	s21 =	sadd.s32 $0x10000, s23;
	[smem:$0x7F7] =	sst s18  }
0x13: {  	s26 =	sshrl.u32 s24, $0x3;
	s24 =	sadd.s32 $0x12000, s23;
	[smem:$0x7FA] =	sst s21  }
0x14: {  	s12 =	sadd.s32 $0xA, s8;
	s10 =	sadd.s32 s6, s8;
	[smem:$0x7FC] =	sst s24  }
0x15: {  	s13 =	sadd.s32 s5, s12;
	[dreg:$0x5] =	wrdreg s10  }
0x16: {  	s15 =	sadd.s32 $0x14, s8;
	s9 =	sadd.s32 s6, s12;
	[dreg:$0x6] =	wrdreg s13  }
0x17: {  	s12 =	sadd.s32 s5, s15;
	[dreg:$0x7] =	wrdreg s9  }
0x18: {  	s7 =	smax.u32 s7, $0x1;
	[dreg:$0x8] =	wrdreg s12  }
0x19: {  	s20 =	sadd.s32 s19, s6;
	[dreg:$0xd] =	wrdreg s7  }
0x1a: {  	s25 =	sadd.s32 s22, s6;
	[dreg:$0xf] =	wrdreg s20  }
0x1b: {  	s8 =	sadd.s32 $0x1E, s8;
	s9 =	sadd.s32 s6, s15;
	[dreg:$0x11] =	wrdreg s25  }
0x1c: {  	s16 =	sadd.s32 s5, s8;
	[dreg:$0x9] =	wrdreg s9  }
0x1d: {  	s28 =	simm.s32 $0x200;
	s8 =	sadd.s32 s6, s8;
	[dreg:$0xa] =	wrdreg s16  }
0x1e: {  	s29 =	simm.s32 $0x280;
	s7 =	sadd.s32 s19, s5;
	[dreg:$0xb] =	wrdreg s8  }
0x1f: {  	s31 =	simm.s32 $0x3;
	s10 =	sadd.s32 $0x5000, s23;
	[dreg:$0x10] =	wrdreg s7  }
0x20: {  	s30 =	simm.s32 $0x4;
	s12 =	sadd.s32 $0x7000, s23;
	[dreg:$0x19] =	wrdreg s10  }
0x21: {  	s3 =	simm.s32 $0xA400;
	s13 =	sadd.s32 $0x8000, s23;
	[dreg:$0x1b] =	wrdreg s12  }
0x22: {  	s11 =	simm.s32 $0x50;
	s15 =	sadd.s32 $0xA000, s23;
	[dreg:$0x1c] =	wrdreg s13  }
0x23: {  	s17 =	simm.s32 $0x9;
	s19 =	sadd.s32 $0xE000, s23;
	[dreg:$0x1e] =	wrdreg s15  }
0x24: {  	s18 =	simm.s32 $0xC;
	s20 =	sadd.s32 $0xF000, s23;
	[smem:$0x7F8] =	sst s19  }
0x25: {  	s25 =	sadd.s32 $0x1C800, s0;
	s8 =	sadd.s32 $0x1000, s23;
	[smem:$0x7F9] =	sst s20  }
0x26: {  	s0 =	simm.s32 $0xB;
	s7 =	sadd.s32 s22, s5;
	[dreg:$0xe] =	wrdreg s8  }
0x27: {  	s9 =	sadd.s32 $0x4000, s23;
	s16 =	sadd.s32 $0xB000, s23;
	[dreg:$0x12] =	wrdreg s7  }
0x28: {  	s22 =	sadd.s32 $0x11000, s23;
	s10 =	simm.s32 $0x7;
	[dreg:$0x18] =	wrdreg s9  }
0x29: {  	s12 =	simm.s32 $0x400;
	s13 =	simm.s32 $0x2C00;
	[dreg:$0x1f] =	wrdreg s16  }
0x2a: {  	s15 =	simm.s32 $0xA;
	s8 =	sadd.s32 s26, s6;
	[smem:$0x7FB] =	sst s22  }
0x2b: {  	s19 =	simm.s32 $0x0;
	s7 =	sadd.s32 s26, s5;
	[dreg:$0x13] =	wrdreg s8  }
0x2c: {  	s26 =	sadd.s32 $0x13000, s23;
	s9 =	simm.s32 $0x6;
	[dreg:$0x14] =	wrdreg s7  }
0x2d: {  	s16 =	simm.s32 $0x1;
	s7 =	sadd.s32 $0x2000, s23;
	[smem:$0x7FD] =	sst s26  }
0x2e: {  	s8 =	sadd.s32 $0x3000, s23;
	s26 =	simm.s32 $0x2;
	[dreg:$0x16] =	wrdreg s7  }
0x2f: {  	v0 =	vimm.f32 $0.0e+00;
	[dreg:$0x17] =	wrdreg s8;
	s7 =	simm.s32 $0xD;
	s8 =	simm.s32 $0x5  }
.LBB2_1:
0x30: {  	[smem:$0x7F5] =	sst s19  }
0x31: {  	s14 =	rddreg [dreg:$0x4]  }
0x32: {  	[tilespmem:s4], [sflag:$0x5] =	stream.linear.gather [hbm4b:s14+s4], $0x50, $0x38;
	[tilespmem:$0x1F400] =	vst v63  }
0x33: {  	s21 =	rddreg [dreg:$0x5]  }
0x34: {  	[tilespmem:s28], [sflag:$0x9] =	stream.linear.gather [hbm4b:s21+s4], $0x50, $0x38;
	[tilespmem:$0x1F400] =	vst v63  }
0x35: {  	s22 =	rddreg [dreg:$0x6];
	s24 =	simm.s32 $0x80  }
0x36: {  	[tilespmem:s24], [sflag:$0x6] =	stream.linear.gather [hbm4b:s22+s4], $0x50, $0x38;
	[tilespmem:$0x1F400] =	vst v63  }
0x37: {  	s19 =	rddreg [dreg:$0x7]  }
0x38: {  	[tilespmem:s29], [sflag:$0xA] =	stream.linear.gather [hbm4b:s19+s4], $0x50, $0x38;
	[tilespmem:$0x1F400] =	vst v63  }
0x39: {  	s20 =	rddreg [dreg:$0x8];
	s21 =	simm.s32 $0x100  }
0x3a: {  	[tilespmem:s21], [sflag:$0x7] =	stream.linear.gather [hbm4b:s20+s4], $0x50, $0x38;
	[tilespmem:$0x1F400] =	vst v63  }
0x3b: {  	s22 =	rddreg [dreg:$0x9];
	s24 =	simm.s32 $0x300  }
0x3c: {  	[tilespmem:s24], [sflag:$0xB] =	stream.linear.gather [hbm4b:s22+s4], $0x50, $0x38;
	[tilespmem:$0x1F400] =	vst v63  }
0x3d: {  	s19 =	rddreg [dreg:$0xa];
	s20 =	simm.s32 $0x180  }
0x3e: {  	[tilespmem:s20], [sflag:$0x8] =	stream.linear.gather [hbm4b:s19+s4], $0x50, $0x38;
	[tilespmem:$0x1F400] =	vst v63  }
0x3f: {  	s21 =	rddreg [dreg:$0xb];
	s22 =	simm.s32 $0x380;
	s24 =	sand.u32 $0x3E00, s4  }
0x40: {  	[tilespmem:s22], [sflag:$0xC] =	stream.linear.gather [hbm4b:s21+s4], $0x50, $0x38;
	[tilespmem:$0x1F400] =	vst v63  }
0x41: {  	s20 =	sand.u32 $0x70, s4;
	s21 =	sshrl.u32 s24, $0x2  }
0x42: {  	s19 =	simm.s32 $0x40;
	s21 =	sor.u32 s20, s21;
	s20 =	simm.s32 $0x0  }
.LBB2_2:
0x43: {  	p0 =	sne.s32 s19, $0x3FC0  }
0x44: {  	[tilespmem:s21+$0xA400] =	vst v0;
	s20 =	sadd.s32 $0x10, s20;
	s21 =	smov.u32 s19;
	s19 =	sadd.s32 $0x40, s19  }
.Ltmp0:
0x45: {  	(pc) =	sbr.rel @p0 .LBB2_2-.Ltmp0, $4  }
0x46: {  	_ = 	snop  }
0x47: {  	s21 =	sand.u32 $0x3E00, s21  }
0x48: {  	s22 =	sand.u32 $0x70, s20;
	s21 =	sshrl.u32 s21, $0x2  }
0x49: {  	s21 =	sor.u32 s22, s21  }
0x4a: {  	[tilespmem:s21+$0xA400] =	vst v0  }
0x4b: {  	[spmem:s23] =	stream.linear.scatter [tilespmem:s3], [sflag:$0xD], $0x1000, $0x38;
	[tilespmem:$0x1F400] =	vst v63  }
0x4c: {  	_ =	swait.ge [sflag:s7], $0x1000  }
0x4d: {  	[sflag:s7] =	ssyncset.done $0x0  }
0x4e: {  	s14 =	rddreg [dreg:$0xe];
	[sflag:s7] =	ssyncadd.s32 $0xFFFFF000  }
0x4f: {  	[spmem:s14] =	stream.linear.scatter [tilespmem:s3], [sflag:$0xD], $0x1000, $0x38;
	[tilespmem:$0x1F400] =	vst v63  }
0x50: {  	_ =	swait.ge [sflag:s7], $0x1000  }
0x51: {  	[sflag:s7] =	ssyncset.done $0x0  }
0x52: {  	s23 =	rddreg [dreg:$0x16];
	[sflag:s7] =	ssyncadd.s32 $0xFFFFF000  }
0x53: {  	[spmem:s23] =	stream.linear.scatter [tilespmem:s3], [sflag:$0xD], $0x1000, $0x38;
	[tilespmem:$0x1F400] =	vst v63  }
0x54: {  	_ =	swait.ge [sflag:s7], $0x1000  }
0x55: {  	[sflag:s7] =	ssyncset.done $0x0  }
0x56: {  	s24 =	rddreg [dreg:$0x17];
	[sflag:s7] =	ssyncadd.s32 $0xFFFFF000  }
0x57: {  	[spmem:s24] =	stream.linear.scatter [tilespmem:s3], [sflag:$0xD], $0x1000, $0x38;
	[tilespmem:$0x1F400] =	vst v63  }
0x58: {  	_ =	swait.ge [sflag:s7], $0x1000  }
0x59: {  	[sflag:s7] =	ssyncset.done $0x0  }
0x5a: {  	s19 =	rddreg [dreg:$0x18];
	[sflag:s7] =	ssyncadd.s32 $0xFFFFF000  }
0x5b: {  	[spmem:s19] =	stream.linear.scatter [tilespmem:s3], [sflag:$0xD], $0x1000, $0x38;
	[tilespmem:$0x1F400] =	vst v63  }
0x5c: {  	_ =	swait.ge [sflag:s7], $0x1000  }
0x5d: {  	[sflag:s7] =	ssyncset.done $0x0  }
0x5e: {  	s20 =	rddreg [dreg:$0x19];
	[sflag:s7] =	ssyncadd.s32 $0xFFFFF000  }
0x5f: {  	[spmem:s20] =	stream.linear.scatter [tilespmem:s3], [sflag:$0xD], $0x1000, $0x38;
	[tilespmem:$0x1F400] =	vst v63  }
0x60: {  	_ =	swait.ge [sflag:s7], $0x1000  }
0x61: {  	[sflag:s7] =	ssyncset.done $0x0  }
0x62: {  	s21 =	rddreg [dreg:$0x1a];
	[sflag:s7] =	ssyncadd.s32 $0xFFFFF000  }
0x63: {  	[spmem:s21] =	stream.linear.scatter [tilespmem:s3], [sflag:$0xD], $0x1000, $0x38;
	[tilespmem:$0x1F400] =	vst v63  }
0x64: {  	_ =	swait.ge [sflag:s7], $0x1000  }
0x65: {  	[sflag:s7] =	ssyncset.done $0x0  }
0x66: {  	s22 =	rddreg [dreg:$0x1b];
	[sflag:s7] =	ssyncadd.s32 $0xFFFFF000  }
0x67: {  	[spmem:s22] =	stream.linear.scatter [tilespmem:s3], [sflag:$0xD], $0x1000, $0x38;
	[tilespmem:$0x1F400] =	vst v63  }
0x68: {  	_ =	swait.ge [sflag:s7], $0x1000  }
0x69: {  	[sflag:s7] =	ssyncset.done $0x0  }
0x6a: {  	s23 =	rddreg [dreg:$0x1c];
	[sflag:s7] =	ssyncadd.s32 $0xFFFFF000  }
0x6b: {  	[spmem:s23] =	stream.linear.scatter [tilespmem:s3], [sflag:$0xD], $0x1000, $0x38;
	[tilespmem:$0x1F400] =	vst v63  }
0x6c: {  	_ =	swait.ge [sflag:s7], $0x1000  }
0x6d: {  	[sflag:s7] =	ssyncset.done $0x0  }
0x6e: {  	s24 =	rddreg [dreg:$0x1d];
	[sflag:s7] =	ssyncadd.s32 $0xFFFFF000  }
0x6f: {  	[spmem:s24] =	stream.linear.scatter [tilespmem:s3], [sflag:$0xD], $0x1000, $0x38;
	[tilespmem:$0x1F400] =	vst v63  }
0x70: {  	_ =	swait.ge [sflag:s7], $0x1000  }
0x71: {  	[sflag:s7] =	ssyncset.done $0x0  }
0x72: {  	s19 =	rddreg [dreg:$0x1e];
	[sflag:s7] =	ssyncadd.s32 $0xFFFFF000  }
0x73: {  	[spmem:s19] =	stream.linear.scatter [tilespmem:s3], [sflag:$0xD], $0x1000, $0x38;
	[tilespmem:$0x1F400] =	vst v63  }
0x74: {  	_ =	swait.ge [sflag:s7], $0x1000  }
0x75: {  	[sflag:s7] =	ssyncset.done $0x0  }
0x76: {  	s20 =	rddreg [dreg:$0x1f];
	[sflag:s7] =	ssyncadd.s32 $0xFFFFF000  }
0x77: {  	[spmem:s20] =	stream.linear.scatter [tilespmem:s3], [sflag:$0xD], $0x1000, $0x38;
	[tilespmem:$0x1F400] =	vst v63  }
0x78: {  	_ =	swait.ge [sflag:s7], $0x1000  }
0x79: {  	s21 =	sld [smem:$0x7F6]  }
0x7a: {  	[sflag:s7] =	ssyncset.done $0x0  }
0x7b: {  	[sflag:s7] =	ssyncadd.s32 $0xFFFFF000  }
0x7c: {  	[spmem:s21] =	stream.linear.scatter [tilespmem:s3], [sflag:$0xD], $0x1000, $0x38;
	[tilespmem:$0x1F400] =	vst v63  }
0x7d: {  	_ =	swait.ge [sflag:s7], $0x1000  }
0x7e: {  	s22 =	sld [smem:$0x7F7]  }
0x7f: {  	[sflag:s7] =	ssyncset.done $0x0  }
0x80: {  	[sflag:s7] =	ssyncadd.s32 $0xFFFFF000  }
0x81: {  	[spmem:s22] =	stream.linear.scatter [tilespmem:s3], [sflag:$0xD], $0x1000, $0x38;
	[tilespmem:$0x1F400] =	vst v63  }
0x82: {  	_ =	swait.ge [sflag:s7], $0x1000  }
0x83: {  	s23 =	sld [smem:$0x7F8]  }
0x84: {  	[sflag:s7] =	ssyncset.done $0x0  }
0x85: {  	[sflag:s7] =	ssyncadd.s32 $0xFFFFF000  }
0x86: {  	[spmem:s23] =	stream.linear.scatter [tilespmem:s3], [sflag:$0xD], $0x1000, $0x38;
	[tilespmem:$0x1F400] =	vst v63  }
0x87: {  	_ =	swait.ge [sflag:s7], $0x1000  }
0x88: {  	s24 =	sld [smem:$0x7F9]  }
0x89: {  	[sflag:s7] =	ssyncset.done $0x0  }
0x8a: {  	[sflag:s7] =	ssyncadd.s32 $0xFFFFF000  }
0x8b: {  	[spmem:s24] =	stream.linear.scatter [tilespmem:s3], [sflag:$0xD], $0x1000, $0x38;
	[tilespmem:$0x1F400] =	vst v63  }
0x8c: {  	_ =	swait.ge [sflag:s7], $0x1000  }
0x8d: {  	s19 =	sld [smem:$0x7FA]  }
0x8e: {  	[sflag:s7] =	ssyncset.done $0x0  }
0x8f: {  	[sflag:s7] =	ssyncadd.s32 $0xFFFFF000  }
0x90: {  	[spmem:s19] =	stream.linear.scatter [tilespmem:s3], [sflag:$0xD], $0x1000, $0x38;
	[tilespmem:$0x1F400] =	vst v63  }
0x91: {  	_ =	swait.ge [sflag:s7], $0x1000  }
0x92: {  	s20 =	sld [smem:$0x7FB]  }
0x93: {  	[sflag:s7] =	ssyncset.done $0x0  }
0x94: {  	[sflag:s7] =	ssyncadd.s32 $0xFFFFF000  }
0x95: {  	[spmem:s20] =	stream.linear.scatter [tilespmem:s3], [sflag:$0xD], $0x1000, $0x38;
	[tilespmem:$0x1F400] =	vst v63  }
0x96: {  	_ =	swait.ge [sflag:s7], $0x1000  }
0x97: {  	s21 =	sld [smem:$0x7FC]  }
0x98: {  	[sflag:s7] =	ssyncset.done $0x0  }
0x99: {  	[sflag:s7] =	ssyncadd.s32 $0xFFFFF000  }
0x9a: {  	[spmem:s21] =	stream.linear.scatter [tilespmem:s3], [sflag:$0xD], $0x1000, $0x38;
	[tilespmem:$0x1F400] =	vst v63  }
0x9b: {  	_ =	swait.ge [sflag:s7], $0x1000  }
0x9c: {  	s22 =	sld [smem:$0x7FD]  }
0x9d: {  	[sflag:s7] =	ssyncset.done $0x0  }
0x9e: {  	[sflag:s7] =	ssyncadd.s32 $0xFFFFF000  }
0x9f: {  	[spmem:s22] =	stream.linear.scatter [tilespmem:s3], [sflag:$0xD], $0x1000, $0x38;
	[tilespmem:$0x1F400] =	vst v63  }
0xa0: {  	_ =	swait.ge [sflag:s7], $0x1000  }
0xa1: {  	[sflag:s7] =	ssyncset.done $0x0  }
0xa2: {  	[sflag:s7] =	ssyncadd.s32 $0xFFFFF000  }
0xa3: {  	_ =	swait.ge [sflag:s8], $0x50  }
0xa4: {  	[sflag:s8] =	ssyncset.done $0x0  }
0xa5: {  	[sflag:s8] =	ssyncadd.s32 $0xFFFFFFB0  }
0xa6: {  	_ =	swait.ge [sflag:s9], $0x50  }
0xa7: {  	[sflag:s9] =	ssyncset.done $0x0  }
0xa8: {  	[sflag:s9] =	ssyncadd.s32 $0xFFFFFFB0  }
0xa9: {  	_ =	swait.ge [sflag:s10], $0x50  }
0xaa: {  	[sflag:s10] =	ssyncset.done $0x0  }
0xab: {  	[sflag:s10] =	ssyncadd.s32 $0xFFFFFFB0  }
0xac: {  	s19 =	simm.s32 $0x0;
	[bflag:$0x0] =	sbarrier.arrive $0xFFFF  }
0xad: {  	[tilespmem:s12], [sflag:$0x1] =	stream.indirect.gather [hbm4b:s1+s11], $0x80, s19, s11, $0xb8;
	[tilespmem:$0x1F400] =	vst v63  }
.Ltmp1:
0xae: {  	s23 =	simm.s32 $0x80;
	(pc) =	sbr.rel .LBB2_4-.Ltmp1, $4  }
0xaf: {  	[tilespmem:s13], [sflag:$0x2] =	stream.indirect.gather [hbm4b:s1+s11], $0x80, s23, s11, $0xb8;
	[tilespmem:$0x1F400] =	vst v63  }
0xb0: {  	s24 =	simm.s32 $0x100;
	s20 =	simm.s32 $0x5400  }
0xb1: {  	[tilespmem:s20], [sflag:$0x3] =	stream.indirect.gather [hbm4b:s1+s11], $0x80, s24, s11, $0xb8;
	[tilespmem:$0x1F400] =	vst v63  }
0xb2: {  	s21 =	simm.s32 $0x0;
	s20 =	rddreg [dreg:$0x15]  }
.LBB2_7:
0xb3: {  	s14 =	rddreg [dreg:$0x14]  }
0xb4: {  	s23 =	simm.s32 $0x80;
	s22 =	sadd.s32 s19, s14  }
0xb5: {  	[tilespmem:s23], [sflag:$0x6] =	stream.linear.gather [hbm4b:s22+s4], $0x50, $0x38;
	[tilespmem:$0x1F400] =	vst v63  }
0xb6: {  	_ = 	snop  }
0xb7: {  	[spmem:s2] =	stream.indirect.scatter.add.f32 [tilespmem:s13], [sflag:$0xD], $0x80, s29, s11, $0xb8;
	[tilespmem:$0x1F400] =	vst v63  }
0xb8: {  	_ =	swait.ge [sflag:s7], $0x2800  }
0xb9: {  	[sflag:s7] =	ssyncset.done $0x0;
	s22 =	rddreg [dreg:$0x13]  }
0xba: {  	[sflag:s7] =	ssyncadd.s32 $0xFFFFD800;
	s24 =	sadd.s32 s19, s22  }
0xbb: {  	[tilespmem:s29], [sflag:$0xA] =	stream.linear.gather [hbm4b:s24+s4], $0x50, $0x38;
	[tilespmem:$0x1F400] =	vst v63  }
0xbc: {  	_ =	swait.ge [sflag:s9], $0x50  }
0xbd: {  	[sflag:s9] =	ssyncset.done $0x0  }
0xbe: {  	s22 =	simm.s32 @!p0 $0x3;
	[sflag:s9] =	ssyncadd.s32 $0xFFFFFFB0  }
0xbf: {  	[tilespmem:s13], [sflag:$0x2] =	stream.indirect.gather [hbm4b:s1+s11], $0x80, s23, s11, $0xb8;
	[tilespmem:$0x1F400] =	vst v63  }
0xc0: {  	_ =	swait.ge @!p0 [sflag:s22], $0x2800  }
0xc1: {  	[sflag:s22] =	ssyncset.done @!p0 $0x0  }
0xc2: {  	[sflag:s22] =	ssyncadd.s32 @!p0 $0xFFFFD800;
	s22 =	simm.s32 @!p0 $0xB  }
0xc3: {  	_ =	swait.ge @!p0 [sflag:s22], $0x50  }
0xc4: {  	s24 =	simm.s32 @!p0 $0x100;
	[sflag:s22] =	ssyncset.done @!p0 $0x0;
	s14 =	rddreg [dreg:$0x12]  }
0xc5: {  	s23 =	simm.s32 @!p0 $0x0;
	[sflag:s22] =	ssyncadd.s32 @!p0 $0xFFFFFFB0;
	s22 =	sadd.s32 @!p0 s19, s14  }
0xc6: {  	[tilespmem:s24], [sflag:$0x7] =	stream.linear.gather @!p0 [hbm4b:s22+s23], $0x50, $0x38;
	[tilespmem:$0x1F400] =	vst v63  }
0xc7: {  	s14 =	simm.s32 @!p0 $0x5400;
	s22 =	simm.s32 @!p0 $0x50;
	s24 =	simm.s32 @!p0 $0x300  }
0xc8: {  	[spmem:s2] =	stream.indirect.scatter.add.f32 @!p0 [tilespmem:s14], [sflag:$0xD], $0x80, s24, s22, $0xb8;
	[tilespmem:$0x1F400] =	vst v63  }
0xc9: {  	s14 =	simm.s32 @!p0 $0xD  }
0xca: {  	_ =	swait.ge @!p0 [sflag:s14], $0x2800  }
0xcb: {  	[sflag:s14] =	ssyncset.done @!p0 $0x0;
	s29 =	rddreg [dreg:$0x11]  }
0xcc: {  	[sflag:s14] =	ssyncadd.s32 @!p0 $0xFFFFD800;
	s29 =	sadd.s32 @!p0 s19, s29  }
0xcd: {  	[tilespmem:s24], [sflag:$0xB] =	stream.linear.gather @!p0 [hbm4b:s29+s23], $0x50, $0x38;
	[tilespmem:$0x1F400] =	vst v63  }
0xce: {  	_ =	swait.ge [sflag:s10], $0x50  }
0xcf: {  	[sflag:s10] =	ssyncset.done $0x0  }
0xd0: {  	s24 =	simm.s32 $0x100;
	s29 =	simm.s32 $0x5400;
	[sflag:s10] =	ssyncadd.s32 $0xFFFFFFB0  }
0xd1: {  	[tilespmem:s29], [sflag:$0x3] =	stream.indirect.gather [hbm4b:s1+s11], $0x80, s24, s11, $0xb8;
	[tilespmem:$0x1F400] =	vst v63  }
0xd2: {  	s24 =	simm.s32 @!p0 $0x4  }
0xd3: {  	_ =	swait.ge @!p0 [sflag:s24], $0x2800  }
0xd4: {  	[sflag:s24] =	ssyncset.done @!p0 $0x0  }
0xd5: {  	[sflag:s24] =	ssyncadd.s32 @!p0 $0xFFFFD800;
	s24 =	simm.s32 @!p0 $0xC  }
0xd6: {  	_ =	swait.ge @!p0 [sflag:s24], $0x50  }
0xd7: {  	[sflag:s24] =	ssyncset.done @!p0 $0x0  }
0xd8: {  	[sflag:s24] =	ssyncadd.s32 @!p0 $0xFFFFFFB0;
	s24 =	rddreg [dreg:$0x10]  }
0xd9: {  	s29 =	simm.s32 @!p0 $0x180;
	s24 =	sadd.s32 @!p0 s19, s24  }
0xda: {  	[tilespmem:s29], [sflag:$0x8] =	stream.linear.gather @!p0 [hbm4b:s24+s23], $0x50, $0x38;
	[tilespmem:$0x1F400] =	vst v63  }
0xdb: {  	s24 =	simm.s32 @!p0 $0x380;
	s29 =	simm.s32 @!p0 $0x7C00  }
0xdc: {  	[spmem:s2] =	stream.indirect.scatter.add.f32 @!p0 [tilespmem:s29], [sflag:$0xD], $0x80, s24, s22, $0xb8;
	[tilespmem:$0x1F400] =	vst v63  }
0xdd: {  	_ =	swait.ge @!p0 [sflag:s14], $0x2800  }
0xde: {  	[sflag:s14] =	ssyncset.done @!p0 $0x0  }
0xdf: {  	[sflag:s14] =	ssyncadd.s32 @!p0 $0xFFFFD800;
	s14 =	rddreg [dreg:$0xf]  }
0xe0: {  	s29 =	simm.s32 $0x280;
	s14 =	sadd.s32 @!p0 s19, s14  }
0xe1: {  	[tilespmem:s24], [sflag:$0xC] =	stream.linear.gather @!p0 [hbm4b:s14+s23], $0x50, $0x38;
	[tilespmem:$0x1F400] =	vst v63  }
.LBB2_8:
0xe2: {  	s21 =	sadd.s32 $0x1, s21;
	s19 =	sadd.s32 $0x28, s19;
	s20 =	sadd.s32 $0x140, s20  }
.LBB2_4:
0xe3: {  	p0 =	sgt.u32 s21, $0x1E  }
0xe4: {  	s22 =	simm.s32 @!p0 $0x8  }
0xe5: {  	_ =	swait.ge @!p0 [sflag:s22], $0x50  }
0xe6: {  	s23 =	simm.s32 @!p0 $0x180;
	[sflag:s22] =	ssyncset.done @!p0 $0x0  }
0xe7: {  	s24 =	simm.s32 @!p0 $0x7C00;
	[sflag:s22] =	ssyncadd.s32 @!p0 $0xFFFFFFB0;
	s22 =	simm.s32 @!p0 $0x50  }
0xe8: {  	[tilespmem:s24], [sflag:$0x4] =	stream.indirect.gather @!p0 [hbm4b:s1+s22], $0x80, s23, s22, $0xb8;
	[tilespmem:$0x1F400] =	vst v63  }
0xe9: {  	p1 =	seq.s32 s19, $0x4D8;
	_ =	swait.ge [sflag:s16], $0x2800  }
.Ltmp2:
0xea: {  	[sflag:s16] =	ssyncset.done $0x0;
	(pc) =	sbr.rel @p1 .LBB2_9-.Ltmp2, $4  }
0xeb: {  	[sflag:s16] =	ssyncadd.s32 $0xFFFFD800  }
0xec: {  	_ =	swait.ge [sflag:s17], $0x50  }
0xed: {  	[sflag:s17] =	ssyncset.done $0x0  }
0xee: {  	[sflag:s17] =	ssyncadd.s32 $0xFFFFFFB0  }
0xef: {  	s22 =	sshrl.u32 s20, $0x3  }
0xf0: {  	s23 =	sadd.s32 s5, s22  }
0xf1: {  	[tilespmem:s4], [sflag:$0x5] =	stream.linear.gather [hbm4b:s23+s4], $0x50, $0x38;
	[tilespmem:$0x1F400] =	vst v63  }
0xf2: {  	_ = 	snop  }
0xf3: {  	[spmem:s2] =	stream.indirect.scatter.add.f32 [tilespmem:s12], [sflag:$0xD], $0x80, s28, s11, $0xb8;
	[tilespmem:$0x1F400] =	vst v63  }
0xf4: {  	_ =	swait.ge [sflag:s7], $0x2800  }
0xf5: {  	[sflag:s7] =	ssyncset.done $0x0  }
0xf6: {  	s22 =	sadd.s32 s6, s22;
	[sflag:s7] =	ssyncadd.s32 $0xFFFFD800  }
0xf7: {  	[tilespmem:s28], [sflag:$0x9] =	stream.linear.gather [hbm4b:s22+s4], $0x50, $0x38;
	[tilespmem:$0x1F400] =	vst v63  }
0xf8: {  	_ =	swait.ge [sflag:s8], $0x50  }
0xf9: {  	[sflag:s8] =	ssyncset.done $0x0  }
0xfa: {  	[sflag:s8] =	ssyncadd.s32 $0xFFFFFFB0  }
0xfb: {  	[tilespmem:s12], [sflag:$0x1] =	stream.indirect.gather [hbm4b:s1+s11], $0x80, s4, s11, $0xb8;
	[tilespmem:$0x1F400] =	vst v63  }
0xfc: {  	p1 =	sne.s32 s19, $0x4B0;
	_ =	swait.ge [sflag:s26], $0x2800  }
.Ltmp3:
0xfd: {  	[sflag:s26] =	ssyncset.done $0x0;
	(pc) =	sbr.rel @p1 .LBB2_7-.Ltmp3, $4  }
0xfe: {  	[sflag:s26] =	ssyncadd.s32 $0xFFFFD800  }
0xff: {  	_ =	swait.ge [sflag:s15], $0x50  }
0x100: {  	[sflag:s15] =	ssyncset.done $0x0  }
0x101: {  	[sflag:s15] =	ssyncadd.s32 $0xFFFFFFB0  }
0x102: {  	[spmem:s2] =	stream.indirect.scatter.add.f32 [tilespmem:s13], [sflag:$0xD], $0x80, s29, s11, $0xb8;
	[tilespmem:$0x1F400] =	vst v63  }
0x103: {  	_ =	swait.ge [sflag:s7], $0x2800  }
0x104: {  	[sflag:s7] =	ssyncset.done $0x0  }
0x105: {  	[sflag:s7] =	ssyncadd.s32 $0xFFFFD800  }
0x106: {  	_ =	swait.ge [sflag:s31], $0x2800  }
0x107: {  	[sflag:s31] =	ssyncset.done $0x0  }
0x108: {  	[sflag:s31] =	ssyncadd.s32 $0xFFFFD800  }
0x109: {  	_ =	swait.ge [sflag:s0], $0x50  }
0x10a: {  	[sflag:s0] =	ssyncset.done $0x0  }
0x10b: {  	s14 =	simm.s32 $0x300;
	s22 =	simm.s32 $0x5400;
	[sflag:s0] =	ssyncadd.s32 $0xFFFFFFB0  }
0x10c: {  	[spmem:s2] =	stream.indirect.scatter.add.f32 [tilespmem:s22], [sflag:$0xD], $0x80, s14, s11, $0xb8;
	[tilespmem:$0x1F400] =	vst v63  }
0x10d: {  	_ =	swait.ge [sflag:s7], $0x2800  }
0x10e: {  	[sflag:s7] =	ssyncset.done $0x0  }
0x10f: {  	[sflag:s7] =	ssyncadd.s32 $0xFFFFD800  }
0x110: {  	_ =	swait.ge [sflag:s30], $0x2800  }
0x111: {  	[sflag:s30] =	ssyncset.done $0x0  }
0x112: {  	[sflag:s30] =	ssyncadd.s32 $0xFFFFD800  }
0x113: {  	_ =	swait.ge [sflag:s18], $0x50  }
0x114: {  	s23 =	simm.s32 $0x380;
	[sflag:s18] =	ssyncset.done $0x0  }
.Ltmp4:
0x115: {  	s24 =	simm.s32 $0x7C00;
	[sflag:s18] =	ssyncadd.s32 $0xFFFFFFB0;
	(pc) =	sbr.rel .LBB2_8-.Ltmp4, $4  }
0x116: {  	[spmem:s2] =	stream.indirect.scatter.add.f32 [tilespmem:s24], [sflag:$0xD], $0x80, s23, s11, $0xb8;
	[tilespmem:$0x1F400] =	vst v63  }
0x117: {  	_ =	swait.ge [sflag:s7], $0x2800  }
0x118: {  	[sflag:s7] =	ssyncset.done $0x0  }
0x119: {  	[sflag:s7] =	ssyncadd.s32 $0xFFFFD800  }
.LBB2_9:
0x11a: {  	[spmem:s2] =	stream.indirect.scatter.add.f32 [tilespmem:s12], [sflag:$0xD], $0x80, s28, s11, $0xb8;
	[tilespmem:$0x1F400] =	vst v63  }
0x11b: {  	_ =	swait.ge [sflag:s7], $0x2800  }
0x11c: {  	[sflag:s7] =	ssyncset.done $0x0  }
0x11d: {  	[sflag:s7] =	ssyncadd.s32 $0xFFFFD800  }
0x11e: {  	[bflag:$0x0] =	sbarrier.arrive $0xFFFF  }
0x11f: {  	s23 =	rddreg [dreg:$0xc]  }
0x120: {  	[tilespmem:s3], [sflag:$0xD] =	stream.linear.gather [spmem:s23], $0x1000, $0x38;
	[tilespmem:$0x1F400] =	vst v63  }
0x121: {  	_ =	swait.ge [sflag:s7], $0x1000  }
0x122: {  	[sflag:s7] =	ssyncset.done $0x0  }
0x123: {  	s14 =	sadd.s32 $0x0, s25;
	[sflag:s7] =	ssyncadd.s32 $0xFFFFF000  }
0x124: {  	[hbm4b:s14+s4] =	stream.linear.scatter [tilespmem:s3], [sflag:$0xD], $0x1000, $0x38;
	[tilespmem:$0x1F400] =	vst v63  }
0x125: {  	_ =	swait.ge [sflag:s7], $0x1000  }
0x126: {  	s19 =	simm.s32 $0x200;
	s20 =	smov.u32 s23;
	[sflag:s7] =	ssyncset.done $0x0  }
.LBB2_10:
0x127: {  	p0 =	sne.s32 s19, $0x2600;
	[sflag:s7] =	ssyncadd.s32 $0xFFFFF000;
	s20 =	sadd.s32 $0x1000, s20  }
0x128: {  	[tilespmem:s3], [sflag:$0xD] =	stream.linear.gather [spmem:s20], $0x1000, $0x38;
	[tilespmem:$0x1F400] =	vst v63  }
0x129: {  	s14 =	smov.u32 s19;
	s19 =	sadd.s32 $0x200, s19;
	_ =	swait.ge [sflag:s7], $0x1000  }
.Ltmp5:
0x12a: {  	[sflag:s7] =	ssyncset.done $0x0;
	(pc) =	sbr.rel @p0 .LBB2_10-.Ltmp5, $4  }
0x12b: {  	s14 =	sadd.s32 s14, s25;
	[sflag:s7] =	ssyncadd.s32 $0xFFFFF000  }
0x12c: {  	[hbm4b:s14+s4] =	stream.linear.scatter [tilespmem:s3], [sflag:$0xD], $0x1000, $0x38;
	[tilespmem:$0x1F400] =	vst v63  }
0x12d: {  	_ =	swait.ge [sflag:s7], $0x1000  }
0x12e: {  	[sflag:s7] =	ssyncset.done $0x0  }
0x12f: {  	s19 =	sld [smem:$0x7F5];
	_ =	sdelay $0x2  }
0x130: {  	s14 =	rddreg [dreg:$0xd];
	s19 =	sadd.s32 $0x1, s19  }
0x131: {  	p0 =	sne.s32 s19, s14  }
.Ltmp6:
0x132: {  	_ = 	snop;
	(pc) =	sbr.rel @p0 .LBB2_1-.Ltmp6, $2  }
0x133: {  	_ =	sdelay $0x2  }
0x134: {  	[sflag:s7] =	ssyncadd.s32 $0xFFFFF000  }
0x135: {  	_ =	sfence.sel $0x180000  }
0x136: {  	[bflag:$0x0] =	sbarrier.arrive $0xFFFF  }
0x137: {  	_ =	strace $0x9000004D  }
0x138: {  	s0 =	stileid.u32;
	[bflag:$0x2] =	sbarrier.arrive $0xFFFF  }
0x139: {  	p0 =	sne.s32 s0, $0x0;
	s0 =	rddreg [dreg:$0x3]  }
0x13a: {  	s0 =	sadd.s32 @!p0 $0x100000, s0  }
0x13b: {  	[sflag:s0] =	ssyncadd.tile.s32 @!p0 $0x1;
	_ =	shalt  }
.Lfunc_end2:
_tile_overlayer_lowered:
.L_overlay_start_2:
0x13c: {  	(tag) =	ssettag $0x2  }
0x13d: {  	s0 =	rddreg [dreg:$0x0];
	s2 =	stileid.u32  }
0x13e: {  	s1 =	rddreg [dreg:$0x1];
	p0 =	sne.s32 s2, $0x0  }
0x13f: {  	s3 =	rddreg [dreg:$0x2];
	[bflag:$0x3] =	sbarrier.arrive $0xFFFF;
	s2 =	simm.s32 @!p0 $0x1C0D  }
0x140: {  	[timem:s3], [sflag:s2] =	dma.local @!p0 [hbm:s0], s1  }
0x141: {  	s0 =	simm.s32 @!p0 $0xD  }
0x142: {  	_ =	swait.ge @!p0 [sflag:s0], s1  }
0x143: {  	s1 =	ssub.s32 @!p0 $0x0, s1;
	[sflag:s0] =	ssyncset.done @!p0 $0x0  }
0x144: {  	[sflag:s0] =	ssyncadd.s32 @!p0 s1  }
0x145: {  	[bflag:$0x3] =	sbarrier.arrive $0xFFFF  }
0x146: {  	_ =	shalt  }

</sc_bundles>
